<compile_context>
chip_gen: v7x
topology: tpu7x:2x2x1
jax: 0.10.2.dev20260603
libtpu: 0.0.44.dev20260713+nightly
codegen_flags: <defaults>
</compile_context>

<pallas_src>
import jax
import jax.numpy as jnp
from jax import lax
from jax.experimental import pallas as pl
from jax.experimental.pallas import tpu as pltpu
from jax.experimental.pallas import tpu_sc as plsc

NC = 2
NS = 16
NW = NC * NS
L = 16

B = 16384
D = 32
BPW = B // NW
CHUNK = 128
NCH = BPW // CHUNK

NROWS = 1000000
TBL_R = NROWS * D // 128
BIAS_R = 8192


def _mf_body(user_r, item_r, ue_r, ie_r, ub_r, ib_r, out_r,
             idx_u, idx_i, idxb_u, idxb_i,
             ru, ri, rbu, rbi, preds, sem):
  wid = lax.axis_index("s") * NC + lax.axis_index("c")
  base = wid * BPW

  for c in range(NCH):
    pltpu.sync_copy(user_r.at[pl.ds(base + c * CHUNK, CHUNK)], idx_u.at[c])
    pltpu.sync_copy(item_r.at[pl.ds(base + c * CHUNK, CHUNK)], idx_i.at[c])

  for c in range(NCH):
    def hi_body(g, _, c=c):
      sl = pl.ds(g * L, L)
      idxb_u[c, sl] = lax.shift_right_logical(idx_u[c, sl], 7)
      idxb_i[c, sl] = lax.shift_right_logical(idx_i[c, sl], 7)
      return 0
    lax.fori_loop(0, CHUNK // L, hi_body, 0)

  lane = lax.iota(jnp.int32, L)
  m127 = jnp.full((L,), 127, jnp.int32)

  for c in range(NCH):
    cps = [
        pltpu.async_copy(ue_r.at[idx_u.at[c]], ru, sem),
        pltpu.async_copy(ie_r.at[idx_i.at[c]], ri, sem),
        pltpu.async_copy(ub_r.at[idxb_u.at[c]], rbu, sem),
        pltpu.async_copy(ib_r.at[idxb_i.at[c]], rbi, sem),
    ]
    for cp in cps:
      cp.wait()

    def group_body(g, _, c=c):
      sl = pl.ds(g * L, L)
      acc = jnp.zeros((L,), jnp.float32)
      for u in range(L):
        r = g * L + u
        p = (ru[r, pl.ds(0, L)] * ri[r, pl.ds(0, L)]
             + ru[r, pl.ds(L, L)] * ri[r, pl.ds(L, L)])
        acc = jnp.where(lane == u, jnp.sum(p), acc)
      rows = g * L + lane
      bu_v = plsc.load_gather(rbu, [rows, idx_u[c, sl] & m127])
      bi_v = plsc.load_gather(rbi, [rows, idx_i[c, sl] & m127])
      x = acc + bu_v + bi_v
      preds[pl.ds(c * CHUNK + g * L, L)] = 1.0 / (1.0 + jnp.exp(-x))
      return 0
    lax.fori_loop(0, CHUNK // L, group_body, 0)

  pltpu.sync_copy(preds, out_r.at[pl.ds(base, BPW)])


@jax.jit
def kernel(user, item, user_e, item_e, user_b, item_b):
  user = user.astype(jnp.int32)
  item = item.astype(jnp.int32)

  padn = BIAS_R * 128 - NROWS
  ubp = jnp.pad(user_b, ((0, padn), (0, 0))).reshape(BIAS_R, 128)
  ibp = jnp.pad(item_b, ((0, padn), (0, 0))).reshape(BIAS_R, 128)

  mesh = plsc.VectorSubcoreMesh(core_axis_name="c", subcore_axis_name="s")
  run = pl.kernel(
      _mf_body,
      out_type=jax.ShapeDtypeStruct((B,), jnp.float32),
      mesh=mesh,
      compiler_params=pltpu.CompilerParams(
          needs_layout_passes=False, use_tc_tiling_on_sc=False),
      scratch_types=[
          pltpu.VMEM((NCH, CHUNK), jnp.int32),
          pltpu.VMEM((NCH, CHUNK), jnp.int32),
          pltpu.VMEM((NCH, CHUNK), jnp.int32),
          pltpu.VMEM((NCH, CHUNK), jnp.int32),
          pltpu.VMEM((CHUNK, D), jnp.float32),
          pltpu.VMEM((CHUNK, D), jnp.float32),
          pltpu.VMEM((CHUNK, 128), jnp.float32),
          pltpu.VMEM((CHUNK, 128), jnp.float32),
          pltpu.VMEM((BPW,), jnp.float32),
          pltpu.SemaphoreType.DMA,
      ],
  )
  return run(user, item, user_e, item_e, ubp, ibp)

# --- scband reference (transcript-rebuilt; emitter-appended) ---
"""Pipeline reference for scband-mf-naive-22058952032667 (READ-ONLY COPY).

The authoritative reference and input builder live on the scoring server;
editing this copy changes nothing except your own understanding.
"""

import jax, jax.numpy as jnp
import numpy as np

NUM_USERS = 1000000
NUM_ITEMS = 1000000
EMBED_DIM = 32
BATCH = 16384


def setup_inputs(seed: int = 0) -> dict:
    key = jax.random.key(seed)
    k1, k2, k3, k4, k5, k6 = jax.random.split(key, 6)
    user = jax.random.randint(k1, (BATCH,), 0, NUM_USERS, dtype=jnp.int64 if jax.config.jax_enable_x64 else jnp.int32)
    item = jax.random.randint(k2, (BATCH,), 0, NUM_ITEMS, dtype=jnp.int64 if jax.config.jax_enable_x64 else jnp.int32)
    user_e = jax.random.normal(k3, (NUM_USERS, EMBED_DIM), dtype=jnp.float32) * 0.1
    item_e = jax.random.normal(k4, (NUM_ITEMS, EMBED_DIM), dtype=jnp.float32) * 0.1
    user_b = jax.random.normal(k5, (NUM_USERS, 1), dtype=jnp.float32) * 0.1
    item_b = jax.random.normal(k6, (NUM_ITEMS, 1), dtype=jnp.float32) * 0.1
    return {"user": user, "item": item, "user_e": user_e, "item_e": item_e, "user_b": user_b, "item_b": item_b}


def reference(user, item, user_e, item_e, user_b, item_b):
    # user_embedding = self.user_e(user); item_embedding = self.item_e(item)
    ue = jnp.take(user_e, user, axis=0)
    ie = jnp.take(item_e, item, axis=0)
    # preds = (user_embedding * item_embedding).sum(dim=1, keepdim=True)
    preds = jnp.sum(ue * ie, axis=1, keepdims=True)
    # preds += self.user_b(user); preds += self.item_b(item)
    preds = preds + jnp.take(user_b, user, axis=0)
    preds = preds + jnp.take(item_b, item, axis=0)
    # preds = torch.sigmoid(preds); return preds.squeeze()
    preds = jax.nn.sigmoid(preds)
    return jnp.squeeze(preds)

if __name__ == "__main__":
    import jax
    _d = setup_inputs()
    print(jax.jit(kernel)(*tuple(_d.values())))

</pallas_src>

<mosaic_0001>
#map = affine_map<(d0, d1) -> (0)>
#map1 = affine_map<(d0, d1) -> (0, 0)>
module attributes {stable_mosaic.version = 14 : i64} {
  func.func @_mf_body(%arg0: i32, %arg1: i32, %arg2: memref<16384xi32, #tpu.memory_space<hbm>>, %arg3: memref<16384xi32, #tpu.memory_space<hbm>>, %arg4: memref<1000000x32xf32, #tpu.memory_space<hbm>>, %arg5: memref<1000000x32xf32, #tpu.memory_space<hbm>>, %arg6: memref<8192x128xf32, #tpu.memory_space<hbm>>, %arg7: memref<8192x128xf32, #tpu.memory_space<hbm>>, %arg8: memref<16384xf32, #tpu.memory_space<hbm>>, %arg9: memref<4x128xi32, #tpu.memory_space<vmem>>, %arg10: memref<4x128xi32, #tpu.memory_space<vmem>>, %arg11: memref<4x128xi32, #tpu.memory_space<vmem>>, %arg12: memref<4x128xi32, #tpu.memory_space<vmem>>, %arg13: memref<128x32xf32, #tpu.memory_space<vmem>>, %arg14: memref<128x32xf32, #tpu.memory_space<vmem>>, %arg15: memref<128x128xf32, #tpu.memory_space<vmem>>, %arg16: memref<128x128xf32, #tpu.memory_space<vmem>>, %arg17: memref<512xf32, #tpu.memory_space<vmem>>, %arg18: memref<!tpu.dma_semaphore, #tpu.memory_space<semaphore_mem>>) attributes {dimension_semantics = [#tpu.dimension_semantics<core_parallel>, #tpu.dimension_semantics<subcore_parallel>], iteration_bounds = array<i64: 2, 16>, scalar_prefetch = 0 : i64, scratch_operands = 10 : i64, tpu.core_type = #tpu.core_type<sc_vector_subcore>, window_params = [{transform_indices = #map}, {transform_indices = #map}, {transform_indices = #map1}, {transform_indices = #map1}, {transform_indices = #map1}, {transform_indices = #map1}, {transform_indices = #map}]} {
    %mul3A = arith.constant 2 : i32
    %mul3A_0 = arith.muli %arg1, %mul3A : i32
    %add3A = arith.addi %mul3A_0, %arg0 : i32
    %mul3A_1 = arith.constant 512 : i32
    %mul3A_2 = arith.muli %add3A, %mul3A_1 : i32
    %add3A_3 = arith.constant 0 : i32
    %add3A_4 = arith.addi %mul3A_2, %add3A_3 : i32
    %run_scoped3A = arith.constant 0 : i32
    "tpu.region"() ({
      %run_scoped3A_304 = tpu.sem_alloc : memref<!tpu.dma_semaphore, #tpu.memory_space<semaphore_mem>>
      %dma_start3A_305 = arith.constant 0 : i32
      %dma_start3A_306 = tpu.memref_slice %arg9[%run_scoped3A, %dma_start3A_305] : memref<4x128xi32, #tpu.memory_space<vmem>> -> memref<1x128xi32, #tpu.memory_space<vmem>>
      %dma_start3A_307 = tpu.memref_squeeze %dma_start3A_306 : memref<1x128xi32, #tpu.memory_space<vmem>> -> memref<128xi32, #tpu.memory_space<vmem>>
      %dma_start3A_308 = tpu.memref_slice %arg2[%add3A_4] : memref<16384xi32, #tpu.memory_space<hbm>> -> memref<128xi32, #tpu.memory_space<hbm>>
      %dma_start3A_309 = arith.constant 0 : i32
      %dma_start3A_310 = tpu.memref_slice %arg9[%run_scoped3A, %dma_start3A_309] : memref<4x128xi32, #tpu.memory_space<vmem>> -> memref<1x128xi32, #tpu.memory_space<vmem>>
      %dma_start3A_311 = tpu.memref_squeeze %dma_start3A_310 : memref<1x128xi32, #tpu.memory_space<vmem>> -> memref<128xi32, #tpu.memory_space<vmem>>
      %dma_start3A_312 = tpu.memref_slice %arg2[%add3A_4] : memref<16384xi32, #tpu.memory_space<hbm>> -> memref<128xi32, #tpu.memory_space<hbm>>
      tpu.enqueue_dma source(%dma_start3A_312 : memref<128xi32, #tpu.memory_space<hbm>>) target(%dma_start3A_311 : memref<128xi32, #tpu.memory_space<vmem>>) target_semaphore(%run_scoped3A_304 : memref<!tpu.dma_semaphore, #tpu.memory_space<semaphore_mem>>)
      %dma_wait3A_313 = arith.constant 0 : i32
      %dma_wait3A_314 = tpu.memref_slice %arg9[%run_scoped3A, %dma_wait3A_313] : memref<4x128xi32, #tpu.memory_space<vmem>> -> memref<1x128xi32, #tpu.memory_space<vmem>>
      %dma_wait3A_315 = tpu.memref_squeeze %dma_wait3A_314 : memref<1x128xi32, #tpu.memory_space<vmem>> -> memref<128xi32, #tpu.memory_space<vmem>>
      %dma_wait3A_316 = tpu.memref_slice %arg2[%add3A_4] : memref<16384xi32, #tpu.memory_space<hbm>> -> memref<128xi32, #tpu.memory_space<hbm>>
      %dma_wait3A_317 = arith.constant 0 : i32
      %dma_wait3A_318 = tpu.memref_slice %arg9[%run_scoped3A, %dma_wait3A_317] : memref<4x128xi32, #tpu.memory_space<vmem>> -> memref<1x128xi32, #tpu.memory_space<vmem>>
      %dma_wait3A_319 = tpu.memref_squeeze %dma_wait3A_318 : memref<1x128xi32, #tpu.memory_space<vmem>> -> memref<128xi32, #tpu.memory_space<vmem>>
      %dma_wait3A_320 = tpu.memref_slice %arg2[%add3A_4] : memref<16384xi32, #tpu.memory_space<hbm>> -> memref<128xi32, #tpu.memory_space<hbm>>
      tpu.wait_dma2 semaphore(%run_scoped3A_304 : memref<!tpu.dma_semaphore, #tpu.memory_space<semaphore_mem>>) src(%dma_wait3A_320 : memref<128xi32, #tpu.memory_space<hbm>>) dst(%dma_wait3A_319 : memref<128xi32, #tpu.memory_space<vmem>>)
      tpu.yield
    }) : () -> ()
    %add3A_5 = arith.constant 0 : i32
    %add3A_6 = arith.addi %mul3A_2, %add3A_5 : i32
    %run_scoped3A_7 = arith.constant 0 : i32
    "tpu.region"() ({
      %run_scoped3A_304 = tpu.sem_alloc : memref<!tpu.dma_semaphore, #tpu.memory_space<semaphore_mem>>
      %dma_start3A_305 = arith.constant 0 : i32
      %dma_start3A_306 = tpu.memref_slice %arg10[%run_scoped3A_7, %dma_start3A_305] : memref<4x128xi32, #tpu.memory_space<vmem>> -> memref<1x128xi32, #tpu.memory_space<vmem>>
      %dma_start3A_307 = tpu.memref_squeeze %dma_start3A_306 : memref<1x128xi32, #tpu.memory_space<vmem>> -> memref<128xi32, #tpu.memory_space<vmem>>
      %dma_start3A_308 = tpu.memref_slice %arg3[%add3A_6] : memref<16384xi32, #tpu.memory_space<hbm>> -> memref<128xi32, #tpu.memory_space<hbm>>
      %dma_start3A_309 = arith.constant 0 : i32
      %dma_start3A_310 = tpu.memref_slice %arg10[%run_scoped3A_7, %dma_start3A_309] : memref<4x128xi32, #tpu.memory_space<vmem>> -> memref<1x128xi32, #tpu.memory_space<vmem>>
      %dma_start3A_311 = tpu.memref_squeeze %dma_start3A_310 : memref<1x128xi32, #tpu.memory_space<vmem>> -> memref<128xi32, #tpu.memory_space<vmem>>
      %dma_start3A_312 = tpu.memref_slice %arg3[%add3A_6] : memref<16384xi32, #tpu.memory_space<hbm>> -> memref<128xi32, #tpu.memory_space<hbm>>
      tpu.enqueue_dma source(%dma_start3A_312 : memref<128xi32, #tpu.memory_space<hbm>>) target(%dma_start3A_311 : memref<128xi32, #tpu.memory_space<vmem>>) target_semaphore(%run_scoped3A_304 : memref<!tpu.dma_semaphore, #tpu.memory_space<semaphore_mem>>)
      %dma_wait3A_313 = arith.constant 0 : i32
      %dma_wait3A_314 = tpu.memref_slice %arg10[%run_scoped3A_7, %dma_wait3A_313] : memref<4x128xi32, #tpu.memory_space<vmem>> -> memref<1x128xi32, #tpu.memory_space<vmem>>
      %dma_wait3A_315 = tpu.memref_squeeze %dma_wait3A_314 : memref<1x128xi32, #tpu.memory_space<vmem>> -> memref<128xi32, #tpu.memory_space<vmem>>
      %dma_wait3A_316 = tpu.memref_slice %arg3[%add3A_6] : memref<16384xi32, #tpu.memory_space<hbm>> -> memref<128xi32, #tpu.memory_space<hbm>>
      %dma_wait3A_317 = arith.constant 0 : i32
      %dma_wait3A_318 = tpu.memref_slice %arg10[%run_scoped3A_7, %dma_wait3A_317] : memref<4x128xi32, #tpu.memory_space<vmem>> -> memref<1x128xi32, #tpu.memory_space<vmem>>
      %dma_wait3A_319 = tpu.memref_squeeze %dma_wait3A_318 : memref<1x128xi32, #tpu.memory_space<vmem>> -> memref<128xi32, #tpu.memory_space<vmem>>
      %dma_wait3A_320 = tpu.memref_slice %arg3[%add3A_6] : memref<16384xi32, #tpu.memory_space<hbm>> -> memref<128xi32, #tpu.memory_space<hbm>>
      tpu.wait_dma2 semaphore(%run_scoped3A_304 : memref<!tpu.dma_semaphore, #tpu.memory_space<semaphore_mem>>) src(%dma_wait3A_320 : memref<128xi32, #tpu.memory_space<hbm>>) dst(%dma_wait3A_319 : memref<128xi32, #tpu.memory_space<vmem>>)
      tpu.yield
    }) : () -> ()
    %add3A_8 = arith.constant 128 : i32
    %add3A_9 = arith.addi %mul3A_2, %add3A_8 : i32
    %run_scoped3A_10 = arith.constant 1 : i32
    "tpu.region"() ({
      %run_scoped3A_304 = tpu.sem_alloc : memref<!tpu.dma_semaphore, #tpu.memory_space<semaphore_mem>>
      %dma_start3A_305 = arith.constant 0 : i32
      %dma_start3A_306 = tpu.memref_slice %arg9[%run_scoped3A_10, %dma_start3A_305] : memref<4x128xi32, #tpu.memory_space<vmem>> -> memref<1x128xi32, #tpu.memory_space<vmem>>
      %dma_start3A_307 = tpu.memref_squeeze %dma_start3A_306 : memref<1x128xi32, #tpu.memory_space<vmem>> -> memref<128xi32, #tpu.memory_space<vmem>>
      %dma_start3A_308 = tpu.memref_slice %arg2[%add3A_9] : memref<16384xi32, #tpu.memory_space<hbm>> -> memref<128xi32, #tpu.memory_space<hbm>>
      %dma_start3A_309 = arith.constant 0 : i32
      %dma_start3A_310 = tpu.memref_slice %arg9[%run_scoped3A_10, %dma_start3A_309] : memref<4x128xi32, #tpu.memory_space<vmem>> -> memref<1x128xi32, #tpu.memory_space<vmem>>
      %dma_start3A_311 = tpu.memref_squeeze %dma_start3A_310 : memref<1x128xi32, #tpu.memory_space<vmem>> -> memref<128xi32, #tpu.memory_space<vmem>>
      %dma_start3A_312 = tpu.memref_slice %arg2[%add3A_9] : memref<16384xi32, #tpu.memory_space<hbm>> -> memref<128xi32, #tpu.memory_space<hbm>>
      tpu.enqueue_dma source(%dma_start3A_312 : memref<128xi32, #tpu.memory_space<hbm>>) target(%dma_start3A_311 : memref<128xi32, #tpu.memory_space<vmem>>) target_semaphore(%run_scoped3A_304 : memref<!tpu.dma_semaphore, #tpu.memory_space<semaphore_mem>>)
      %dma_wait3A_313 = arith.constant 0 : i32
      %dma_wait3A_314 = tpu.memref_slice %arg9[%run_scoped3A_10, %dma_wait3A_313] : memref<4x128xi32, #tpu.memory_space<vmem>> -> memref<1x128xi32, #tpu.memory_space<vmem>>
      %dma_wait3A_315 = tpu.memref_squeeze %dma_wait3A_314 : memref<1x128xi32, #tpu.memory_space<vmem>> -> memref<128xi32, #tpu.memory_space<vmem>>
      %dma_wait3A_316 = tpu.memref_slice %arg2[%add3A_9] : memref<16384xi32, #tpu.memory_space<hbm>> -> memref<128xi32, #tpu.memory_space<hbm>>
      %dma_wait3A_317 = arith.constant 0 : i32
      %dma_wait3A_318 = tpu.memref_slice %arg9[%run_scoped3A_10, %dma_wait3A_317] : memref<4x128xi32, #tpu.memory_space<vmem>> -> memref<1x128xi32, #tpu.memory_space<vmem>>
      %dma_wait3A_319 = tpu.memref_squeeze %dma_wait3A_318 : memref<1x128xi32, #tpu.memory_space<vmem>> -> memref<128xi32, #tpu.memory_space<vmem>>
      %dma_wait3A_320 = tpu.memref_slice %arg2[%add3A_9] : memref<16384xi32, #tpu.memory_space<hbm>> -> memref<128xi32, #tpu.memory_space<hbm>>
      tpu.wait_dma2 semaphore(%run_scoped3A_304 : memref<!tpu.dma_semaphore, #tpu.memory_space<semaphore_mem>>) src(%dma_wait3A_320 : memref<128xi32, #tpu.memory_space<hbm>>) dst(%dma_wait3A_319 : memref<128xi32, #tpu.memory_space<vmem>>)
      tpu.yield
    }) : () -> ()
    %add3A_11 = arith.constant 128 : i32
    %add3A_12 = arith.addi %mul3A_2, %add3A_11 : i32
    %run_scoped3A_13 = arith.constant 1 : i32
    "tpu.region"() ({
      %run_scoped3A_304 = tpu.sem_alloc : memref<!tpu.dma_semaphore, #tpu.memory_space<semaphore_mem>>
      %dma_start3A_305 = arith.constant 0 : i32
      %dma_start3A_306 = tpu.memref_slice %arg10[%run_scoped3A_13, %dma_start3A_305] : memref<4x128xi32, #tpu.memory_space<vmem>> -> memref<1x128xi32, #tpu.memory_space<vmem>>
      %dma_start3A_307 = tpu.memref_squeeze %dma_start3A_306 : memref<1x128xi32, #tpu.memory_space<vmem>> -> memref<128xi32, #tpu.memory_space<vmem>>
      %dma_start3A_308 = tpu.memref_slice %arg3[%add3A_12] : memref<16384xi32, #tpu.memory_space<hbm>> -> memref<128xi32, #tpu.memory_space<hbm>>
      %dma_start3A_309 = arith.constant 0 : i32
      %dma_start3A_310 = tpu.memref_slice %arg10[%run_scoped3A_13, %dma_start3A_309] : memref<4x128xi32, #tpu.memory_space<vmem>> -> memref<1x128xi32, #tpu.memory_space<vmem>>
      %dma_start3A_311 = tpu.memref_squeeze %dma_start3A_310 : memref<1x128xi32, #tpu.memory_space<vmem>> -> memref<128xi32, #tpu.memory_space<vmem>>
      %dma_start3A_312 = tpu.memref_slice %arg3[%add3A_12] : memref<16384xi32, #tpu.memory_space<hbm>> -> memref<128xi32, #tpu.memory_space<hbm>>
      tpu.enqueue_dma source(%dma_start3A_312 : memref<128xi32, #tpu.memory_space<hbm>>) target(%dma_start3A_311 : memref<128xi32, #tpu.memory_space<vmem>>) target_semaphore(%run_scoped3A_304 : memref<!tpu.dma_semaphore, #tpu.memory_space<semaphore_mem>>)
      %dma_wait3A_313 = arith.constant 0 : i32
      %dma_wait3A_314 = tpu.memref_slice %arg10[%run_scoped3A_13, %dma_wait3A_313] : memref<4x128xi32, #tpu.memory_space<vmem>> -> memref<1x128xi32, #tpu.memory_space<vmem>>
      %dma_wait3A_315 = tpu.memref_squeeze %dma_wait3A_314 : memref<1x128xi32, #tpu.memory_space<vmem>> -> memref<128xi32, #tpu.memory_space<vmem>>
      %dma_wait3A_316 = tpu.memref_slice %arg3[%add3A_12] : memref<16384xi32, #tpu.memory_space<hbm>> -> memref<128xi32, #tpu.memory_space<hbm>>
      %dma_wait3A_317 = arith.constant 0 : i32
      %dma_wait3A_318 = tpu.memref_slice %arg10[%run_scoped3A_13, %dma_wait3A_317] : memref<4x128xi32, #tpu.memory_space<vmem>> -> memref<1x128xi32, #tpu.memory_space<vmem>>
      %dma_wait3A_319 = tpu.memref_squeeze %dma_wait3A_318 : memref<1x128xi32, #tpu.memory_space<vmem>> -> memref<128xi32, #tpu.memory_space<vmem>>
      %dma_wait3A_320 = tpu.memref_slice %arg3[%add3A_12] : memref<16384xi32, #tpu.memory_space<hbm>> -> memref<128xi32, #tpu.memory_space<hbm>>
      tpu.wait_dma2 semaphore(%run_scoped3A_304 : memref<!tpu.dma_semaphore, #tpu.memory_space<semaphore_mem>>) src(%dma_wait3A_320 : memref<128xi32, #tpu.memory_space<hbm>>) dst(%dma_wait3A_319 : memref<128xi32, #tpu.memory_space<vmem>>)
      tpu.yield
    }) : () -> ()
    %add3A_14 = arith.constant 256 : i32
    %add3A_15 = arith.addi %mul3A_2, %add3A_14 : i32
    %run_scoped3A_16 = arith.constant 2 : i32
    "tpu.region"() ({
      %run_scoped3A_304 = tpu.sem_alloc : memref<!tpu.dma_semaphore, #tpu.memory_space<semaphore_mem>>
      %dma_start3A_305 = arith.constant 0 : i32
      %dma_start3A_306 = tpu.memref_slice %arg9[%run_scoped3A_16, %dma_start3A_305] : memref<4x128xi32, #tpu.memory_space<vmem>> -> memref<1x128xi32, #tpu.memory_space<vmem>>
      %dma_start3A_307 = tpu.memref_squeeze %dma_start3A_306 : memref<1x128xi32, #tpu.memory_space<vmem>> -> memref<128xi32, #tpu.memory_space<vmem>>
      %dma_start3A_308 = tpu.memref_slice %arg2[%add3A_15] : memref<16384xi32, #tpu.memory_space<hbm>> -> memref<128xi32, #tpu.memory_space<hbm>>
      %dma_start3A_309 = arith.constant 0 : i32
      %dma_start3A_310 = tpu.memref_slice %arg9[%run_scoped3A_16, %dma_start3A_309] : memref<4x128xi32, #tpu.memory_space<vmem>> -> memref<1x128xi32, #tpu.memory_space<vmem>>
      %dma_start3A_311 = tpu.memref_squeeze %dma_start3A_310 : memref<1x128xi32, #tpu.memory_space<vmem>> -> memref<128xi32, #tpu.memory_space<vmem>>
      %dma_start3A_312 = tpu.memref_slice %arg2[%add3A_15] : memref<16384xi32, #tpu.memory_space<hbm>> -> memref<128xi32, #tpu.memory_space<hbm>>
      tpu.enqueue_dma source(%dma_start3A_312 : memref<128xi32, #tpu.memory_space<hbm>>) target(%dma_start3A_311 : memref<128xi32, #tpu.memory_space<vmem>>) target_semaphore(%run_scoped3A_304 : memref<!tpu.dma_semaphore, #tpu.memory_space<semaphore_mem>>)
      %dma_wait3A_313 = arith.constant 0 : i32
      %dma_wait3A_314 = tpu.memref_slice %arg9[%run_scoped3A_16, %dma_wait3A_313] : memref<4x128xi32, #tpu.memory_space<vmem>> -> memref<1x128xi32, #tpu.memory_space<vmem>>
      %dma_wait3A_315 = tpu.memref_squeeze %dma_wait3A_314 : memref<1x128xi32, #tpu.memory_space<vmem>> -> memref<128xi32, #tpu.memory_space<vmem>>
      %dma_wait3A_316 = tpu.memref_slice %arg2[%add3A_15] : memref<16384xi32, #tpu.memory_space<hbm>> -> memref<128xi32, #tpu.memory_space<hbm>>
      %dma_wait3A_317 = arith.constant 0 : i32
      %dma_wait3A_318 = tpu.memref_slice %arg9[%run_scoped3A_16, %dma_wait3A_317] : memref<4x128xi32, #tpu.memory_space<vmem>> -> memref<1x128xi32, #tpu.memory_space<vmem>>
      %dma_wait3A_319 = tpu.memref_squeeze %dma_wait3A_318 : memref<1x128xi32, #tpu.memory_space<vmem>> -> memref<128xi32, #tpu.memory_space<vmem>>
      %dma_wait3A_320 = tpu.memref_slice %arg2[%add3A_15] : memref<16384xi32, #tpu.memory_space<hbm>> -> memref<128xi32, #tpu.memory_space<hbm>>
      tpu.wait_dma2 semaphore(%run_scoped3A_304 : memref<!tpu.dma_semaphore, #tpu.memory_space<semaphore_mem>>) src(%dma_wait3A_320 : memref<128xi32, #tpu.memory_space<hbm>>) dst(%dma_wait3A_319 : memref<128xi32, #tpu.memory_space<vmem>>)
      tpu.yield
    }) : () -> ()
    %add3A_17 = arith.constant 256 : i32
    %add3A_18 = arith.addi %mul3A_2, %add3A_17 : i32
    %run_scoped3A_19 = arith.constant 2 : i32
    "tpu.region"() ({
      %run_scoped3A_304 = tpu.sem_alloc : memref<!tpu.dma_semaphore, #tpu.memory_space<semaphore_mem>>
      %dma_start3A_305 = arith.constant 0 : i32
      %dma_start3A_306 = tpu.memref_slice %arg10[%run_scoped3A_19, %dma_start3A_305] : memref<4x128xi32, #tpu.memory_space<vmem>> -> memref<1x128xi32, #tpu.memory_space<vmem>>
      %dma_start3A_307 = tpu.memref_squeeze %dma_start3A_306 : memref<1x128xi32, #tpu.memory_space<vmem>> -> memref<128xi32, #tpu.memory_space<vmem>>
      %dma_start3A_308 = tpu.memref_slice %arg3[%add3A_18] : memref<16384xi32, #tpu.memory_space<hbm>> -> memref<128xi32, #tpu.memory_space<hbm>>
      %dma_start3A_309 = arith.constant 0 : i32
      %dma_start3A_310 = tpu.memref_slice %arg10[%run_scoped3A_19, %dma_start3A_309] : memref<4x128xi32, #tpu.memory_space<vmem>> -> memref<1x128xi32, #tpu.memory_space<vmem>>
      %dma_start3A_311 = tpu.memref_squeeze %dma_start3A_310 : memref<1x128xi32, #tpu.memory_space<vmem>> -> memref<128xi32, #tpu.memory_space<vmem>>
      %dma_start3A_312 = tpu.memref_slice %arg3[%add3A_18] : memref<16384xi32, #tpu.memory_space<hbm>> -> memref<128xi32, #tpu.memory_space<hbm>>
      tpu.enqueue_dma source(%dma_start3A_312 : memref<128xi32, #tpu.memory_space<hbm>>) target(%dma_start3A_311 : memref<128xi32, #tpu.memory_space<vmem>>) target_semaphore(%run_scoped3A_304 : memref<!tpu.dma_semaphore, #tpu.memory_space<semaphore_mem>>)
      %dma_wait3A_313 = arith.constant 0 : i32
      %dma_wait3A_314 = tpu.memref_slice %arg10[%run_scoped3A_19, %dma_wait3A_313] : memref<4x128xi32, #tpu.memory_space<vmem>> -> memref<1x128xi32, #tpu.memory_space<vmem>>
      %dma_wait3A_315 = tpu.memref_squeeze %dma_wait3A_314 : memref<1x128xi32, #tpu.memory_space<vmem>> -> memref<128xi32, #tpu.memory_space<vmem>>
      %dma_wait3A_316 = tpu.memref_slice %arg3[%add3A_18] : memref<16384xi32, #tpu.memory_space<hbm>> -> memref<128xi32, #tpu.memory_space<hbm>>
      %dma_wait3A_317 = arith.constant 0 : i32
      %dma_wait3A_318 = tpu.memref_slice %arg10[%run_scoped3A_19, %dma_wait3A_317] : memref<4x128xi32, #tpu.memory_space<vmem>> -> memref<1x128xi32, #tpu.memory_space<vmem>>
      %dma_wait3A_319 = tpu.memref_squeeze %dma_wait3A_318 : memref<1x128xi32, #tpu.memory_space<vmem>> -> memref<128xi32, #tpu.memory_space<vmem>>
      %dma_wait3A_320 = tpu.memref_slice %arg3[%add3A_18] : memref<16384xi32, #tpu.memory_space<hbm>> -> memref<128xi32, #tpu.memory_space<hbm>>
      tpu.wait_dma2 semaphore(%run_scoped3A_304 : memref<!tpu.dma_semaphore, #tpu.memory_space<semaphore_mem>>) src(%dma_wait3A_320 : memref<128xi32, #tpu.memory_space<hbm>>) dst(%dma_wait3A_319 : memref<128xi32, #tpu.memory_space<vmem>>)
      tpu.yield
    }) : () -> ()
    %add3A_20 = arith.constant 384 : i32
    %add3A_21 = arith.addi %mul3A_2, %add3A_20 : i32
    %run_scoped3A_22 = arith.constant 3 : i32
    "tpu.region"() ({
      %run_scoped3A_304 = tpu.sem_alloc : memref<!tpu.dma_semaphore, #tpu.memory_space<semaphore_mem>>
      %dma_start3A_305 = arith.constant 0 : i32
      %dma_start3A_306 = tpu.memref_slice %arg9[%run_scoped3A_22, %dma_start3A_305] : memref<4x128xi32, #tpu.memory_space<vmem>> -> memref<1x128xi32, #tpu.memory_space<vmem>>
      %dma_start3A_307 = tpu.memref_squeeze %dma_start3A_306 : memref<1x128xi32, #tpu.memory_space<vmem>> -> memref<128xi32, #tpu.memory_space<vmem>>
      %dma_start3A_308 = tpu.memref_slice %arg2[%add3A_21] : memref<16384xi32, #tpu.memory_space<hbm>> -> memref<128xi32, #tpu.memory_space<hbm>>
      %dma_start3A_309 = arith.constant 0 : i32
      %dma_start3A_310 = tpu.memref_slice %arg9[%run_scoped3A_22, %dma_start3A_309] : memref<4x128xi32, #tpu.memory_space<vmem>> -> memref<1x128xi32, #tpu.memory_space<vmem>>
      %dma_start3A_311 = tpu.memref_squeeze %dma_start3A_310 : memref<1x128xi32, #tpu.memory_space<vmem>> -> memref<128xi32, #tpu.memory_space<vmem>>
      %dma_start3A_312 = tpu.memref_slice %arg2[%add3A_21] : memref<16384xi32, #tpu.memory_space<hbm>> -> memref<128xi32, #tpu.memory_space<hbm>>
      tpu.enqueue_dma source(%dma_start3A_312 : memref<128xi32, #tpu.memory_space<hbm>>) target(%dma_start3A_311 : memref<128xi32, #tpu.memory_space<vmem>>) target_semaphore(%run_scoped3A_304 : memref<!tpu.dma_semaphore, #tpu.memory_space<semaphore_mem>>)
      %dma_wait3A_313 = arith.constant 0 : i32
      %dma_wait3A_314 = tpu.memref_slice %arg9[%run_scoped3A_22, %dma_wait3A_313] : memref<4x128xi32, #tpu.memory_space<vmem>> -> memref<1x128xi32, #tpu.memory_space<vmem>>
      %dma_wait3A_315 = tpu.memref_squeeze %dma_wait3A_314 : memref<1x128xi32, #tpu.memory_space<vmem>> -> memref<128xi32, #tpu.memory_space<vmem>>
      %dma_wait3A_316 = tpu.memref_slice %arg2[%add3A_21] : memref<16384xi32, #tpu.memory_space<hbm>> -> memref<128xi32, #tpu.memory_space<hbm>>
      %dma_wait3A_317 = arith.constant 0 : i32
      %dma_wait3A_318 = tpu.memref_slice %arg9[%run_scoped3A_22, %dma_wait3A_317] : memref<4x128xi32, #tpu.memory_space<vmem>> -> memref<1x128xi32, #tpu.memory_space<vmem>>
      %dma_wait3A_319 = tpu.memref_squeeze %dma_wait3A_318 : memref<1x128xi32, #tpu.memory_space<vmem>> -> memref<128xi32, #tpu.memory_space<vmem>>
      %dma_wait3A_320 = tpu.memref_slice %arg2[%add3A_21] : memref<16384xi32, #tpu.memory_space<hbm>> -> memref<128xi32, #tpu.memory_space<hbm>>
      tpu.wait_dma2 semaphore(%run_scoped3A_304 : memref<!tpu.dma_semaphore, #tpu.memory_space<semaphore_mem>>) src(%dma_wait3A_320 : memref<128xi32, #tpu.memory_space<hbm>>) dst(%dma_wait3A_319 : memref<128xi32, #tpu.memory_space<vmem>>)
      tpu.yield
    }) : () -> ()
    %add3A_23 = arith.constant 384 : i32
    %add3A_24 = arith.addi %mul3A_2, %add3A_23 : i32
    %run_scoped3A_25 = arith.constant 3 : i32
    "tpu.region"() ({
      %run_scoped3A_304 = tpu.sem_alloc : memref<!tpu.dma_semaphore, #tpu.memory_space<semaphore_mem>>
      %dma_start3A_305 = arith.constant 0 : i32
      %dma_start3A_306 = tpu.memref_slice %arg10[%run_scoped3A_25, %dma_start3A_305] : memref<4x128xi32, #tpu.memory_space<vmem>> -> memref<1x128xi32, #tpu.memory_space<vmem>>
      %dma_start3A_307 = tpu.memref_squeeze %dma_start3A_306 : memref<1x128xi32, #tpu.memory_space<vmem>> -> memref<128xi32, #tpu.memory_space<vmem>>
      %dma_start3A_308 = tpu.memref_slice %arg3[%add3A_24] : memref<16384xi32, #tpu.memory_space<hbm>> -> memref<128xi32, #tpu.memory_space<hbm>>
      %dma_start3A_309 = arith.constant 0 : i32
      %dma_start3A_310 = tpu.memref_slice %arg10[%run_scoped3A_25, %dma_start3A_309] : memref<4x128xi32, #tpu.memory_space<vmem>> -> memref<1x128xi32, #tpu.memory_space<vmem>>
      %dma_start3A_311 = tpu.memref_squeeze %dma_start3A_310 : memref<1x128xi32, #tpu.memory_space<vmem>> -> memref<128xi32, #tpu.memory_space<vmem>>
      %dma_start3A_312 = tpu.memref_slice %arg3[%add3A_24] : memref<16384xi32, #tpu.memory_space<hbm>> -> memref<128xi32, #tpu.memory_space<hbm>>
      tpu.enqueue_dma source(%dma_start3A_312 : memref<128xi32, #tpu.memory_space<hbm>>) target(%dma_start3A_311 : memref<128xi32, #tpu.memory_space<vmem>>) target_semaphore(%run_scoped3A_304 : memref<!tpu.dma_semaphore, #tpu.memory_space<semaphore_mem>>)
      %dma_wait3A_313 = arith.constant 0 : i32
      %dma_wait3A_314 = tpu.memref_slice %arg10[%run_scoped3A_25, %dma_wait3A_313] : memref<4x128xi32, #tpu.memory_space<vmem>> -> memref<1x128xi32, #tpu.memory_space<vmem>>
      %dma_wait3A_315 = tpu.memref_squeeze %dma_wait3A_314 : memref<1x128xi32, #tpu.memory_space<vmem>> -> memref<128xi32, #tpu.memory_space<vmem>>
      %dma_wait3A_316 = tpu.memref_slice %arg3[%add3A_24] : memref<16384xi32, #tpu.memory_space<hbm>> -> memref<128xi32, #tpu.memory_space<hbm>>
      %dma_wait3A_317 = arith.constant 0 : i32
      %dma_wait3A_318 = tpu.memref_slice %arg10[%run_scoped3A_25, %dma_wait3A_317] : memref<4x128xi32, #tpu.memory_space<vmem>> -> memref<1x128xi32, #tpu.memory_space<vmem>>
      %dma_wait3A_319 = tpu.memref_squeeze %dma_wait3A_318 : memref<1x128xi32, #tpu.memory_space<vmem>> -> memref<128xi32, #tpu.memory_space<vmem>>
      %dma_wait3A_320 = tpu.memref_slice %arg3[%add3A_24] : memref<16384xi32, #tpu.memory_space<hbm>> -> memref<128xi32, #tpu.memory_space<hbm>>
      tpu.wait_dma2 semaphore(%run_scoped3A_304 : memref<!tpu.dma_semaphore, #tpu.memory_space<semaphore_mem>>) src(%dma_wait3A_320 : memref<128xi32, #tpu.memory_space<hbm>>) dst(%dma_wait3A_319 : memref<128xi32, #tpu.memory_space<vmem>>)
      tpu.yield
    }) : () -> ()
    %scan3A = arith.constant 0 : i32
    %scan3A_26 = arith.constant 0 : i32
    %scan3A_27 = arith.constant 8 : i32
    %scan3A_28 = arith.addi %scan3A_26, %scan3A_27 : i32
    %scan3A_29 = arith.constant 1 : i32
    %scan3A_30 = scf.for %scan3A_304 = %scan3A_26 to %scan3A_28 step %scan3A_29 iter_args(%scan3A_305 = %scan3A) -> (i32)  : i32 {
      %mul3A_306 = arith.constant 16 : i32
      %mul3A_307 = arith.muli %scan3A_304, %mul3A_306 : i32
      %get3A = arith.constant 0 : i32
      %get3A_308 = arith.index_cast %get3A : i32 to index
      %get3A_309 = arith.index_cast %mul3A_307 : i32 to index
      %get3A_310 = tpu.vector_load %arg9[%get3A_308, %get3A_309] {strides = array<i32>} : memref<4x128xi32, #tpu.memory_space<vmem>>, vector<16xi32>,
      %shift_right_logical3A = arith.constant 7 : i32
      %shift_right_logical3A_311 = vector.broadcast %shift_right_logical3A : i32 to vector<16xi32>
      %shift_right_logical3A_312 = arith.shrui %get3A_310, %shift_right_logical3A_311 : vector<16xi32>
      %swap3A = arith.constant 0 : i32
      %swap3A_313 = arith.index_cast %swap3A : i32 to index
      %swap3A_314 = arith.index_cast %mul3A_307 : i32 to index
      %swap3A_315 = tpu.vector_load %arg11[%swap3A_313, %swap3A_314] {strides = array<i32>} : memref<4x128xi32, #tpu.memory_space<vmem>>, vector<16xi32>,
      tpu.vector_store %arg11[%swap3A_313, %swap3A_314], %shift_right_logical3A_312 {strides = array<i32>} : memref<4x128xi32, #tpu.memory_space<vmem>>, vector<16xi32>,
      %get3A_316 = arith.constant 0 : i32
      %get3A_317 = arith.index_cast %get3A_316 : i32 to index
      %get3A_318 = arith.index_cast %mul3A_307 : i32 to index
      %get3A_319 = tpu.vector_load %arg10[%get3A_317, %get3A_318] {strides = array<i32>} : memref<4x128xi32, #tpu.memory_space<vmem>>, vector<16xi32>,
      %shift_right_logical3A_320 = arith.constant 7 : i32
      %shift_right_logical3A_321 = vector.broadcast %shift_right_logical3A_320 : i32 to vector<16xi32>
      %shift_right_logical3A_322 = arith.shrui %get3A_319, %shift_right_logical3A_321 : vector<16xi32>
      %swap3A_323 = arith.constant 0 : i32
      %swap3A_324 = arith.index_cast %swap3A_323 : i32 to index
      %swap3A_325 = arith.index_cast %mul3A_307 : i32 to index
      %swap3A_326 = tpu.vector_load %arg12[%swap3A_324, %swap3A_325] {strides = array<i32>} : memref<4x128xi32, #tpu.memory_space<vmem>>, vector<16xi32>,
      tpu.vector_store %arg12[%swap3A_324, %swap3A_325], %shift_right_logical3A_322 {strides = array<i32>} : memref<4x128xi32, #tpu.memory_space<vmem>>, vector<16xi32>,
      %scan3A_327 = arith.constant 0 : i32
      scf.yield %scan3A_327 : i32
    }
    %scan3A_31 = arith.constant 8 : i32
    %scan3A_32 = arith.constant 0 : i32
    %scan3A_33 = arith.constant 0 : i32
    %scan3A_34 = arith.constant 8 : i32
    %scan3A_35 = arith.addi %scan3A_33, %scan3A_34 : i32
    %scan3A_36 = arith.constant 1 : i32
    %scan3A_37 = scf.for %scan3A_304 = %scan3A_33 to %scan3A_35 step %scan3A_36 iter_args(%scan3A_305 = %scan3A_32) -> (i32)  : i32 {
      %mul3A_306 = arith.constant 16 : i32
      %mul3A_307 = arith.muli %scan3A_304, %mul3A_306 : i32
      %get3A = arith.constant 1 : i32
      %get3A_308 = arith.index_cast %get3A : i32 to index
      %get3A_309 = arith.index_cast %mul3A_307 : i32 to index
      %get3A_310 = tpu.vector_load %arg9[%get3A_308, %get3A_309] {strides = array<i32>} : memref<4x128xi32, #tpu.memory_space<vmem>>, vector<16xi32>,
      %shift_right_logical3A = arith.constant 7 : i32
      %shift_right_logical3A_311 = vector.broadcast %shift_right_logical3A : i32 to vector<16xi32>
      %shift_right_logical3A_312 = arith.shrui %get3A_310, %shift_right_logical3A_311 : vector<16xi32>
      %swap3A = arith.constant 1 : i32
      %swap3A_313 = arith.index_cast %swap3A : i32 to index
      %swap3A_314 = arith.index_cast %mul3A_307 : i32 to index
      %swap3A_315 = tpu.vector_load %arg11[%swap3A_313, %swap3A_314] {strides = array<i32>} : memref<4x128xi32, #tpu.memory_space<vmem>>, vector<16xi32>,
      tpu.vector_store %arg11[%swap3A_313, %swap3A_314], %shift_right_logical3A_312 {strides = array<i32>} : memref<4x128xi32, #tpu.memory_space<vmem>>, vector<16xi32>,
      %get3A_316 = arith.constant 1 : i32
      %get3A_317 = arith.index_cast %get3A_316 : i32 to index
      %get3A_318 = arith.index_cast %mul3A_307 : i32 to index
      %get3A_319 = tpu.vector_load %arg10[%get3A_317, %get3A_318] {strides = array<i32>} : memref<4x128xi32, #tpu.memory_space<vmem>>, vector<16xi32>,
      %shift_right_logical3A_320 = arith.constant 7 : i32
      %shift_right_logical3A_321 = vector.broadcast %shift_right_logical3A_320 : i32 to vector<16xi32>
      %shift_right_logical3A_322 = arith.shrui %get3A_319, %shift_right_logical3A_321 : vector<16xi32>
      %swap3A_323 = arith.constant 1 : i32
      %swap3A_324 = arith.index_cast %swap3A_323 : i32 to index
      %swap3A_325 = arith.index_cast %mul3A_307 : i32 to index
      %swap3A_326 = tpu.vector_load %arg12[%swap3A_324, %swap3A_325] {strides = array<i32>} : memref<4x128xi32, #tpu.memory_space<vmem>>, vector<16xi32>,
      tpu.vector_store %arg12[%swap3A_324, %swap3A_325], %shift_right_logical3A_322 {strides = array<i32>} : memref<4x128xi32, #tpu.memory_space<vmem>>, vector<16xi32>,
      %scan3A_327 = arith.constant 0 : i32
      scf.yield %scan3A_327 : i32
    }
    %scan3A_38 = arith.constant 8 : i32
    %scan3A_39 = arith.constant 0 : i32
    %scan3A_40 = arith.constant 0 : i32
    %scan3A_41 = arith.constant 8 : i32
    %scan3A_42 = arith.addi %scan3A_40, %scan3A_41 : i32
    %scan3A_43 = arith.constant 1 : i32
    %scan3A_44 = scf.for %scan3A_304 = %scan3A_40 to %scan3A_42 step %scan3A_43 iter_args(%scan3A_305 = %scan3A_39) -> (i32)  : i32 {
      %mul3A_306 = arith.constant 16 : i32
      %mul3A_307 = arith.muli %scan3A_304, %mul3A_306 : i32
      %get3A = arith.constant 2 : i32
      %get3A_308 = arith.index_cast %get3A : i32 to index
      %get3A_309 = arith.index_cast %mul3A_307 : i32 to index
      %get3A_310 = tpu.vector_load %arg9[%get3A_308, %get3A_309] {strides = array<i32>} : memref<4x128xi32, #tpu.memory_space<vmem>>, vector<16xi32>,
      %shift_right_logical3A = arith.constant 7 : i32
      %shift_right_logical3A_311 = vector.broadcast %shift_right_logical3A : i32 to vector<16xi32>
      %shift_right_logical3A_312 = arith.shrui %get3A_310, %shift_right_logical3A_311 : vector<16xi32>
      %swap3A = arith.constant 2 : i32
      %swap3A_313 = arith.index_cast %swap3A : i32 to index
      %swap3A_314 = arith.index_cast %mul3A_307 : i32 to index
      %swap3A_315 = tpu.vector_load %arg11[%swap3A_313, %swap3A_314] {strides = array<i32>} : memref<4x128xi32, #tpu.memory_space<vmem>>, vector<16xi32>,
      tpu.vector_store %arg11[%swap3A_313, %swap3A_314], %shift_right_logical3A_312 {strides = array<i32>} : memref<4x128xi32, #tpu.memory_space<vmem>>, vector<16xi32>,
      %get3A_316 = arith.constant 2 : i32
      %get3A_317 = arith.index_cast %get3A_316 : i32 to index
      %get3A_318 = arith.index_cast %mul3A_307 : i32 to index
      %get3A_319 = tpu.vector_load %arg10[%get3A_317, %get3A_318] {strides = array<i32>} : memref<4x128xi32, #tpu.memory_space<vmem>>, vector<16xi32>,
      %shift_right_logical3A_320 = arith.constant 7 : i32
      %shift_right_logical3A_321 = vector.broadcast %shift_right_logical3A_320 : i32 to vector<16xi32>
      %shift_right_logical3A_322 = arith.shrui %get3A_319, %shift_right_logical3A_321 : vector<16xi32>
      %swap3A_323 = arith.constant 2 : i32
      %swap3A_324 = arith.index_cast %swap3A_323 : i32 to index
      %swap3A_325 = arith.index_cast %mul3A_307 : i32 to index
      %swap3A_326 = tpu.vector_load %arg12[%swap3A_324, %swap3A_325] {strides = array<i32>} : memref<4x128xi32, #tpu.memory_space<vmem>>, vector<16xi32>,
      tpu.vector_store %arg12[%swap3A_324, %swap3A_325], %shift_right_logical3A_322 {strides = array<i32>} : memref<4x128xi32, #tpu.memory_space<vmem>>, vector<16xi32>,
      %scan3A_327 = arith.constant 0 : i32
      scf.yield %scan3A_327 : i32
    }
    %scan3A_45 = arith.constant 8 : i32
    %scan3A_46 = arith.constant 0 : i32
    %scan3A_47 = arith.constant 0 : i32
    %scan3A_48 = arith.constant 8 : i32
    %scan3A_49 = arith.addi %scan3A_47, %scan3A_48 : i32
    %scan3A_50 = arith.constant 1 : i32
    %scan3A_51 = scf.for %scan3A_304 = %scan3A_47 to %scan3A_49 step %scan3A_50 iter_args(%scan3A_305 = %scan3A_46) -> (i32)  : i32 {
      %mul3A_306 = arith.constant 16 : i32
      %mul3A_307 = arith.muli %scan3A_304, %mul3A_306 : i32
      %get3A = arith.constant 3 : i32
      %get3A_308 = arith.index_cast %get3A : i32 to index
      %get3A_309 = arith.index_cast %mul3A_307 : i32 to index
      %get3A_310 = tpu.vector_load %arg9[%get3A_308, %get3A_309] {strides = array<i32>} : memref<4x128xi32, #tpu.memory_space<vmem>>, vector<16xi32>,
      %shift_right_logical3A = arith.constant 7 : i32
      %shift_right_logical3A_311 = vector.broadcast %shift_right_logical3A : i32 to vector<16xi32>
      %shift_right_logical3A_312 = arith.shrui %get3A_310, %shift_right_logical3A_311 : vector<16xi32>
      %swap3A = arith.constant 3 : i32
      %swap3A_313 = arith.index_cast %swap3A : i32 to index
      %swap3A_314 = arith.index_cast %mul3A_307 : i32 to index
      %swap3A_315 = tpu.vector_load %arg11[%swap3A_313, %swap3A_314] {strides = array<i32>} : memref<4x128xi32, #tpu.memory_space<vmem>>, vector<16xi32>,
      tpu.vector_store %arg11[%swap3A_313, %swap3A_314], %shift_right_logical3A_312 {strides = array<i32>} : memref<4x128xi32, #tpu.memory_space<vmem>>, vector<16xi32>,
      %get3A_316 = arith.constant 3 : i32
      %get3A_317 = arith.index_cast %get3A_316 : i32 to index
      %get3A_318 = arith.index_cast %mul3A_307 : i32 to index
      %get3A_319 = tpu.vector_load %arg10[%get3A_317, %get3A_318] {strides = array<i32>} : memref<4x128xi32, #tpu.memory_space<vmem>>, vector<16xi32>,
      %shift_right_logical3A_320 = arith.constant 7 : i32
      %shift_right_logical3A_321 = vector.broadcast %shift_right_logical3A_320 : i32 to vector<16xi32>
      %shift_right_logical3A_322 = arith.shrui %get3A_319, %shift_right_logical3A_321 : vector<16xi32>
      %swap3A_323 = arith.constant 3 : i32
      %swap3A_324 = arith.index_cast %swap3A_323 : i32 to index
      %swap3A_325 = arith.index_cast %mul3A_307 : i32 to index
      %swap3A_326 = tpu.vector_load %arg12[%swap3A_324, %swap3A_325] {strides = array<i32>} : memref<4x128xi32, #tpu.memory_space<vmem>>, vector<16xi32>,
      tpu.vector_store %arg12[%swap3A_324, %swap3A_325], %shift_right_logical3A_322 {strides = array<i32>} : memref<4x128xi32, #tpu.memory_space<vmem>>, vector<16xi32>,
      %scan3A_327 = arith.constant 0 : i32
      scf.yield %scan3A_327 : i32
    }
    %scan3A_52 = arith.constant 8 : i32
    %iota3A = tpu.iota {dimensions = array<i32: 0>} : vector<16xi32>
    %broadcast_in_dim3A = arith.constant 127 : i32
    %broadcast_in_dim3A_53 = vector.broadcast %broadcast_in_dim3A : i32 to vector<16xi32>
    %dma_start3A = arith.constant 0 : i32
    %dma_start3A_54 = arith.constant 0 : i32
    %dma_start3A_55 = tpu.memref_slice %arg9[%dma_start3A, %dma_start3A_54] : memref<4x128xi32, #tpu.memory_space<vmem>> -> memref<1x128xi32, #tpu.memory_space<vmem>>
    %dma_start3A_56 = tpu.memref_squeeze %dma_start3A_55 : memref<1x128xi32, #tpu.memory_space<vmem>> -> memref<128xi32, #tpu.memory_space<vmem>>
    %dma_start3A_57 = arith.constant 0 : i32
    %dma_start3A_58 = arith.constant 0 : i32
    %dma_start3A_59 = tpu.memref_slice %arg4[%dma_start3A_57, %dma_start3A_58] : memref<1000000x32xf32, #tpu.memory_space<hbm>> -> memref<1000000x32xf32, #tpu.memory_space<hbm>>
    tpu.enqueue_indirect_dma source(%dma_start3A_59 : memref<1000000x32xf32, #tpu.memory_space<hbm>>) target(%arg13 : memref<128x32xf32, #tpu.memory_space<vmem>>) offsets(%dma_start3A_56 : memref<128xi32, #tpu.memory_space<vmem>>) semaphore(%arg18 : memref<!tpu.dma_semaphore, #tpu.memory_space<semaphore_mem>>)
    %dma_start3A_60 = arith.constant 0 : i32
    %dma_start3A_61 = arith.constant 0 : i32
    %dma_start3A_62 = tpu.memref_slice %arg10[%dma_start3A_60, %dma_start3A_61] : memref<4x128xi32, #tpu.memory_space<vmem>> -> memref<1x128xi32, #tpu.memory_space<vmem>>
    %dma_start3A_63 = tpu.memref_squeeze %dma_start3A_62 : memref<1x128xi32, #tpu.memory_space<vmem>> -> memref<128xi32, #tpu.memory_space<vmem>>
    %dma_start3A_64 = arith.constant 0 : i32
    %dma_start3A_65 = arith.constant 0 : i32
    %dma_start3A_66 = tpu.memref_slice %arg5[%dma_start3A_64, %dma_start3A_65] : memref<1000000x32xf32, #tpu.memory_space<hbm>> -> memref<1000000x32xf32, #tpu.memory_space<hbm>>
    tpu.enqueue_indirect_dma source(%dma_start3A_66 : memref<1000000x32xf32, #tpu.memory_space<hbm>>) target(%arg14 : memref<128x32xf32, #tpu.memory_space<vmem>>) offsets(%dma_start3A_63 : memref<128xi32, #tpu.memory_space<vmem>>) semaphore(%arg18 : memref<!tpu.dma_semaphore, #tpu.memory_space<semaphore_mem>>)
    %dma_start3A_67 = arith.constant 0 : i32
    %dma_start3A_68 = arith.constant 0 : i32
    %dma_start3A_69 = tpu.memref_slice %arg11[%dma_start3A_67, %dma_start3A_68] : memref<4x128xi32, #tpu.memory_space<vmem>> -> memref<1x128xi32, #tpu.memory_space<vmem>>
    %dma_start3A_70 = tpu.memref_squeeze %dma_start3A_69 : memref<1x128xi32, #tpu.memory_space<vmem>> -> memref<128xi32, #tpu.memory_space<vmem>>
    %dma_start3A_71 = arith.constant 0 : i32
    %dma_start3A_72 = arith.constant 0 : i32
    %dma_start3A_73 = tpu.memref_slice %arg6[%dma_start3A_71, %dma_start3A_72] : memref<8192x128xf32, #tpu.memory_space<hbm>> -> memref<8192x128xf32, #tpu.memory_space<hbm>>
    tpu.enqueue_indirect_dma source(%dma_start3A_73 : memref<8192x128xf32, #tpu.memory_space<hbm>>) target(%arg15 : memref<128x128xf32, #tpu.memory_space<vmem>>) offsets(%dma_start3A_70 : memref<128xi32, #tpu.memory_space<vmem>>) semaphore(%arg18 : memref<!tpu.dma_semaphore, #tpu.memory_space<semaphore_mem>>)
    %dma_start3A_74 = arith.constant 0 : i32
    %dma_start3A_75 = arith.constant 0 : i32
    %dma_start3A_76 = tpu.memref_slice %arg12[%dma_start3A_74, %dma_start3A_75] : memref<4x128xi32, #tpu.memory_space<vmem>> -> memref<1x128xi32, #tpu.memory_space<vmem>>
    %dma_start3A_77 = tpu.memref_squeeze %dma_start3A_76 : memref<1x128xi32, #tpu.memory_space<vmem>> -> memref<128xi32, #tpu.memory_space<vmem>>
    %dma_start3A_78 = arith.constant 0 : i32
    %dma_start3A_79 = arith.constant 0 : i32
    %dma_start3A_80 = tpu.memref_slice %arg7[%dma_start3A_78, %dma_start3A_79] : memref<8192x128xf32, #tpu.memory_space<hbm>> -> memref<8192x128xf32, #tpu.memory_space<hbm>>
    tpu.enqueue_indirect_dma source(%dma_start3A_80 : memref<8192x128xf32, #tpu.memory_space<hbm>>) target(%arg16 : memref<128x128xf32, #tpu.memory_space<vmem>>) offsets(%dma_start3A_77 : memref<128xi32, #tpu.memory_space<vmem>>) semaphore(%arg18 : memref<!tpu.dma_semaphore, #tpu.memory_space<semaphore_mem>>)
    %dma_wait3A = arith.constant 0 : i32
    %dma_wait3A_81 = arith.constant 0 : i32
    %dma_wait3A_82 = tpu.memref_slice %arg9[%dma_wait3A, %dma_wait3A_81] : memref<4x128xi32, #tpu.memory_space<vmem>> -> memref<1x128xi32, #tpu.memory_space<vmem>>
    %dma_wait3A_83 = tpu.memref_squeeze %dma_wait3A_82 : memref<1x128xi32, #tpu.memory_space<vmem>> -> memref<128xi32, #tpu.memory_space<vmem>>
    %dma_wait3A_84 = arith.constant 0 : i32
    %dma_wait3A_85 = arith.constant 0 : i32
    %dma_wait3A_86 = tpu.memref_slice %arg4[%dma_wait3A_84, %dma_wait3A_85] : memref<1000000x32xf32, #tpu.memory_space<hbm>> -> memref<1000000x32xf32, #tpu.memory_space<hbm>>
    tpu.wait_indirect_dma semaphore(%arg18 : memref<!tpu.dma_semaphore, #tpu.memory_space<semaphore_mem>>) src(%dma_wait3A_86 : memref<1000000x32xf32, #tpu.memory_space<hbm>>) dst(%arg13 : memref<128x32xf32, #tpu.memory_space<vmem>>)
    %dma_wait3A_87 = arith.constant 0 : i32
    %dma_wait3A_88 = arith.constant 0 : i32
    %dma_wait3A_89 = tpu.memref_slice %arg10[%dma_wait3A_87, %dma_wait3A_88] : memref<4x128xi32, #tpu.memory_space<vmem>> -> memref<1x128xi32, #tpu.memory_space<vmem>>
    %dma_wait3A_90 = tpu.memref_squeeze %dma_wait3A_89 : memref<1x128xi32, #tpu.memory_space<vmem>> -> memref<128xi32, #tpu.memory_space<vmem>>
    %dma_wait3A_91 = arith.constant 0 : i32
    %dma_wait3A_92 = arith.constant 0 : i32
    %dma_wait3A_93 = tpu.memref_slice %arg5[%dma_wait3A_91, %dma_wait3A_92] : memref<1000000x32xf32, #tpu.memory_space<hbm>> -> memref<1000000x32xf32, #tpu.memory_space<hbm>>
    tpu.wait_indirect_dma semaphore(%arg18 : memref<!tpu.dma_semaphore, #tpu.memory_space<semaphore_mem>>) src(%dma_wait3A_93 : memref<1000000x32xf32, #tpu.memory_space<hbm>>) dst(%arg14 : memref<128x32xf32, #tpu.memory_space<vmem>>)
    %dma_wait3A_94 = arith.constant 0 : i32
    %dma_wait3A_95 = arith.constant 0 : i32
    %dma_wait3A_96 = tpu.memref_slice %arg11[%dma_wait3A_94, %dma_wait3A_95] : memref<4x128xi32, #tpu.memory_space<vmem>> -> memref<1x128xi32, #tpu.memory_space<vmem>>
    %dma_wait3A_97 = tpu.memref_squeeze %dma_wait3A_96 : memref<1x128xi32, #tpu.memory_space<vmem>> -> memref<128xi32, #tpu.memory_space<vmem>>
    %dma_wait3A_98 = arith.constant 0 : i32
    %dma_wait3A_99 = arith.constant 0 : i32
    %dma_wait3A_100 = tpu.memref_slice %arg6[%dma_wait3A_98, %dma_wait3A_99] : memref<8192x128xf32, #tpu.memory_space<hbm>> -> memref<8192x128xf32, #tpu.memory_space<hbm>>
    tpu.wait_indirect_dma semaphore(%arg18 : memref<!tpu.dma_semaphore, #tpu.memory_space<semaphore_mem>>) src(%dma_wait3A_100 : memref<8192x128xf32, #tpu.memory_space<hbm>>) dst(%arg15 : memref<128x128xf32, #tpu.memory_space<vmem>>)
    %dma_wait3A_101 = arith.constant 0 : i32
    %dma_wait3A_102 = arith.constant 0 : i32
    %dma_wait3A_103 = tpu.memref_slice %arg12[%dma_wait3A_101, %dma_wait3A_102] : memref<4x128xi32, #tpu.memory_space<vmem>> -> memref<1x128xi32, #tpu.memory_space<vmem>>
    %dma_wait3A_104 = tpu.memref_squeeze %dma_wait3A_103 : memref<1x128xi32, #tpu.memory_space<vmem>> -> memref<128xi32, #tpu.memory_space<vmem>>
    %dma_wait3A_105 = arith.constant 0 : i32
    %dma_wait3A_106 = arith.constant 0 : i32
    %dma_wait3A_107 = tpu.memref_slice %arg7[%dma_wait3A_105, %dma_wait3A_106] : memref<8192x128xf32, #tpu.memory_space<hbm>> -> memref<8192x128xf32, #tpu.memory_space<hbm>>
    tpu.wait_indirect_dma semaphore(%arg18 : memref<!tpu.dma_semaphore, #tpu.memory_space<semaphore_mem>>) src(%dma_wait3A_107 : memref<8192x128xf32, #tpu.memory_space<hbm>>) dst(%arg16 : memref<128x128xf32, #tpu.memory_space<vmem>>)
    %scan3A_108 = arith.constant 0 : i32
    %scan3A_109 = arith.constant 0 : i32
    %scan3A_110 = arith.constant 8 : i32
    %scan3A_111 = arith.addi %scan3A_109, %scan3A_110 : i32
    %scan3A_112 = arith.constant 1 : i32
    %scan3A_113 = scf.for %scan3A_304 = %scan3A_109 to %scan3A_111 step %scan3A_112 iter_args(%scan3A_305 = %scan3A_108) -> (i32)  : i32 {
      %mul3A_306 = arith.constant 16 : i32
      %mul3A_307 = arith.muli %scan3A_304, %mul3A_306 : i32
      %broadcast_in_dim3A_308 = arith.constant 0.000000e+00 : f32
      %broadcast_in_dim3A_309 = vector.broadcast %broadcast_in_dim3A_308 : f32 to vector<16xf32>
      %mul3A_310 = arith.constant 16 : i32
      %mul3A_311 = arith.muli %scan3A_304, %mul3A_310 : i32
      %add3A_312 = arith.constant 0 : i32
      %add3A_313 = arith.addi %mul3A_311, %add3A_312 : i32
      %get3A = arith.index_cast %add3A_313 : i32 to index
      %get3A_314 = arith.constant 0 : index
      %get3A_315 = tpu.vector_load %arg13[%get3A, %get3A_314] {strides = array<i32>} : memref<128x32xf32, #tpu.memory_space<vmem>>, vector<16xf32>,
      %get3A_316 = arith.index_cast %add3A_313 : i32 to index
      %get3A_317 = arith.constant 0 : index
      %get3A_318 = tpu.vector_load %arg14[%get3A_316, %get3A_317] {strides = array<i32>} : memref<128x32xf32, #tpu.memory_space<vmem>>, vector<16xf32>,
      %mul3A_319 = arith.mulf %get3A_315, %get3A_318 : vector<16xf32>
      %get3A_320 = arith.index_cast %add3A_313 : i32 to index
      %get3A_321 = arith.constant 16 : index
      %get3A_322 = tpu.vector_load %arg13[%get3A_320, %get3A_321] {strides = array<i32>} : memref<128x32xf32, #tpu.memory_space<vmem>>, vector<16xf32>,
      %get3A_323 = arith.index_cast %add3A_313 : i32 to index
      %get3A_324 = arith.constant 16 : index
      %get3A_325 = tpu.vector_load %arg14[%get3A_323, %get3A_324] {strides = array<i32>} : memref<128x32xf32, #tpu.memory_space<vmem>>, vector<16xf32>,
      %mul3A_326 = arith.mulf %get3A_322, %get3A_325 : vector<16xf32>
      %add3A_327 = arith.addf %mul3A_319, %mul3A_326 : vector<16xf32>
      %eq3A = arith.constant 0 : i32
      %eq3A_328 = vector.broadcast %eq3A : i32 to vector<16xi32>
      %eq3A_329 = arith.cmpi eq, %iota3A, %eq3A_328 : vector<16xi32>
      %reduce_sum3A = arith.constant true
      %reduce_sum3A_330 = vector.broadcast %reduce_sum3A : i1 to vector<16xi1>
      %reduce_sum3A_331 = tpu.scan <sum>, %add3A_327 masked %reduce_sum3A_330 : vector<16xf32>, vector<16xi1> -> vector<16xf32>
      %reduce_sum3A_332 = vector.extract %reduce_sum3A_331[15] : f32 from vector<16xf32>
      %broadcast_in_dim3A_333 = vector.broadcast %reduce_sum3A_332 : f32 to vector<16xf32>
      %select_n3A = arith.select %eq3A_329, %broadcast_in_dim3A_333, %broadcast_in_dim3A_309 : vector<16xi1>, vector<16xf32>
      %mul3A_334 = arith.constant 16 : i32
      %mul3A_335 = arith.muli %scan3A_304, %mul3A_334 : i32
      %add3A_336 = arith.constant 1 : i32
      %add3A_337 = arith.addi %mul3A_335, %add3A_336 : i32
      %get3A_338 = arith.index_cast %add3A_337 : i32 to index
      %get3A_339 = arith.constant 0 : index
      %get3A_340 = tpu.vector_load %arg13[%get3A_338, %get3A_339] {strides = array<i32>} : memref<128x32xf32, #tpu.memory_space<vmem>>, vector<16xf32>,
      %get3A_341 = arith.index_cast %add3A_337 : i32 to index
      %get3A_342 = arith.constant 0 : index
      %get3A_343 = tpu.vector_load %arg14[%get3A_341, %get3A_342] {strides = array<i32>} : memref<128x32xf32, #tpu.memory_space<vmem>>, vector<16xf32>,
      %mul3A_344 = arith.mulf %get3A_340, %get3A_343 : vector<16xf32>
      %get3A_345 = arith.index_cast %add3A_337 : i32 to index
      %get3A_346 = arith.constant 16 : index
      %get3A_347 = tpu.vector_load %arg13[%get3A_345, %get3A_346] {strides = array<i32>} : memref<128x32xf32, #tpu.memory_space<vmem>>, vector<16xf32>,
      %get3A_348 = arith.index_cast %add3A_337 : i32 to index
      %get3A_349 = arith.constant 16 : index
      %get3A_350 = tpu.vector_load %arg14[%get3A_348, %get3A_349] {strides = array<i32>} : memref<128x32xf32, #tpu.memory_space<vmem>>, vector<16xf32>,
      %mul3A_351 = arith.mulf %get3A_347, %get3A_350 : vector<16xf32>
      %add3A_352 = arith.addf %mul3A_344, %mul3A_351 : vector<16xf32>
      %eq3A_353 = arith.constant 1 : i32
      %eq3A_354 = vector.broadcast %eq3A_353 : i32 to vector<16xi32>
      %eq3A_355 = arith.cmpi eq, %iota3A, %eq3A_354 : vector<16xi32>
      %reduce_sum3A_356 = arith.constant true
      %reduce_sum3A_357 = vector.broadcast %reduce_sum3A_356 : i1 to vector<16xi1>
      %reduce_sum3A_358 = tpu.scan <sum>, %add3A_352 masked %reduce_sum3A_357 : vector<16xf32>, vector<16xi1> -> vector<16xf32>
      %reduce_sum3A_359 = vector.extract %reduce_sum3A_358[15] : f32 from vector<16xf32>
      %broadcast_in_dim3A_360 = vector.broadcast %reduce_sum3A_359 : f32 to vector<16xf32>
      %select_n3A_361 = arith.select %eq3A_355, %broadcast_in_dim3A_360, %select_n3A : vector<16xi1>, vector<16xf32>
      %mul3A_362 = arith.constant 16 : i32
      %mul3A_363 = arith.muli %scan3A_304, %mul3A_362 : i32
      %add3A_364 = arith.constant 2 : i32
      %add3A_365 = arith.addi %mul3A_363, %add3A_364 : i32
      %get3A_366 = arith.index_cast %add3A_365 : i32 to index
      %get3A_367 = arith.constant 0 : index
      %get3A_368 = tpu.vector_load %arg13[%get3A_366, %get3A_367] {strides = array<i32>} : memref<128x32xf32, #tpu.memory_space<vmem>>, vector<16xf32>,
      %get3A_369 = arith.index_cast %add3A_365 : i32 to index
      %get3A_370 = arith.constant 0 : index
      %get3A_371 = tpu.vector_load %arg14[%get3A_369, %get3A_370] {strides = array<i32>} : memref<128x32xf32, #tpu.memory_space<vmem>>, vector<16xf32>,
      %mul3A_372 = arith.mulf %get3A_368, %get3A_371 : vector<16xf32>
      %get3A_373 = arith.index_cast %add3A_365 : i32 to index
      %get3A_374 = arith.constant 16 : index
      %get3A_375 = tpu.vector_load %arg13[%get3A_373, %get3A_374] {strides = array<i32>} : memref<128x32xf32, #tpu.memory_space<vmem>>, vector<16xf32>,
      %get3A_376 = arith.index_cast %add3A_365 : i32 to index
      %get3A_377 = arith.constant 16 : index
      %get3A_378 = tpu.vector_load %arg14[%get3A_376, %get3A_377] {strides = array<i32>} : memref<128x32xf32, #tpu.memory_space<vmem>>, vector<16xf32>,
      %mul3A_379 = arith.mulf %get3A_375, %get3A_378 : vector<16xf32>
      %add3A_380 = arith.addf %mul3A_372, %mul3A_379 : vector<16xf32>
      %eq3A_381 = arith.constant 2 : i32
      %eq3A_382 = vector.broadcast %eq3A_381 : i32 to vector<16xi32>
      %eq3A_383 = arith.cmpi eq, %iota3A, %eq3A_382 : vector<16xi32>
      %reduce_sum3A_384 = arith.constant true
      %reduce_sum3A_385 = vector.broadcast %reduce_sum3A_384 : i1 to vector<16xi1>
      %reduce_sum3A_386 = tpu.scan <sum>, %add3A_380 masked %reduce_sum3A_385 : vector<16xf32>, vector<16xi1> -> vector<16xf32>
      %reduce_sum3A_387 = vector.extract %reduce_sum3A_386[15] : f32 from vector<16xf32>
      %broadcast_in_dim3A_388 = vector.broadcast %reduce_sum3A_387 : f32 to vector<16xf32>
      %select_n3A_389 = arith.select %eq3A_383, %broadcast_in_dim3A_388, %select_n3A_361 : vector<16xi1>, vector<16xf32>
      %mul3A_390 = arith.constant 16 : i32
      %mul3A_391 = arith.muli %scan3A_304, %mul3A_390 : i32
      %add3A_392 = arith.constant 3 : i32
      %add3A_393 = arith.addi %mul3A_391, %add3A_392 : i32
      %get3A_394 = arith.index_cast %add3A_393 : i32 to index
      %get3A_395 = arith.constant 0 : index
      %get3A_396 = tpu.vector_load %arg13[%get3A_394, %get3A_395] {strides = array<i32>} : memref<128x32xf32, #tpu.memory_space<vmem>>, vector<16xf32>,
      %get3A_397 = arith.index_cast %add3A_393 : i32 to index
      %get3A_398 = arith.constant 0 : index
      %get3A_399 = tpu.vector_load %arg14[%get3A_397, %get3A_398] {strides = array<i32>} : memref<128x32xf32, #tpu.memory_space<vmem>>, vector<16xf32>,
      %mul3A_400 = arith.mulf %get3A_396, %get3A_399 : vector<16xf32>
      %get3A_401 = arith.index_cast %add3A_393 : i32 to index
      %get3A_402 = arith.constant 16 : index
      %get3A_403 = tpu.vector_load %arg13[%get3A_401, %get3A_402] {strides = array<i32>} : memref<128x32xf32, #tpu.memory_space<vmem>>, vector<16xf32>,
      %get3A_404 = arith.index_cast %add3A_393 : i32 to index
      %get3A_405 = arith.constant 16 : index
      %get3A_406 = tpu.vector_load %arg14[%get3A_404, %get3A_405] {strides = array<i32>} : memref<128x32xf32, #tpu.memory_space<vmem>>, vector<16xf32>,
      %mul3A_407 = arith.mulf %get3A_403, %get3A_406 : vector<16xf32>
      %add3A_408 = arith.addf %mul3A_400, %mul3A_407 : vector<16xf32>
      %eq3A_409 = arith.constant 3 : i32
      %eq3A_410 = vector.broadcast %eq3A_409 : i32 to vector<16xi32>
      %eq3A_411 = arith.cmpi eq, %iota3A, %eq3A_410 : vector<16xi32>
      %reduce_sum3A_412 = arith.constant true
      %reduce_sum3A_413 = vector.broadcast %reduce_sum3A_412 : i1 to vector<16xi1>
      %reduce_sum3A_414 = tpu.scan <sum>, %add3A_408 masked %reduce_sum3A_413 : vector<16xf32>, vector<16xi1> -> vector<16xf32>
      %reduce_sum3A_415 = vector.extract %reduce_sum3A_414[15] : f32 from vector<16xf32>
      %broadcast_in_dim3A_416 = vector.broadcast %reduce_sum3A_415 : f32 to vector<16xf32>
      %select_n3A_417 = arith.select %eq3A_411, %broadcast_in_dim3A_416, %select_n3A_389 : vector<16xi1>, vector<16xf32>
      %mul3A_418 = arith.constant 16 : i32
      %mul3A_419 = arith.muli %scan3A_304, %mul3A_418 : i32
      %add3A_420 = arith.constant 4 : i32
      %add3A_421 = arith.addi %mul3A_419, %add3A_420 : i32
      %get3A_422 = arith.index_cast %add3A_421 : i32 to index
      %get3A_423 = arith.constant 0 : index
      %get3A_424 = tpu.vector_load %arg13[%get3A_422, %get3A_423] {strides = array<i32>} : memref<128x32xf32, #tpu.memory_space<vmem>>, vector<16xf32>,
      %get3A_425 = arith.index_cast %add3A_421 : i32 to index
      %get3A_426 = arith.constant 0 : index
      %get3A_427 = tpu.vector_load %arg14[%get3A_425, %get3A_426] {strides = array<i32>} : memref<128x32xf32, #tpu.memory_space<vmem>>, vector<16xf32>,
      %mul3A_428 = arith.mulf %get3A_424, %get3A_427 : vector<16xf32>
      %get3A_429 = arith.index_cast %add3A_421 : i32 to index
      %get3A_430 = arith.constant 16 : index
      %get3A_431 = tpu.vector_load %arg13[%get3A_429, %get3A_430] {strides = array<i32>} : memref<128x32xf32, #tpu.memory_space<vmem>>, vector<16xf32>,
      %get3A_432 = arith.index_cast %add3A_421 : i32 to index
      %get3A_433 = arith.constant 16 : index
      %get3A_434 = tpu.vector_load %arg14[%get3A_432, %get3A_433] {strides = array<i32>} : memref<128x32xf32, #tpu.memory_space<vmem>>, vector<16xf32>,
      %mul3A_435 = arith.mulf %get3A_431, %get3A_434 : vector<16xf32>
      %add3A_436 = arith.addf %mul3A_428, %mul3A_435 : vector<16xf32>
      %eq3A_437 = arith.constant 4 : i32
      %eq3A_438 = vector.broadcast %eq3A_437 : i32 to vector<16xi32>
      %eq3A_439 = arith.cmpi eq, %iota3A, %eq3A_438 : vector<16xi32>
      %reduce_sum3A_440 = arith.constant true
      %reduce_sum3A_441 = vector.broadcast %reduce_sum3A_440 : i1 to vector<16xi1>
      %reduce_sum3A_442 = tpu.scan <sum>, %add3A_436 masked %reduce_sum3A_441 : vector<16xf32>, vector<16xi1> -> vector<16xf32>
      %reduce_sum3A_443 = vector.extract %reduce_sum3A_442[15] : f32 from vector<16xf32>
      %broadcast_in_dim3A_444 = vector.broadcast %reduce_sum3A_443 : f32 to vector<16xf32>
      %select_n3A_445 = arith.select %eq3A_439, %broadcast_in_dim3A_444, %select_n3A_417 : vector<16xi1>, vector<16xf32>
      %mul3A_446 = arith.constant 16 : i32
      %mul3A_447 = arith.muli %scan3A_304, %mul3A_446 : i32
      %add3A_448 = arith.constant 5 : i32
      %add3A_449 = arith.addi %mul3A_447, %add3A_448 : i32
      %get3A_450 = arith.index_cast %add3A_449 : i32 to index
      %get3A_451 = arith.constant 0 : index
      %get3A_452 = tpu.vector_load %arg13[%get3A_450, %get3A_451] {strides = array<i32>} : memref<128x32xf32, #tpu.memory_space<vmem>>, vector<16xf32>,
      %get3A_453 = arith.index_cast %add3A_449 : i32 to index
      %get3A_454 = arith.constant 0 : index
      %get3A_455 = tpu.vector_load %arg14[%get3A_453, %get3A_454] {strides = array<i32>} : memref<128x32xf32, #tpu.memory_space<vmem>>, vector<16xf32>,
      %mul3A_456 = arith.mulf %get3A_452, %get3A_455 : vector<16xf32>
      %get3A_457 = arith.index_cast %add3A_449 : i32 to index
      %get3A_458 = arith.constant 16 : index
      %get3A_459 = tpu.vector_load %arg13[%get3A_457, %get3A_458] {strides = array<i32>} : memref<128x32xf32, #tpu.memory_space<vmem>>, vector<16xf32>,
      %get3A_460 = arith.index_cast %add3A_449 : i32 to index
      %get3A_461 = arith.constant 16 : index
      %get3A_462 = tpu.vector_load %arg14[%get3A_460, %get3A_461] {strides = array<i32>} : memref<128x32xf32, #tpu.memory_space<vmem>>, vector<16xf32>,
      %mul3A_463 = arith.mulf %get3A_459, %get3A_462 : vector<16xf32>
      %add3A_464 = arith.addf %mul3A_456, %mul3A_463 : vector<16xf32>
      %eq3A_465 = arith.constant 5 : i32
      %eq3A_466 = vector.broadcast %eq3A_465 : i32 to vector<16xi32>
      %eq3A_467 = arith.cmpi eq, %iota3A, %eq3A_466 : vector<16xi32>
      %reduce_sum3A_468 = arith.constant true
      %reduce_sum3A_469 = vector.broadcast %reduce_sum3A_468 : i1 to vector<16xi1>
      %reduce_sum3A_470 = tpu.scan <sum>, %add3A_464 masked %reduce_sum3A_469 : vector<16xf32>, vector<16xi1> -> vector<16xf32>
      %reduce_sum3A_471 = vector.extract %reduce_sum3A_470[15] : f32 from vector<16xf32>
      %broadcast_in_dim3A_472 = vector.broadcast %reduce_sum3A_471 : f32 to vector<16xf32>
      %select_n3A_473 = arith.select %eq3A_467, %broadcast_in_dim3A_472, %select_n3A_445 : vector<16xi1>, vector<16xf32>
      %mul3A_474 = arith.constant 16 : i32
      %mul3A_475 = arith.muli %scan3A_304, %mul3A_474 : i32
      %add3A_476 = arith.constant 6 : i32
      %add3A_477 = arith.addi %mul3A_475, %add3A_476 : i32
      %get3A_478 = arith.index_cast %add3A_477 : i32 to index
      %get3A_479 = arith.constant 0 : index
      %get3A_480 = tpu.vector_load %arg13[%get3A_478, %get3A_479] {strides = array<i32>} : memref<128x32xf32, #tpu.memory_space<vmem>>, vector<16xf32>,
      %get3A_481 = arith.index_cast %add3A_477 : i32 to index
      %get3A_482 = arith.constant 0 : index
      %get3A_483 = tpu.vector_load %arg14[%get3A_481, %get3A_482] {strides = array<i32>} : memref<128x32xf32, #tpu.memory_space<vmem>>, vector<16xf32>,
      %mul3A_484 = arith.mulf %get3A_480, %get3A_483 : vector<16xf32>
      %get3A_485 = arith.index_cast %add3A_477 : i32 to index
      %get3A_486 = arith.constant 16 : index
      %get3A_487 = tpu.vector_load %arg13[%get3A_485, %get3A_486] {strides = array<i32>} : memref<128x32xf32, #tpu.memory_space<vmem>>, vector<16xf32>,
      %get3A_488 = arith.index_cast %add3A_477 : i32 to index
      %get3A_489 = arith.constant 16 : index
      %get3A_490 = tpu.vector_load %arg14[%get3A_488, %get3A_489] {strides = array<i32>} : memref<128x32xf32, #tpu.memory_space<vmem>>, vector<16xf32>,
      %mul3A_491 = arith.mulf %get3A_487, %get3A_490 : vector<16xf32>
      %add3A_492 = arith.addf %mul3A_484, %mul3A_491 : vector<16xf32>
      %eq3A_493 = arith.constant 6 : i32
      %eq3A_494 = vector.broadcast %eq3A_493 : i32 to vector<16xi32>
      %eq3A_495 = arith.cmpi eq, %iota3A, %eq3A_494 : vector<16xi32>
      %reduce_sum3A_496 = arith.constant true
      %reduce_sum3A_497 = vector.broadcast %reduce_sum3A_496 : i1 to vector<16xi1>
      %reduce_sum3A_498 = tpu.scan <sum>, %add3A_492 masked %reduce_sum3A_497 : vector<16xf32>, vector<16xi1> -> vector<16xf32>
      %reduce_sum3A_499 = vector.extract %reduce_sum3A_498[15] : f32 from vector<16xf32>
      %broadcast_in_dim3A_500 = vector.broadcast %reduce_sum3A_499 : f32 to vector<16xf32>
      %select_n3A_501 = arith.select %eq3A_495, %broadcast_in_dim3A_500, %select_n3A_473 : vector<16xi1>, vector<16xf32>
      %mul3A_502 = arith.constant 16 : i32
      %mul3A_503 = arith.muli %scan3A_304, %mul3A_502 : i32
      %add3A_504 = arith.constant 7 : i32
      %add3A_505 = arith.addi %mul3A_503, %add3A_504 : i32
      %get3A_506 = arith.index_cast %add3A_505 : i32 to index
      %get3A_507 = arith.constant 0 : index
      %get3A_508 = tpu.vector_load %arg13[%get3A_506, %get3A_507] {strides = array<i32>} : memref<128x32xf32, #tpu.memory_space<vmem>>, vector<16xf32>,
      %get3A_509 = arith.index_cast %add3A_505 : i32 to index
      %get3A_510 = arith.constant 0 : index
      %get3A_511 = tpu.vector_load %arg14[%get3A_509, %get3A_510] {strides = array<i32>} : memref<128x32xf32, #tpu.memory_space<vmem>>, vector<16xf32>,
      %mul3A_512 = arith.mulf %get3A_508, %get3A_511 : vector<16xf32>
      %get3A_513 = arith.index_cast %add3A_505 : i32 to index
      %get3A_514 = arith.constant 16 : index
      %get3A_515 = tpu.vector_load %arg13[%get3A_513, %get3A_514] {strides = array<i32>} : memref<128x32xf32, #tpu.memory_space<vmem>>, vector<16xf32>,
      %get3A_516 = arith.index_cast %add3A_505 : i32 to index
      %get3A_517 = arith.constant 16 : index
      %get3A_518 = tpu.vector_load %arg14[%get3A_516, %get3A_517] {strides = array<i32>} : memref<128x32xf32, #tpu.memory_space<vmem>>, vector<16xf32>,
      %mul3A_519 = arith.mulf %get3A_515, %get3A_518 : vector<16xf32>
      %add3A_520 = arith.addf %mul3A_512, %mul3A_519 : vector<16xf32>
      %eq3A_521 = arith.constant 7 : i32
      %eq3A_522 = vector.broadcast %eq3A_521 : i32 to vector<16xi32>
      %eq3A_523 = arith.cmpi eq, %iota3A, %eq3A_522 : vector<16xi32>
      %reduce_sum3A_524 = arith.constant true
      %reduce_sum3A_525 = vector.broadcast %reduce_sum3A_524 : i1 to vector<16xi1>
      %reduce_sum3A_526 = tpu.scan <sum>, %add3A_520 masked %reduce_sum3A_525 : vector<16xf32>, vector<16xi1> -> vector<16xf32>
      %reduce_sum3A_527 = vector.extract %reduce_sum3A_526[15] : f32 from vector<16xf32>
      %broadcast_in_dim3A_528 = vector.broadcast %reduce_sum3A_527 : f32 to vector<16xf32>
      %select_n3A_529 = arith.select %eq3A_523, %broadcast_in_dim3A_528, %select_n3A_501 : vector<16xi1>, vector<16xf32>
      %mul3A_530 = arith.constant 16 : i32
      %mul3A_531 = arith.muli %scan3A_304, %mul3A_530 : i32
      %add3A_532 = arith.constant 8 : i32
      %add3A_533 = arith.addi %mul3A_531, %add3A_532 : i32
      %get3A_534 = arith.index_cast %add3A_533 : i32 to index
      %get3A_535 = arith.constant 0 : index
      %get3A_536 = tpu.vector_load %arg13[%get3A_534, %get3A_535] {strides = array<i32>} : memref<128x32xf32, #tpu.memory_space<vmem>>, vector<16xf32>,
      %get3A_537 = arith.index_cast %add3A_533 : i32 to index
      %get3A_538 = arith.constant 0 : index
      %get3A_539 = tpu.vector_load %arg14[%get3A_537, %get3A_538] {strides = array<i32>} : memref<128x32xf32, #tpu.memory_space<vmem>>, vector<16xf32>,
      %mul3A_540 = arith.mulf %get3A_536, %get3A_539 : vector<16xf32>
      %get3A_541 = arith.index_cast %add3A_533 : i32 to index
      %get3A_542 = arith.constant 16 : index
      %get3A_543 = tpu.vector_load %arg13[%get3A_541, %get3A_542] {strides = array<i32>} : memref<128x32xf32, #tpu.memory_space<vmem>>, vector<16xf32>,
      %get3A_544 = arith.index_cast %add3A_533 : i32 to index
      %get3A_545 = arith.constant 16 : index
      %get3A_546 = tpu.vector_load %arg14[%get3A_544, %get3A_545] {strides = array<i32>} : memref<128x32xf32, #tpu.memory_space<vmem>>, vector<16xf32>,
      %mul3A_547 = arith.mulf %get3A_543, %get3A_546 : vector<16xf32>
      %add3A_548 = arith.addf %mul3A_540, %mul3A_547 : vector<16xf32>
      %eq3A_549 = arith.constant 8 : i32
      %eq3A_550 = vector.broadcast %eq3A_549 : i32 to vector<16xi32>
      %eq3A_551 = arith.cmpi eq, %iota3A, %eq3A_550 : vector<16xi32>
      %reduce_sum3A_552 = arith.constant true
      %reduce_sum3A_553 = vector.broadcast %reduce_sum3A_552 : i1 to vector<16xi1>
      %reduce_sum3A_554 = tpu.scan <sum>, %add3A_548 masked %reduce_sum3A_553 : vector<16xf32>, vector<16xi1> -> vector<16xf32>
      %reduce_sum3A_555 = vector.extract %reduce_sum3A_554[15] : f32 from vector<16xf32>
      %broadcast_in_dim3A_556 = vector.broadcast %reduce_sum3A_555 : f32 to vector<16xf32>
      %select_n3A_557 = arith.select %eq3A_551, %broadcast_in_dim3A_556, %select_n3A_529 : vector<16xi1>, vector<16xf32>
      %mul3A_558 = arith.constant 16 : i32
      %mul3A_559 = arith.muli %scan3A_304, %mul3A_558 : i32
      %add3A_560 = arith.constant 9 : i32
      %add3A_561 = arith.addi %mul3A_559, %add3A_560 : i32
      %get3A_562 = arith.index_cast %add3A_561 : i32 to index
      %get3A_563 = arith.constant 0 : index
      %get3A_564 = tpu.vector_load %arg13[%get3A_562, %get3A_563] {strides = array<i32>} : memref<128x32xf32, #tpu.memory_space<vmem>>, vector<16xf32>,
      %get3A_565 = arith.index_cast %add3A_561 : i32 to index
      %get3A_566 = arith.constant 0 : index
      %get3A_567 = tpu.vector_load %arg14[%get3A_565, %get3A_566] {strides = array<i32>} : memref<128x32xf32, #tpu.memory_space<vmem>>, vector<16xf32>,
      %mul3A_568 = arith.mulf %get3A_564, %get3A_567 : vector<16xf32>
      %get3A_569 = arith.index_cast %add3A_561 : i32 to index
      %get3A_570 = arith.constant 16 : index
      %get3A_571 = tpu.vector_load %arg13[%get3A_569, %get3A_570] {strides = array<i32>} : memref<128x32xf32, #tpu.memory_space<vmem>>, vector<16xf32>,
      %get3A_572 = arith.index_cast %add3A_561 : i32 to index
      %get3A_573 = arith.constant 16 : index
      %get3A_574 = tpu.vector_load %arg14[%get3A_572, %get3A_573] {strides = array<i32>} : memref<128x32xf32, #tpu.memory_space<vmem>>, vector<16xf32>,
      %mul3A_575 = arith.mulf %get3A_571, %get3A_574 : vector<16xf32>
      %add3A_576 = arith.addf %mul3A_568, %mul3A_575 : vector<16xf32>
      %eq3A_577 = arith.constant 9 : i32
      %eq3A_578 = vector.broadcast %eq3A_577 : i32 to vector<16xi32>
      %eq3A_579 = arith.cmpi eq, %iota3A, %eq3A_578 : vector<16xi32>
      %reduce_sum3A_580 = arith.constant true
      %reduce_sum3A_581 = vector.broadcast %reduce_sum3A_580 : i1 to vector<16xi1>
      %reduce_sum3A_582 = tpu.scan <sum>, %add3A_576 masked %reduce_sum3A_581 : vector<16xf32>, vector<16xi1> -> vector<16xf32>
      %reduce_sum3A_583 = vector.extract %reduce_sum3A_582[15] : f32 from vector<16xf32>
      %broadcast_in_dim3A_584 = vector.broadcast %reduce_sum3A_583 : f32 to vector<16xf32>
      %select_n3A_585 = arith.select %eq3A_579, %broadcast_in_dim3A_584, %select_n3A_557 : vector<16xi1>, vector<16xf32>
      %mul3A_586 = arith.constant 16 : i32
      %mul3A_587 = arith.muli %scan3A_304, %mul3A_586 : i32
      %add3A_588 = arith.constant 10 : i32
      %add3A_589 = arith.addi %mul3A_587, %add3A_588 : i32
      %get3A_590 = arith.index_cast %add3A_589 : i32 to index
      %get3A_591 = arith.constant 0 : index
      %get3A_592 = tpu.vector_load %arg13[%get3A_590, %get3A_591] {strides = array<i32>} : memref<128x32xf32, #tpu.memory_space<vmem>>, vector<16xf32>,
      %get3A_593 = arith.index_cast %add3A_589 : i32 to index
      %get3A_594 = arith.constant 0 : index
      %get3A_595 = tpu.vector_load %arg14[%get3A_593, %get3A_594] {strides = array<i32>} : memref<128x32xf32, #tpu.memory_space<vmem>>, vector<16xf32>,
      %mul3A_596 = arith.mulf %get3A_592, %get3A_595 : vector<16xf32>
      %get3A_597 = arith.index_cast %add3A_589 : i32 to index
      %get3A_598 = arith.constant 16 : index
      %get3A_599 = tpu.vector_load %arg13[%get3A_597, %get3A_598] {strides = array<i32>} : memref<128x32xf32, #tpu.memory_space<vmem>>, vector<16xf32>,
      %get3A_600 = arith.index_cast %add3A_589 : i32 to index
      %get3A_601 = arith.constant 16 : index
      %get3A_602 = tpu.vector_load %arg14[%get3A_600, %get3A_601] {strides = array<i32>} : memref<128x32xf32, #tpu.memory_space<vmem>>, vector<16xf32>,
      %mul3A_603 = arith.mulf %get3A_599, %get3A_602 : vector<16xf32>
      %add3A_604 = arith.addf %mul3A_596, %mul3A_603 : vector<16xf32>
      %eq3A_605 = arith.constant 10 : i32
      %eq3A_606 = vector.broadcast %eq3A_605 : i32 to vector<16xi32>
      %eq3A_607 = arith.cmpi eq, %iota3A, %eq3A_606 : vector<16xi32>
      %reduce_sum3A_608 = arith.constant true
      %reduce_sum3A_609 = vector.broadcast %reduce_sum3A_608 : i1 to vector<16xi1>
      %reduce_sum3A_610 = tpu.scan <sum>, %add3A_604 masked %reduce_sum3A_609 : vector<16xf32>, vector<16xi1> -> vector<16xf32>
      %reduce_sum3A_611 = vector.extract %reduce_sum3A_610[15] : f32 from vector<16xf32>
      %broadcast_in_dim3A_612 = vector.broadcast %reduce_sum3A_611 : f32 to vector<16xf32>
      %select_n3A_613 = arith.select %eq3A_607, %broadcast_in_dim3A_612, %select_n3A_585 : vector<16xi1>, vector<16xf32>
      %mul3A_614 = arith.constant 16 : i32
      %mul3A_615 = arith.muli %scan3A_304, %mul3A_614 : i32
      %add3A_616 = arith.constant 11 : i32
      %add3A_617 = arith.addi %mul3A_615, %add3A_616 : i32
      %get3A_618 = arith.index_cast %add3A_617 : i32 to index
      %get3A_619 = arith.constant 0 : index
      %get3A_620 = tpu.vector_load %arg13[%get3A_618, %get3A_619] {strides = array<i32>} : memref<128x32xf32, #tpu.memory_space<vmem>>, vector<16xf32>,
      %get3A_621 = arith.index_cast %add3A_617 : i32 to index
      %get3A_622 = arith.constant 0 : index
      %get3A_623 = tpu.vector_load %arg14[%get3A_621, %get3A_622] {strides = array<i32>} : memref<128x32xf32, #tpu.memory_space<vmem>>, vector<16xf32>,
      %mul3A_624 = arith.mulf %get3A_620, %get3A_623 : vector<16xf32>
      %get3A_625 = arith.index_cast %add3A_617 : i32 to index
      %get3A_626 = arith.constant 16 : index
      %get3A_627 = tpu.vector_load %arg13[%get3A_625, %get3A_626] {strides = array<i32>} : memref<128x32xf32, #tpu.memory_space<vmem>>, vector<16xf32>,
      %get3A_628 = arith.index_cast %add3A_617 : i32 to index
      %get3A_629 = arith.constant 16 : index
      %get3A_630 = tpu.vector_load %arg14[%get3A_628, %get3A_629] {strides = array<i32>} : memref<128x32xf32, #tpu.memory_space<vmem>>, vector<16xf32>,
      %mul3A_631 = arith.mulf %get3A_627, %get3A_630 : vector<16xf32>
      %add3A_632 = arith.addf %mul3A_624, %mul3A_631 : vector<16xf32>
      %eq3A_633 = arith.constant 11 : i32
      %eq3A_634 = vector.broadcast %eq3A_633 : i32 to vector<16xi32>
      %eq3A_635 = arith.cmpi eq, %iota3A, %eq3A_634 : vector<16xi32>
      %reduce_sum3A_636 = arith.constant true
      %reduce_sum3A_637 = vector.broadcast %reduce_sum3A_636 : i1 to vector<16xi1>
      %reduce_sum3A_638 = tpu.scan <sum>, %add3A_632 masked %reduce_sum3A_637 : vector<16xf32>, vector<16xi1> -> vector<16xf32>
      %reduce_sum3A_639 = vector.extract %reduce_sum3A_638[15] : f32 from vector<16xf32>
      %broadcast_in_dim3A_640 = vector.broadcast %reduce_sum3A_639 : f32 to vector<16xf32>
      %select_n3A_641 = arith.select %eq3A_635, %broadcast_in_dim3A_640, %select_n3A_613 : vector<16xi1>, vector<16xf32>
      %mul3A_642 = arith.constant 16 : i32
      %mul3A_643 = arith.muli %scan3A_304, %mul3A_642 : i32
      %add3A_644 = arith.constant 12 : i32
      %add3A_645 = arith.addi %mul3A_643, %add3A_644 : i32
      %get3A_646 = arith.index_cast %add3A_645 : i32 to index
      %get3A_647 = arith.constant 0 : index
      %get3A_648 = tpu.vector_load %arg13[%get3A_646, %get3A_647] {strides = array<i32>} : memref<128x32xf32, #tpu.memory_space<vmem>>, vector<16xf32>,
      %get3A_649 = arith.index_cast %add3A_645 : i32 to index
      %get3A_650 = arith.constant 0 : index
      %get3A_651 = tpu.vector_load %arg14[%get3A_649, %get3A_650] {strides = array<i32>} : memref<128x32xf32, #tpu.memory_space<vmem>>, vector<16xf32>,
      %mul3A_652 = arith.mulf %get3A_648, %get3A_651 : vector<16xf32>
      %get3A_653 = arith.index_cast %add3A_645 : i32 to index
      %get3A_654 = arith.constant 16 : index
      %get3A_655 = tpu.vector_load %arg13[%get3A_653, %get3A_654] {strides = array<i32>} : memref<128x32xf32, #tpu.memory_space<vmem>>, vector<16xf32>,
      %get3A_656 = arith.index_cast %add3A_645 : i32 to index
      %get3A_657 = arith.constant 16 : index
      %get3A_658 = tpu.vector_load %arg14[%get3A_656, %get3A_657] {strides = array<i32>} : memref<128x32xf32, #tpu.memory_space<vmem>>, vector<16xf32>,
      %mul3A_659 = arith.mulf %get3A_655, %get3A_658 : vector<16xf32>
      %add3A_660 = arith.addf %mul3A_652, %mul3A_659 : vector<16xf32>
      %eq3A_661 = arith.constant 12 : i32
      %eq3A_662 = vector.broadcast %eq3A_661 : i32 to vector<16xi32>
      %eq3A_663 = arith.cmpi eq, %iota3A, %eq3A_662 : vector<16xi32>
      %reduce_sum3A_664 = arith.constant true
      %reduce_sum3A_665 = vector.broadcast %reduce_sum3A_664 : i1 to vector<16xi1>
      %reduce_sum3A_666 = tpu.scan <sum>, %add3A_660 masked %reduce_sum3A_665 : vector<16xf32>, vector<16xi1> -> vector<16xf32>
      %reduce_sum3A_667 = vector.extract %reduce_sum3A_666[15] : f32 from vector<16xf32>
      %broadcast_in_dim3A_668 = vector.broadcast %reduce_sum3A_667 : f32 to vector<16xf32>
      %select_n3A_669 = arith.select %eq3A_663, %broadcast_in_dim3A_668, %select_n3A_641 : vector<16xi1>, vector<16xf32>
      %mul3A_670 = arith.constant 16 : i32
      %mul3A_671 = arith.muli %scan3A_304, %mul3A_670 : i32
      %add3A_672 = arith.constant 13 : i32
      %add3A_673 = arith.addi %mul3A_671, %add3A_672 : i32
      %get3A_674 = arith.index_cast %add3A_673 : i32 to index
      %get3A_675 = arith.constant 0 : index
      %get3A_676 = tpu.vector_load %arg13[%get3A_674, %get3A_675] {strides = array<i32>} : memref<128x32xf32, #tpu.memory_space<vmem>>, vector<16xf32>,
      %get3A_677 = arith.index_cast %add3A_673 : i32 to index
      %get3A_678 = arith.constant 0 : index
      %get3A_679 = tpu.vector_load %arg14[%get3A_677, %get3A_678] {strides = array<i32>} : memref<128x32xf32, #tpu.memory_space<vmem>>, vector<16xf32>,
      %mul3A_680 = arith.mulf %get3A_676, %get3A_679 : vector<16xf32>
      %get3A_681 = arith.index_cast %add3A_673 : i32 to index
      %get3A_682 = arith.constant 16 : index
      %get3A_683 = tpu.vector_load %arg13[%get3A_681, %get3A_682] {strides = array<i32>} : memref<128x32xf32, #tpu.memory_space<vmem>>, vector<16xf32>,
      %get3A_684 = arith.index_cast %add3A_673 : i32 to index
      %get3A_685 = arith.constant 16 : index
      %get3A_686 = tpu.vector_load %arg14[%get3A_684, %get3A_685] {strides = array<i32>} : memref<128x32xf32, #tpu.memory_space<vmem>>, vector<16xf32>,
      %mul3A_687 = arith.mulf %get3A_683, %get3A_686 : vector<16xf32>
      %add3A_688 = arith.addf %mul3A_680, %mul3A_687 : vector<16xf32>
      %eq3A_689 = arith.constant 13 : i32
      %eq3A_690 = vector.broadcast %eq3A_689 : i32 to vector<16xi32>
      %eq3A_691 = arith.cmpi eq, %iota3A, %eq3A_690 : vector<16xi32>
      %reduce_sum3A_692 = arith.constant true
      %reduce_sum3A_693 = vector.broadcast %reduce_sum3A_692 : i1 to vector<16xi1>
      %reduce_sum3A_694 = tpu.scan <sum>, %add3A_688 masked %reduce_sum3A_693 : vector<16xf32>, vector<16xi1> -> vector<16xf32>
      %reduce_sum3A_695 = vector.extract %reduce_sum3A_694[15] : f32 from vector<16xf32>
      %broadcast_in_dim3A_696 = vector.broadcast %reduce_sum3A_695 : f32 to vector<16xf32>
      %select_n3A_697 = arith.select %eq3A_691, %broadcast_in_dim3A_696, %select_n3A_669 : vector<16xi1>, vector<16xf32>
      %mul3A_698 = arith.constant 16 : i32
      %mul3A_699 = arith.muli %scan3A_304, %mul3A_698 : i32
      %add3A_700 = arith.constant 14 : i32
      %add3A_701 = arith.addi %mul3A_699, %add3A_700 : i32
      %get3A_702 = arith.index_cast %add3A_701 : i32 to index
      %get3A_703 = arith.constant 0 : index
      %get3A_704 = tpu.vector_load %arg13[%get3A_702, %get3A_703] {strides = array<i32>} : memref<128x32xf32, #tpu.memory_space<vmem>>, vector<16xf32>,
      %get3A_705 = arith.index_cast %add3A_701 : i32 to index
      %get3A_706 = arith.constant 0 : index
      %get3A_707 = tpu.vector_load %arg14[%get3A_705, %get3A_706] {strides = array<i32>} : memref<128x32xf32, #tpu.memory_space<vmem>>, vector<16xf32>,
      %mul3A_708 = arith.mulf %get3A_704, %get3A_707 : vector<16xf32>
      %get3A_709 = arith.index_cast %add3A_701 : i32 to index
      %get3A_710 = arith.constant 16 : index
      %get3A_711 = tpu.vector_load %arg13[%get3A_709, %get3A_710] {strides = array<i32>} : memref<128x32xf32, #tpu.memory_space<vmem>>, vector<16xf32>,
      %get3A_712 = arith.index_cast %add3A_701 : i32 to index
      %get3A_713 = arith.constant 16 : index
      %get3A_714 = tpu.vector_load %arg14[%get3A_712, %get3A_713] {strides = array<i32>} : memref<128x32xf32, #tpu.memory_space<vmem>>, vector<16xf32>,
      %mul3A_715 = arith.mulf %get3A_711, %get3A_714 : vector<16xf32>
      %add3A_716 = arith.addf %mul3A_708, %mul3A_715 : vector<16xf32>
      %eq3A_717 = arith.constant 14 : i32
      %eq3A_718 = vector.broadcast %eq3A_717 : i32 to vector<16xi32>
      %eq3A_719 = arith.cmpi eq, %iota3A, %eq3A_718 : vector<16xi32>
      %reduce_sum3A_720 = arith.constant true
      %reduce_sum3A_721 = vector.broadcast %reduce_sum3A_720 : i1 to vector<16xi1>
      %reduce_sum3A_722 = tpu.scan <sum>, %add3A_716 masked %reduce_sum3A_721 : vector<16xf32>, vector<16xi1> -> vector<16xf32>
      %reduce_sum3A_723 = vector.extract %reduce_sum3A_722[15] : f32 from vector<16xf32>
      %broadcast_in_dim3A_724 = vector.broadcast %reduce_sum3A_723 : f32 to vector<16xf32>
      %select_n3A_725 = arith.select %eq3A_719, %broadcast_in_dim3A_724, %select_n3A_697 : vector<16xi1>, vector<16xf32>
      %mul3A_726 = arith.constant 16 : i32
      %mul3A_727 = arith.muli %scan3A_304, %mul3A_726 : i32
      %add3A_728 = arith.constant 15 : i32
      %add3A_729 = arith.addi %mul3A_727, %add3A_728 : i32
      %get3A_730 = arith.index_cast %add3A_729 : i32 to index
      %get3A_731 = arith.constant 0 : index
      %get3A_732 = tpu.vector_load %arg13[%get3A_730, %get3A_731] {strides = array<i32>} : memref<128x32xf32, #tpu.memory_space<vmem>>, vector<16xf32>,
      %get3A_733 = arith.index_cast %add3A_729 : i32 to index
      %get3A_734 = arith.constant 0 : index
      %get3A_735 = tpu.vector_load %arg14[%get3A_733, %get3A_734] {strides = array<i32>} : memref<128x32xf32, #tpu.memory_space<vmem>>, vector<16xf32>,
      %mul3A_736 = arith.mulf %get3A_732, %get3A_735 : vector<16xf32>
      %get3A_737 = arith.index_cast %add3A_729 : i32 to index
      %get3A_738 = arith.constant 16 : index
      %get3A_739 = tpu.vector_load %arg13[%get3A_737, %get3A_738] {strides = array<i32>} : memref<128x32xf32, #tpu.memory_space<vmem>>, vector<16xf32>,
      %get3A_740 = arith.index_cast %add3A_729 : i32 to index
      %get3A_741 = arith.constant 16 : index
      %get3A_742 = tpu.vector_load %arg14[%get3A_740, %get3A_741] {strides = array<i32>} : memref<128x32xf32, #tpu.memory_space<vmem>>, vector<16xf32>,
      %mul3A_743 = arith.mulf %get3A_739, %get3A_742 : vector<16xf32>
      %add3A_744 = arith.addf %mul3A_736, %mul3A_743 : vector<16xf32>
      %eq3A_745 = arith.constant 15 : i32
      %eq3A_746 = vector.broadcast %eq3A_745 : i32 to vector<16xi32>
      %eq3A_747 = arith.cmpi eq, %iota3A, %eq3A_746 : vector<16xi32>
      %reduce_sum3A_748 = arith.constant true
      %reduce_sum3A_749 = vector.broadcast %reduce_sum3A_748 : i1 to vector<16xi1>
      %reduce_sum3A_750 = tpu.scan <sum>, %add3A_744 masked %reduce_sum3A_749 : vector<16xf32>, vector<16xi1> -> vector<16xf32>
      %reduce_sum3A_751 = vector.extract %reduce_sum3A_750[15] : f32 from vector<16xf32>
      %broadcast_in_dim3A_752 = vector.broadcast %reduce_sum3A_751 : f32 to vector<16xf32>
      %select_n3A_753 = arith.select %eq3A_747, %broadcast_in_dim3A_752, %select_n3A_725 : vector<16xi1>, vector<16xf32>
      %mul3A_754 = arith.constant 16 : i32
      %mul3A_755 = arith.muli %scan3A_304, %mul3A_754 : i32
      %add3A_756 = vector.broadcast %mul3A_755 : i32 to vector<16xi32>
      %add3A_757 = arith.addi %add3A_756, %iota3A : vector<16xi32>
      %get3A_758 = arith.constant 0 : i32
      %get3A_759 = arith.index_cast %get3A_758 : i32 to index
      %get3A_760 = arith.index_cast %mul3A_307 : i32 to index
      %get3A_761 = tpu.vector_load %arg9[%get3A_759, %get3A_760] {strides = array<i32>} : memref<4x128xi32, #tpu.memory_space<vmem>>, vector<16xi32>,
      %and3A = arith.andi %get3A_761, %broadcast_in_dim3A_53 : vector<16xi32>
      %gather3A = tpu.vector_load_idx %arg15[%add3A_757, %and3A] : memref<128x128xf32, #tpu.memory_space<vmem>>[vector<16xi32>, vector<16xi32>], vector<16xf32>,
      %get3A_762 = arith.constant 0 : i32
      %get3A_763 = arith.index_cast %get3A_762 : i32 to index
      %get3A_764 = arith.index_cast %mul3A_307 : i32 to index
      %get3A_765 = tpu.vector_load %arg10[%get3A_763, %get3A_764] {strides = array<i32>} : memref<4x128xi32, #tpu.memory_space<vmem>>, vector<16xi32>,
      %and3A_766 = arith.andi %get3A_765, %broadcast_in_dim3A_53 : vector<16xi32>
      %gather3A_767 = tpu.vector_load_idx %arg16[%add3A_757, %and3A_766] : memref<128x128xf32, #tpu.memory_space<vmem>>[vector<16xi32>, vector<16xi32>], vector<16xf32>,
      %add3A_768 = arith.addf %select_n3A_753, %gather3A : vector<16xf32>
      %add3A_769 = arith.addf %add3A_768, %gather3A_767 : vector<16xf32>
      %neg3A = arith.constant 0.000000e+00 : f32
      %neg3A_770 = vector.broadcast %neg3A : f32 to vector<16xf32>
      %neg3A_771 = arith.subf %neg3A_770, %add3A_769 : vector<16xf32>
      %exp3A = math.exp %neg3A_771 : vector<16xf32>
      %add3A_772 = arith.constant 1.000000e+00 : f32
      %add3A_773 = vector.broadcast %add3A_772 : f32 to vector<16xf32>
      %add3A_774 = arith.addf %add3A_773, %exp3A : vector<16xf32>
      %div3A = arith.constant 1.000000e+00 : f32
      %div3A_775 = vector.broadcast %div3A : f32 to vector<16xf32>
      %div3A_776 = arith.divf %div3A_775, %add3A_774 : vector<16xf32>
      %mul3A_777 = arith.constant 16 : i32
      %mul3A_778 = arith.muli %scan3A_304, %mul3A_777 : i32
      %add3A_779 = arith.constant 0 : i32
      %add3A_780 = arith.addi %add3A_779, %mul3A_778 : i32
      %swap3A = arith.index_cast %add3A_780 : i32 to index
      %swap3A_781 = tpu.vector_load %arg17[%swap3A] {strides = array<i32>} : memref<512xf32, #tpu.memory_space<vmem>>, vector<16xf32>,
      tpu.vector_store %arg17[%swap3A], %div3A_776 {strides = array<i32>} : memref<512xf32, #tpu.memory_space<vmem>>, vector<16xf32>,
      %scan3A_782 = arith.constant 0 : i32
      scf.yield %scan3A_782 : i32
    }
    %scan3A_114 = arith.constant 8 : i32
    %dma_start3A_115 = arith.constant 1 : i32
    %dma_start3A_116 = arith.constant 0 : i32
    %dma_start3A_117 = tpu.memref_slice %arg9[%dma_start3A_115, %dma_start3A_116] : memref<4x128xi32, #tpu.memory_space<vmem>> -> memref<1x128xi32, #tpu.memory_space<vmem>>
    %dma_start3A_118 = tpu.memref_squeeze %dma_start3A_117 : memref<1x128xi32, #tpu.memory_space<vmem>> -> memref<128xi32, #tpu.memory_space<vmem>>
    %dma_start3A_119 = arith.constant 0 : i32
    %dma_start3A_120 = arith.constant 0 : i32
    %dma_start3A_121 = tpu.memref_slice %arg4[%dma_start3A_119, %dma_start3A_120] : memref<1000000x32xf32, #tpu.memory_space<hbm>> -> memref<1000000x32xf32, #tpu.memory_space<hbm>>
    tpu.enqueue_indirect_dma source(%dma_start3A_121 : memref<1000000x32xf32, #tpu.memory_space<hbm>>) target(%arg13 : memref<128x32xf32, #tpu.memory_space<vmem>>) offsets(%dma_start3A_118 : memref<128xi32, #tpu.memory_space<vmem>>) semaphore(%arg18 : memref<!tpu.dma_semaphore, #tpu.memory_space<semaphore_mem>>)
    %dma_start3A_122 = arith.constant 1 : i32
    %dma_start3A_123 = arith.constant 0 : i32
    %dma_start3A_124 = tpu.memref_slice %arg10[%dma_start3A_122, %dma_start3A_123] : memref<4x128xi32, #tpu.memory_space<vmem>> -> memref<1x128xi32, #tpu.memory_space<vmem>>
    %dma_start3A_125 = tpu.memref_squeeze %dma_start3A_124 : memref<1x128xi32, #tpu.memory_space<vmem>> -> memref<128xi32, #tpu.memory_space<vmem>>
    %dma_start3A_126 = arith.constant 0 : i32
    %dma_start3A_127 = arith.constant 0 : i32
    %dma_start3A_128 = tpu.memref_slice %arg5[%dma_start3A_126, %dma_start3A_127] : memref<1000000x32xf32, #tpu.memory_space<hbm>> -> memref<1000000x32xf32, #tpu.memory_space<hbm>>
    tpu.enqueue_indirect_dma source(%dma_start3A_128 : memref<1000000x32xf32, #tpu.memory_space<hbm>>) target(%arg14 : memref<128x32xf32, #tpu.memory_space<vmem>>) offsets(%dma_start3A_125 : memref<128xi32, #tpu.memory_space<vmem>>) semaphore(%arg18 : memref<!tpu.dma_semaphore, #tpu.memory_space<semaphore_mem>>)
    %dma_start3A_129 = arith.constant 1 : i32
    %dma_start3A_130 = arith.constant 0 : i32
    %dma_start3A_131 = tpu.memref_slice %arg11[%dma_start3A_129, %dma_start3A_130] : memref<4x128xi32, #tpu.memory_space<vmem>> -> memref<1x128xi32, #tpu.memory_space<vmem>>
    %dma_start3A_132 = tpu.memref_squeeze %dma_start3A_131 : memref<1x128xi32, #tpu.memory_space<vmem>> -> memref<128xi32, #tpu.memory_space<vmem>>
    %dma_start3A_133 = arith.constant 0 : i32
    %dma_start3A_134 = arith.constant 0 : i32
    %dma_start3A_135 = tpu.memref_slice %arg6[%dma_start3A_133, %dma_start3A_134] : memref<8192x128xf32, #tpu.memory_space<hbm>> -> memref<8192x128xf32, #tpu.memory_space<hbm>>
    tpu.enqueue_indirect_dma source(%dma_start3A_135 : memref<8192x128xf32, #tpu.memory_space<hbm>>) target(%arg15 : memref<128x128xf32, #tpu.memory_space<vmem>>) offsets(%dma_start3A_132 : memref<128xi32, #tpu.memory_space<vmem>>) semaphore(%arg18 : memref<!tpu.dma_semaphore, #tpu.memory_space<semaphore_mem>>)
    %dma_start3A_136 = arith.constant 1 : i32
    %dma_start3A_137 = arith.constant 0 : i32
    %dma_start3A_138 = tpu.memref_slice %arg12[%dma_start3A_136, %dma_start3A_137] : memref<4x128xi32, #tpu.memory_space<vmem>> -> memref<1x128xi32, #tpu.memory_space<vmem>>
    %dma_start3A_139 = tpu.memref_squeeze %dma_start3A_138 : memref<1x128xi32, #tpu.memory_space<vmem>> -> memref<128xi32, #tpu.memory_space<vmem>>
    %dma_start3A_140 = arith.constant 0 : i32
    %dma_start3A_141 = arith.constant 0 : i32
    %dma_start3A_142 = tpu.memref_slice %arg7[%dma_start3A_140, %dma_start3A_141] : memref<8192x128xf32, #tpu.memory_space<hbm>> -> memref<8192x128xf32, #tpu.memory_space<hbm>>
    tpu.enqueue_indirect_dma source(%dma_start3A_142 : memref<8192x128xf32, #tpu.memory_space<hbm>>) target(%arg16 : memref<128x128xf32, #tpu.memory_space<vmem>>) offsets(%dma_start3A_139 : memref<128xi32, #tpu.memory_space<vmem>>) semaphore(%arg18 : memref<!tpu.dma_semaphore, #tpu.memory_space<semaphore_mem>>)
    %dma_wait3A_143 = arith.constant 1 : i32
    %dma_wait3A_144 = arith.constant 0 : i32
    %dma_wait3A_145 = tpu.memref_slice %arg9[%dma_wait3A_143, %dma_wait3A_144] : memref<4x128xi32, #tpu.memory_space<vmem>> -> memref<1x128xi32, #tpu.memory_space<vmem>>
    %dma_wait3A_146 = tpu.memref_squeeze %dma_wait3A_145 : memref<1x128xi32, #tpu.memory_space<vmem>> -> memref<128xi32, #tpu.memory_space<vmem>>
    %dma_wait3A_147 = arith.constant 0 : i32
    %dma_wait3A_148 = arith.constant 0 : i32
    %dma_wait3A_149 = tpu.memref_slice %arg4[%dma_wait3A_147, %dma_wait3A_148] : memref<1000000x32xf32, #tpu.memory_space<hbm>> -> memref<1000000x32xf32, #tpu.memory_space<hbm>>
    tpu.wait_indirect_dma semaphore(%arg18 : memref<!tpu.dma_semaphore, #tpu.memory_space<semaphore_mem>>) src(%dma_wait3A_149 : memref<1000000x32xf32, #tpu.memory_space<hbm>>) dst(%arg13 : memref<128x32xf32, #tpu.memory_space<vmem>>)
    %dma_wait3A_150 = arith.constant 1 : i32
    %dma_wait3A_151 = arith.constant 0 : i32
    %dma_wait3A_152 = tpu.memref_slice %arg10[%dma_wait3A_150, %dma_wait3A_151] : memref<4x128xi32, #tpu.memory_space<vmem>> -> memref<1x128xi32, #tpu.memory_space<vmem>>
    %dma_wait3A_153 = tpu.memref_squeeze %dma_wait3A_152 : memref<1x128xi32, #tpu.memory_space<vmem>> -> memref<128xi32, #tpu.memory_space<vmem>>
    %dma_wait3A_154 = arith.constant 0 : i32
    %dma_wait3A_155 = arith.constant 0 : i32
    %dma_wait3A_156 = tpu.memref_slice %arg5[%dma_wait3A_154, %dma_wait3A_155] : memref<1000000x32xf32, #tpu.memory_space<hbm>> -> memref<1000000x32xf32, #tpu.memory_space<hbm>>
    tpu.wait_indirect_dma semaphore(%arg18 : memref<!tpu.dma_semaphore, #tpu.memory_space<semaphore_mem>>) src(%dma_wait3A_156 : memref<1000000x32xf32, #tpu.memory_space<hbm>>) dst(%arg14 : memref<128x32xf32, #tpu.memory_space<vmem>>)
    %dma_wait3A_157 = arith.constant 1 : i32
    %dma_wait3A_158 = arith.constant 0 : i32
    %dma_wait3A_159 = tpu.memref_slice %arg11[%dma_wait3A_157, %dma_wait3A_158] : memref<4x128xi32, #tpu.memory_space<vmem>> -> memref<1x128xi32, #tpu.memory_space<vmem>>
    %dma_wait3A_160 = tpu.memref_squeeze %dma_wait3A_159 : memref<1x128xi32, #tpu.memory_space<vmem>> -> memref<128xi32, #tpu.memory_space<vmem>>
    %dma_wait3A_161 = arith.constant 0 : i32
    %dma_wait3A_162 = arith.constant 0 : i32
    %dma_wait3A_163 = tpu.memref_slice %arg6[%dma_wait3A_161, %dma_wait3A_162] : memref<8192x128xf32, #tpu.memory_space<hbm>> -> memref<8192x128xf32, #tpu.memory_space<hbm>>
    tpu.wait_indirect_dma semaphore(%arg18 : memref<!tpu.dma_semaphore, #tpu.memory_space<semaphore_mem>>) src(%dma_wait3A_163 : memref<8192x128xf32, #tpu.memory_space<hbm>>) dst(%arg15 : memref<128x128xf32, #tpu.memory_space<vmem>>)
    %dma_wait3A_164 = arith.constant 1 : i32
    %dma_wait3A_165 = arith.constant 0 : i32
    %dma_wait3A_166 = tpu.memref_slice %arg12[%dma_wait3A_164, %dma_wait3A_165] : memref<4x128xi32, #tpu.memory_space<vmem>> -> memref<1x128xi32, #tpu.memory_space<vmem>>
    %dma_wait3A_167 = tpu.memref_squeeze %dma_wait3A_166 : memref<1x128xi32, #tpu.memory_space<vmem>> -> memref<128xi32, #tpu.memory_space<vmem>>
    %dma_wait3A_168 = arith.constant 0 : i32
    %dma_wait3A_169 = arith.constant 0 : i32
    %dma_wait3A_170 = tpu.memref_slice %arg7[%dma_wait3A_168, %dma_wait3A_169] : memref<8192x128xf32, #tpu.memory_space<hbm>> -> memref<8192x128xf32, #tpu.memory_space<hbm>>
    tpu.wait_indirect_dma semaphore(%arg18 : memref<!tpu.dma_semaphore, #tpu.memory_space<semaphore_mem>>) src(%dma_wait3A_170 : memref<8192x128xf32, #tpu.memory_space<hbm>>) dst(%arg16 : memref<128x128xf32, #tpu.memory_space<vmem>>)
    %scan3A_171 = arith.constant 0 : i32
    %scan3A_172 = arith.constant 0 : i32
    %scan3A_173 = arith.constant 8 : i32
    %scan3A_174 = arith.addi %scan3A_172, %scan3A_173 : i32
    %scan3A_175 = arith.constant 1 : i32
    %scan3A_176 = scf.for %scan3A_304 = %scan3A_172 to %scan3A_174 step %scan3A_175 iter_args(%scan3A_305 = %scan3A_171) -> (i32)  : i32 {
      %mul3A_306 = arith.constant 16 : i32
      %mul3A_307 = arith.muli %scan3A_304, %mul3A_306 : i32
      %broadcast_in_dim3A_308 = arith.constant 0.000000e+00 : f32
      %broadcast_in_dim3A_309 = vector.broadcast %broadcast_in_dim3A_308 : f32 to vector<16xf32>
      %mul3A_310 = arith.constant 16 : i32
      %mul3A_311 = arith.muli %scan3A_304, %mul3A_310 : i32
      %add3A_312 = arith.constant 0 : i32
      %add3A_313 = arith.addi %mul3A_311, %add3A_312 : i32
      %get3A = arith.index_cast %add3A_313 : i32 to index
      %get3A_314 = arith.constant 0 : index
      %get3A_315 = tpu.vector_load %arg13[%get3A, %get3A_314] {strides = array<i32>} : memref<128x32xf32, #tpu.memory_space<vmem>>, vector<16xf32>,
      %get3A_316 = arith.index_cast %add3A_313 : i32 to index
      %get3A_317 = arith.constant 0 : index
      %get3A_318 = tpu.vector_load %arg14[%get3A_316, %get3A_317] {strides = array<i32>} : memref<128x32xf32, #tpu.memory_space<vmem>>, vector<16xf32>,
      %mul3A_319 = arith.mulf %get3A_315, %get3A_318 : vector<16xf32>
      %get3A_320 = arith.index_cast %add3A_313 : i32 to index
      %get3A_321 = arith.constant 16 : index
      %get3A_322 = tpu.vector_load %arg13[%get3A_320, %get3A_321] {strides = array<i32>} : memref<128x32xf32, #tpu.memory_space<vmem>>, vector<16xf32>,
      %get3A_323 = arith.index_cast %add3A_313 : i32 to index
      %get3A_324 = arith.constant 16 : index
      %get3A_325 = tpu.vector_load %arg14[%get3A_323, %get3A_324] {strides = array<i32>} : memref<128x32xf32, #tpu.memory_space<vmem>>, vector<16xf32>,
      %mul3A_326 = arith.mulf %get3A_322, %get3A_325 : vector<16xf32>
      %add3A_327 = arith.addf %mul3A_319, %mul3A_326 : vector<16xf32>
      %eq3A = arith.constant 0 : i32
      %eq3A_328 = vector.broadcast %eq3A : i32 to vector<16xi32>
      %eq3A_329 = arith.cmpi eq, %iota3A, %eq3A_328 : vector<16xi32>
      %reduce_sum3A = arith.constant true
      %reduce_sum3A_330 = vector.broadcast %reduce_sum3A : i1 to vector<16xi1>
      %reduce_sum3A_331 = tpu.scan <sum>, %add3A_327 masked %reduce_sum3A_330 : vector<16xf32>, vector<16xi1> -> vector<16xf32>
      %reduce_sum3A_332 = vector.extract %reduce_sum3A_331[15] : f32 from vector<16xf32>
      %broadcast_in_dim3A_333 = vector.broadcast %reduce_sum3A_332 : f32 to vector<16xf32>
      %select_n3A = arith.select %eq3A_329, %broadcast_in_dim3A_333, %broadcast_in_dim3A_309 : vector<16xi1>, vector<16xf32>
      %mul3A_334 = arith.constant 16 : i32
      %mul3A_335 = arith.muli %scan3A_304, %mul3A_334 : i32
      %add3A_336 = arith.constant 1 : i32
      %add3A_337 = arith.addi %mul3A_335, %add3A_336 : i32
      %get3A_338 = arith.index_cast %add3A_337 : i32 to index
      %get3A_339 = arith.constant 0 : index
      %get3A_340 = tpu.vector_load %arg13[%get3A_338, %get3A_339] {strides = array<i32>} : memref<128x32xf32, #tpu.memory_space<vmem>>, vector<16xf32>,
      %get3A_341 = arith.index_cast %add3A_337 : i32 to index
      %get3A_342 = arith.constant 0 : index
      %get3A_343 = tpu.vector_load %arg14[%get3A_341, %get3A_342] {strides = array<i32>} : memref<128x32xf32, #tpu.memory_space<vmem>>, vector<16xf32>,
      %mul3A_344 = arith.mulf %get3A_340, %get3A_343 : vector<16xf32>
      %get3A_345 = arith.index_cast %add3A_337 : i32 to index
      %get3A_346 = arith.constant 16 : index
      %get3A_347 = tpu.vector_load %arg13[%get3A_345, %get3A_346] {strides = array<i32>} : memref<128x32xf32, #tpu.memory_space<vmem>>, vector<16xf32>,
      %get3A_348 = arith.index_cast %add3A_337 : i32 to index
      %get3A_349 = arith.constant 16 : index
      %get3A_350 = tpu.vector_load %arg14[%get3A_348, %get3A_349] {strides = array<i32>} : memref<128x32xf32, #tpu.memory_space<vmem>>, vector<16xf32>,
      %mul3A_351 = arith.mulf %get3A_347, %get3A_350 : vector<16xf32>
      %add3A_352 = arith.addf %mul3A_344, %mul3A_351 : vector<16xf32>
      %eq3A_353 = arith.constant 1 : i32
      %eq3A_354 = vector.broadcast %eq3A_353 : i32 to vector<16xi32>
      %eq3A_355 = arith.cmpi eq, %iota3A, %eq3A_354 : vector<16xi32>
      %reduce_sum3A_356 = arith.constant true
      %reduce_sum3A_357 = vector.broadcast %reduce_sum3A_356 : i1 to vector<16xi1>
      %reduce_sum3A_358 = tpu.scan <sum>, %add3A_352 masked %reduce_sum3A_357 : vector<16xf32>, vector<16xi1> -> vector<16xf32>
      %reduce_sum3A_359 = vector.extract %reduce_sum3A_358[15] : f32 from vector<16xf32>
      %broadcast_in_dim3A_360 = vector.broadcast %reduce_sum3A_359 : f32 to vector<16xf32>
      %select_n3A_361 = arith.select %eq3A_355, %broadcast_in_dim3A_360, %select_n3A : vector<16xi1>, vector<16xf32>
      %mul3A_362 = arith.constant 16 : i32
      %mul3A_363 = arith.muli %scan3A_304, %mul3A_362 : i32
      %add3A_364 = arith.constant 2 : i32
      %add3A_365 = arith.addi %mul3A_363, %add3A_364 : i32
      %get3A_366 = arith.index_cast %add3A_365 : i32 to index
      %get3A_367 = arith.constant 0 : index
      %get3A_368 = tpu.vector_load %arg13[%get3A_366, %get3A_367] {strides = array<i32>} : memref<128x32xf32, #tpu.memory_space<vmem>>, vector<16xf32>,
      %get3A_369 = arith.index_cast %add3A_365 : i32 to index
      %get3A_370 = arith.constant 0 : index
      %get3A_371 = tpu.vector_load %arg14[%get3A_369, %get3A_370] {strides = array<i32>} : memref<128x32xf32, #tpu.memory_space<vmem>>, vector<16xf32>,
      %mul3A_372 = arith.mulf %get3A_368, %get3A_371 : vector<16xf32>
      %get3A_373 = arith.index_cast %add3A_365 : i32 to index
      %get3A_374 = arith.constant 16 : index
      %get3A_375 = tpu.vector_load %arg13[%get3A_373, %get3A_374] {strides = array<i32>} : memref<128x32xf32, #tpu.memory_space<vmem>>, vector<16xf32>,
      %get3A_376 = arith.index_cast %add3A_365 : i32 to index
      %get3A_377 = arith.constant 16 : index
      %get3A_378 = tpu.vector_load %arg14[%get3A_376, %get3A_377] {strides = array<i32>} : memref<128x32xf32, #tpu.memory_space<vmem>>, vector<16xf32>,
      %mul3A_379 = arith.mulf %get3A_375, %get3A_378 : vector<16xf32>
      %add3A_380 = arith.addf %mul3A_372, %mul3A_379 : vector<16xf32>
      %eq3A_381 = arith.constant 2 : i32
      %eq3A_382 = vector.broadcast %eq3A_381 : i32 to vector<16xi32>
      %eq3A_383 = arith.cmpi eq, %iota3A, %eq3A_382 : vector<16xi32>
      %reduce_sum3A_384 = arith.constant true
      %reduce_sum3A_385 = vector.broadcast %reduce_sum3A_384 : i1 to vector<16xi1>
      %reduce_sum3A_386 = tpu.scan <sum>, %add3A_380 masked %reduce_sum3A_385 : vector<16xf32>, vector<16xi1> -> vector<16xf32>
      %reduce_sum3A_387 = vector.extract %reduce_sum3A_386[15] : f32 from vector<16xf32>
      %broadcast_in_dim3A_388 = vector.broadcast %reduce_sum3A_387 : f32 to vector<16xf32>
      %select_n3A_389 = arith.select %eq3A_383, %broadcast_in_dim3A_388, %select_n3A_361 : vector<16xi1>, vector<16xf32>
      %mul3A_390 = arith.constant 16 : i32
      %mul3A_391 = arith.muli %scan3A_304, %mul3A_390 : i32
      %add3A_392 = arith.constant 3 : i32
      %add3A_393 = arith.addi %mul3A_391, %add3A_392 : i32
      %get3A_394 = arith.index_cast %add3A_393 : i32 to index
      %get3A_395 = arith.constant 0 : index
      %get3A_396 = tpu.vector_load %arg13[%get3A_394, %get3A_395] {strides = array<i32>} : memref<128x32xf32, #tpu.memory_space<vmem>>, vector<16xf32>,
      %get3A_397 = arith.index_cast %add3A_393 : i32 to index
      %get3A_398 = arith.constant 0 : index
      %get3A_399 = tpu.vector_load %arg14[%get3A_397, %get3A_398] {strides = array<i32>} : memref<128x32xf32, #tpu.memory_space<vmem>>, vector<16xf32>,
      %mul3A_400 = arith.mulf %get3A_396, %get3A_399 : vector<16xf32>
      %get3A_401 = arith.index_cast %add3A_393 : i32 to index
      %get3A_402 = arith.constant 16 : index
      %get3A_403 = tpu.vector_load %arg13[%get3A_401, %get3A_402] {strides = array<i32>} : memref<128x32xf32, #tpu.memory_space<vmem>>, vector<16xf32>,
      %get3A_404 = arith.index_cast %add3A_393 : i32 to index
      %get3A_405 = arith.constant 16 : index
      %get3A_406 = tpu.vector_load %arg14[%get3A_404, %get3A_405] {strides = array<i32>} : memref<128x32xf32, #tpu.memory_space<vmem>>, vector<16xf32>,
      %mul3A_407 = arith.mulf %get3A_403, %get3A_406 : vector<16xf32>
      %add3A_408 = arith.addf %mul3A_400, %mul3A_407 : vector<16xf32>
      %eq3A_409 = arith.constant 3 : i32
      %eq3A_410 = vector.broadcast %eq3A_409 : i32 to vector<16xi32>
      %eq3A_411 = arith.cmpi eq, %iota3A, %eq3A_410 : vector<16xi32>
      %reduce_sum3A_412 = arith.constant true
      %reduce_sum3A_413 = vector.broadcast %reduce_sum3A_412 : i1 to vector<16xi1>
      %reduce_sum3A_414 = tpu.scan <sum>, %add3A_408 masked %reduce_sum3A_413 : vector<16xf32>, vector<16xi1> -> vector<16xf32>
      %reduce_sum3A_415 = vector.extract %reduce_sum3A_414[15] : f32 from vector<16xf32>
      %broadcast_in_dim3A_416 = vector.broadcast %reduce_sum3A_415 : f32 to vector<16xf32>
      %select_n3A_417 = arith.select %eq3A_411, %broadcast_in_dim3A_416, %select_n3A_389 : vector<16xi1>, vector<16xf32>
      %mul3A_418 = arith.constant 16 : i32
      %mul3A_419 = arith.muli %scan3A_304, %mul3A_418 : i32
      %add3A_420 = arith.constant 4 : i32
      %add3A_421 = arith.addi %mul3A_419, %add3A_420 : i32
      %get3A_422 = arith.index_cast %add3A_421 : i32 to index
      %get3A_423 = arith.constant 0 : index
      %get3A_424 = tpu.vector_load %arg13[%get3A_422, %get3A_423] {strides = array<i32>} : memref<128x32xf32, #tpu.memory_space<vmem>>, vector<16xf32>,
      %get3A_425 = arith.index_cast %add3A_421 : i32 to index
      %get3A_426 = arith.constant 0 : index
      %get3A_427 = tpu.vector_load %arg14[%get3A_425, %get3A_426] {strides = array<i32>} : memref<128x32xf32, #tpu.memory_space<vmem>>, vector<16xf32>,
      %mul3A_428 = arith.mulf %get3A_424, %get3A_427 : vector<16xf32>
      %get3A_429 = arith.index_cast %add3A_421 : i32 to index
      %get3A_430 = arith.constant 16 : index
      %get3A_431 = tpu.vector_load %arg13[%get3A_429, %get3A_430] {strides = array<i32>} : memref<128x32xf32, #tpu.memory_space<vmem>>, vector<16xf32>,
      %get3A_432 = arith.index_cast %add3A_421 : i32 to index
      %get3A_433 = arith.constant 16 : index
      %get3A_434 = tpu.vector_load %arg14[%get3A_432, %get3A_433] {strides = array<i32>} : memref<128x32xf32, #tpu.memory_space<vmem>>, vector<16xf32>,
      %mul3A_435 = arith.mulf %get3A_431, %get3A_434 : vector<16xf32>
      %add3A_436 = arith.addf %mul3A_428, %mul3A_435 : vector<16xf32>
      %eq3A_437 = arith.constant 4 : i32
      %eq3A_438 = vector.broadcast %eq3A_437 : i32 to vector<16xi32>
      %eq3A_439 = arith.cmpi eq, %iota3A, %eq3A_438 : vector<16xi32>
      %reduce_sum3A_440 = arith.constant true
      %reduce_sum3A_441 = vector.broadcast %reduce_sum3A_440 : i1 to vector<16xi1>
      %reduce_sum3A_442 = tpu.scan <sum>, %add3A_436 masked %reduce_sum3A_441 : vector<16xf32>, vector<16xi1> -> vector<16xf32>
      %reduce_sum3A_443 = vector.extract %reduce_sum3A_442[15] : f32 from vector<16xf32>
      %broadcast_in_dim3A_444 = vector.broadcast %reduce_sum3A_443 : f32 to vector<16xf32>
      %select_n3A_445 = arith.select %eq3A_439, %broadcast_in_dim3A_444, %select_n3A_417 : vector<16xi1>, vector<16xf32>
      %mul3A_446 = arith.constant 16 : i32
      %mul3A_447 = arith.muli %scan3A_304, %mul3A_446 : i32
      %add3A_448 = arith.constant 5 : i32
      %add3A_449 = arith.addi %mul3A_447, %add3A_448 : i32
      %get3A_450 = arith.index_cast %add3A_449 : i32 to index
      %get3A_451 = arith.constant 0 : index
      %get3A_452 = tpu.vector_load %arg13[%get3A_450, %get3A_451] {strides = array<i32>} : memref<128x32xf32, #tpu.memory_space<vmem>>, vector<16xf32>,
      %get3A_453 = arith.index_cast %add3A_449 : i32 to index
      %get3A_454 = arith.constant 0 : index
      %get3A_455 = tpu.vector_load %arg14[%get3A_453, %get3A_454] {strides = array<i32>} : memref<128x32xf32, #tpu.memory_space<vmem>>, vector<16xf32>,
      %mul3A_456 = arith.mulf %get3A_452, %get3A_455 : vector<16xf32>
      %get3A_457 = arith.index_cast %add3A_449 : i32 to index
      %get3A_458 = arith.constant 16 : index
      %get3A_459 = tpu.vector_load %arg13[%get3A_457, %get3A_458] {strides = array<i32>} : memref<128x32xf32, #tpu.memory_space<vmem>>, vector<16xf32>,
      %get3A_460 = arith.index_cast %add3A_449 : i32 to index
      %get3A_461 = arith.constant 16 : index
      %get3A_462 = tpu.vector_load %arg14[%get3A_460, %get3A_461] {strides = array<i32>} : memref<128x32xf32, #tpu.memory_space<vmem>>, vector<16xf32>,
      %mul3A_463 = arith.mulf %get3A_459, %get3A_462 : vector<16xf32>
      %add3A_464 = arith.addf %mul3A_456, %mul3A_463 : vector<16xf32>
      %eq3A_465 = arith.constant 5 : i32
      %eq3A_466 = vector.broadcast %eq3A_465 : i32 to vector<16xi32>
      %eq3A_467 = arith.cmpi eq, %iota3A, %eq3A_466 : vector<16xi32>
      %reduce_sum3A_468 = arith.constant true
      %reduce_sum3A_469 = vector.broadcast %reduce_sum3A_468 : i1 to vector<16xi1>
      %reduce_sum3A_470 = tpu.scan <sum>, %add3A_464 masked %reduce_sum3A_469 : vector<16xf32>, vector<16xi1> -> vector<16xf32>
      %reduce_sum3A_471 = vector.extract %reduce_sum3A_470[15] : f32 from vector<16xf32>
      %broadcast_in_dim3A_472 = vector.broadcast %reduce_sum3A_471 : f32 to vector<16xf32>
      %select_n3A_473 = arith.select %eq3A_467, %broadcast_in_dim3A_472, %select_n3A_445 : vector<16xi1>, vector<16xf32>
      %mul3A_474 = arith.constant 16 : i32
      %mul3A_475 = arith.muli %scan3A_304, %mul3A_474 : i32
      %add3A_476 = arith.constant 6 : i32
      %add3A_477 = arith.addi %mul3A_475, %add3A_476 : i32
      %get3A_478 = arith.index_cast %add3A_477 : i32 to index
      %get3A_479 = arith.constant 0 : index
      %get3A_480 = tpu.vector_load %arg13[%get3A_478, %get3A_479] {strides = array<i32>} : memref<128x32xf32, #tpu.memory_space<vmem>>, vector<16xf32>,
      %get3A_481 = arith.index_cast %add3A_477 : i32 to index
      %get3A_482 = arith.constant 0 : index
      %get3A_483 = tpu.vector_load %arg14[%get3A_481, %get3A_482] {strides = array<i32>} : memref<128x32xf32, #tpu.memory_space<vmem>>, vector<16xf32>,
      %mul3A_484 = arith.mulf %get3A_480, %get3A_483 : vector<16xf32>
      %get3A_485 = arith.index_cast %add3A_477 : i32 to index
      %get3A_486 = arith.constant 16 : index
      %get3A_487 = tpu.vector_load %arg13[%get3A_485, %get3A_486] {strides = array<i32>} : memref<128x32xf32, #tpu.memory_space<vmem>>, vector<16xf32>,
      %get3A_488 = arith.index_cast %add3A_477 : i32 to index
      %get3A_489 = arith.constant 16 : index
      %get3A_490 = tpu.vector_load %arg14[%get3A_488, %get3A_489] {strides = array<i32>} : memref<128x32xf32, #tpu.memory_space<vmem>>, vector<16xf32>,
      %mul3A_491 = arith.mulf %get3A_487, %get3A_490 : vector<16xf32>
      %add3A_492 = arith.addf %mul3A_484, %mul3A_491 : vector<16xf32>
      %eq3A_493 = arith.constant 6 : i32
      %eq3A_494 = vector.broadcast %eq3A_493 : i32 to vector<16xi32>
      %eq3A_495 = arith.cmpi eq, %iota3A, %eq3A_494 : vector<16xi32>
      %reduce_sum3A_496 = arith.constant true
      %reduce_sum3A_497 = vector.broadcast %reduce_sum3A_496 : i1 to vector<16xi1>
      %reduce_sum3A_498 = tpu.scan <sum>, %add3A_492 masked %reduce_sum3A_497 : vector<16xf32>, vector<16xi1> -> vector<16xf32>
      %reduce_sum3A_499 = vector.extract %reduce_sum3A_498[15] : f32 from vector<16xf32>
      %broadcast_in_dim3A_500 = vector.broadcast %reduce_sum3A_499 : f32 to vector<16xf32>
      %select_n3A_501 = arith.select %eq3A_495, %broadcast_in_dim3A_500, %select_n3A_473 : vector<16xi1>, vector<16xf32>
      %mul3A_502 = arith.constant 16 : i32
      %mul3A_503 = arith.muli %scan3A_304, %mul3A_502 : i32
      %add3A_504 = arith.constant 7 : i32
      %add3A_505 = arith.addi %mul3A_503, %add3A_504 : i32
      %get3A_506 = arith.index_cast %add3A_505 : i32 to index
      %get3A_507 = arith.constant 0 : index
      %get3A_508 = tpu.vector_load %arg13[%get3A_506, %get3A_507] {strides = array<i32>} : memref<128x32xf32, #tpu.memory_space<vmem>>, vector<16xf32>,
      %get3A_509 = arith.index_cast %add3A_505 : i32 to index
      %get3A_510 = arith.constant 0 : index
      %get3A_511 = tpu.vector_load %arg14[%get3A_509, %get3A_510] {strides = array<i32>} : memref<128x32xf32, #tpu.memory_space<vmem>>, vector<16xf32>,
      %mul3A_512 = arith.mulf %get3A_508, %get3A_511 : vector<16xf32>
      %get3A_513 = arith.index_cast %add3A_505 : i32 to index
      %get3A_514 = arith.constant 16 : index
      %get3A_515 = tpu.vector_load %arg13[%get3A_513, %get3A_514] {strides = array<i32>} : memref<128x32xf32, #tpu.memory_space<vmem>>, vector<16xf32>,
      %get3A_516 = arith.index_cast %add3A_505 : i32 to index
      %get3A_517 = arith.constant 16 : index
      %get3A_518 = tpu.vector_load %arg14[%get3A_516, %get3A_517] {strides = array<i32>} : memref<128x32xf32, #tpu.memory_space<vmem>>, vector<16xf32>,
      %mul3A_519 = arith.mulf %get3A_515, %get3A_518 : vector<16xf32>
      %add3A_520 = arith.addf %mul3A_512, %mul3A_519 : vector<16xf32>
      %eq3A_521 = arith.constant 7 : i32
      %eq3A_522 = vector.broadcast %eq3A_521 : i32 to vector<16xi32>
      %eq3A_523 = arith.cmpi eq, %iota3A, %eq3A_522 : vector<16xi32>
      %reduce_sum3A_524 = arith.constant true
      %reduce_sum3A_525 = vector.broadcast %reduce_sum3A_524 : i1 to vector<16xi1>
      %reduce_sum3A_526 = tpu.scan <sum>, %add3A_520 masked %reduce_sum3A_525 : vector<16xf32>, vector<16xi1> -> vector<16xf32>
      %reduce_sum3A_527 = vector.extract %reduce_sum3A_526[15] : f32 from vector<16xf32>
      %broadcast_in_dim3A_528 = vector.broadcast %reduce_sum3A_527 : f32 to vector<16xf32>
      %select_n3A_529 = arith.select %eq3A_523, %broadcast_in_dim3A_528, %select_n3A_501 : vector<16xi1>, vector<16xf32>
      %mul3A_530 = arith.constant 16 : i32
      %mul3A_531 = arith.muli %scan3A_304, %mul3A_530 : i32
      %add3A_532 = arith.constant 8 : i32
      %add3A_533 = arith.addi %mul3A_531, %add3A_532 : i32
      %get3A_534 = arith.index_cast %add3A_533 : i32 to index
      %get3A_535 = arith.constant 0 : index
      %get3A_536 = tpu.vector_load %arg13[%get3A_534, %get3A_535] {strides = array<i32>} : memref<128x32xf32, #tpu.memory_space<vmem>>, vector<16xf32>,
      %get3A_537 = arith.index_cast %add3A_533 : i32 to index
      %get3A_538 = arith.constant 0 : index
      %get3A_539 = tpu.vector_load %arg14[%get3A_537, %get3A_538] {strides = array<i32>} : memref<128x32xf32, #tpu.memory_space<vmem>>, vector<16xf32>,
      %mul3A_540 = arith.mulf %get3A_536, %get3A_539 : vector<16xf32>
      %get3A_541 = arith.index_cast %add3A_533 : i32 to index
      %get3A_542 = arith.constant 16 : index
      %get3A_543 = tpu.vector_load %arg13[%get3A_541, %get3A_542] {strides = array<i32>} : memref<128x32xf32, #tpu.memory_space<vmem>>, vector<16xf32>,
      %get3A_544 = arith.index_cast %add3A_533 : i32 to index
      %get3A_545 = arith.constant 16 : index
      %get3A_546 = tpu.vector_load %arg14[%get3A_544, %get3A_545] {strides = array<i32>} : memref<128x32xf32, #tpu.memory_space<vmem>>, vector<16xf32>,
      %mul3A_547 = arith.mulf %get3A_543, %get3A_546 : vector<16xf32>
      %add3A_548 = arith.addf %mul3A_540, %mul3A_547 : vector<16xf32>
      %eq3A_549 = arith.constant 8 : i32
      %eq3A_550 = vector.broadcast %eq3A_549 : i32 to vector<16xi32>
      %eq3A_551 = arith.cmpi eq, %iota3A, %eq3A_550 : vector<16xi32>
      %reduce_sum3A_552 = arith.constant true
      %reduce_sum3A_553 = vector.broadcast %reduce_sum3A_552 : i1 to vector<16xi1>
      %reduce_sum3A_554 = tpu.scan <sum>, %add3A_548 masked %reduce_sum3A_553 : vector<16xf32>, vector<16xi1> -> vector<16xf32>
      %reduce_sum3A_555 = vector.extract %reduce_sum3A_554[15] : f32 from vector<16xf32>
      %broadcast_in_dim3A_556 = vector.broadcast %reduce_sum3A_555 : f32 to vector<16xf32>
      %select_n3A_557 = arith.select %eq3A_551, %broadcast_in_dim3A_556, %select_n3A_529 : vector<16xi1>, vector<16xf32>
      %mul3A_558 = arith.constant 16 : i32
      %mul3A_559 = arith.muli %scan3A_304, %mul3A_558 : i32
      %add3A_560 = arith.constant 9 : i32
      %add3A_561 = arith.addi %mul3A_559, %add3A_560 : i32
      %get3A_562 = arith.index_cast %add3A_561 : i32 to index
      %get3A_563 = arith.constant 0 : index
      %get3A_564 = tpu.vector_load %arg13[%get3A_562, %get3A_563] {strides = array<i32>} : memref<128x32xf32, #tpu.memory_space<vmem>>, vector<16xf32>,
      %get3A_565 = arith.index_cast %add3A_561 : i32 to index
      %get3A_566 = arith.constant 0 : index
      %get3A_567 = tpu.vector_load %arg14[%get3A_565, %get3A_566] {strides = array<i32>} : memref<128x32xf32, #tpu.memory_space<vmem>>, vector<16xf32>,
      %mul3A_568 = arith.mulf %get3A_564, %get3A_567 : vector<16xf32>
      %get3A_569 = arith.index_cast %add3A_561 : i32 to index
      %get3A_570 = arith.constant 16 : index
      %get3A_571 = tpu.vector_load %arg13[%get3A_569, %get3A_570] {strides = array<i32>} : memref<128x32xf32, #tpu.memory_space<vmem>>, vector<16xf32>,
      %get3A_572 = arith.index_cast %add3A_561 : i32 to index
      %get3A_573 = arith.constant 16 : index
      %get3A_574 = tpu.vector_load %arg14[%get3A_572, %get3A_573] {strides = array<i32>} : memref<128x32xf32, #tpu.memory_space<vmem>>, vector<16xf32>,
      %mul3A_575 = arith.mulf %get3A_571, %get3A_574 : vector<16xf32>
      %add3A_576 = arith.addf %mul3A_568, %mul3A_575 : vector<16xf32>
      %eq3A_577 = arith.constant 9 : i32
      %eq3A_578 = vector.broadcast %eq3A_577 : i32 to vector<16xi32>
      %eq3A_579 = arith.cmpi eq, %iota3A, %eq3A_578 : vector<16xi32>
      %reduce_sum3A_580 = arith.constant true
      %reduce_sum3A_581 = vector.broadcast %reduce_sum3A_580 : i1 to vector<16xi1>
      %reduce_sum3A_582 = tpu.scan <sum>, %add3A_576 masked %reduce_sum3A_581 : vector<16xf32>, vector<16xi1> -> vector<16xf32>
      %reduce_sum3A_583 = vector.extract %reduce_sum3A_582[15] : f32 from vector<16xf32>
      %broadcast_in_dim3A_584 = vector.broadcast %reduce_sum3A_583 : f32 to vector<16xf32>
      %select_n3A_585 = arith.select %eq3A_579, %broadcast_in_dim3A_584, %select_n3A_557 : vector<16xi1>, vector<16xf32>
      %mul3A_586 = arith.constant 16 : i32
      %mul3A_587 = arith.muli %scan3A_304, %mul3A_586 : i32
      %add3A_588 = arith.constant 10 : i32
      %add3A_589 = arith.addi %mul3A_587, %add3A_588 : i32
      %get3A_590 = arith.index_cast %add3A_589 : i32 to index
      %get3A_591 = arith.constant 0 : index
      %get3A_592 = tpu.vector_load %arg13[%get3A_590, %get3A_591] {strides = array<i32>} : memref<128x32xf32, #tpu.memory_space<vmem>>, vector<16xf32>,
      %get3A_593 = arith.index_cast %add3A_589 : i32 to index
      %get3A_594 = arith.constant 0 : index
      %get3A_595 = tpu.vector_load %arg14[%get3A_593, %get3A_594] {strides = array<i32>} : memref<128x32xf32, #tpu.memory_space<vmem>>, vector<16xf32>,
      %mul3A_596 = arith.mulf %get3A_592, %get3A_595 : vector<16xf32>
      %get3A_597 = arith.index_cast %add3A_589 : i32 to index
      %get3A_598 = arith.constant 16 : index
      %get3A_599 = tpu.vector_load %arg13[%get3A_597, %get3A_598] {strides = array<i32>} : memref<128x32xf32, #tpu.memory_space<vmem>>, vector<16xf32>,
      %get3A_600 = arith.index_cast %add3A_589 : i32 to index
      %get3A_601 = arith.constant 16 : index
      %get3A_602 = tpu.vector_load %arg14[%get3A_600, %get3A_601] {strides = array<i32>} : memref<128x32xf32, #tpu.memory_space<vmem>>, vector<16xf32>,
      %mul3A_603 = arith.mulf %get3A_599, %get3A_602 : vector<16xf32>
      %add3A_604 = arith.addf %mul3A_596, %mul3A_603 : vector<16xf32>
      %eq3A_605 = arith.constant 10 : i32
      %eq3A_606 = vector.broadcast %eq3A_605 : i32 to vector<16xi32>
      %eq3A_607 = arith.cmpi eq, %iota3A, %eq3A_606 : vector<16xi32>
      %reduce_sum3A_608 = arith.constant true
      %reduce_sum3A_609 = vector.broadcast %reduce_sum3A_608 : i1 to vector<16xi1>
      %reduce_sum3A_610 = tpu.scan <sum>, %add3A_604 masked %reduce_sum3A_609 : vector<16xf32>, vector<16xi1> -> vector<16xf32>
      %reduce_sum3A_611 = vector.extract %reduce_sum3A_610[15] : f32 from vector<16xf32>
      %broadcast_in_dim3A_612 = vector.broadcast %reduce_sum3A_611 : f32 to vector<16xf32>
      %select_n3A_613 = arith.select %eq3A_607, %broadcast_in_dim3A_612, %select_n3A_585 : vector<16xi1>, vector<16xf32>
      %mul3A_614 = arith.constant 16 : i32
      %mul3A_615 = arith.muli %scan3A_304, %mul3A_614 : i32
      %add3A_616 = arith.constant 11 : i32
      %add3A_617 = arith.addi %mul3A_615, %add3A_616 : i32
      %get3A_618 = arith.index_cast %add3A_617 : i32 to index
      %get3A_619 = arith.constant 0 : index
      %get3A_620 = tpu.vector_load %arg13[%get3A_618, %get3A_619] {strides = array<i32>} : memref<128x32xf32, #tpu.memory_space<vmem>>, vector<16xf32>,
      %get3A_621 = arith.index_cast %add3A_617 : i32 to index
      %get3A_622 = arith.constant 0 : index
      %get3A_623 = tpu.vector_load %arg14[%get3A_621, %get3A_622] {strides = array<i32>} : memref<128x32xf32, #tpu.memory_space<vmem>>, vector<16xf32>,
      %mul3A_624 = arith.mulf %get3A_620, %get3A_623 : vector<16xf32>
      %get3A_625 = arith.index_cast %add3A_617 : i32 to index
      %get3A_626 = arith.constant 16 : index
      %get3A_627 = tpu.vector_load %arg13[%get3A_625, %get3A_626] {strides = array<i32>} : memref<128x32xf32, #tpu.memory_space<vmem>>, vector<16xf32>,
      %get3A_628 = arith.index_cast %add3A_617 : i32 to index
      %get3A_629 = arith.constant 16 : index
      %get3A_630 = tpu.vector_load %arg14[%get3A_628, %get3A_629] {strides = array<i32>} : memref<128x32xf32, #tpu.memory_space<vmem>>, vector<16xf32>,
      %mul3A_631 = arith.mulf %get3A_627, %get3A_630 : vector<16xf32>
      %add3A_632 = arith.addf %mul3A_624, %mul3A_631 : vector<16xf32>
      %eq3A_633 = arith.constant 11 : i32
      %eq3A_634 = vector.broadcast %eq3A_633 : i32 to vector<16xi32>
      %eq3A_635 = arith.cmpi eq, %iota3A, %eq3A_634 : vector<16xi32>
      %reduce_sum3A_636 = arith.constant true
      %reduce_sum3A_637 = vector.broadcast %reduce_sum3A_636 : i1 to vector<16xi1>
      %reduce_sum3A_638 = tpu.scan <sum>, %add3A_632 masked %reduce_sum3A_637 : vector<16xf32>, vector<16xi1> -> vector<16xf32>
      %reduce_sum3A_639 = vector.extract %reduce_sum3A_638[15] : f32 from vector<16xf32>
      %broadcast_in_dim3A_640 = vector.broadcast %reduce_sum3A_639 : f32 to vector<16xf32>
      %select_n3A_641 = arith.select %eq3A_635, %broadcast_in_dim3A_640, %select_n3A_613 : vector<16xi1>, vector<16xf32>
      %mul3A_642 = arith.constant 16 : i32
      %mul3A_643 = arith.muli %scan3A_304, %mul3A_642 : i32
      %add3A_644 = arith.constant 12 : i32
      %add3A_645 = arith.addi %mul3A_643, %add3A_644 : i32
      %get3A_646 = arith.index_cast %add3A_645 : i32 to index
      %get3A_647 = arith.constant 0 : index
      %get3A_648 = tpu.vector_load %arg13[%get3A_646, %get3A_647] {strides = array<i32>} : memref<128x32xf32, #tpu.memory_space<vmem>>, vector<16xf32>,
      %get3A_649 = arith.index_cast %add3A_645 : i32 to index
      %get3A_650 = arith.constant 0 : index
      %get3A_651 = tpu.vector_load %arg14[%get3A_649, %get3A_650] {strides = array<i32>} : memref<128x32xf32, #tpu.memory_space<vmem>>, vector<16xf32>,
      %mul3A_652 = arith.mulf %get3A_648, %get3A_651 : vector<16xf32>
      %get3A_653 = arith.index_cast %add3A_645 : i32 to index
      %get3A_654 = arith.constant 16 : index
      %get3A_655 = tpu.vector_load %arg13[%get3A_653, %get3A_654] {strides = array<i32>} : memref<128x32xf32, #tpu.memory_space<vmem>>, vector<16xf32>,
      %get3A_656 = arith.index_cast %add3A_645 : i32 to index
      %get3A_657 = arith.constant 16 : index
      %get3A_658 = tpu.vector_load %arg14[%get3A_656, %get3A_657] {strides = array<i32>} : memref<128x32xf32, #tpu.memory_space<vmem>>, vector<16xf32>,
      %mul3A_659 = arith.mulf %get3A_655, %get3A_658 : vector<16xf32>
      %add3A_660 = arith.addf %mul3A_652, %mul3A_659 : vector<16xf32>
      %eq3A_661 = arith.constant 12 : i32
      %eq3A_662 = vector.broadcast %eq3A_661 : i32 to vector<16xi32>
      %eq3A_663 = arith.cmpi eq, %iota3A, %eq3A_662 : vector<16xi32>
      %reduce_sum3A_664 = arith.constant true
      %reduce_sum3A_665 = vector.broadcast %reduce_sum3A_664 : i1 to vector<16xi1>
      %reduce_sum3A_666 = tpu.scan <sum>, %add3A_660 masked %reduce_sum3A_665 : vector<16xf32>, vector<16xi1> -> vector<16xf32>
      %reduce_sum3A_667 = vector.extract %reduce_sum3A_666[15] : f32 from vector<16xf32>
      %broadcast_in_dim3A_668 = vector.broadcast %reduce_sum3A_667 : f32 to vector<16xf32>
      %select_n3A_669 = arith.select %eq3A_663, %broadcast_in_dim3A_668, %select_n3A_641 : vector<16xi1>, vector<16xf32>
      %mul3A_670 = arith.constant 16 : i32
      %mul3A_671 = arith.muli %scan3A_304, %mul3A_670 : i32
      %add3A_672 = arith.constant 13 : i32
      %add3A_673 = arith.addi %mul3A_671, %add3A_672 : i32
      %get3A_674 = arith.index_cast %add3A_673 : i32 to index
      %get3A_675 = arith.constant 0 : index
      %get3A_676 = tpu.vector_load %arg13[%get3A_674, %get3A_675] {strides = array<i32>} : memref<128x32xf32, #tpu.memory_space<vmem>>, vector<16xf32>,
      %get3A_677 = arith.index_cast %add3A_673 : i32 to index
      %get3A_678 = arith.constant 0 : index
      %get3A_679 = tpu.vector_load %arg14[%get3A_677, %get3A_678] {strides = array<i32>} : memref<128x32xf32, #tpu.memory_space<vmem>>, vector<16xf32>,
      %mul3A_680 = arith.mulf %get3A_676, %get3A_679 : vector<16xf32>
      %get3A_681 = arith.index_cast %add3A_673 : i32 to index
      %get3A_682 = arith.constant 16 : index
      %get3A_683 = tpu.vector_load %arg13[%get3A_681, %get3A_682] {strides = array<i32>} : memref<128x32xf32, #tpu.memory_space<vmem>>, vector<16xf32>,
      %get3A_684 = arith.index_cast %add3A_673 : i32 to index
      %get3A_685 = arith.constant 16 : index
      %get3A_686 = tpu.vector_load %arg14[%get3A_684, %get3A_685] {strides = array<i32>} : memref<128x32xf32, #tpu.memory_space<vmem>>, vector<16xf32>,
      %mul3A_687 = arith.mulf %get3A_683, %get3A_686 : vector<16xf32>
      %add3A_688 = arith.addf %mul3A_680, %mul3A_687 : vector<16xf32>
      %eq3A_689 = arith.constant 13 : i32
      %eq3A_690 = vector.broadcast %eq3A_689 : i32 to vector<16xi32>
      %eq3A_691 = arith.cmpi eq, %iota3A, %eq3A_690 : vector<16xi32>
      %reduce_sum3A_692 = arith.constant true
      %reduce_sum3A_693 = vector.broadcast %reduce_sum3A_692 : i1 to vector<16xi1>
      %reduce_sum3A_694 = tpu.scan <sum>, %add3A_688 masked %reduce_sum3A_693 : vector<16xf32>, vector<16xi1> -> vector<16xf32>
      %reduce_sum3A_695 = vector.extract %reduce_sum3A_694[15] : f32 from vector<16xf32>
      %broadcast_in_dim3A_696 = vector.broadcast %reduce_sum3A_695 : f32 to vector<16xf32>
      %select_n3A_697 = arith.select %eq3A_691, %broadcast_in_dim3A_696, %select_n3A_669 : vector<16xi1>, vector<16xf32>
      %mul3A_698 = arith.constant 16 : i32
      %mul3A_699 = arith.muli %scan3A_304, %mul3A_698 : i32
      %add3A_700 = arith.constant 14 : i32
      %add3A_701 = arith.addi %mul3A_699, %add3A_700 : i32
      %get3A_702 = arith.index_cast %add3A_701 : i32 to index
      %get3A_703 = arith.constant 0 : index
      %get3A_704 = tpu.vector_load %arg13[%get3A_702, %get3A_703] {strides = array<i32>} : memref<128x32xf32, #tpu.memory_space<vmem>>, vector<16xf32>,
      %get3A_705 = arith.index_cast %add3A_701 : i32 to index
      %get3A_706 = arith.constant 0 : index
      %get3A_707 = tpu.vector_load %arg14[%get3A_705, %get3A_706] {strides = array<i32>} : memref<128x32xf32, #tpu.memory_space<vmem>>, vector<16xf32>,
      %mul3A_708 = arith.mulf %get3A_704, %get3A_707 : vector<16xf32>
      %get3A_709 = arith.index_cast %add3A_701 : i32 to index
      %get3A_710 = arith.constant 16 : index
      %get3A_711 = tpu.vector_load %arg13[%get3A_709, %get3A_710] {strides = array<i32>} : memref<128x32xf32, #tpu.memory_space<vmem>>, vector<16xf32>,
      %get3A_712 = arith.index_cast %add3A_701 : i32 to index
      %get3A_713 = arith.constant 16 : index
      %get3A_714 = tpu.vector_load %arg14[%get3A_712, %get3A_713] {strides = array<i32>} : memref<128x32xf32, #tpu.memory_space<vmem>>, vector<16xf32>,
      %mul3A_715 = arith.mulf %get3A_711, %get3A_714 : vector<16xf32>
      %add3A_716 = arith.addf %mul3A_708, %mul3A_715 : vector<16xf32>
      %eq3A_717 = arith.constant 14 : i32
      %eq3A_718 = vector.broadcast %eq3A_717 : i32 to vector<16xi32>
      %eq3A_719 = arith.cmpi eq, %iota3A, %eq3A_718 : vector<16xi32>
      %reduce_sum3A_720 = arith.constant true
      %reduce_sum3A_721 = vector.broadcast %reduce_sum3A_720 : i1 to vector<16xi1>
      %reduce_sum3A_722 = tpu.scan <sum>, %add3A_716 masked %reduce_sum3A_721 : vector<16xf32>, vector<16xi1> -> vector<16xf32>
      %reduce_sum3A_723 = vector.extract %reduce_sum3A_722[15] : f32 from vector<16xf32>
      %broadcast_in_dim3A_724 = vector.broadcast %reduce_sum3A_723 : f32 to vector<16xf32>
      %select_n3A_725 = arith.select %eq3A_719, %broadcast_in_dim3A_724, %select_n3A_697 : vector<16xi1>, vector<16xf32>
      %mul3A_726 = arith.constant 16 : i32
      %mul3A_727 = arith.muli %scan3A_304, %mul3A_726 : i32
      %add3A_728 = arith.constant 15 : i32
      %add3A_729 = arith.addi %mul3A_727, %add3A_728 : i32
      %get3A_730 = arith.index_cast %add3A_729 : i32 to index
      %get3A_731 = arith.constant 0 : index
      %get3A_732 = tpu.vector_load %arg13[%get3A_730, %get3A_731] {strides = array<i32>} : memref<128x32xf32, #tpu.memory_space<vmem>>, vector<16xf32>,
      %get3A_733 = arith.index_cast %add3A_729 : i32 to index
      %get3A_734 = arith.constant 0 : index
      %get3A_735 = tpu.vector_load %arg14[%get3A_733, %get3A_734] {strides = array<i32>} : memref<128x32xf32, #tpu.memory_space<vmem>>, vector<16xf32>,
      %mul3A_736 = arith.mulf %get3A_732, %get3A_735 : vector<16xf32>
      %get3A_737 = arith.index_cast %add3A_729 : i32 to index
      %get3A_738 = arith.constant 16 : index
      %get3A_739 = tpu.vector_load %arg13[%get3A_737, %get3A_738] {strides = array<i32>} : memref<128x32xf32, #tpu.memory_space<vmem>>, vector<16xf32>,
      %get3A_740 = arith.index_cast %add3A_729 : i32 to index
      %get3A_741 = arith.constant 16 : index
      %get3A_742 = tpu.vector_load %arg14[%get3A_740, %get3A_741] {strides = array<i32>} : memref<128x32xf32, #tpu.memory_space<vmem>>, vector<16xf32>,
      %mul3A_743 = arith.mulf %get3A_739, %get3A_742 : vector<16xf32>
      %add3A_744 = arith.addf %mul3A_736, %mul3A_743 : vector<16xf32>
      %eq3A_745 = arith.constant 15 : i32
      %eq3A_746 = vector.broadcast %eq3A_745 : i32 to vector<16xi32>
      %eq3A_747 = arith.cmpi eq, %iota3A, %eq3A_746 : vector<16xi32>
      %reduce_sum3A_748 = arith.constant true
      %reduce_sum3A_749 = vector.broadcast %reduce_sum3A_748 : i1 to vector<16xi1>
      %reduce_sum3A_750 = tpu.scan <sum>, %add3A_744 masked %reduce_sum3A_749 : vector<16xf32>, vector<16xi1> -> vector<16xf32>
      %reduce_sum3A_751 = vector.extract %reduce_sum3A_750[15] : f32 from vector<16xf32>
      %broadcast_in_dim3A_752 = vector.broadcast %reduce_sum3A_751 : f32 to vector<16xf32>
      %select_n3A_753 = arith.select %eq3A_747, %broadcast_in_dim3A_752, %select_n3A_725 : vector<16xi1>, vector<16xf32>
      %mul3A_754 = arith.constant 16 : i32
      %mul3A_755 = arith.muli %scan3A_304, %mul3A_754 : i32
      %add3A_756 = vector.broadcast %mul3A_755 : i32 to vector<16xi32>
      %add3A_757 = arith.addi %add3A_756, %iota3A : vector<16xi32>
      %get3A_758 = arith.constant 1 : i32
      %get3A_759 = arith.index_cast %get3A_758 : i32 to index
      %get3A_760 = arith.index_cast %mul3A_307 : i32 to index
      %get3A_761 = tpu.vector_load %arg9[%get3A_759, %get3A_760] {strides = array<i32>} : memref<4x128xi32, #tpu.memory_space<vmem>>, vector<16xi32>,
      %and3A = arith.andi %get3A_761, %broadcast_in_dim3A_53 : vector<16xi32>
      %gather3A = tpu.vector_load_idx %arg15[%add3A_757, %and3A] : memref<128x128xf32, #tpu.memory_space<vmem>>[vector<16xi32>, vector<16xi32>], vector<16xf32>,
      %get3A_762 = arith.constant 1 : i32
      %get3A_763 = arith.index_cast %get3A_762 : i32 to index
      %get3A_764 = arith.index_cast %mul3A_307 : i32 to index
      %get3A_765 = tpu.vector_load %arg10[%get3A_763, %get3A_764] {strides = array<i32>} : memref<4x128xi32, #tpu.memory_space<vmem>>, vector<16xi32>,
      %and3A_766 = arith.andi %get3A_765, %broadcast_in_dim3A_53 : vector<16xi32>
      %gather3A_767 = tpu.vector_load_idx %arg16[%add3A_757, %and3A_766] : memref<128x128xf32, #tpu.memory_space<vmem>>[vector<16xi32>, vector<16xi32>], vector<16xf32>,
      %add3A_768 = arith.addf %select_n3A_753, %gather3A : vector<16xf32>
      %add3A_769 = arith.addf %add3A_768, %gather3A_767 : vector<16xf32>
      %neg3A = arith.constant 0.000000e+00 : f32
      %neg3A_770 = vector.broadcast %neg3A : f32 to vector<16xf32>
      %neg3A_771 = arith.subf %neg3A_770, %add3A_769 : vector<16xf32>
      %exp3A = math.exp %neg3A_771 : vector<16xf32>
      %add3A_772 = arith.constant 1.000000e+00 : f32
      %add3A_773 = vector.broadcast %add3A_772 : f32 to vector<16xf32>
      %add3A_774 = arith.addf %add3A_773, %exp3A : vector<16xf32>
      %div3A = arith.constant 1.000000e+00 : f32
      %div3A_775 = vector.broadcast %div3A : f32 to vector<16xf32>
      %div3A_776 = arith.divf %div3A_775, %add3A_774 : vector<16xf32>
      %mul3A_777 = arith.constant 16 : i32
      %mul3A_778 = arith.muli %scan3A_304, %mul3A_777 : i32
      %add3A_779 = arith.constant 128 : i32
      %add3A_780 = arith.addi %add3A_779, %mul3A_778 : i32
      %swap3A = arith.index_cast %add3A_780 : i32 to index
      %swap3A_781 = tpu.vector_load %arg17[%swap3A] {strides = array<i32>} : memref<512xf32, #tpu.memory_space<vmem>>, vector<16xf32>,
      tpu.vector_store %arg17[%swap3A], %div3A_776 {strides = array<i32>} : memref<512xf32, #tpu.memory_space<vmem>>, vector<16xf32>,
      %scan3A_782 = arith.constant 0 : i32
      scf.yield %scan3A_782 : i32
    }
    %scan3A_177 = arith.constant 8 : i32
    %dma_start3A_178 = arith.constant 2 : i32
    %dma_start3A_179 = arith.constant 0 : i32
    %dma_start3A_180 = tpu.memref_slice %arg9[%dma_start3A_178, %dma_start3A_179] : memref<4x128xi32, #tpu.memory_space<vmem>> -> memref<1x128xi32, #tpu.memory_space<vmem>>
    %dma_start3A_181 = tpu.memref_squeeze %dma_start3A_180 : memref<1x128xi32, #tpu.memory_space<vmem>> -> memref<128xi32, #tpu.memory_space<vmem>>
    %dma_start3A_182 = arith.constant 0 : i32
    %dma_start3A_183 = arith.constant 0 : i32
    %dma_start3A_184 = tpu.memref_slice %arg4[%dma_start3A_182, %dma_start3A_183] : memref<1000000x32xf32, #tpu.memory_space<hbm>> -> memref<1000000x32xf32, #tpu.memory_space<hbm>>
    tpu.enqueue_indirect_dma source(%dma_start3A_184 : memref<1000000x32xf32, #tpu.memory_space<hbm>>) target(%arg13 : memref<128x32xf32, #tpu.memory_space<vmem>>) offsets(%dma_start3A_181 : memref<128xi32, #tpu.memory_space<vmem>>) semaphore(%arg18 : memref<!tpu.dma_semaphore, #tpu.memory_space<semaphore_mem>>)
    %dma_start3A_185 = arith.constant 2 : i32
    %dma_start3A_186 = arith.constant 0 : i32
    %dma_start3A_187 = tpu.memref_slice %arg10[%dma_start3A_185, %dma_start3A_186] : memref<4x128xi32, #tpu.memory_space<vmem>> -> memref<1x128xi32, #tpu.memory_space<vmem>>
    %dma_start3A_188 = tpu.memref_squeeze %dma_start3A_187 : memref<1x128xi32, #tpu.memory_space<vmem>> -> memref<128xi32, #tpu.memory_space<vmem>>
    %dma_start3A_189 = arith.constant 0 : i32
    %dma_start3A_190 = arith.constant 0 : i32
    %dma_start3A_191 = tpu.memref_slice %arg5[%dma_start3A_189, %dma_start3A_190] : memref<1000000x32xf32, #tpu.memory_space<hbm>> -> memref<1000000x32xf32, #tpu.memory_space<hbm>>
    tpu.enqueue_indirect_dma source(%dma_start3A_191 : memref<1000000x32xf32, #tpu.memory_space<hbm>>) target(%arg14 : memref<128x32xf32, #tpu.memory_space<vmem>>) offsets(%dma_start3A_188 : memref<128xi32, #tpu.memory_space<vmem>>) semaphore(%arg18 : memref<!tpu.dma_semaphore, #tpu.memory_space<semaphore_mem>>)
    %dma_start3A_192 = arith.constant 2 : i32
    %dma_start3A_193 = arith.constant 0 : i32
    %dma_start3A_194 = tpu.memref_slice %arg11[%dma_start3A_192, %dma_start3A_193] : memref<4x128xi32, #tpu.memory_space<vmem>> -> memref<1x128xi32, #tpu.memory_space<vmem>>
    %dma_start3A_195 = tpu.memref_squeeze %dma_start3A_194 : memref<1x128xi32, #tpu.memory_space<vmem>> -> memref<128xi32, #tpu.memory_space<vmem>>
    %dma_start3A_196 = arith.constant 0 : i32
    %dma_start3A_197 = arith.constant 0 : i32
    %dma_start3A_198 = tpu.memref_slice %arg6[%dma_start3A_196, %dma_start3A_197] : memref<8192x128xf32, #tpu.memory_space<hbm>> -> memref<8192x128xf32, #tpu.memory_space<hbm>>
    tpu.enqueue_indirect_dma source(%dma_start3A_198 : memref<8192x128xf32, #tpu.memory_space<hbm>>) target(%arg15 : memref<128x128xf32, #tpu.memory_space<vmem>>) offsets(%dma_start3A_195 : memref<128xi32, #tpu.memory_space<vmem>>) semaphore(%arg18 : memref<!tpu.dma_semaphore, #tpu.memory_space<semaphore_mem>>)
    %dma_start3A_199 = arith.constant 2 : i32
    %dma_start3A_200 = arith.constant 0 : i32
    %dma_start3A_201 = tpu.memref_slice %arg12[%dma_start3A_199, %dma_start3A_200] : memref<4x128xi32, #tpu.memory_space<vmem>> -> memref<1x128xi32, #tpu.memory_space<vmem>>
    %dma_start3A_202 = tpu.memref_squeeze %dma_start3A_201 : memref<1x128xi32, #tpu.memory_space<vmem>> -> memref<128xi32, #tpu.memory_space<vmem>>
    %dma_start3A_203 = arith.constant 0 : i32
    %dma_start3A_204 = arith.constant 0 : i32
    %dma_start3A_205 = tpu.memref_slice %arg7[%dma_start3A_203, %dma_start3A_204] : memref<8192x128xf32, #tpu.memory_space<hbm>> -> memref<8192x128xf32, #tpu.memory_space<hbm>>
    tpu.enqueue_indirect_dma source(%dma_start3A_205 : memref<8192x128xf32, #tpu.memory_space<hbm>>) target(%arg16 : memref<128x128xf32, #tpu.memory_space<vmem>>) offsets(%dma_start3A_202 : memref<128xi32, #tpu.memory_space<vmem>>) semaphore(%arg18 : memref<!tpu.dma_semaphore, #tpu.memory_space<semaphore_mem>>)
    %dma_wait3A_206 = arith.constant 2 : i32
    %dma_wait3A_207 = arith.constant 0 : i32
    %dma_wait3A_208 = tpu.memref_slice %arg9[%dma_wait3A_206, %dma_wait3A_207] : memref<4x128xi32, #tpu.memory_space<vmem>> -> memref<1x128xi32, #tpu.memory_space<vmem>>
    %dma_wait3A_209 = tpu.memref_squeeze %dma_wait3A_208 : memref<1x128xi32, #tpu.memory_space<vmem>> -> memref<128xi32, #tpu.memory_space<vmem>>
    %dma_wait3A_210 = arith.constant 0 : i32
    %dma_wait3A_211 = arith.constant 0 : i32
    %dma_wait3A_212 = tpu.memref_slice %arg4[%dma_wait3A_210, %dma_wait3A_211] : memref<1000000x32xf32, #tpu.memory_space<hbm>> -> memref<1000000x32xf32, #tpu.memory_space<hbm>>
    tpu.wait_indirect_dma semaphore(%arg18 : memref<!tpu.dma_semaphore, #tpu.memory_space<semaphore_mem>>) src(%dma_wait3A_212 : memref<1000000x32xf32, #tpu.memory_space<hbm>>) dst(%arg13 : memref<128x32xf32, #tpu.memory_space<vmem>>)
    %dma_wait3A_213 = arith.constant 2 : i32
    %dma_wait3A_214 = arith.constant 0 : i32
    %dma_wait3A_215 = tpu.memref_slice %arg10[%dma_wait3A_213, %dma_wait3A_214] : memref<4x128xi32, #tpu.memory_space<vmem>> -> memref<1x128xi32, #tpu.memory_space<vmem>>
    %dma_wait3A_216 = tpu.memref_squeeze %dma_wait3A_215 : memref<1x128xi32, #tpu.memory_space<vmem>> -> memref<128xi32, #tpu.memory_space<vmem>>
    %dma_wait3A_217 = arith.constant 0 : i32
    %dma_wait3A_218 = arith.constant 0 : i32
    %dma_wait3A_219 = tpu.memref_slice %arg5[%dma_wait3A_217, %dma_wait3A_218] : memref<1000000x32xf32, #tpu.memory_space<hbm>> -> memref<1000000x32xf32, #tpu.memory_space<hbm>>
    tpu.wait_indirect_dma semaphore(%arg18 : memref<!tpu.dma_semaphore, #tpu.memory_space<semaphore_mem>>) src(%dma_wait3A_219 : memref<1000000x32xf32, #tpu.memory_space<hbm>>) dst(%arg14 : memref<128x32xf32, #tpu.memory_space<vmem>>)
    %dma_wait3A_220 = arith.constant 2 : i32
    %dma_wait3A_221 = arith.constant 0 : i32
    %dma_wait3A_222 = tpu.memref_slice %arg11[%dma_wait3A_220, %dma_wait3A_221] : memref<4x128xi32, #tpu.memory_space<vmem>> -> memref<1x128xi32, #tpu.memory_space<vmem>>
    %dma_wait3A_223 = tpu.memref_squeeze %dma_wait3A_222 : memref<1x128xi32, #tpu.memory_space<vmem>> -> memref<128xi32, #tpu.memory_space<vmem>>
    %dma_wait3A_224 = arith.constant 0 : i32
    %dma_wait3A_225 = arith.constant 0 : i32
    %dma_wait3A_226 = tpu.memref_slice %arg6[%dma_wait3A_224, %dma_wait3A_225] : memref<8192x128xf32, #tpu.memory_space<hbm>> -> memref<8192x128xf32, #tpu.memory_space<hbm>>
    tpu.wait_indirect_dma semaphore(%arg18 : memref<!tpu.dma_semaphore, #tpu.memory_space<semaphore_mem>>) src(%dma_wait3A_226 : memref<8192x128xf32, #tpu.memory_space<hbm>>) dst(%arg15 : memref<128x128xf32, #tpu.memory_space<vmem>>)
    %dma_wait3A_227 = arith.constant 2 : i32
    %dma_wait3A_228 = arith.constant 0 : i32
    %dma_wait3A_229 = tpu.memref_slice %arg12[%dma_wait3A_227, %dma_wait3A_228] : memref<4x128xi32, #tpu.memory_space<vmem>> -> memref<1x128xi32, #tpu.memory_space<vmem>>
    %dma_wait3A_230 = tpu.memref_squeeze %dma_wait3A_229 : memref<1x128xi32, #tpu.memory_space<vmem>> -> memref<128xi32, #tpu.memory_space<vmem>>
    %dma_wait3A_231 = arith.constant 0 : i32
    %dma_wait3A_232 = arith.constant 0 : i32
    %dma_wait3A_233 = tpu.memref_slice %arg7[%dma_wait3A_231, %dma_wait3A_232] : memref<8192x128xf32, #tpu.memory_space<hbm>> -> memref<8192x128xf32, #tpu.memory_space<hbm>>
    tpu.wait_indirect_dma semaphore(%arg18 : memref<!tpu.dma_semaphore, #tpu.memory_space<semaphore_mem>>) src(%dma_wait3A_233 : memref<8192x128xf32, #tpu.memory_space<hbm>>) dst(%arg16 : memref<128x128xf32, #tpu.memory_space<vmem>>)
    %scan3A_234 = arith.constant 0 : i32
    %scan3A_235 = arith.constant 0 : i32
    %scan3A_236 = arith.constant 8 : i32
    %scan3A_237 = arith.addi %scan3A_235, %scan3A_236 : i32
    %scan3A_238 = arith.constant 1 : i32
    %scan3A_239 = scf.for %scan3A_304 = %scan3A_235 to %scan3A_237 step %scan3A_238 iter_args(%scan3A_305 = %scan3A_234) -> (i32)  : i32 {
      %mul3A_306 = arith.constant 16 : i32
      %mul3A_307 = arith.muli %scan3A_304, %mul3A_306 : i32
      %broadcast_in_dim3A_308 = arith.constant 0.000000e+00 : f32
      %broadcast_in_dim3A_309 = vector.broadcast %broadcast_in_dim3A_308 : f32 to vector<16xf32>
      %mul3A_310 = arith.constant 16 : i32
      %mul3A_311 = arith.muli %scan3A_304, %mul3A_310 : i32
      %add3A_312 = arith.constant 0 : i32
      %add3A_313 = arith.addi %mul3A_311, %add3A_312 : i32
      %get3A = arith.index_cast %add3A_313 : i32 to index
      %get3A_314 = arith.constant 0 : index
      %get3A_315 = tpu.vector_load %arg13[%get3A, %get3A_314] {strides = array<i32>} : memref<128x32xf32, #tpu.memory_space<vmem>>, vector<16xf32>,
      %get3A_316 = arith.index_cast %add3A_313 : i32 to index
      %get3A_317 = arith.constant 0 : index
      %get3A_318 = tpu.vector_load %arg14[%get3A_316, %get3A_317] {strides = array<i32>} : memref<128x32xf32, #tpu.memory_space<vmem>>, vector<16xf32>,
      %mul3A_319 = arith.mulf %get3A_315, %get3A_318 : vector<16xf32>
      %get3A_320 = arith.index_cast %add3A_313 : i32 to index
      %get3A_321 = arith.constant 16 : index
      %get3A_322 = tpu.vector_load %arg13[%get3A_320, %get3A_321] {strides = array<i32>} : memref<128x32xf32, #tpu.memory_space<vmem>>, vector<16xf32>,
      %get3A_323 = arith.index_cast %add3A_313 : i32 to index
      %get3A_324 = arith.constant 16 : index
      %get3A_325 = tpu.vector_load %arg14[%get3A_323, %get3A_324] {strides = array<i32>} : memref<128x32xf32, #tpu.memory_space<vmem>>, vector<16xf32>,
      %mul3A_326 = arith.mulf %get3A_322, %get3A_325 : vector<16xf32>
      %add3A_327 = arith.addf %mul3A_319, %mul3A_326 : vector<16xf32>
      %eq3A = arith.constant 0 : i32
      %eq3A_328 = vector.broadcast %eq3A : i32 to vector<16xi32>
      %eq3A_329 = arith.cmpi eq, %iota3A, %eq3A_328 : vector<16xi32>
      %reduce_sum3A = arith.constant true
      %reduce_sum3A_330 = vector.broadcast %reduce_sum3A : i1 to vector<16xi1>
      %reduce_sum3A_331 = tpu.scan <sum>, %add3A_327 masked %reduce_sum3A_330 : vector<16xf32>, vector<16xi1> -> vector<16xf32>
      %reduce_sum3A_332 = vector.extract %reduce_sum3A_331[15] : f32 from vector<16xf32>
      %broadcast_in_dim3A_333 = vector.broadcast %reduce_sum3A_332 : f32 to vector<16xf32>
      %select_n3A = arith.select %eq3A_329, %broadcast_in_dim3A_333, %broadcast_in_dim3A_309 : vector<16xi1>, vector<16xf32>
      %mul3A_334 = arith.constant 16 : i32
      %mul3A_335 = arith.muli %scan3A_304, %mul3A_334 : i32
      %add3A_336 = arith.constant 1 : i32
      %add3A_337 = arith.addi %mul3A_335, %add3A_336 : i32
      %get3A_338 = arith.index_cast %add3A_337 : i32 to index
      %get3A_339 = arith.constant 0 : index
      %get3A_340 = tpu.vector_load %arg13[%get3A_338, %get3A_339] {strides = array<i32>} : memref<128x32xf32, #tpu.memory_space<vmem>>, vector<16xf32>,
      %get3A_341 = arith.index_cast %add3A_337 : i32 to index
      %get3A_342 = arith.constant 0 : index
      %get3A_343 = tpu.vector_load %arg14[%get3A_341, %get3A_342] {strides = array<i32>} : memref<128x32xf32, #tpu.memory_space<vmem>>, vector<16xf32>,
      %mul3A_344 = arith.mulf %get3A_340, %get3A_343 : vector<16xf32>
      %get3A_345 = arith.index_cast %add3A_337 : i32 to index
      %get3A_346 = arith.constant 16 : index
      %get3A_347 = tpu.vector_load %arg13[%get3A_345, %get3A_346] {strides = array<i32>} : memref<128x32xf32, #tpu.memory_space<vmem>>, vector<16xf32>,
      %get3A_348 = arith.index_cast %add3A_337 : i32 to index
      %get3A_349 = arith.constant 16 : index
      %get3A_350 = tpu.vector_load %arg14[%get3A_348, %get3A_349] {strides = array<i32>} : memref<128x32xf32, #tpu.memory_space<vmem>>, vector<16xf32>,
      %mul3A_351 = arith.mulf %get3A_347, %get3A_350 : vector<16xf32>
      %add3A_352 = arith.addf %mul3A_344, %mul3A_351 : vector<16xf32>
      %eq3A_353 = arith.constant 1 : i32
      %eq3A_354 = vector.broadcast %eq3A_353 : i32 to vector<16xi32>
      %eq3A_355 = arith.cmpi eq, %iota3A, %eq3A_354 : vector<16xi32>
      %reduce_sum3A_356 = arith.constant true
      %reduce_sum3A_357 = vector.broadcast %reduce_sum3A_356 : i1 to vector<16xi1>
      %reduce_sum3A_358 = tpu.scan <sum>, %add3A_352 masked %reduce_sum3A_357 : vector<16xf32>, vector<16xi1> -> vector<16xf32>
      %reduce_sum3A_359 = vector.extract %reduce_sum3A_358[15] : f32 from vector<16xf32>
      %broadcast_in_dim3A_360 = vector.broadcast %reduce_sum3A_359 : f32 to vector<16xf32>
      %select_n3A_361 = arith.select %eq3A_355, %broadcast_in_dim3A_360, %select_n3A : vector<16xi1>, vector<16xf32>
      %mul3A_362 = arith.constant 16 : i32
      %mul3A_363 = arith.muli %scan3A_304, %mul3A_362 : i32
      %add3A_364 = arith.constant 2 : i32
      %add3A_365 = arith.addi %mul3A_363, %add3A_364 : i32
      %get3A_366 = arith.index_cast %add3A_365 : i32 to index
      %get3A_367 = arith.constant 0 : index
      %get3A_368 = tpu.vector_load %arg13[%get3A_366, %get3A_367] {strides = array<i32>} : memref<128x32xf32, #tpu.memory_space<vmem>>, vector<16xf32>,
      %get3A_369 = arith.index_cast %add3A_365 : i32 to index
      %get3A_370 = arith.constant 0 : index
      %get3A_371 = tpu.vector_load %arg14[%get3A_369, %get3A_370] {strides = array<i32>} : memref<128x32xf32, #tpu.memory_space<vmem>>, vector<16xf32>,
      %mul3A_372 = arith.mulf %get3A_368, %get3A_371 : vector<16xf32>
      %get3A_373 = arith.index_cast %add3A_365 : i32 to index
      %get3A_374 = arith.constant 16 : index
      %get3A_375 = tpu.vector_load %arg13[%get3A_373, %get3A_374] {strides = array<i32>} : memref<128x32xf32, #tpu.memory_space<vmem>>, vector<16xf32>,
      %get3A_376 = arith.index_cast %add3A_365 : i32 to index
      %get3A_377 = arith.constant 16 : index
      %get3A_378 = tpu.vector_load %arg14[%get3A_376, %get3A_377] {strides = array<i32>} : memref<128x32xf32, #tpu.memory_space<vmem>>, vector<16xf32>,
      %mul3A_379 = arith.mulf %get3A_375, %get3A_378 : vector<16xf32>
      %add3A_380 = arith.addf %mul3A_372, %mul3A_379 : vector<16xf32>
      %eq3A_381 = arith.constant 2 : i32
      %eq3A_382 = vector.broadcast %eq3A_381 : i32 to vector<16xi32>
      %eq3A_383 = arith.cmpi eq, %iota3A, %eq3A_382 : vector<16xi32>
      %reduce_sum3A_384 = arith.constant true
      %reduce_sum3A_385 = vector.broadcast %reduce_sum3A_384 : i1 to vector<16xi1>
      %reduce_sum3A_386 = tpu.scan <sum>, %add3A_380 masked %reduce_sum3A_385 : vector<16xf32>, vector<16xi1> -> vector<16xf32>
      %reduce_sum3A_387 = vector.extract %reduce_sum3A_386[15] : f32 from vector<16xf32>
      %broadcast_in_dim3A_388 = vector.broadcast %reduce_sum3A_387 : f32 to vector<16xf32>
      %select_n3A_389 = arith.select %eq3A_383, %broadcast_in_dim3A_388, %select_n3A_361 : vector<16xi1>, vector<16xf32>
      %mul3A_390 = arith.constant 16 : i32
      %mul3A_391 = arith.muli %scan3A_304, %mul3A_390 : i32
      %add3A_392 = arith.constant 3 : i32
      %add3A_393 = arith.addi %mul3A_391, %add3A_392 : i32
      %get3A_394 = arith.index_cast %add3A_393 : i32 to index
      %get3A_395 = arith.constant 0 : index
      %get3A_396 = tpu.vector_load %arg13[%get3A_394, %get3A_395] {strides = array<i32>} : memref<128x32xf32, #tpu.memory_space<vmem>>, vector<16xf32>,
      %get3A_397 = arith.index_cast %add3A_393 : i32 to index
      %get3A_398 = arith.constant 0 : index
      %get3A_399 = tpu.vector_load %arg14[%get3A_397, %get3A_398] {strides = array<i32>} : memref<128x32xf32, #tpu.memory_space<vmem>>, vector<16xf32>,
      %mul3A_400 = arith.mulf %get3A_396, %get3A_399 : vector<16xf32>
      %get3A_401 = arith.index_cast %add3A_393 : i32 to index
      %get3A_402 = arith.constant 16 : index
      %get3A_403 = tpu.vector_load %arg13[%get3A_401, %get3A_402] {strides = array<i32>} : memref<128x32xf32, #tpu.memory_space<vmem>>, vector<16xf32>,
      %get3A_404 = arith.index_cast %add3A_393 : i32 to index
      %get3A_405 = arith.constant 16 : index
      %get3A_406 = tpu.vector_load %arg14[%get3A_404, %get3A_405] {strides = array<i32>} : memref<128x32xf32, #tpu.memory_space<vmem>>, vector<16xf32>,
      %mul3A_407 = arith.mulf %get3A_403, %get3A_406 : vector<16xf32>
      %add3A_408 = arith.addf %mul3A_400, %mul3A_407 : vector<16xf32>
      %eq3A_409 = arith.constant 3 : i32
      %eq3A_410 = vector.broadcast %eq3A_409 : i32 to vector<16xi32>
      %eq3A_411 = arith.cmpi eq, %iota3A, %eq3A_410 : vector<16xi32>
      %reduce_sum3A_412 = arith.constant true
      %reduce_sum3A_413 = vector.broadcast %reduce_sum3A_412 : i1 to vector<16xi1>
      %reduce_sum3A_414 = tpu.scan <sum>, %add3A_408 masked %reduce_sum3A_413 : vector<16xf32>, vector<16xi1> -> vector<16xf32>
      %reduce_sum3A_415 = vector.extract %reduce_sum3A_414[15] : f32 from vector<16xf32>
      %broadcast_in_dim3A_416 = vector.broadcast %reduce_sum3A_415 : f32 to vector<16xf32>
      %select_n3A_417 = arith.select %eq3A_411, %broadcast_in_dim3A_416, %select_n3A_389 : vector<16xi1>, vector<16xf32>
      %mul3A_418 = arith.constant 16 : i32
      %mul3A_419 = arith.muli %scan3A_304, %mul3A_418 : i32
      %add3A_420 = arith.constant 4 : i32
      %add3A_421 = arith.addi %mul3A_419, %add3A_420 : i32
      %get3A_422 = arith.index_cast %add3A_421 : i32 to index
      %get3A_423 = arith.constant 0 : index
      %get3A_424 = tpu.vector_load %arg13[%get3A_422, %get3A_423] {strides = array<i32>} : memref<128x32xf32, #tpu.memory_space<vmem>>, vector<16xf32>,
      %get3A_425 = arith.index_cast %add3A_421 : i32 to index
      %get3A_426 = arith.constant 0 : index
      %get3A_427 = tpu.vector_load %arg14[%get3A_425, %get3A_426] {strides = array<i32>} : memref<128x32xf32, #tpu.memory_space<vmem>>, vector<16xf32>,
      %mul3A_428 = arith.mulf %get3A_424, %get3A_427 : vector<16xf32>
      %get3A_429 = arith.index_cast %add3A_421 : i32 to index
      %get3A_430 = arith.constant 16 : index
      %get3A_431 = tpu.vector_load %arg13[%get3A_429, %get3A_430] {strides = array<i32>} : memref<128x32xf32, #tpu.memory_space<vmem>>, vector<16xf32>,
      %get3A_432 = arith.index_cast %add3A_421 : i32 to index
      %get3A_433 = arith.constant 16 : index
      %get3A_434 = tpu.vector_load %arg14[%get3A_432, %get3A_433] {strides = array<i32>} : memref<128x32xf32, #tpu.memory_space<vmem>>, vector<16xf32>,
      %mul3A_435 = arith.mulf %get3A_431, %get3A_434 : vector<16xf32>
      %add3A_436 = arith.addf %mul3A_428, %mul3A_435 : vector<16xf32>
      %eq3A_437 = arith.constant 4 : i32
      %eq3A_438 = vector.broadcast %eq3A_437 : i32 to vector<16xi32>
      %eq3A_439 = arith.cmpi eq, %iota3A, %eq3A_438 : vector<16xi32>
      %reduce_sum3A_440 = arith.constant true
      %reduce_sum3A_441 = vector.broadcast %reduce_sum3A_440 : i1 to vector<16xi1>
      %reduce_sum3A_442 = tpu.scan <sum>, %add3A_436 masked %reduce_sum3A_441 : vector<16xf32>, vector<16xi1> -> vector<16xf32>
      %reduce_sum3A_443 = vector.extract %reduce_sum3A_442[15] : f32 from vector<16xf32>
      %broadcast_in_dim3A_444 = vector.broadcast %reduce_sum3A_443 : f32 to vector<16xf32>
      %select_n3A_445 = arith.select %eq3A_439, %broadcast_in_dim3A_444, %select_n3A_417 : vector<16xi1>, vector<16xf32>
      %mul3A_446 = arith.constant 16 : i32
      %mul3A_447 = arith.muli %scan3A_304, %mul3A_446 : i32
      %add3A_448 = arith.constant 5 : i32
      %add3A_449 = arith.addi %mul3A_447, %add3A_448 : i32
      %get3A_450 = arith.index_cast %add3A_449 : i32 to index
      %get3A_451 = arith.constant 0 : index
      %get3A_452 = tpu.vector_load %arg13[%get3A_450, %get3A_451] {strides = array<i32>} : memref<128x32xf32, #tpu.memory_space<vmem>>, vector<16xf32>,
      %get3A_453 = arith.index_cast %add3A_449 : i32 to index
      %get3A_454 = arith.constant 0 : index
      %get3A_455 = tpu.vector_load %arg14[%get3A_453, %get3A_454] {strides = array<i32>} : memref<128x32xf32, #tpu.memory_space<vmem>>, vector<16xf32>,
      %mul3A_456 = arith.mulf %get3A_452, %get3A_455 : vector<16xf32>
      %get3A_457 = arith.index_cast %add3A_449 : i32 to index
      %get3A_458 = arith.constant 16 : index
      %get3A_459 = tpu.vector_load %arg13[%get3A_457, %get3A_458] {strides = array<i32>} : memref<128x32xf32, #tpu.memory_space<vmem>>, vector<16xf32>,
      %get3A_460 = arith.index_cast %add3A_449 : i32 to index
      %get3A_461 = arith.constant 16 : index
      %get3A_462 = tpu.vector_load %arg14[%get3A_460, %get3A_461] {strides = array<i32>} : memref<128x32xf32, #tpu.memory_space<vmem>>, vector<16xf32>,
      %mul3A_463 = arith.mulf %get3A_459, %get3A_462 : vector<16xf32>
      %add3A_464 = arith.addf %mul3A_456, %mul3A_463 : vector<16xf32>
      %eq3A_465 = arith.constant 5 : i32
      %eq3A_466 = vector.broadcast %eq3A_465 : i32 to vector<16xi32>
      %eq3A_467 = arith.cmpi eq, %iota3A, %eq3A_466 : vector<16xi32>
      %reduce_sum3A_468 = arith.constant true
      %reduce_sum3A_469 = vector.broadcast %reduce_sum3A_468 : i1 to vector<16xi1>
      %reduce_sum3A_470 = tpu.scan <sum>, %add3A_464 masked %reduce_sum3A_469 : vector<16xf32>, vector<16xi1> -> vector<16xf32>
      %reduce_sum3A_471 = vector.extract %reduce_sum3A_470[15] : f32 from vector<16xf32>
      %broadcast_in_dim3A_472 = vector.broadcast %reduce_sum3A_471 : f32 to vector<16xf32>
      %select_n3A_473 = arith.select %eq3A_467, %broadcast_in_dim3A_472, %select_n3A_445 : vector<16xi1>, vector<16xf32>
      %mul3A_474 = arith.constant 16 : i32
      %mul3A_475 = arith.muli %scan3A_304, %mul3A_474 : i32
      %add3A_476 = arith.constant 6 : i32
      %add3A_477 = arith.addi %mul3A_475, %add3A_476 : i32
      %get3A_478 = arith.index_cast %add3A_477 : i32 to index
      %get3A_479 = arith.constant 0 : index
      %get3A_480 = tpu.vector_load %arg13[%get3A_478, %get3A_479] {strides = array<i32>} : memref<128x32xf32, #tpu.memory_space<vmem>>, vector<16xf32>,
      %get3A_481 = arith.index_cast %add3A_477 : i32 to index
      %get3A_482 = arith.constant 0 : index
      %get3A_483 = tpu.vector_load %arg14[%get3A_481, %get3A_482] {strides = array<i32>} : memref<128x32xf32, #tpu.memory_space<vmem>>, vector<16xf32>,
      %mul3A_484 = arith.mulf %get3A_480, %get3A_483 : vector<16xf32>
      %get3A_485 = arith.index_cast %add3A_477 : i32 to index
      %get3A_486 = arith.constant 16 : index
      %get3A_487 = tpu.vector_load %arg13[%get3A_485, %get3A_486] {strides = array<i32>} : memref<128x32xf32, #tpu.memory_space<vmem>>, vector<16xf32>,
      %get3A_488 = arith.index_cast %add3A_477 : i32 to index
      %get3A_489 = arith.constant 16 : index
      %get3A_490 = tpu.vector_load %arg14[%get3A_488, %get3A_489] {strides = array<i32>} : memref<128x32xf32, #tpu.memory_space<vmem>>, vector<16xf32>,
      %mul3A_491 = arith.mulf %get3A_487, %get3A_490 : vector<16xf32>
      %add3A_492 = arith.addf %mul3A_484, %mul3A_491 : vector<16xf32>
      %eq3A_493 = arith.constant 6 : i32
      %eq3A_494 = vector.broadcast %eq3A_493 : i32 to vector<16xi32>
      %eq3A_495 = arith.cmpi eq, %iota3A, %eq3A_494 : vector<16xi32>
      %reduce_sum3A_496 = arith.constant true
      %reduce_sum3A_497 = vector.broadcast %reduce_sum3A_496 : i1 to vector<16xi1>
      %reduce_sum3A_498 = tpu.scan <sum>, %add3A_492 masked %reduce_sum3A_497 : vector<16xf32>, vector<16xi1> -> vector<16xf32>
      %reduce_sum3A_499 = vector.extract %reduce_sum3A_498[15] : f32 from vector<16xf32>
      %broadcast_in_dim3A_500 = vector.broadcast %reduce_sum3A_499 : f32 to vector<16xf32>
      %select_n3A_501 = arith.select %eq3A_495, %broadcast_in_dim3A_500, %select_n3A_473 : vector<16xi1>, vector<16xf32>
      %mul3A_502 = arith.constant 16 : i32
      %mul3A_503 = arith.muli %scan3A_304, %mul3A_502 : i32
      %add3A_504 = arith.constant 7 : i32
      %add3A_505 = arith.addi %mul3A_503, %add3A_504 : i32
      %get3A_506 = arith.index_cast %add3A_505 : i32 to index
      %get3A_507 = arith.constant 0 : index
      %get3A_508 = tpu.vector_load %arg13[%get3A_506, %get3A_507] {strides = array<i32>} : memref<128x32xf32, #tpu.memory_space<vmem>>, vector<16xf32>,
      %get3A_509 = arith.index_cast %add3A_505 : i32 to index
      %get3A_510 = arith.constant 0 : index
      %get3A_511 = tpu.vector_load %arg14[%get3A_509, %get3A_510] {strides = array<i32>} : memref<128x32xf32, #tpu.memory_space<vmem>>, vector<16xf32>,
      %mul3A_512 = arith.mulf %get3A_508, %get3A_511 : vector<16xf32>
      %get3A_513 = arith.index_cast %add3A_505 : i32 to index
      %get3A_514 = arith.constant 16 : index
      %get3A_515 = tpu.vector_load %arg13[%get3A_513, %get3A_514] {strides = array<i32>} : memref<128x32xf32, #tpu.memory_space<vmem>>, vector<16xf32>,
      %get3A_516 = arith.index_cast %add3A_505 : i32 to index
      %get3A_517 = arith.constant 16 : index
      %get3A_518 = tpu.vector_load %arg14[%get3A_516, %get3A_517] {strides = array<i32>} : memref<128x32xf32, #tpu.memory_space<vmem>>, vector<16xf32>,
      %mul3A_519 = arith.mulf %get3A_515, %get3A_518 : vector<16xf32>
      %add3A_520 = arith.addf %mul3A_512, %mul3A_519 : vector<16xf32>
      %eq3A_521 = arith.constant 7 : i32
      %eq3A_522 = vector.broadcast %eq3A_521 : i32 to vector<16xi32>
      %eq3A_523 = arith.cmpi eq, %iota3A, %eq3A_522 : vector<16xi32>
      %reduce_sum3A_524 = arith.constant true
      %reduce_sum3A_525 = vector.broadcast %reduce_sum3A_524 : i1 to vector<16xi1>
      %reduce_sum3A_526 = tpu.scan <sum>, %add3A_520 masked %reduce_sum3A_525 : vector<16xf32>, vector<16xi1> -> vector<16xf32>
      %reduce_sum3A_527 = vector.extract %reduce_sum3A_526[15] : f32 from vector<16xf32>
      %broadcast_in_dim3A_528 = vector.broadcast %reduce_sum3A_527 : f32 to vector<16xf32>
      %select_n3A_529 = arith.select %eq3A_523, %broadcast_in_dim3A_528, %select_n3A_501 : vector<16xi1>, vector<16xf32>
      %mul3A_530 = arith.constant 16 : i32
      %mul3A_531 = arith.muli %scan3A_304, %mul3A_530 : i32
      %add3A_532 = arith.constant 8 : i32
      %add3A_533 = arith.addi %mul3A_531, %add3A_532 : i32
      %get3A_534 = arith.index_cast %add3A_533 : i32 to index
      %get3A_535 = arith.constant 0 : index
      %get3A_536 = tpu.vector_load %arg13[%get3A_534, %get3A_535] {strides = array<i32>} : memref<128x32xf32, #tpu.memory_space<vmem>>, vector<16xf32>,
      %get3A_537 = arith.index_cast %add3A_533 : i32 to index
      %get3A_538 = arith.constant 0 : index
      %get3A_539 = tpu.vector_load %arg14[%get3A_537, %get3A_538] {strides = array<i32>} : memref<128x32xf32, #tpu.memory_space<vmem>>, vector<16xf32>,
      %mul3A_540 = arith.mulf %get3A_536, %get3A_539 : vector<16xf32>
      %get3A_541 = arith.index_cast %add3A_533 : i32 to index
      %get3A_542 = arith.constant 16 : index
      %get3A_543 = tpu.vector_load %arg13[%get3A_541, %get3A_542] {strides = array<i32>} : memref<128x32xf32, #tpu.memory_space<vmem>>, vector<16xf32>,
      %get3A_544 = arith.index_cast %add3A_533 : i32 to index
      %get3A_545 = arith.constant 16 : index
      %get3A_546 = tpu.vector_load %arg14[%get3A_544, %get3A_545] {strides = array<i32>} : memref<128x32xf32, #tpu.memory_space<vmem>>, vector<16xf32>,
      %mul3A_547 = arith.mulf %get3A_543, %get3A_546 : vector<16xf32>
      %add3A_548 = arith.addf %mul3A_540, %mul3A_547 : vector<16xf32>
      %eq3A_549 = arith.constant 8 : i32
      %eq3A_550 = vector.broadcast %eq3A_549 : i32 to vector<16xi32>
      %eq3A_551 = arith.cmpi eq, %iota3A, %eq3A_550 : vector<16xi32>
      %reduce_sum3A_552 = arith.constant true
      %reduce_sum3A_553 = vector.broadcast %reduce_sum3A_552 : i1 to vector<16xi1>
      %reduce_sum3A_554 = tpu.scan <sum>, %add3A_548 masked %reduce_sum3A_553 : vector<16xf32>, vector<16xi1> -> vector<16xf32>
      %reduce_sum3A_555 = vector.extract %reduce_sum3A_554[15] : f32 from vector<16xf32>
      %broadcast_in_dim3A_556 = vector.broadcast %reduce_sum3A_555 : f32 to vector<16xf32>
      %select_n3A_557 = arith.select %eq3A_551, %broadcast_in_dim3A_556, %select_n3A_529 : vector<16xi1>, vector<16xf32>
      %mul3A_558 = arith.constant 16 : i32
      %mul3A_559 = arith.muli %scan3A_304, %mul3A_558 : i32
      %add3A_560 = arith.constant 9 : i32
      %add3A_561 = arith.addi %mul3A_559, %add3A_560 : i32
      %get3A_562 = arith.index_cast %add3A_561 : i32 to index
      %get3A_563 = arith.constant 0 : index
      %get3A_564 = tpu.vector_load %arg13[%get3A_562, %get3A_563] {strides = array<i32>} : memref<128x32xf32, #tpu.memory_space<vmem>>, vector<16xf32>,
      %get3A_565 = arith.index_cast %add3A_561 : i32 to index
      %get3A_566 = arith.constant 0 : index
      %get3A_567 = tpu.vector_load %arg14[%get3A_565, %get3A_566] {strides = array<i32>} : memref<128x32xf32, #tpu.memory_space<vmem>>, vector<16xf32>,
      %mul3A_568 = arith.mulf %get3A_564, %get3A_567 : vector<16xf32>
      %get3A_569 = arith.index_cast %add3A_561 : i32 to index
      %get3A_570 = arith.constant 16 : index
      %get3A_571 = tpu.vector_load %arg13[%get3A_569, %get3A_570] {strides = array<i32>} : memref<128x32xf32, #tpu.memory_space<vmem>>, vector<16xf32>,
      %get3A_572 = arith.index_cast %add3A_561 : i32 to index
      %get3A_573 = arith.constant 16 : index
      %get3A_574 = tpu.vector_load %arg14[%get3A_572, %get3A_573] {strides = array<i32>} : memref<128x32xf32, #tpu.memory_space<vmem>>, vector<16xf32>,
      %mul3A_575 = arith.mulf %get3A_571, %get3A_574 : vector<16xf32>
      %add3A_576 = arith.addf %mul3A_568, %mul3A_575 : vector<16xf32>
      %eq3A_577 = arith.constant 9 : i32
      %eq3A_578 = vector.broadcast %eq3A_577 : i32 to vector<16xi32>
      %eq3A_579 = arith.cmpi eq, %iota3A, %eq3A_578 : vector<16xi32>
      %reduce_sum3A_580 = arith.constant true
      %reduce_sum3A_581 = vector.broadcast %reduce_sum3A_580 : i1 to vector<16xi1>
      %reduce_sum3A_582 = tpu.scan <sum>, %add3A_576 masked %reduce_sum3A_581 : vector<16xf32>, vector<16xi1> -> vector<16xf32>
      %reduce_sum3A_583 = vector.extract %reduce_sum3A_582[15] : f32 from vector<16xf32>
      %broadcast_in_dim3A_584 = vector.broadcast %reduce_sum3A_583 : f32 to vector<16xf32>
      %select_n3A_585 = arith.select %eq3A_579, %broadcast_in_dim3A_584, %select_n3A_557 : vector<16xi1>, vector<16xf32>
      %mul3A_586 = arith.constant 16 : i32
      %mul3A_587 = arith.muli %scan3A_304, %mul3A_586 : i32
      %add3A_588 = arith.constant 10 : i32
      %add3A_589 = arith.addi %mul3A_587, %add3A_588 : i32
      %get3A_590 = arith.index_cast %add3A_589 : i32 to index
      %get3A_591 = arith.constant 0 : index
      %get3A_592 = tpu.vector_load %arg13[%get3A_590, %get3A_591] {strides = array<i32>} : memref<128x32xf32, #tpu.memory_space<vmem>>, vector<16xf32>,
      %get3A_593 = arith.index_cast %add3A_589 : i32 to index
      %get3A_594 = arith.constant 0 : index
      %get3A_595 = tpu.vector_load %arg14[%get3A_593, %get3A_594] {strides = array<i32>} : memref<128x32xf32, #tpu.memory_space<vmem>>, vector<16xf32>,
      %mul3A_596 = arith.mulf %get3A_592, %get3A_595 : vector<16xf32>
      %get3A_597 = arith.index_cast %add3A_589 : i32 to index
      %get3A_598 = arith.constant 16 : index
      %get3A_599 = tpu.vector_load %arg13[%get3A_597, %get3A_598] {strides = array<i32>} : memref<128x32xf32, #tpu.memory_space<vmem>>, vector<16xf32>,
      %get3A_600 = arith.index_cast %add3A_589 : i32 to index
      %get3A_601 = arith.constant 16 : index
      %get3A_602 = tpu.vector_load %arg14[%get3A_600, %get3A_601] {strides = array<i32>} : memref<128x32xf32, #tpu.memory_space<vmem>>, vector<16xf32>,
      %mul3A_603 = arith.mulf %get3A_599, %get3A_602 : vector<16xf32>
      %add3A_604 = arith.addf %mul3A_596, %mul3A_603 : vector<16xf32>
      %eq3A_605 = arith.constant 10 : i32
      %eq3A_606 = vector.broadcast %eq3A_605 : i32 to vector<16xi32>
      %eq3A_607 = arith.cmpi eq, %iota3A, %eq3A_606 : vector<16xi32>
      %reduce_sum3A_608 = arith.constant true
      %reduce_sum3A_609 = vector.broadcast %reduce_sum3A_608 : i1 to vector<16xi1>
      %reduce_sum3A_610 = tpu.scan <sum>, %add3A_604 masked %reduce_sum3A_609 : vector<16xf32>, vector<16xi1> -> vector<16xf32>
      %reduce_sum3A_611 = vector.extract %reduce_sum3A_610[15] : f32 from vector<16xf32>
      %broadcast_in_dim3A_612 = vector.broadcast %reduce_sum3A_611 : f32 to vector<16xf32>
      %select_n3A_613 = arith.select %eq3A_607, %broadcast_in_dim3A_612, %select_n3A_585 : vector<16xi1>, vector<16xf32>
      %mul3A_614 = arith.constant 16 : i32
      %mul3A_615 = arith.muli %scan3A_304, %mul3A_614 : i32
      %add3A_616 = arith.constant 11 : i32
      %add3A_617 = arith.addi %mul3A_615, %add3A_616 : i32
      %get3A_618 = arith.index_cast %add3A_617 : i32 to index
      %get3A_619 = arith.constant 0 : index
      %get3A_620 = tpu.vector_load %arg13[%get3A_618, %get3A_619] {strides = array<i32>} : memref<128x32xf32, #tpu.memory_space<vmem>>, vector<16xf32>,
      %get3A_621 = arith.index_cast %add3A_617 : i32 to index
      %get3A_622 = arith.constant 0 : index
      %get3A_623 = tpu.vector_load %arg14[%get3A_621, %get3A_622] {strides = array<i32>} : memref<128x32xf32, #tpu.memory_space<vmem>>, vector<16xf32>,
      %mul3A_624 = arith.mulf %get3A_620, %get3A_623 : vector<16xf32>
      %get3A_625 = arith.index_cast %add3A_617 : i32 to index
      %get3A_626 = arith.constant 16 : index
      %get3A_627 = tpu.vector_load %arg13[%get3A_625, %get3A_626] {strides = array<i32>} : memref<128x32xf32, #tpu.memory_space<vmem>>, vector<16xf32>,
      %get3A_628 = arith.index_cast %add3A_617 : i32 to index
      %get3A_629 = arith.constant 16 : index
      %get3A_630 = tpu.vector_load %arg14[%get3A_628, %get3A_629] {strides = array<i32>} : memref<128x32xf32, #tpu.memory_space<vmem>>, vector<16xf32>,
      %mul3A_631 = arith.mulf %get3A_627, %get3A_630 : vector<16xf32>
      %add3A_632 = arith.addf %mul3A_624, %mul3A_631 : vector<16xf32>
      %eq3A_633 = arith.constant 11 : i32
      %eq3A_634 = vector.broadcast %eq3A_633 : i32 to vector<16xi32>
      %eq3A_635 = arith.cmpi eq, %iota3A, %eq3A_634 : vector<16xi32>
      %reduce_sum3A_636 = arith.constant true
      %reduce_sum3A_637 = vector.broadcast %reduce_sum3A_636 : i1 to vector<16xi1>
      %reduce_sum3A_638 = tpu.scan <sum>, %add3A_632 masked %reduce_sum3A_637 : vector<16xf32>, vector<16xi1> -> vector<16xf32>
      %reduce_sum3A_639 = vector.extract %reduce_sum3A_638[15] : f32 from vector<16xf32>
      %broadcast_in_dim3A_640 = vector.broadcast %reduce_sum3A_639 : f32 to vector<16xf32>
      %select_n3A_641 = arith.select %eq3A_635, %broadcast_in_dim3A_640, %select_n3A_613 : vector<16xi1>, vector<16xf32>
      %mul3A_642 = arith.constant 16 : i32
      %mul3A_643 = arith.muli %scan3A_304, %mul3A_642 : i32
      %add3A_644 = arith.constant 12 : i32
      %add3A_645 = arith.addi %mul3A_643, %add3A_644 : i32
      %get3A_646 = arith.index_cast %add3A_645 : i32 to index
      %get3A_647 = arith.constant 0 : index
      %get3A_648 = tpu.vector_load %arg13[%get3A_646, %get3A_647] {strides = array<i32>} : memref<128x32xf32, #tpu.memory_space<vmem>>, vector<16xf32>,
      %get3A_649 = arith.index_cast %add3A_645 : i32 to index
      %get3A_650 = arith.constant 0 : index
      %get3A_651 = tpu.vector_load %arg14[%get3A_649, %get3A_650] {strides = array<i32>} : memref<128x32xf32, #tpu.memory_space<vmem>>, vector<16xf32>,
      %mul3A_652 = arith.mulf %get3A_648, %get3A_651 : vector<16xf32>
      %get3A_653 = arith.index_cast %add3A_645 : i32 to index
      %get3A_654 = arith.constant 16 : index
      %get3A_655 = tpu.vector_load %arg13[%get3A_653, %get3A_654] {strides = array<i32>} : memref<128x32xf32, #tpu.memory_space<vmem>>, vector<16xf32>,
      %get3A_656 = arith.index_cast %add3A_645 : i32 to index
      %get3A_657 = arith.constant 16 : index
      %get3A_658 = tpu.vector_load %arg14[%get3A_656, %get3A_657] {strides = array<i32>} : memref<128x32xf32, #tpu.memory_space<vmem>>, vector<16xf32>,
      %mul3A_659 = arith.mulf %get3A_655, %get3A_658 : vector<16xf32>
      %add3A_660 = arith.addf %mul3A_652, %mul3A_659 : vector<16xf32>
      %eq3A_661 = arith.constant 12 : i32
      %eq3A_662 = vector.broadcast %eq3A_661 : i32 to vector<16xi32>
      %eq3A_663 = arith.cmpi eq, %iota3A, %eq3A_662 : vector<16xi32>
      %reduce_sum3A_664 = arith.constant true
      %reduce_sum3A_665 = vector.broadcast %reduce_sum3A_664 : i1 to vector<16xi1>
      %reduce_sum3A_666 = tpu.scan <sum>, %add3A_660 masked %reduce_sum3A_665 : vector<16xf32>, vector<16xi1> -> vector<16xf32>
      %reduce_sum3A_667 = vector.extract %reduce_sum3A_666[15] : f32 from vector<16xf32>
      %broadcast_in_dim3A_668 = vector.broadcast %reduce_sum3A_667 : f32 to vector<16xf32>
      %select_n3A_669 = arith.select %eq3A_663, %broadcast_in_dim3A_668, %select_n3A_641 : vector<16xi1>, vector<16xf32>
      %mul3A_670 = arith.constant 16 : i32
      %mul3A_671 = arith.muli %scan3A_304, %mul3A_670 : i32
      %add3A_672 = arith.constant 13 : i32
      %add3A_673 = arith.addi %mul3A_671, %add3A_672 : i32
      %get3A_674 = arith.index_cast %add3A_673 : i32 to index
      %get3A_675 = arith.constant 0 : index
      %get3A_676 = tpu.vector_load %arg13[%get3A_674, %get3A_675] {strides = array<i32>} : memref<128x32xf32, #tpu.memory_space<vmem>>, vector<16xf32>,
      %get3A_677 = arith.index_cast %add3A_673 : i32 to index
      %get3A_678 = arith.constant 0 : index
      %get3A_679 = tpu.vector_load %arg14[%get3A_677, %get3A_678] {strides = array<i32>} : memref<128x32xf32, #tpu.memory_space<vmem>>, vector<16xf32>,
      %mul3A_680 = arith.mulf %get3A_676, %get3A_679 : vector<16xf32>
      %get3A_681 = arith.index_cast %add3A_673 : i32 to index
      %get3A_682 = arith.constant 16 : index
      %get3A_683 = tpu.vector_load %arg13[%get3A_681, %get3A_682] {strides = array<i32>} : memref<128x32xf32, #tpu.memory_space<vmem>>, vector<16xf32>,
      %get3A_684 = arith.index_cast %add3A_673 : i32 to index
      %get3A_685 = arith.constant 16 : index
      %get3A_686 = tpu.vector_load %arg14[%get3A_684, %get3A_685] {strides = array<i32>} : memref<128x32xf32, #tpu.memory_space<vmem>>, vector<16xf32>,
      %mul3A_687 = arith.mulf %get3A_683, %get3A_686 : vector<16xf32>
      %add3A_688 = arith.addf %mul3A_680, %mul3A_687 : vector<16xf32>
      %eq3A_689 = arith.constant 13 : i32
      %eq3A_690 = vector.broadcast %eq3A_689 : i32 to vector<16xi32>
      %eq3A_691 = arith.cmpi eq, %iota3A, %eq3A_690 : vector<16xi32>
      %reduce_sum3A_692 = arith.constant true
      %reduce_sum3A_693 = vector.broadcast %reduce_sum3A_692 : i1 to vector<16xi1>
      %reduce_sum3A_694 = tpu.scan <sum>, %add3A_688 masked %reduce_sum3A_693 : vector<16xf32>, vector<16xi1> -> vector<16xf32>
      %reduce_sum3A_695 = vector.extract %reduce_sum3A_694[15] : f32 from vector<16xf32>
      %broadcast_in_dim3A_696 = vector.broadcast %reduce_sum3A_695 : f32 to vector<16xf32>
      %select_n3A_697 = arith.select %eq3A_691, %broadcast_in_dim3A_696, %select_n3A_669 : vector<16xi1>, vector<16xf32>
      %mul3A_698 = arith.constant 16 : i32
      %mul3A_699 = arith.muli %scan3A_304, %mul3A_698 : i32
      %add3A_700 = arith.constant 14 : i32
      %add3A_701 = arith.addi %mul3A_699, %add3A_700 : i32
      %get3A_702 = arith.index_cast %add3A_701 : i32 to index
      %get3A_703 = arith.constant 0 : index
      %get3A_704 = tpu.vector_load %arg13[%get3A_702, %get3A_703] {strides = array<i32>} : memref<128x32xf32, #tpu.memory_space<vmem>>, vector<16xf32>,
      %get3A_705 = arith.index_cast %add3A_701 : i32 to index
      %get3A_706 = arith.constant 0 : index
      %get3A_707 = tpu.vector_load %arg14[%get3A_705, %get3A_706] {strides = array<i32>} : memref<128x32xf32, #tpu.memory_space<vmem>>, vector<16xf32>,
      %mul3A_708 = arith.mulf %get3A_704, %get3A_707 : vector<16xf32>
      %get3A_709 = arith.index_cast %add3A_701 : i32 to index
      %get3A_710 = arith.constant 16 : index
      %get3A_711 = tpu.vector_load %arg13[%get3A_709, %get3A_710] {strides = array<i32>} : memref<128x32xf32, #tpu.memory_space<vmem>>, vector<16xf32>,
      %get3A_712 = arith.index_cast %add3A_701 : i32 to index
      %get3A_713 = arith.constant 16 : index
      %get3A_714 = tpu.vector_load %arg14[%get3A_712, %get3A_713] {strides = array<i32>} : memref<128x32xf32, #tpu.memory_space<vmem>>, vector<16xf32>,
      %mul3A_715 = arith.mulf %get3A_711, %get3A_714 : vector<16xf32>
      %add3A_716 = arith.addf %mul3A_708, %mul3A_715 : vector<16xf32>
      %eq3A_717 = arith.constant 14 : i32
      %eq3A_718 = vector.broadcast %eq3A_717 : i32 to vector<16xi32>
      %eq3A_719 = arith.cmpi eq, %iota3A, %eq3A_718 : vector<16xi32>
      %reduce_sum3A_720 = arith.constant true
      %reduce_sum3A_721 = vector.broadcast %reduce_sum3A_720 : i1 to vector<16xi1>
      %reduce_sum3A_722 = tpu.scan <sum>, %add3A_716 masked %reduce_sum3A_721 : vector<16xf32>, vector<16xi1> -> vector<16xf32>
      %reduce_sum3A_723 = vector.extract %reduce_sum3A_722[15] : f32 from vector<16xf32>
      %broadcast_in_dim3A_724 = vector.broadcast %reduce_sum3A_723 : f32 to vector<16xf32>
      %select_n3A_725 = arith.select %eq3A_719, %broadcast_in_dim3A_724, %select_n3A_697 : vector<16xi1>, vector<16xf32>
      %mul3A_726 = arith.constant 16 : i32
      %mul3A_727 = arith.muli %scan3A_304, %mul3A_726 : i32
      %add3A_728 = arith.constant 15 : i32
      %add3A_729 = arith.addi %mul3A_727, %add3A_728 : i32
      %get3A_730 = arith.index_cast %add3A_729 : i32 to index
      %get3A_731 = arith.constant 0 : index
      %get3A_732 = tpu.vector_load %arg13[%get3A_730, %get3A_731] {strides = array<i32>} : memref<128x32xf32, #tpu.memory_space<vmem>>, vector<16xf32>,
      %get3A_733 = arith.index_cast %add3A_729 : i32 to index
      %get3A_734 = arith.constant 0 : index
      %get3A_735 = tpu.vector_load %arg14[%get3A_733, %get3A_734] {strides = array<i32>} : memref<128x32xf32, #tpu.memory_space<vmem>>, vector<16xf32>,
      %mul3A_736 = arith.mulf %get3A_732, %get3A_735 : vector<16xf32>
      %get3A_737 = arith.index_cast %add3A_729 : i32 to index
      %get3A_738 = arith.constant 16 : index
      %get3A_739 = tpu.vector_load %arg13[%get3A_737, %get3A_738] {strides = array<i32>} : memref<128x32xf32, #tpu.memory_space<vmem>>, vector<16xf32>,
      %get3A_740 = arith.index_cast %add3A_729 : i32 to index
      %get3A_741 = arith.constant 16 : index
      %get3A_742 = tpu.vector_load %arg14[%get3A_740, %get3A_741] {strides = array<i32>} : memref<128x32xf32, #tpu.memory_space<vmem>>, vector<16xf32>,
      %mul3A_743 = arith.mulf %get3A_739, %get3A_742 : vector<16xf32>
      %add3A_744 = arith.addf %mul3A_736, %mul3A_743 : vector<16xf32>
      %eq3A_745 = arith.constant 15 : i32
      %eq3A_746 = vector.broadcast %eq3A_745 : i32 to vector<16xi32>
      %eq3A_747 = arith.cmpi eq, %iota3A, %eq3A_746 : vector<16xi32>
      %reduce_sum3A_748 = arith.constant true
      %reduce_sum3A_749 = vector.broadcast %reduce_sum3A_748 : i1 to vector<16xi1>
      %reduce_sum3A_750 = tpu.scan <sum>, %add3A_744 masked %reduce_sum3A_749 : vector<16xf32>, vector<16xi1> -> vector<16xf32>
      %reduce_sum3A_751 = vector.extract %reduce_sum3A_750[15] : f32 from vector<16xf32>
      %broadcast_in_dim3A_752 = vector.broadcast %reduce_sum3A_751 : f32 to vector<16xf32>
      %select_n3A_753 = arith.select %eq3A_747, %broadcast_in_dim3A_752, %select_n3A_725 : vector<16xi1>, vector<16xf32>
      %mul3A_754 = arith.constant 16 : i32
      %mul3A_755 = arith.muli %scan3A_304, %mul3A_754 : i32
      %add3A_756 = vector.broadcast %mul3A_755 : i32 to vector<16xi32>
      %add3A_757 = arith.addi %add3A_756, %iota3A : vector<16xi32>
      %get3A_758 = arith.constant 2 : i32
      %get3A_759 = arith.index_cast %get3A_758 : i32 to index
      %get3A_760 = arith.index_cast %mul3A_307 : i32 to index
      %get3A_761 = tpu.vector_load %arg9[%get3A_759, %get3A_760] {strides = array<i32>} : memref<4x128xi32, #tpu.memory_space<vmem>>, vector<16xi32>,
      %and3A = arith.andi %get3A_761, %broadcast_in_dim3A_53 : vector<16xi32>
      %gather3A = tpu.vector_load_idx %arg15[%add3A_757, %and3A] : memref<128x128xf32, #tpu.memory_space<vmem>>[vector<16xi32>, vector<16xi32>], vector<16xf32>,
      %get3A_762 = arith.constant 2 : i32
      %get3A_763 = arith.index_cast %get3A_762 : i32 to index
      %get3A_764 = arith.index_cast %mul3A_307 : i32 to index
      %get3A_765 = tpu.vector_load %arg10[%get3A_763, %get3A_764] {strides = array<i32>} : memref<4x128xi32, #tpu.memory_space<vmem>>, vector<16xi32>,
      %and3A_766 = arith.andi %get3A_765, %broadcast_in_dim3A_53 : vector<16xi32>
      %gather3A_767 = tpu.vector_load_idx %arg16[%add3A_757, %and3A_766] : memref<128x128xf32, #tpu.memory_space<vmem>>[vector<16xi32>, vector<16xi32>], vector<16xf32>,
      %add3A_768 = arith.addf %select_n3A_753, %gather3A : vector<16xf32>
      %add3A_769 = arith.addf %add3A_768, %gather3A_767 : vector<16xf32>
      %neg3A = arith.constant 0.000000e+00 : f32
      %neg3A_770 = vector.broadcast %neg3A : f32 to vector<16xf32>
      %neg3A_771 = arith.subf %neg3A_770, %add3A_769 : vector<16xf32>
      %exp3A = math.exp %neg3A_771 : vector<16xf32>
      %add3A_772 = arith.constant 1.000000e+00 : f32
      %add3A_773 = vector.broadcast %add3A_772 : f32 to vector<16xf32>
      %add3A_774 = arith.addf %add3A_773, %exp3A : vector<16xf32>
      %div3A = arith.constant 1.000000e+00 : f32
      %div3A_775 = vector.broadcast %div3A : f32 to vector<16xf32>
      %div3A_776 = arith.divf %div3A_775, %add3A_774 : vector<16xf32>
      %mul3A_777 = arith.constant 16 : i32
      %mul3A_778 = arith.muli %scan3A_304, %mul3A_777 : i32
      %add3A_779 = arith.constant 256 : i32
      %add3A_780 = arith.addi %add3A_779, %mul3A_778 : i32
      %swap3A = arith.index_cast %add3A_780 : i32 to index
      %swap3A_781 = tpu.vector_load %arg17[%swap3A] {strides = array<i32>} : memref<512xf32, #tpu.memory_space<vmem>>, vector<16xf32>,
      tpu.vector_store %arg17[%swap3A], %div3A_776 {strides = array<i32>} : memref<512xf32, #tpu.memory_space<vmem>>, vector<16xf32>,
      %scan3A_782 = arith.constant 0 : i32
      scf.yield %scan3A_782 : i32
    }
    %scan3A_240 = arith.constant 8 : i32
    %dma_start3A_241 = arith.constant 3 : i32
    %dma_start3A_242 = arith.constant 0 : i32
    %dma_start3A_243 = tpu.memref_slice %arg9[%dma_start3A_241, %dma_start3A_242] : memref<4x128xi32, #tpu.memory_space<vmem>> -> memref<1x128xi32, #tpu.memory_space<vmem>>
    %dma_start3A_244 = tpu.memref_squeeze %dma_start3A_243 : memref<1x128xi32, #tpu.memory_space<vmem>> -> memref<128xi32, #tpu.memory_space<vmem>>
    %dma_start3A_245 = arith.constant 0 : i32
    %dma_start3A_246 = arith.constant 0 : i32
    %dma_start3A_247 = tpu.memref_slice %arg4[%dma_start3A_245, %dma_start3A_246] : memref<1000000x32xf32, #tpu.memory_space<hbm>> -> memref<1000000x32xf32, #tpu.memory_space<hbm>>
    tpu.enqueue_indirect_dma source(%dma_start3A_247 : memref<1000000x32xf32, #tpu.memory_space<hbm>>) target(%arg13 : memref<128x32xf32, #tpu.memory_space<vmem>>) offsets(%dma_start3A_244 : memref<128xi32, #tpu.memory_space<vmem>>) semaphore(%arg18 : memref<!tpu.dma_semaphore, #tpu.memory_space<semaphore_mem>>)
    %dma_start3A_248 = arith.constant 3 : i32
    %dma_start3A_249 = arith.constant 0 : i32
    %dma_start3A_250 = tpu.memref_slice %arg10[%dma_start3A_248, %dma_start3A_249] : memref<4x128xi32, #tpu.memory_space<vmem>> -> memref<1x128xi32, #tpu.memory_space<vmem>>
    %dma_start3A_251 = tpu.memref_squeeze %dma_start3A_250 : memref<1x128xi32, #tpu.memory_space<vmem>> -> memref<128xi32, #tpu.memory_space<vmem>>
    %dma_start3A_252 = arith.constant 0 : i32
    %dma_start3A_253 = arith.constant 0 : i32
    %dma_start3A_254 = tpu.memref_slice %arg5[%dma_start3A_252, %dma_start3A_253] : memref<1000000x32xf32, #tpu.memory_space<hbm>> -> memref<1000000x32xf32, #tpu.memory_space<hbm>>
    tpu.enqueue_indirect_dma source(%dma_start3A_254 : memref<1000000x32xf32, #tpu.memory_space<hbm>>) target(%arg14 : memref<128x32xf32, #tpu.memory_space<vmem>>) offsets(%dma_start3A_251 : memref<128xi32, #tpu.memory_space<vmem>>) semaphore(%arg18 : memref<!tpu.dma_semaphore, #tpu.memory_space<semaphore_mem>>)
    %dma_start3A_255 = arith.constant 3 : i32
    %dma_start3A_256 = arith.constant 0 : i32
    %dma_start3A_257 = tpu.memref_slice %arg11[%dma_start3A_255, %dma_start3A_256] : memref<4x128xi32, #tpu.memory_space<vmem>> -> memref<1x128xi32, #tpu.memory_space<vmem>>
    %dma_start3A_258 = tpu.memref_squeeze %dma_start3A_257 : memref<1x128xi32, #tpu.memory_space<vmem>> -> memref<128xi32, #tpu.memory_space<vmem>>
    %dma_start3A_259 = arith.constant 0 : i32
    %dma_start3A_260 = arith.constant 0 : i32
    %dma_start3A_261 = tpu.memref_slice %arg6[%dma_start3A_259, %dma_start3A_260] : memref<8192x128xf32, #tpu.memory_space<hbm>> -> memref<8192x128xf32, #tpu.memory_space<hbm>>
    tpu.enqueue_indirect_dma source(%dma_start3A_261 : memref<8192x128xf32, #tpu.memory_space<hbm>>) target(%arg15 : memref<128x128xf32, #tpu.memory_space<vmem>>) offsets(%dma_start3A_258 : memref<128xi32, #tpu.memory_space<vmem>>) semaphore(%arg18 : memref<!tpu.dma_semaphore, #tpu.memory_space<semaphore_mem>>)
    %dma_start3A_262 = arith.constant 3 : i32
    %dma_start3A_263 = arith.constant 0 : i32
    %dma_start3A_264 = tpu.memref_slice %arg12[%dma_start3A_262, %dma_start3A_263] : memref<4x128xi32, #tpu.memory_space<vmem>> -> memref<1x128xi32, #tpu.memory_space<vmem>>
    %dma_start3A_265 = tpu.memref_squeeze %dma_start3A_264 : memref<1x128xi32, #tpu.memory_space<vmem>> -> memref<128xi32, #tpu.memory_space<vmem>>
    %dma_start3A_266 = arith.constant 0 : i32
    %dma_start3A_267 = arith.constant 0 : i32
    %dma_start3A_268 = tpu.memref_slice %arg7[%dma_start3A_266, %dma_start3A_267] : memref<8192x128xf32, #tpu.memory_space<hbm>> -> memref<8192x128xf32, #tpu.memory_space<hbm>>
    tpu.enqueue_indirect_dma source(%dma_start3A_268 : memref<8192x128xf32, #tpu.memory_space<hbm>>) target(%arg16 : memref<128x128xf32, #tpu.memory_space<vmem>>) offsets(%dma_start3A_265 : memref<128xi32, #tpu.memory_space<vmem>>) semaphore(%arg18 : memref<!tpu.dma_semaphore, #tpu.memory_space<semaphore_mem>>)
    %dma_wait3A_269 = arith.constant 3 : i32
    %dma_wait3A_270 = arith.constant 0 : i32
    %dma_wait3A_271 = tpu.memref_slice %arg9[%dma_wait3A_269, %dma_wait3A_270] : memref<4x128xi32, #tpu.memory_space<vmem>> -> memref<1x128xi32, #tpu.memory_space<vmem>>
    %dma_wait3A_272 = tpu.memref_squeeze %dma_wait3A_271 : memref<1x128xi32, #tpu.memory_space<vmem>> -> memref<128xi32, #tpu.memory_space<vmem>>
    %dma_wait3A_273 = arith.constant 0 : i32
    %dma_wait3A_274 = arith.constant 0 : i32
    %dma_wait3A_275 = tpu.memref_slice %arg4[%dma_wait3A_273, %dma_wait3A_274] : memref<1000000x32xf32, #tpu.memory_space<hbm>> -> memref<1000000x32xf32, #tpu.memory_space<hbm>>
    tpu.wait_indirect_dma semaphore(%arg18 : memref<!tpu.dma_semaphore, #tpu.memory_space<semaphore_mem>>) src(%dma_wait3A_275 : memref<1000000x32xf32, #tpu.memory_space<hbm>>) dst(%arg13 : memref<128x32xf32, #tpu.memory_space<vmem>>)
    %dma_wait3A_276 = arith.constant 3 : i32
    %dma_wait3A_277 = arith.constant 0 : i32
    %dma_wait3A_278 = tpu.memref_slice %arg10[%dma_wait3A_276, %dma_wait3A_277] : memref<4x128xi32, #tpu.memory_space<vmem>> -> memref<1x128xi32, #tpu.memory_space<vmem>>
    %dma_wait3A_279 = tpu.memref_squeeze %dma_wait3A_278 : memref<1x128xi32, #tpu.memory_space<vmem>> -> memref<128xi32, #tpu.memory_space<vmem>>
    %dma_wait3A_280 = arith.constant 0 : i32
    %dma_wait3A_281 = arith.constant 0 : i32
    %dma_wait3A_282 = tpu.memref_slice %arg5[%dma_wait3A_280, %dma_wait3A_281] : memref<1000000x32xf32, #tpu.memory_space<hbm>> -> memref<1000000x32xf32, #tpu.memory_space<hbm>>
    tpu.wait_indirect_dma semaphore(%arg18 : memref<!tpu.dma_semaphore, #tpu.memory_space<semaphore_mem>>) src(%dma_wait3A_282 : memref<1000000x32xf32, #tpu.memory_space<hbm>>) dst(%arg14 : memref<128x32xf32, #tpu.memory_space<vmem>>)
    %dma_wait3A_283 = arith.constant 3 : i32
    %dma_wait3A_284 = arith.constant 0 : i32
    %dma_wait3A_285 = tpu.memref_slice %arg11[%dma_wait3A_283, %dma_wait3A_284] : memref<4x128xi32, #tpu.memory_space<vmem>> -> memref<1x128xi32, #tpu.memory_space<vmem>>
    %dma_wait3A_286 = tpu.memref_squeeze %dma_wait3A_285 : memref<1x128xi32, #tpu.memory_space<vmem>> -> memref<128xi32, #tpu.memory_space<vmem>>
    %dma_wait3A_287 = arith.constant 0 : i32
    %dma_wait3A_288 = arith.constant 0 : i32
    %dma_wait3A_289 = tpu.memref_slice %arg6[%dma_wait3A_287, %dma_wait3A_288] : memref<8192x128xf32, #tpu.memory_space<hbm>> -> memref<8192x128xf32, #tpu.memory_space<hbm>>
    tpu.wait_indirect_dma semaphore(%arg18 : memref<!tpu.dma_semaphore, #tpu.memory_space<semaphore_mem>>) src(%dma_wait3A_289 : memref<8192x128xf32, #tpu.memory_space<hbm>>) dst(%arg15 : memref<128x128xf32, #tpu.memory_space<vmem>>)
    %dma_wait3A_290 = arith.constant 3 : i32
    %dma_wait3A_291 = arith.constant 0 : i32
    %dma_wait3A_292 = tpu.memref_slice %arg12[%dma_wait3A_290, %dma_wait3A_291] : memref<4x128xi32, #tpu.memory_space<vmem>> -> memref<1x128xi32, #tpu.memory_space<vmem>>
    %dma_wait3A_293 = tpu.memref_squeeze %dma_wait3A_292 : memref<1x128xi32, #tpu.memory_space<vmem>> -> memref<128xi32, #tpu.memory_space<vmem>>
    %dma_wait3A_294 = arith.constant 0 : i32
    %dma_wait3A_295 = arith.constant 0 : i32
    %dma_wait3A_296 = tpu.memref_slice %arg7[%dma_wait3A_294, %dma_wait3A_295] : memref<8192x128xf32, #tpu.memory_space<hbm>> -> memref<8192x128xf32, #tpu.memory_space<hbm>>
    tpu.wait_indirect_dma semaphore(%arg18 : memref<!tpu.dma_semaphore, #tpu.memory_space<semaphore_mem>>) src(%dma_wait3A_296 : memref<8192x128xf32, #tpu.memory_space<hbm>>) dst(%arg16 : memref<128x128xf32, #tpu.memory_space<vmem>>)
    %scan3A_297 = arith.constant 0 : i32
    %scan3A_298 = arith.constant 0 : i32
    %scan3A_299 = arith.constant 8 : i32
    %scan3A_300 = arith.addi %scan3A_298, %scan3A_299 : i32
    %scan3A_301 = arith.constant 1 : i32
    %scan3A_302 = scf.for %scan3A_304 = %scan3A_298 to %scan3A_300 step %scan3A_301 iter_args(%scan3A_305 = %scan3A_297) -> (i32)  : i32 {
      %mul3A_306 = arith.constant 16 : i32
      %mul3A_307 = arith.muli %scan3A_304, %mul3A_306 : i32
      %broadcast_in_dim3A_308 = arith.constant 0.000000e+00 : f32
      %broadcast_in_dim3A_309 = vector.broadcast %broadcast_in_dim3A_308 : f32 to vector<16xf32>
      %mul3A_310 = arith.constant 16 : i32
      %mul3A_311 = arith.muli %scan3A_304, %mul3A_310 : i32
      %add3A_312 = arith.constant 0 : i32
      %add3A_313 = arith.addi %mul3A_311, %add3A_312 : i32
      %get3A = arith.index_cast %add3A_313 : i32 to index
      %get3A_314 = arith.constant 0 : index
      %get3A_315 = tpu.vector_load %arg13[%get3A, %get3A_314] {strides = array<i32>} : memref<128x32xf32, #tpu.memory_space<vmem>>, vector<16xf32>,
      %get3A_316 = arith.index_cast %add3A_313 : i32 to index
      %get3A_317 = arith.constant 0 : index
      %get3A_318 = tpu.vector_load %arg14[%get3A_316, %get3A_317] {strides = array<i32>} : memref<128x32xf32, #tpu.memory_space<vmem>>, vector<16xf32>,
      %mul3A_319 = arith.mulf %get3A_315, %get3A_318 : vector<16xf32>
      %get3A_320 = arith.index_cast %add3A_313 : i32 to index
      %get3A_321 = arith.constant 16 : index
      %get3A_322 = tpu.vector_load %arg13[%get3A_320, %get3A_321] {strides = array<i32>} : memref<128x32xf32, #tpu.memory_space<vmem>>, vector<16xf32>,
      %get3A_323 = arith.index_cast %add3A_313 : i32 to index
      %get3A_324 = arith.constant 16 : index
      %get3A_325 = tpu.vector_load %arg14[%get3A_323, %get3A_324] {strides = array<i32>} : memref<128x32xf32, #tpu.memory_space<vmem>>, vector<16xf32>,
      %mul3A_326 = arith.mulf %get3A_322, %get3A_325 : vector<16xf32>
      %add3A_327 = arith.addf %mul3A_319, %mul3A_326 : vector<16xf32>
      %eq3A = arith.constant 0 : i32
      %eq3A_328 = vector.broadcast %eq3A : i32 to vector<16xi32>
      %eq3A_329 = arith.cmpi eq, %iota3A, %eq3A_328 : vector<16xi32>
      %reduce_sum3A = arith.constant true
      %reduce_sum3A_330 = vector.broadcast %reduce_sum3A : i1 to vector<16xi1>
      %reduce_sum3A_331 = tpu.scan <sum>, %add3A_327 masked %reduce_sum3A_330 : vector<16xf32>, vector<16xi1> -> vector<16xf32>
      %reduce_sum3A_332 = vector.extract %reduce_sum3A_331[15] : f32 from vector<16xf32>
      %broadcast_in_dim3A_333 = vector.broadcast %reduce_sum3A_332 : f32 to vector<16xf32>
      %select_n3A = arith.select %eq3A_329, %broadcast_in_dim3A_333, %broadcast_in_dim3A_309 : vector<16xi1>, vector<16xf32>
      %mul3A_334 = arith.constant 16 : i32
      %mul3A_335 = arith.muli %scan3A_304, %mul3A_334 : i32
      %add3A_336 = arith.constant 1 : i32
      %add3A_337 = arith.addi %mul3A_335, %add3A_336 : i32
      %get3A_338 = arith.index_cast %add3A_337 : i32 to index
      %get3A_339 = arith.constant 0 : index
      %get3A_340 = tpu.vector_load %arg13[%get3A_338, %get3A_339] {strides = array<i32>} : memref<128x32xf32, #tpu.memory_space<vmem>>, vector<16xf32>,
      %get3A_341 = arith.index_cast %add3A_337 : i32 to index
      %get3A_342 = arith.constant 0 : index
      %get3A_343 = tpu.vector_load %arg14[%get3A_341, %get3A_342] {strides = array<i32>} : memref<128x32xf32, #tpu.memory_space<vmem>>, vector<16xf32>,
      %mul3A_344 = arith.mulf %get3A_340, %get3A_343 : vector<16xf32>
      %get3A_345 = arith.index_cast %add3A_337 : i32 to index
      %get3A_346 = arith.constant 16 : index
      %get3A_347 = tpu.vector_load %arg13[%get3A_345, %get3A_346] {strides = array<i32>} : memref<128x32xf32, #tpu.memory_space<vmem>>, vector<16xf32>,
      %get3A_348 = arith.index_cast %add3A_337 : i32 to index
      %get3A_349 = arith.constant 16 : index
      %get3A_350 = tpu.vector_load %arg14[%get3A_348, %get3A_349] {strides = array<i32>} : memref<128x32xf32, #tpu.memory_space<vmem>>, vector<16xf32>,
      %mul3A_351 = arith.mulf %get3A_347, %get3A_350 : vector<16xf32>
      %add3A_352 = arith.addf %mul3A_344, %mul3A_351 : vector<16xf32>
      %eq3A_353 = arith.constant 1 : i32
      %eq3A_354 = vector.broadcast %eq3A_353 : i32 to vector<16xi32>
      %eq3A_355 = arith.cmpi eq, %iota3A, %eq3A_354 : vector<16xi32>
      %reduce_sum3A_356 = arith.constant true
      %reduce_sum3A_357 = vector.broadcast %reduce_sum3A_356 : i1 to vector<16xi1>
      %reduce_sum3A_358 = tpu.scan <sum>, %add3A_352 masked %reduce_sum3A_357 : vector<16xf32>, vector<16xi1> -> vector<16xf32>
      %reduce_sum3A_359 = vector.extract %reduce_sum3A_358[15] : f32 from vector<16xf32>
      %broadcast_in_dim3A_360 = vector.broadcast %reduce_sum3A_359 : f32 to vector<16xf32>
      %select_n3A_361 = arith.select %eq3A_355, %broadcast_in_dim3A_360, %select_n3A : vector<16xi1>, vector<16xf32>
      %mul3A_362 = arith.constant 16 : i32
      %mul3A_363 = arith.muli %scan3A_304, %mul3A_362 : i32
      %add3A_364 = arith.constant 2 : i32
      %add3A_365 = arith.addi %mul3A_363, %add3A_364 : i32
      %get3A_366 = arith.index_cast %add3A_365 : i32 to index
      %get3A_367 = arith.constant 0 : index
      %get3A_368 = tpu.vector_load %arg13[%get3A_366, %get3A_367] {strides = array<i32>} : memref<128x32xf32, #tpu.memory_space<vmem>>, vector<16xf32>,
      %get3A_369 = arith.index_cast %add3A_365 : i32 to index
      %get3A_370 = arith.constant 0 : index
      %get3A_371 = tpu.vector_load %arg14[%get3A_369, %get3A_370] {strides = array<i32>} : memref<128x32xf32, #tpu.memory_space<vmem>>, vector<16xf32>,
      %mul3A_372 = arith.mulf %get3A_368, %get3A_371 : vector<16xf32>
      %get3A_373 = arith.index_cast %add3A_365 : i32 to index
      %get3A_374 = arith.constant 16 : index
      %get3A_375 = tpu.vector_load %arg13[%get3A_373, %get3A_374] {strides = array<i32>} : memref<128x32xf32, #tpu.memory_space<vmem>>, vector<16xf32>,
      %get3A_376 = arith.index_cast %add3A_365 : i32 to index
      %get3A_377 = arith.constant 16 : index
      %get3A_378 = tpu.vector_load %arg14[%get3A_376, %get3A_377] {strides = array<i32>} : memref<128x32xf32, #tpu.memory_space<vmem>>, vector<16xf32>,
      %mul3A_379 = arith.mulf %get3A_375, %get3A_378 : vector<16xf32>
      %add3A_380 = arith.addf %mul3A_372, %mul3A_379 : vector<16xf32>
      %eq3A_381 = arith.constant 2 : i32
      %eq3A_382 = vector.broadcast %eq3A_381 : i32 to vector<16xi32>
      %eq3A_383 = arith.cmpi eq, %iota3A, %eq3A_382 : vector<16xi32>
      %reduce_sum3A_384 = arith.constant true
      %reduce_sum3A_385 = vector.broadcast %reduce_sum3A_384 : i1 to vector<16xi1>
      %reduce_sum3A_386 = tpu.scan <sum>, %add3A_380 masked %reduce_sum3A_385 : vector<16xf32>, vector<16xi1> -> vector<16xf32>
      %reduce_sum3A_387 = vector.extract %reduce_sum3A_386[15] : f32 from vector<16xf32>
      %broadcast_in_dim3A_388 = vector.broadcast %reduce_sum3A_387 : f32 to vector<16xf32>
      %select_n3A_389 = arith.select %eq3A_383, %broadcast_in_dim3A_388, %select_n3A_361 : vector<16xi1>, vector<16xf32>
      %mul3A_390 = arith.constant 16 : i32
      %mul3A_391 = arith.muli %scan3A_304, %mul3A_390 : i32
      %add3A_392 = arith.constant 3 : i32
      %add3A_393 = arith.addi %mul3A_391, %add3A_392 : i32
      %get3A_394 = arith.index_cast %add3A_393 : i32 to index
      %get3A_395 = arith.constant 0 : index
      %get3A_396 = tpu.vector_load %arg13[%get3A_394, %get3A_395] {strides = array<i32>} : memref<128x32xf32, #tpu.memory_space<vmem>>, vector<16xf32>,
      %get3A_397 = arith.index_cast %add3A_393 : i32 to index
      %get3A_398 = arith.constant 0 : index
      %get3A_399 = tpu.vector_load %arg14[%get3A_397, %get3A_398] {strides = array<i32>} : memref<128x32xf32, #tpu.memory_space<vmem>>, vector<16xf32>,
      %mul3A_400 = arith.mulf %get3A_396, %get3A_399 : vector<16xf32>
      %get3A_401 = arith.index_cast %add3A_393 : i32 to index
      %get3A_402 = arith.constant 16 : index
      %get3A_403 = tpu.vector_load %arg13[%get3A_401, %get3A_402] {strides = array<i32>} : memref<128x32xf32, #tpu.memory_space<vmem>>, vector<16xf32>,
      %get3A_404 = arith.index_cast %add3A_393 : i32 to index
      %get3A_405 = arith.constant 16 : index
      %get3A_406 = tpu.vector_load %arg14[%get3A_404, %get3A_405] {strides = array<i32>} : memref<128x32xf32, #tpu.memory_space<vmem>>, vector<16xf32>,
      %mul3A_407 = arith.mulf %get3A_403, %get3A_406 : vector<16xf32>
      %add3A_408 = arith.addf %mul3A_400, %mul3A_407 : vector<16xf32>
      %eq3A_409 = arith.constant 3 : i32
      %eq3A_410 = vector.broadcast %eq3A_409 : i32 to vector<16xi32>
      %eq3A_411 = arith.cmpi eq, %iota3A, %eq3A_410 : vector<16xi32>
      %reduce_sum3A_412 = arith.constant true
      %reduce_sum3A_413 = vector.broadcast %reduce_sum3A_412 : i1 to vector<16xi1>
      %reduce_sum3A_414 = tpu.scan <sum>, %add3A_408 masked %reduce_sum3A_413 : vector<16xf32>, vector<16xi1> -> vector<16xf32>
      %reduce_sum3A_415 = vector.extract %reduce_sum3A_414[15] : f32 from vector<16xf32>
      %broadcast_in_dim3A_416 = vector.broadcast %reduce_sum3A_415 : f32 to vector<16xf32>
      %select_n3A_417 = arith.select %eq3A_411, %broadcast_in_dim3A_416, %select_n3A_389 : vector<16xi1>, vector<16xf32>
      %mul3A_418 = arith.constant 16 : i32
      %mul3A_419 = arith.muli %scan3A_304, %mul3A_418 : i32
      %add3A_420 = arith.constant 4 : i32
      %add3A_421 = arith.addi %mul3A_419, %add3A_420 : i32
      %get3A_422 = arith.index_cast %add3A_421 : i32 to index
      %get3A_423 = arith.constant 0 : index
      %get3A_424 = tpu.vector_load %arg13[%get3A_422, %get3A_423] {strides = array<i32>} : memref<128x32xf32, #tpu.memory_space<vmem>>, vector<16xf32>,
      %get3A_425 = arith.index_cast %add3A_421 : i32 to index
      %get3A_426 = arith.constant 0 : index
      %get3A_427 = tpu.vector_load %arg14[%get3A_425, %get3A_426] {strides = array<i32>} : memref<128x32xf32, #tpu.memory_space<vmem>>, vector<16xf32>,
      %mul3A_428 = arith.mulf %get3A_424, %get3A_427 : vector<16xf32>
      %get3A_429 = arith.index_cast %add3A_421 : i32 to index
      %get3A_430 = arith.constant 16 : index
      %get3A_431 = tpu.vector_load %arg13[%get3A_429, %get3A_430] {strides = array<i32>} : memref<128x32xf32, #tpu.memory_space<vmem>>, vector<16xf32>,
      %get3A_432 = arith.index_cast %add3A_421 : i32 to index
      %get3A_433 = arith.constant 16 : index
      %get3A_434 = tpu.vector_load %arg14[%get3A_432, %get3A_433] {strides = array<i32>} : memref<128x32xf32, #tpu.memory_space<vmem>>, vector<16xf32>,
      %mul3A_435 = arith.mulf %get3A_431, %get3A_434 : vector<16xf32>
      %add3A_436 = arith.addf %mul3A_428, %mul3A_435 : vector<16xf32>
      %eq3A_437 = arith.constant 4 : i32
      %eq3A_438 = vector.broadcast %eq3A_437 : i32 to vector<16xi32>
      %eq3A_439 = arith.cmpi eq, %iota3A, %eq3A_438 : vector<16xi32>
      %reduce_sum3A_440 = arith.constant true
      %reduce_sum3A_441 = vector.broadcast %reduce_sum3A_440 : i1 to vector<16xi1>
      %reduce_sum3A_442 = tpu.scan <sum>, %add3A_436 masked %reduce_sum3A_441 : vector<16xf32>, vector<16xi1> -> vector<16xf32>
      %reduce_sum3A_443 = vector.extract %reduce_sum3A_442[15] : f32 from vector<16xf32>
      %broadcast_in_dim3A_444 = vector.broadcast %reduce_sum3A_443 : f32 to vector<16xf32>
      %select_n3A_445 = arith.select %eq3A_439, %broadcast_in_dim3A_444, %select_n3A_417 : vector<16xi1>, vector<16xf32>
      %mul3A_446 = arith.constant 16 : i32
      %mul3A_447 = arith.muli %scan3A_304, %mul3A_446 : i32
      %add3A_448 = arith.constant 5 : i32
      %add3A_449 = arith.addi %mul3A_447, %add3A_448 : i32
      %get3A_450 = arith.index_cast %add3A_449 : i32 to index
      %get3A_451 = arith.constant 0 : index
      %get3A_452 = tpu.vector_load %arg13[%get3A_450, %get3A_451] {strides = array<i32>} : memref<128x32xf32, #tpu.memory_space<vmem>>, vector<16xf32>,
      %get3A_453 = arith.index_cast %add3A_449 : i32 to index
      %get3A_454 = arith.constant 0 : index
      %get3A_455 = tpu.vector_load %arg14[%get3A_453, %get3A_454] {strides = array<i32>} : memref<128x32xf32, #tpu.memory_space<vmem>>, vector<16xf32>,
      %mul3A_456 = arith.mulf %get3A_452, %get3A_455 : vector<16xf32>
      %get3A_457 = arith.index_cast %add3A_449 : i32 to index
      %get3A_458 = arith.constant 16 : index
      %get3A_459 = tpu.vector_load %arg13[%get3A_457, %get3A_458] {strides = array<i32>} : memref<128x32xf32, #tpu.memory_space<vmem>>, vector<16xf32>,
      %get3A_460 = arith.index_cast %add3A_449 : i32 to index
      %get3A_461 = arith.constant 16 : index
      %get3A_462 = tpu.vector_load %arg14[%get3A_460, %get3A_461] {strides = array<i32>} : memref<128x32xf32, #tpu.memory_space<vmem>>, vector<16xf32>,
      %mul3A_463 = arith.mulf %get3A_459, %get3A_462 : vector<16xf32>
      %add3A_464 = arith.addf %mul3A_456, %mul3A_463 : vector<16xf32>
      %eq3A_465 = arith.constant 5 : i32
      %eq3A_466 = vector.broadcast %eq3A_465 : i32 to vector<16xi32>
      %eq3A_467 = arith.cmpi eq, %iota3A, %eq3A_466 : vector<16xi32>
      %reduce_sum3A_468 = arith.constant true
      %reduce_sum3A_469 = vector.broadcast %reduce_sum3A_468 : i1 to vector<16xi1>
      %reduce_sum3A_470 = tpu.scan <sum>, %add3A_464 masked %reduce_sum3A_469 : vector<16xf32>, vector<16xi1> -> vector<16xf32>
      %reduce_sum3A_471 = vector.extract %reduce_sum3A_470[15] : f32 from vector<16xf32>
      %broadcast_in_dim3A_472 = vector.broadcast %reduce_sum3A_471 : f32 to vector<16xf32>
      %select_n3A_473 = arith.select %eq3A_467, %broadcast_in_dim3A_472, %select_n3A_445 : vector<16xi1>, vector<16xf32>
      %mul3A_474 = arith.constant 16 : i32
      %mul3A_475 = arith.muli %scan3A_304, %mul3A_474 : i32
      %add3A_476 = arith.constant 6 : i32
      %add3A_477 = arith.addi %mul3A_475, %add3A_476 : i32
      %get3A_478 = arith.index_cast %add3A_477 : i32 to index
      %get3A_479 = arith.constant 0 : index
      %get3A_480 = tpu.vector_load %arg13[%get3A_478, %get3A_479] {strides = array<i32>} : memref<128x32xf32, #tpu.memory_space<vmem>>, vector<16xf32>,
      %get3A_481 = arith.index_cast %add3A_477 : i32 to index
      %get3A_482 = arith.constant 0 : index
      %get3A_483 = tpu.vector_load %arg14[%get3A_481, %get3A_482] {strides = array<i32>} : memref<128x32xf32, #tpu.memory_space<vmem>>, vector<16xf32>,
      %mul3A_484 = arith.mulf %get3A_480, %get3A_483 : vector<16xf32>
      %get3A_485 = arith.index_cast %add3A_477 : i32 to index
      %get3A_486 = arith.constant 16 : index
      %get3A_487 = tpu.vector_load %arg13[%get3A_485, %get3A_486] {strides = array<i32>} : memref<128x32xf32, #tpu.memory_space<vmem>>, vector<16xf32>,
      %get3A_488 = arith.index_cast %add3A_477 : i32 to index
      %get3A_489 = arith.constant 16 : index
      %get3A_490 = tpu.vector_load %arg14[%get3A_488, %get3A_489] {strides = array<i32>} : memref<128x32xf32, #tpu.memory_space<vmem>>, vector<16xf32>,
      %mul3A_491 = arith.mulf %get3A_487, %get3A_490 : vector<16xf32>
      %add3A_492 = arith.addf %mul3A_484, %mul3A_491 : vector<16xf32>
      %eq3A_493 = arith.constant 6 : i32
      %eq3A_494 = vector.broadcast %eq3A_493 : i32 to vector<16xi32>
      %eq3A_495 = arith.cmpi eq, %iota3A, %eq3A_494 : vector<16xi32>
      %reduce_sum3A_496 = arith.constant true
      %reduce_sum3A_497 = vector.broadcast %reduce_sum3A_496 : i1 to vector<16xi1>
      %reduce_sum3A_498 = tpu.scan <sum>, %add3A_492 masked %reduce_sum3A_497 : vector<16xf32>, vector<16xi1> -> vector<16xf32>
      %reduce_sum3A_499 = vector.extract %reduce_sum3A_498[15] : f32 from vector<16xf32>
      %broadcast_in_dim3A_500 = vector.broadcast %reduce_sum3A_499 : f32 to vector<16xf32>
      %select_n3A_501 = arith.select %eq3A_495, %broadcast_in_dim3A_500, %select_n3A_473 : vector<16xi1>, vector<16xf32>
      %mul3A_502 = arith.constant 16 : i32
      %mul3A_503 = arith.muli %scan3A_304, %mul3A_502 : i32
      %add3A_504 = arith.constant 7 : i32
      %add3A_505 = arith.addi %mul3A_503, %add3A_504 : i32
      %get3A_506 = arith.index_cast %add3A_505 : i32 to index
      %get3A_507 = arith.constant 0 : index
      %get3A_508 = tpu.vector_load %arg13[%get3A_506, %get3A_507] {strides = array<i32>} : memref<128x32xf32, #tpu.memory_space<vmem>>, vector<16xf32>,
      %get3A_509 = arith.index_cast %add3A_505 : i32 to index
      %get3A_510 = arith.constant 0 : index
      %get3A_511 = tpu.vector_load %arg14[%get3A_509, %get3A_510] {strides = array<i32>} : memref<128x32xf32, #tpu.memory_space<vmem>>, vector<16xf32>,
      %mul3A_512 = arith.mulf %get3A_508, %get3A_511 : vector<16xf32>
      %get3A_513 = arith.index_cast %add3A_505 : i32 to index
      %get3A_514 = arith.constant 16 : index
      %get3A_515 = tpu.vector_load %arg13[%get3A_513, %get3A_514] {strides = array<i32>} : memref<128x32xf32, #tpu.memory_space<vmem>>, vector<16xf32>,
      %get3A_516 = arith.index_cast %add3A_505 : i32 to index
      %get3A_517 = arith.constant 16 : index
      %get3A_518 = tpu.vector_load %arg14[%get3A_516, %get3A_517] {strides = array<i32>} : memref<128x32xf32, #tpu.memory_space<vmem>>, vector<16xf32>,
      %mul3A_519 = arith.mulf %get3A_515, %get3A_518 : vector<16xf32>
      %add3A_520 = arith.addf %mul3A_512, %mul3A_519 : vector<16xf32>
      %eq3A_521 = arith.constant 7 : i32
      %eq3A_522 = vector.broadcast %eq3A_521 : i32 to vector<16xi32>
      %eq3A_523 = arith.cmpi eq, %iota3A, %eq3A_522 : vector<16xi32>
      %reduce_sum3A_524 = arith.constant true
      %reduce_sum3A_525 = vector.broadcast %reduce_sum3A_524 : i1 to vector<16xi1>
      %reduce_sum3A_526 = tpu.scan <sum>, %add3A_520 masked %reduce_sum3A_525 : vector<16xf32>, vector<16xi1> -> vector<16xf32>
      %reduce_sum3A_527 = vector.extract %reduce_sum3A_526[15] : f32 from vector<16xf32>
      %broadcast_in_dim3A_528 = vector.broadcast %reduce_sum3A_527 : f32 to vector<16xf32>
      %select_n3A_529 = arith.select %eq3A_523, %broadcast_in_dim3A_528, %select_n3A_501 : vector<16xi1>, vector<16xf32>
      %mul3A_530 = arith.constant 16 : i32
      %mul3A_531 = arith.muli %scan3A_304, %mul3A_530 : i32
      %add3A_532 = arith.constant 8 : i32
      %add3A_533 = arith.addi %mul3A_531, %add3A_532 : i32
      %get3A_534 = arith.index_cast %add3A_533 : i32 to index
      %get3A_535 = arith.constant 0 : index
      %get3A_536 = tpu.vector_load %arg13[%get3A_534, %get3A_535] {strides = array<i32>} : memref<128x32xf32, #tpu.memory_space<vmem>>, vector<16xf32>,
      %get3A_537 = arith.index_cast %add3A_533 : i32 to index
      %get3A_538 = arith.constant 0 : index
      %get3A_539 = tpu.vector_load %arg14[%get3A_537, %get3A_538] {strides = array<i32>} : memref<128x32xf32, #tpu.memory_space<vmem>>, vector<16xf32>,
      %mul3A_540 = arith.mulf %get3A_536, %get3A_539 : vector<16xf32>
      %get3A_541 = arith.index_cast %add3A_533 : i32 to index
      %get3A_542 = arith.constant 16 : index
      %get3A_543 = tpu.vector_load %arg13[%get3A_541, %get3A_542] {strides = array<i32>} : memref<128x32xf32, #tpu.memory_space<vmem>>, vector<16xf32>,
      %get3A_544 = arith.index_cast %add3A_533 : i32 to index
      %get3A_545 = arith.constant 16 : index
      %get3A_546 = tpu.vector_load %arg14[%get3A_544, %get3A_545] {strides = array<i32>} : memref<128x32xf32, #tpu.memory_space<vmem>>, vector<16xf32>,
      %mul3A_547 = arith.mulf %get3A_543, %get3A_546 : vector<16xf32>
      %add3A_548 = arith.addf %mul3A_540, %mul3A_547 : vector<16xf32>
      %eq3A_549 = arith.constant 8 : i32
      %eq3A_550 = vector.broadcast %eq3A_549 : i32 to vector<16xi32>
      %eq3A_551 = arith.cmpi eq, %iota3A, %eq3A_550 : vector<16xi32>
      %reduce_sum3A_552 = arith.constant true
      %reduce_sum3A_553 = vector.broadcast %reduce_sum3A_552 : i1 to vector<16xi1>
      %reduce_sum3A_554 = tpu.scan <sum>, %add3A_548 masked %reduce_sum3A_553 : vector<16xf32>, vector<16xi1> -> vector<16xf32>
      %reduce_sum3A_555 = vector.extract %reduce_sum3A_554[15] : f32 from vector<16xf32>
      %broadcast_in_dim3A_556 = vector.broadcast %reduce_sum3A_555 : f32 to vector<16xf32>
      %select_n3A_557 = arith.select %eq3A_551, %broadcast_in_dim3A_556, %select_n3A_529 : vector<16xi1>, vector<16xf32>
      %mul3A_558 = arith.constant 16 : i32
      %mul3A_559 = arith.muli %scan3A_304, %mul3A_558 : i32
      %add3A_560 = arith.constant 9 : i32
      %add3A_561 = arith.addi %mul3A_559, %add3A_560 : i32
      %get3A_562 = arith.index_cast %add3A_561 : i32 to index
      %get3A_563 = arith.constant 0 : index
      %get3A_564 = tpu.vector_load %arg13[%get3A_562, %get3A_563] {strides = array<i32>} : memref<128x32xf32, #tpu.memory_space<vmem>>, vector<16xf32>,
      %get3A_565 = arith.index_cast %add3A_561 : i32 to index
      %get3A_566 = arith.constant 0 : index
      %get3A_567 = tpu.vector_load %arg14[%get3A_565, %get3A_566] {strides = array<i32>} : memref<128x32xf32, #tpu.memory_space<vmem>>, vector<16xf32>,
      %mul3A_568 = arith.mulf %get3A_564, %get3A_567 : vector<16xf32>
      %get3A_569 = arith.index_cast %add3A_561 : i32 to index
      %get3A_570 = arith.constant 16 : index
      %get3A_571 = tpu.vector_load %arg13[%get3A_569, %get3A_570] {strides = array<i32>} : memref<128x32xf32, #tpu.memory_space<vmem>>, vector<16xf32>,
      %get3A_572 = arith.index_cast %add3A_561 : i32 to index
      %get3A_573 = arith.constant 16 : index
      %get3A_574 = tpu.vector_load %arg14[%get3A_572, %get3A_573] {strides = array<i32>} : memref<128x32xf32, #tpu.memory_space<vmem>>, vector<16xf32>,
      %mul3A_575 = arith.mulf %get3A_571, %get3A_574 : vector<16xf32>
      %add3A_576 = arith.addf %mul3A_568, %mul3A_575 : vector<16xf32>
      %eq3A_577 = arith.constant 9 : i32
      %eq3A_578 = vector.broadcast %eq3A_577 : i32 to vector<16xi32>
      %eq3A_579 = arith.cmpi eq, %iota3A, %eq3A_578 : vector<16xi32>
      %reduce_sum3A_580 = arith.constant true
      %reduce_sum3A_581 = vector.broadcast %reduce_sum3A_580 : i1 to vector<16xi1>
      %reduce_sum3A_582 = tpu.scan <sum>, %add3A_576 masked %reduce_sum3A_581 : vector<16xf32>, vector<16xi1> -> vector<16xf32>
      %reduce_sum3A_583 = vector.extract %reduce_sum3A_582[15] : f32 from vector<16xf32>
      %broadcast_in_dim3A_584 = vector.broadcast %reduce_sum3A_583 : f32 to vector<16xf32>
      %select_n3A_585 = arith.select %eq3A_579, %broadcast_in_dim3A_584, %select_n3A_557 : vector<16xi1>, vector<16xf32>
      %mul3A_586 = arith.constant 16 : i32
      %mul3A_587 = arith.muli %scan3A_304, %mul3A_586 : i32
      %add3A_588 = arith.constant 10 : i32
      %add3A_589 = arith.addi %mul3A_587, %add3A_588 : i32
      %get3A_590 = arith.index_cast %add3A_589 : i32 to index
      %get3A_591 = arith.constant 0 : index
      %get3A_592 = tpu.vector_load %arg13[%get3A_590, %get3A_591] {strides = array<i32>} : memref<128x32xf32, #tpu.memory_space<vmem>>, vector<16xf32>,
      %get3A_593 = arith.index_cast %add3A_589 : i32 to index
      %get3A_594 = arith.constant 0 : index
      %get3A_595 = tpu.vector_load %arg14[%get3A_593, %get3A_594] {strides = array<i32>} : memref<128x32xf32, #tpu.memory_space<vmem>>, vector<16xf32>,
      %mul3A_596 = arith.mulf %get3A_592, %get3A_595 : vector<16xf32>
      %get3A_597 = arith.index_cast %add3A_589 : i32 to index
      %get3A_598 = arith.constant 16 : index
      %get3A_599 = tpu.vector_load %arg13[%get3A_597, %get3A_598] {strides = array<i32>} : memref<128x32xf32, #tpu.memory_space<vmem>>, vector<16xf32>,
      %get3A_600 = arith.index_cast %add3A_589 : i32 to index
      %get3A_601 = arith.constant 16 : index
      %get3A_602 = tpu.vector_load %arg14[%get3A_600, %get3A_601] {strides = array<i32>} : memref<128x32xf32, #tpu.memory_space<vmem>>, vector<16xf32>,
      %mul3A_603 = arith.mulf %get3A_599, %get3A_602 : vector<16xf32>
      %add3A_604 = arith.addf %mul3A_596, %mul3A_603 : vector<16xf32>
      %eq3A_605 = arith.constant 10 : i32
      %eq3A_606 = vector.broadcast %eq3A_605 : i32 to vector<16xi32>
      %eq3A_607 = arith.cmpi eq, %iota3A, %eq3A_606 : vector<16xi32>
      %reduce_sum3A_608 = arith.constant true
      %reduce_sum3A_609 = vector.broadcast %reduce_sum3A_608 : i1 to vector<16xi1>
      %reduce_sum3A_610 = tpu.scan <sum>, %add3A_604 masked %reduce_sum3A_609 : vector<16xf32>, vector<16xi1> -> vector<16xf32>
      %reduce_sum3A_611 = vector.extract %reduce_sum3A_610[15] : f32 from vector<16xf32>
      %broadcast_in_dim3A_612 = vector.broadcast %reduce_sum3A_611 : f32 to vector<16xf32>
      %select_n3A_613 = arith.select %eq3A_607, %broadcast_in_dim3A_612, %select_n3A_585 : vector<16xi1>, vector<16xf32>
      %mul3A_614 = arith.constant 16 : i32
      %mul3A_615 = arith.muli %scan3A_304, %mul3A_614 : i32
      %add3A_616 = arith.constant 11 : i32
      %add3A_617 = arith.addi %mul3A_615, %add3A_616 : i32
      %get3A_618 = arith.index_cast %add3A_617 : i32 to index
      %get3A_619 = arith.constant 0 : index
      %get3A_620 = tpu.vector_load %arg13[%get3A_618, %get3A_619] {strides = array<i32>} : memref<128x32xf32, #tpu.memory_space<vmem>>, vector<16xf32>,
      %get3A_621 = arith.index_cast %add3A_617 : i32 to index
      %get3A_622 = arith.constant 0 : index
      %get3A_623 = tpu.vector_load %arg14[%get3A_621, %get3A_622] {strides = array<i32>} : memref<128x32xf32, #tpu.memory_space<vmem>>, vector<16xf32>,
      %mul3A_624 = arith.mulf %get3A_620, %get3A_623 : vector<16xf32>
      %get3A_625 = arith.index_cast %add3A_617 : i32 to index
      %get3A_626 = arith.constant 16 : index
      %get3A_627 = tpu.vector_load %arg13[%get3A_625, %get3A_626] {strides = array<i32>} : memref<128x32xf32, #tpu.memory_space<vmem>>, vector<16xf32>,
      %get3A_628 = arith.index_cast %add3A_617 : i32 to index
      %get3A_629 = arith.constant 16 : index
      %get3A_630 = tpu.vector_load %arg14[%get3A_628, %get3A_629] {strides = array<i32>} : memref<128x32xf32, #tpu.memory_space<vmem>>, vector<16xf32>,
      %mul3A_631 = arith.mulf %get3A_627, %get3A_630 : vector<16xf32>
      %add3A_632 = arith.addf %mul3A_624, %mul3A_631 : vector<16xf32>
      %eq3A_633 = arith.constant 11 : i32
      %eq3A_634 = vector.broadcast %eq3A_633 : i32 to vector<16xi32>
      %eq3A_635 = arith.cmpi eq, %iota3A, %eq3A_634 : vector<16xi32>
      %reduce_sum3A_636 = arith.constant true
      %reduce_sum3A_637 = vector.broadcast %reduce_sum3A_636 : i1 to vector<16xi1>
      %reduce_sum3A_638 = tpu.scan <sum>, %add3A_632 masked %reduce_sum3A_637 : vector<16xf32>, vector<16xi1> -> vector<16xf32>
      %reduce_sum3A_639 = vector.extract %reduce_sum3A_638[15] : f32 from vector<16xf32>
      %broadcast_in_dim3A_640 = vector.broadcast %reduce_sum3A_639 : f32 to vector<16xf32>
      %select_n3A_641 = arith.select %eq3A_635, %broadcast_in_dim3A_640, %select_n3A_613 : vector<16xi1>, vector<16xf32>
      %mul3A_642 = arith.constant 16 : i32
      %mul3A_643 = arith.muli %scan3A_304, %mul3A_642 : i32
      %add3A_644 = arith.constant 12 : i32
      %add3A_645 = arith.addi %mul3A_643, %add3A_644 : i32
      %get3A_646 = arith.index_cast %add3A_645 : i32 to index
      %get3A_647 = arith.constant 0 : index
      %get3A_648 = tpu.vector_load %arg13[%get3A_646, %get3A_647] {strides = array<i32>} : memref<128x32xf32, #tpu.memory_space<vmem>>, vector<16xf32>,
      %get3A_649 = arith.index_cast %add3A_645 : i32 to index
      %get3A_650 = arith.constant 0 : index
      %get3A_651 = tpu.vector_load %arg14[%get3A_649, %get3A_650] {strides = array<i32>} : memref<128x32xf32, #tpu.memory_space<vmem>>, vector<16xf32>,
      %mul3A_652 = arith.mulf %get3A_648, %get3A_651 : vector<16xf32>
      %get3A_653 = arith.index_cast %add3A_645 : i32 to index
      %get3A_654 = arith.constant 16 : index
      %get3A_655 = tpu.vector_load %arg13[%get3A_653, %get3A_654] {strides = array<i32>} : memref<128x32xf32, #tpu.memory_space<vmem>>, vector<16xf32>,
      %get3A_656 = arith.index_cast %add3A_645 : i32 to index
      %get3A_657 = arith.constant 16 : index
      %get3A_658 = tpu.vector_load %arg14[%get3A_656, %get3A_657] {strides = array<i32>} : memref<128x32xf32, #tpu.memory_space<vmem>>, vector<16xf32>,
      %mul3A_659 = arith.mulf %get3A_655, %get3A_658 : vector<16xf32>
      %add3A_660 = arith.addf %mul3A_652, %mul3A_659 : vector<16xf32>
      %eq3A_661 = arith.constant 12 : i32
      %eq3A_662 = vector.broadcast %eq3A_661 : i32 to vector<16xi32>
      %eq3A_663 = arith.cmpi eq, %iota3A, %eq3A_662 : vector<16xi32>
      %reduce_sum3A_664 = arith.constant true
      %reduce_sum3A_665 = vector.broadcast %reduce_sum3A_664 : i1 to vector<16xi1>
      %reduce_sum3A_666 = tpu.scan <sum>, %add3A_660 masked %reduce_sum3A_665 : vector<16xf32>, vector<16xi1> -> vector<16xf32>
      %reduce_sum3A_667 = vector.extract %reduce_sum3A_666[15] : f32 from vector<16xf32>
      %broadcast_in_dim3A_668 = vector.broadcast %reduce_sum3A_667 : f32 to vector<16xf32>
      %select_n3A_669 = arith.select %eq3A_663, %broadcast_in_dim3A_668, %select_n3A_641 : vector<16xi1>, vector<16xf32>
      %mul3A_670 = arith.constant 16 : i32
      %mul3A_671 = arith.muli %scan3A_304, %mul3A_670 : i32
      %add3A_672 = arith.constant 13 : i32
      %add3A_673 = arith.addi %mul3A_671, %add3A_672 : i32
      %get3A_674 = arith.index_cast %add3A_673 : i32 to index
      %get3A_675 = arith.constant 0 : index
      %get3A_676 = tpu.vector_load %arg13[%get3A_674, %get3A_675] {strides = array<i32>} : memref<128x32xf32, #tpu.memory_space<vmem>>, vector<16xf32>,
      %get3A_677 = arith.index_cast %add3A_673 : i32 to index
      %get3A_678 = arith.constant 0 : index
      %get3A_679 = tpu.vector_load %arg14[%get3A_677, %get3A_678] {strides = array<i32>} : memref<128x32xf32, #tpu.memory_space<vmem>>, vector<16xf32>,
      %mul3A_680 = arith.mulf %get3A_676, %get3A_679 : vector<16xf32>
      %get3A_681 = arith.index_cast %add3A_673 : i32 to index
      %get3A_682 = arith.constant 16 : index
      %get3A_683 = tpu.vector_load %arg13[%get3A_681, %get3A_682] {strides = array<i32>} : memref<128x32xf32, #tpu.memory_space<vmem>>, vector<16xf32>,
      %get3A_684 = arith.index_cast %add3A_673 : i32 to index
      %get3A_685 = arith.constant 16 : index
      %get3A_686 = tpu.vector_load %arg14[%get3A_684, %get3A_685] {strides = array<i32>} : memref<128x32xf32, #tpu.memory_space<vmem>>, vector<16xf32>,
      %mul3A_687 = arith.mulf %get3A_683, %get3A_686 : vector<16xf32>
      %add3A_688 = arith.addf %mul3A_680, %mul3A_687 : vector<16xf32>
      %eq3A_689 = arith.constant 13 : i32
      %eq3A_690 = vector.broadcast %eq3A_689 : i32 to vector<16xi32>
      %eq3A_691 = arith.cmpi eq, %iota3A, %eq3A_690 : vector<16xi32>
      %reduce_sum3A_692 = arith.constant true
      %reduce_sum3A_693 = vector.broadcast %reduce_sum3A_692 : i1 to vector<16xi1>
      %reduce_sum3A_694 = tpu.scan <sum>, %add3A_688 masked %reduce_sum3A_693 : vector<16xf32>, vector<16xi1> -> vector<16xf32>
      %reduce_sum3A_695 = vector.extract %reduce_sum3A_694[15] : f32 from vector<16xf32>
      %broadcast_in_dim3A_696 = vector.broadcast %reduce_sum3A_695 : f32 to vector<16xf32>
      %select_n3A_697 = arith.select %eq3A_691, %broadcast_in_dim3A_696, %select_n3A_669 : vector<16xi1>, vector<16xf32>
      %mul3A_698 = arith.constant 16 : i32
      %mul3A_699 = arith.muli %scan3A_304, %mul3A_698 : i32
      %add3A_700 = arith.constant 14 : i32
      %add3A_701 = arith.addi %mul3A_699, %add3A_700 : i32
      %get3A_702 = arith.index_cast %add3A_701 : i32 to index
      %get3A_703 = arith.constant 0 : index
      %get3A_704 = tpu.vector_load %arg13[%get3A_702, %get3A_703] {strides = array<i32>} : memref<128x32xf32, #tpu.memory_space<vmem>>, vector<16xf32>,
      %get3A_705 = arith.index_cast %add3A_701 : i32 to index
      %get3A_706 = arith.constant 0 : index
      %get3A_707 = tpu.vector_load %arg14[%get3A_705, %get3A_706] {strides = array<i32>} : memref<128x32xf32, #tpu.memory_space<vmem>>, vector<16xf32>,
      %mul3A_708 = arith.mulf %get3A_704, %get3A_707 : vector<16xf32>
      %get3A_709 = arith.index_cast %add3A_701 : i32 to index
      %get3A_710 = arith.constant 16 : index
      %get3A_711 = tpu.vector_load %arg13[%get3A_709, %get3A_710] {strides = array<i32>} : memref<128x32xf32, #tpu.memory_space<vmem>>, vector<16xf32>,
      %get3A_712 = arith.index_cast %add3A_701 : i32 to index
      %get3A_713 = arith.constant 16 : index
      %get3A_714 = tpu.vector_load %arg14[%get3A_712, %get3A_713] {strides = array<i32>} : memref<128x32xf32, #tpu.memory_space<vmem>>, vector<16xf32>,
      %mul3A_715 = arith.mulf %get3A_711, %get3A_714 : vector<16xf32>
      %add3A_716 = arith.addf %mul3A_708, %mul3A_715 : vector<16xf32>
      %eq3A_717 = arith.constant 14 : i32
      %eq3A_718 = vector.broadcast %eq3A_717 : i32 to vector<16xi32>
      %eq3A_719 = arith.cmpi eq, %iota3A, %eq3A_718 : vector<16xi32>
      %reduce_sum3A_720 = arith.constant true
      %reduce_sum3A_721 = vector.broadcast %reduce_sum3A_720 : i1 to vector<16xi1>
      %reduce_sum3A_722 = tpu.scan <sum>, %add3A_716 masked %reduce_sum3A_721 : vector<16xf32>, vector<16xi1> -> vector<16xf32>
      %reduce_sum3A_723 = vector.extract %reduce_sum3A_722[15] : f32 from vector<16xf32>
      %broadcast_in_dim3A_724 = vector.broadcast %reduce_sum3A_723 : f32 to vector<16xf32>
      %select_n3A_725 = arith.select %eq3A_719, %broadcast_in_dim3A_724, %select_n3A_697 : vector<16xi1>, vector<16xf32>
      %mul3A_726 = arith.constant 16 : i32
      %mul3A_727 = arith.muli %scan3A_304, %mul3A_726 : i32
      %add3A_728 = arith.constant 15 : i32
      %add3A_729 = arith.addi %mul3A_727, %add3A_728 : i32
      %get3A_730 = arith.index_cast %add3A_729 : i32 to index
      %get3A_731 = arith.constant 0 : index
      %get3A_732 = tpu.vector_load %arg13[%get3A_730, %get3A_731] {strides = array<i32>} : memref<128x32xf32, #tpu.memory_space<vmem>>, vector<16xf32>,
      %get3A_733 = arith.index_cast %add3A_729 : i32 to index
      %get3A_734 = arith.constant 0 : index
      %get3A_735 = tpu.vector_load %arg14[%get3A_733, %get3A_734] {strides = array<i32>} : memref<128x32xf32, #tpu.memory_space<vmem>>, vector<16xf32>,
      %mul3A_736 = arith.mulf %get3A_732, %get3A_735 : vector<16xf32>
      %get3A_737 = arith.index_cast %add3A_729 : i32 to index
      %get3A_738 = arith.constant 16 : index
      %get3A_739 = tpu.vector_load %arg13[%get3A_737, %get3A_738] {strides = array<i32>} : memref<128x32xf32, #tpu.memory_space<vmem>>, vector<16xf32>,
      %get3A_740 = arith.index_cast %add3A_729 : i32 to index
      %get3A_741 = arith.constant 16 : index
      %get3A_742 = tpu.vector_load %arg14[%get3A_740, %get3A_741] {strides = array<i32>} : memref<128x32xf32, #tpu.memory_space<vmem>>, vector<16xf32>,
      %mul3A_743 = arith.mulf %get3A_739, %get3A_742 : vector<16xf32>
      %add3A_744 = arith.addf %mul3A_736, %mul3A_743 : vector<16xf32>
      %eq3A_745 = arith.constant 15 : i32
      %eq3A_746 = vector.broadcast %eq3A_745 : i32 to vector<16xi32>
      %eq3A_747 = arith.cmpi eq, %iota3A, %eq3A_746 : vector<16xi32>
      %reduce_sum3A_748 = arith.constant true
      %reduce_sum3A_749 = vector.broadcast %reduce_sum3A_748 : i1 to vector<16xi1>
      %reduce_sum3A_750 = tpu.scan <sum>, %add3A_744 masked %reduce_sum3A_749 : vector<16xf32>, vector<16xi1> -> vector<16xf32>
      %reduce_sum3A_751 = vector.extract %reduce_sum3A_750[15] : f32 from vector<16xf32>
      %broadcast_in_dim3A_752 = vector.broadcast %reduce_sum3A_751 : f32 to vector<16xf32>
      %select_n3A_753 = arith.select %eq3A_747, %broadcast_in_dim3A_752, %select_n3A_725 : vector<16xi1>, vector<16xf32>
      %mul3A_754 = arith.constant 16 : i32
      %mul3A_755 = arith.muli %scan3A_304, %mul3A_754 : i32
      %add3A_756 = vector.broadcast %mul3A_755 : i32 to vector<16xi32>
      %add3A_757 = arith.addi %add3A_756, %iota3A : vector<16xi32>
      %get3A_758 = arith.constant 3 : i32
      %get3A_759 = arith.index_cast %get3A_758 : i32 to index
      %get3A_760 = arith.index_cast %mul3A_307 : i32 to index
      %get3A_761 = tpu.vector_load %arg9[%get3A_759, %get3A_760] {strides = array<i32>} : memref<4x128xi32, #tpu.memory_space<vmem>>, vector<16xi32>,
      %and3A = arith.andi %get3A_761, %broadcast_in_dim3A_53 : vector<16xi32>
      %gather3A = tpu.vector_load_idx %arg15[%add3A_757, %and3A] : memref<128x128xf32, #tpu.memory_space<vmem>>[vector<16xi32>, vector<16xi32>], vector<16xf32>,
      %get3A_762 = arith.constant 3 : i32
      %get3A_763 = arith.index_cast %get3A_762 : i32 to index
      %get3A_764 = arith.index_cast %mul3A_307 : i32 to index
      %get3A_765 = tpu.vector_load %arg10[%get3A_763, %get3A_764] {strides = array<i32>} : memref<4x128xi32, #tpu.memory_space<vmem>>, vector<16xi32>,
      %and3A_766 = arith.andi %get3A_765, %broadcast_in_dim3A_53 : vector<16xi32>
      %gather3A_767 = tpu.vector_load_idx %arg16[%add3A_757, %and3A_766] : memref<128x128xf32, #tpu.memory_space<vmem>>[vector<16xi32>, vector<16xi32>], vector<16xf32>,
      %add3A_768 = arith.addf %select_n3A_753, %gather3A : vector<16xf32>
      %add3A_769 = arith.addf %add3A_768, %gather3A_767 : vector<16xf32>
      %neg3A = arith.constant 0.000000e+00 : f32
      %neg3A_770 = vector.broadcast %neg3A : f32 to vector<16xf32>
      %neg3A_771 = arith.subf %neg3A_770, %add3A_769 : vector<16xf32>
      %exp3A = math.exp %neg3A_771 : vector<16xf32>
      %add3A_772 = arith.constant 1.000000e+00 : f32
      %add3A_773 = vector.broadcast %add3A_772 : f32 to vector<16xf32>
      %add3A_774 = arith.addf %add3A_773, %exp3A : vector<16xf32>
      %div3A = arith.constant 1.000000e+00 : f32
      %div3A_775 = vector.broadcast %div3A : f32 to vector<16xf32>
      %div3A_776 = arith.divf %div3A_775, %add3A_774 : vector<16xf32>
      %mul3A_777 = arith.constant 16 : i32
      %mul3A_778 = arith.muli %scan3A_304, %mul3A_777 : i32
      %add3A_779 = arith.constant 384 : i32
      %add3A_780 = arith.addi %add3A_779, %mul3A_778 : i32
      %swap3A = arith.index_cast %add3A_780 : i32 to index
      %swap3A_781 = tpu.vector_load %arg17[%swap3A] {strides = array<i32>} : memref<512xf32, #tpu.memory_space<vmem>>, vector<16xf32>,
      tpu.vector_store %arg17[%swap3A], %div3A_776 {strides = array<i32>} : memref<512xf32, #tpu.memory_space<vmem>>, vector<16xf32>,
      %scan3A_782 = arith.constant 0 : i32
      scf.yield %scan3A_782 : i32
    }
    %scan3A_303 = arith.constant 8 : i32
    "tpu.region"() ({
      %run_scoped3A_304 = tpu.sem_alloc : memref<!tpu.dma_semaphore, #tpu.memory_space<semaphore_mem>>
      %dma_start3A_305 = tpu.memref_slice %arg8[%mul3A_2] : memref<16384xf32, #tpu.memory_space<hbm>> -> memref<512xf32, #tpu.memory_space<hbm>>
      %dma_start3A_306 = tpu.memref_slice %arg8[%mul3A_2] : memref<16384xf32, #tpu.memory_space<hbm>> -> memref<512xf32, #tpu.memory_space<hbm>>
      tpu.enqueue_dma source(%arg17 : memref<512xf32, #tpu.memory_space<vmem>>) target(%dma_start3A_306 : memref<512xf32, #tpu.memory_space<hbm>>) target_semaphore(%run_scoped3A_304 : memref<!tpu.dma_semaphore, #tpu.memory_space<semaphore_mem>>)
      %dma_wait3A_307 = tpu.memref_slice %arg8[%mul3A_2] : memref<16384xf32, #tpu.memory_space<hbm>> -> memref<512xf32, #tpu.memory_space<hbm>>
      %dma_wait3A_308 = tpu.memref_slice %arg8[%mul3A_2] : memref<16384xf32, #tpu.memory_space<hbm>> -> memref<512xf32, #tpu.memory_space<hbm>>
      tpu.wait_dma2 semaphore(%run_scoped3A_304 : memref<!tpu.dma_semaphore, #tpu.memory_space<semaphore_mem>>) src(%arg17 : memref<512xf32, #tpu.memory_space<vmem>>) dst(%dma_wait3A_308 : memref<512xf32, #tpu.memory_space<hbm>>)
      tpu.yield
    }) : () -> ()
    return
  }
}

</mosaic_0001>

<sc_bundles>
// kernel: kernel.3.cloned.1.call-start
scs
__scs_entry_jumppad:
0x0: {  	(pc) =	sbr.rel $0x88, $3  }
0x1: {  	(tag) =	ssettag $0x0;
	lr =	simm.s32 $0x1  }
0x2: {  	[smem:$0x3F9B] =	sst lr;
	_ =	strace $0xD0000000  }
0x3: {  	_ = 	snop  }
0x4: {  	_ = 	snop  }
0x5: {  	_ = 	snop  }
0x6: {  	_ = 	snop  }
0x7: {  	_ = 	snop  }
__scs_overlays_trampoline_lowered:
0x8: {  	[smem:$0x3FAA] =	sst s0  }
0x9: {  	[smem:$0x3FAB] =	sst s1  }
0xa: {  	[smem:$0x3FAC] =	sst s2  }
0xb: {  	[smem:$0x3FAD] =	sst s3  }
0xc: {  	[smem:$0x3FAE] =	sst s4  }
0xd: {  	[smem:$0x3FAF] =	sst s5  }
0xe: {  	[smem:$0x3FB0] =	sst s6  }
0xf: {  	[smem:$0x3FB1] =	sst s7  }
0x10: {  	[smem:$0x3FB2] =	sst s8  }
0x11: {  	[smem:$0x3FB3] =	sst s9;
	s0 =	simm.s32 @!p0 $0x0  }
0x12: {  	s1 =	sld [smem:$0x3F99];
	s0 =	simm.s32 @p0 $0x1  }
0x13: {  	[smem:$0x3FB4] =	sst s0;
	s0 =	simm.s32 @!p1 $0x0  }
0x14: {  	s2 =	sld [smem:$0x3F98];
	s0 =	simm.s32 @p1 $0x1  }
0x15: {  	[smem:$0x3FB5] =	sst s0;
	s0 =	simm.s32 @!p2 $0x0  }
0x16: {  	s3 =	sld [smem:$0x3FDB];
	s0 =	simm.s32 @p2 $0x1  }
0x17: {  	s4 =	simm.s32 $0x1BF5;
	[smem:$0x3FB7] =	sst s0  }
0x18: {  	s0 =	sld [smem:$0x3F9A];
	_ =	swait.ge [sflag:s4], $0x0  }
0x19: {  	s7 =	sld [smem:$0x3F9B]  }
0x1a: {  	s8 =	sadd.s32 $0xFFFFE003, lr  }
0x1b: {  	s9 =	sadd.s32 $0xFFFFFEF7, lr;
	s5 =	simm.s32 $0xFFFFFFFF;
	p2 =	slt.u32 s8, $0xFFFFF086  }
0x1c: {  	p1 =	slt.u32 s9, $0xF7A;
	s5 =	simm.s32 @!p2 $0x0  }
0x1d: {  	s5 =	simm.s32 @p1 $0x1;
	p0 =	seq.s32 s7, s2  }
0x1e: {  	s7 =	smul.u32 @!p0 $0xF7A, s2;
	p2 =	seq.s32 @!p0 s5, $0x0  }
0x1f: {  	s9 =	smul.u32 $0xF7A, s1;
	s8 =	simm.s32 @!p0 $0x1BF5;
	p2 =	por !p2, p0  }
0x20: {  	[sflag:s8] =	ssyncset.s32 @!p0 $0xFFFFF086;
	s6 =	sadd.s32 @!p0 s3, s7;
	s7 =	simm.s32 @!p0 $0x108  }
0x21: {  	s3 =	sadd.s32 s3, s9;
	s6 =	sadd.s32 @!p0 $0x88, s6;
	s7 =	simm.s32 @p2 $0x1082  }
0x22: {  	[simem:s7], [sflag:s8] =	dma.local @!p0 [hbm:s6], $0xF7A  }
0x23: {  	s9 =	sor.u32 $0xD0000000, s2;
	s6 =	simm.s32 $0x108;
	_ =	swait.ge @!p0 [sflag:s8], $0x0  }
0x24: {  	s3 =	sadd.s32 $0x88, s3;
	s6 =	simm.s32 @!p1 $0x1082;
	[sflag:s4] =	ssyncset.s32 $0xFFFFF086  }
0x25: {  	[simem:s6], [sflag:s4] =	dma.local [hbm:s3], $0xF7A  }
0x26: {  	[smem:$0x3F9B] =	sst s1;
	(tag) =	ssettag s2;
	_ =	strace s9  }
0x27: {  	s1 =	sld [smem:$0x3FAB]  }
0x28: {  	s2 =	sld [smem:$0x3FAC]  }
0x29: {  	s4 =	sld [smem:$0x3FAE]  }
0x2a: {  	p0 =	seq.s32 s5, $0x0;
	s5 =	sld [smem:$0x3FAF]  }
0x2b: {  	s6 =	sld [smem:$0x3FB0]  }
0x2c: {  	s7 =	sld [smem:$0x3FB1]  }
0x2d: {  	s3 =	simm.s32 $0x108;
	s8 =	sld [smem:$0x3FB2]  }
0x2e: {  	s3 =	simm.s32 @!p0 $0x1082;
	s9 =	sld [smem:$0x3FB3]  }
0x2f: {  	lr =	sadd.s32 s0, s3;
	s0 =	sld [smem:$0x3FAA]  }
0x30: {  	s3 =	sld [smem:$0x3FAD]  }
0x31: {  	[smem:$0x3FB6] =	sst s10  }
0x32: {  	s10 =	sld [smem:$0x3FB4];
	_ =	sdelay $0x3  }
0x33: {  	p0 =	seq.s32 s10, $0x1;
	s10 =	sld [smem:$0x3FB6];
	_ =	sdelay $0x3  }
0x34: {  	[smem:$0x3FB6] =	sst s10  }
0x35: {  	s10 =	sld [smem:$0x3FB5];
	_ =	sdelay $0x3  }
0x36: {  	p1 =	seq.s32 s10, $0x1;
	s10 =	sld [smem:$0x3FB6];
	_ =	sdelay $0x3  }
0x37: {  	[smem:$0x3FB6] =	sst s10  }
0x38: {  	s10 =	sld [smem:$0x3FB7]  }
0x39: {  	_ = 	snop;
	(pc) =	sbr.ind lr, $3  }
0x3a: {  	_ = 	snop  }
0x3b: {  	_ = 	snop  }
0x3c: {  	p2 =	seq.s32 s10, $0x1;
	s10 =	sld [smem:$0x3FB6]  }
0x3d: {  	_ =	shalt  }
0x3e: {  	_ =	shalt  }
0x3f: {  	_ =	shalt  }
0x40: {  	_ =	shalt  }
0x41: {  	_ =	shalt  }
0x42: {  	_ =	shalt  }
0x43: {  	_ =	shalt  }
0x44: {  	_ =	shalt  }
0x45: {  	_ =	shalt  }
0x46: {  	_ =	shalt  }
0x47: {  	_ =	shalt  }
0x48: {  	_ =	shalt  }
0x49: {  	_ =	shalt  }
0x4a: {  	_ =	shalt  }
0x4b: {  	_ =	shalt  }
0x4c: {  	_ =	shalt  }
0x4d: {  	_ =	shalt  }
0x4e: {  	_ =	shalt  }
0x4f: {  	_ =	shalt  }
0x50: {  	_ =	shalt  }
0x51: {  	_ =	shalt  }
0x52: {  	_ =	shalt  }
0x53: {  	_ =	shalt  }
0x54: {  	_ =	shalt  }
0x55: {  	_ =	shalt  }
0x56: {  	_ =	shalt  }
0x57: {  	_ =	shalt  }
0x58: {  	_ =	shalt  }
0x59: {  	_ =	shalt  }
0x5a: {  	_ =	shalt  }
0x5b: {  	_ =	shalt  }
0x5c: {  	_ =	shalt  }
0x5d: {  	_ =	shalt  }
0x5e: {  	_ =	shalt  }
0x5f: {  	_ =	shalt  }
0x60: {  	_ =	shalt  }
0x61: {  	_ =	shalt  }
0x62: {  	_ =	shalt  }
0x63: {  	_ =	shalt  }
0x64: {  	_ =	shalt  }
0x65: {  	_ =	shalt  }
0x66: {  	_ =	shalt  }
0x67: {  	_ =	shalt  }
0x68: {  	_ =	shalt  }
0x69: {  	_ =	shalt  }
0x6a: {  	_ =	shalt  }
0x6b: {  	_ =	shalt  }
0x6c: {  	_ =	shalt  }
0x6d: {  	_ =	shalt  }
0x6e: {  	_ =	shalt  }
0x6f: {  	_ =	shalt  }
0x70: {  	_ =	shalt  }
0x71: {  	_ =	shalt  }
0x72: {  	_ =	shalt  }
0x73: {  	_ =	shalt  }
0x74: {  	_ =	shalt  }
0x75: {  	_ =	shalt  }
0x76: {  	_ =	shalt  }
0x77: {  	_ =	shalt  }
0x78: {  	_ =	shalt  }
0x79: {  	_ =	shalt  }
0x7a: {  	_ =	shalt  }
0x7b: {  	_ =	shalt  }
0x7c: {  	_ =	shalt  }
0x7d: {  	_ =	shalt  }
0x7e: {  	_ =	shalt  }
0x7f: {  	_ =	shalt  }
0x80: {  	_ =	shalt  }
0x81: {  	_ =	shalt  }
0x82: {  	_ =	shalt  }
0x83: {  	_ =	shalt  }
0x84: {  	_ =	shalt  }
0x85: {  	_ =	shalt  }
0x86: {  	_ =	shalt  }
0x87: {  	_ =	shalt  }
.Lfunc_end0:
.L_simem_size_0:
called_computation_lowered:
.L_overlay_start_0:
0x88: {  	s2 =	sld [smem:$0x3FD9]  }
0x89: {  	s3 =	sld [smem:$0x3FFE];
	_ =	sdelay $0x1  }
0x8a: {  	s1 =	srdreg.scid  }
0x8b: {  	s0 =	sand.u32 $0x1, s1  }
0x8c: {  	s17 =	sshll.u32 s0, $0xA;
	s2 =	sadd.s32 s3, s2  }
0x8d: {  	s2 =	sadd.s32 s2, s17  }
0x8e: {  	[smem:$0x3FC2] =	sst s2  }
0x8f: {  	_ = 	snop  }
0x90: {  	s2 =	sld [smem:$0x3FC9]  }
0x91: {  	s18 =	sld [smem:$0x3FC8]  }
0x92: {  	s4 =	sld [smem:$0x3FD0];
	(tm) =	ssettm $0x1  }
0x93: {  	s5 =	sld [smem:$0x3FFB];
	_ =	sdelay $0x3  }
0x94: {  	_ =	strace s5  }
0x95: {  	s5 =	sld [smem:$0x3FFC];
	_ =	sdelay $0x3  }
0x96: {  	_ =	strace s5  }
0x97: {  	s5 =	sld [smem:$0x3FFD];
	_ =	sdelay $0x3  }
0x98: {  	_ =	strace s5  }
0x99: {  	_ =	strace $0x8FFFFFFF  }
0x9a: {  	s19 =	sld [smem:$0x3FDB];
	_ =	sdelay $0x1  }
0x9b: {  	s6 =	simm.s32 $_scs_section_size  }
0x9c: {  	s7 =	simm.s32 $_size__tile_overlayer_lowered;
	s8 =	simm.s32 $_tile_overlayer_lowered  }
0x9d: {  	s22 =	simm.s32 $0x1BFF;
	s21 =	sshll.u32 s8, $0x1;
	s5 =	sadd.s32 s6, s19  }
0x9e: {  	s9 =	simm.s32 $0x0;
	s20 =	sshll.u32 s7, $0x1;
	s7 =	sadd.s32 s21, s5  }
0x9f: {  	[timem:s9], [sflag:s22] =	dma.local [hbm:s7], s20  }
0xa0: {  	_ =	swait.ge [sflag:s22], s20  }
0xa1: {  	s6 =	ssub.s32 $0x0, s20;
	[sflag:s22] =	ssyncset.done $0x0  }
0xa2: {  	[sflag:s22] =	ssyncadd.s32 s6;
	_ =	sdelay $0x1  }
0xa3: {  	s23 =	simm.s32 $0x1B8B  }
0xa4: {  	_ =	swait.ge [sflag:s23], $0x1  }
0xa5: {  	[sflag:s23] =	ssyncset.done $0x0  }
0xa6: {  	s25 =	simm.s32 $0x1B8E;
	s24 =	sld [smem:$0x3FFE];
	[sflag:s23] =	ssyncadd.s32 $0xFFFFFFFF  }
0xa7: {  	s26 =	simm.s32 $execute0_lowered;
	[smem:$0x3FD2] =	sst s25  }
0xa8: {  	s7 =	sshll.u32 s26, $0x1;
	_ =	strace $0x80000046;
	[dreg:$0x1] =	wrdreg $0xFFFFFFFF  }
0xa9: {  	s28 =	simm.s32 $_size_execute0_lowered;
	s5 =	sadd.s32 s5, s7;
	[dreg:$0x0] =	wrdreg $0x0  }
0xaa: {  	s7 =	sshll.u32 s28, $0x1;
	[dreg:$0x2] =	wrdreg s5  }
0xab: {  	[dreg:$0x3] =	wrdreg s7  }
0xac: {  	[dreg:$0x4] =	wrdreg $0xC0  }
0xad: {  	_ =	task [dreg:s9], $0x5FFFF  }
0xae: {  	[dreg:$0x1] =	wrdreg $0xFFFFFFFF  }
0xaf: {  	[dreg:$0x0] =	wrdreg $0x60  }
0xb0: {  	[dreg:$0x2] =	wrdreg s2  }
0xb1: {  	[dreg:$0x3] =	wrdreg s18  }
0xb2: {  	[dreg:$0x4] =	wrdreg s24  }
0xb3: {  	[dreg:$0x5] =	wrdreg s4  }
0xb4: {  	[dreg:$0x6] =	wrdreg $0x9  }
0xb5: {  	_ =	task.clear_ibuf [dreg:s9], $0x7FFFF;
	_ =	strace $0x90000046  }
0xb6: {  	s29 =	simm.s32 $0x9;
	_ =	strace $0x80000048  }
0xb7: {  	_ =	swait.ge [sflag:s29], $0x1  }
0xb8: {  	[sflag:s29] =	ssyncadd.s32 $0xFFFFFFFF  }
0xb9: {  	_ =	strace $0x90000048  }
0xba: {  	_ =	sfence  }
0xbb: {  	s30 =	sld [smem:$0x0];
	_ =	sdelay $0x2  }
0xbc: {  	s31 =	sshll.u32 s1, $0xD;
	s1 =	sshrl.u32 s1, $0x2  }
0xbd: {  	s3 =	sand.u32 $0x4000, s31;
	s1 =	sadd.s32 s1, s30  }
0xbe: {  	s0 =	sor.u32 s3, s0;
	s1 =	sshll.u32 s1, $0x11  }
0xbf: {  	s0 =	sor.u32 s1, s0  }
0xc0: {  	s0 =	sadd.s32 $0x8F2B, s0  }
0xc1: {  	[sflag:s0] =	ssyncadd.remote.s32 $0x1  }
0xc2: {  	_ =	sfence.sel $0xFFFF  }
0xc3: {  	[dreg:$0x0] =	wrdreg $0xFFFFFFFF;
	(pc) =	sbr.abs _section_cstart, $3  }
0xc4: {  	[dreg:$0x1] =	wrdreg $0xFFFFFFFF  }
0xc5: {  	_ =	task.clear_ibuf [dreg:s9], $0x2FFFF;
	_ =	strace $0x9FFFFFFF  }
0xc6: {  	(tm) =	ssettm $0x7FFFFFFF  }
0xc7: {  	_ =	shalt  }
tec
execute0_lowered:
.L_overlay_start_1:
0x0: {  	(tag) =	ssettag $0x1  }
0x1: {  	s0 =	rddreg [dreg:$0x0]  }
0x2: {  	s2 =	rddreg [dreg:$0x1]  }
0x3: {  	s6 =	rddreg [dreg:$0x2]  }
0x4: {  	s15 =	rddreg [dreg:$0x3];
	s1 =	simm.s32 $0x0;
	s7 =	srdreg.scid  }
0x5: {  	s9 =	stileid.u32;
	s18 =	simm.s32 $0x80;
	s24 =	simm.s32 $0x800  }
0x6: {  	s25 =	simm.s32 $0x1800;
	s28 =	simm.s32 $0x2800;
	s30 =	simm.s32 $0x6800  }
0x7: {  	s31 =	simm.s32 $0x1;
	s23 =	simm.s32 $0xA800;
	[smem:$0x7FF] =	sst s1  }
0x8: {  	s26 =	simm.s32 $0x0;
	s3 =	sadd.s32 $0x1313600, s6;
	s4 =	sadd.s32 $0xF42C00, s6  }
0x9: {  	s5 =	sadd.s32 $0x20800, s6;
	s7 =	sand.u32 $0x1, s7;
	s9 =	sshll.u32 s9, $0x7  }
0xa: {  	s6 =	sadd.s32 $0x800, s6;
	s8 =	ssub.s32 $0x2, s7;
	s7 =	sshll.u32 s7, $0x6  }
0xb: {  	vm0 =	vmmov $0x1;
	vm1 =	vmmov $0x3;
	_ =	strace $0x80000047;
	s10 =	sshrl.u32 s8, $0x1;
	s16 =	sor.u32 s7, s9  }
0xc: {  	vm2 =	vmmov $0x7;
	vm3 =	vmmov $0xf;
	vm4 =	vmmov $0x1f;
	s17 =	ssub.s32 s8, s10;
	s7 =	sadd.s32 s0, s16;
	s29 =	sor.u32 $0x10, s16  }
0xd: {  	vm5 =	vmmov $0x3f;
	vm6 =	vmmov $0x7f;
	vm7 =	vmmov $0xff;
	s8 =	sadd.s32 s2, s16;
	s12 =	sor.u32 $0x20, s16;
	s14 =	sor.u32 $0x30, s16  }
0xe: {  	vm8 =	vmmov $0x1ff;
	vm9 =	vmmov $0x3ff;
	vm10 =	vmmov $0x7ff;
	s15 =	sadd.s32 s15, s16;
	s9 =	sadd.s32 s0, s29;
	s10 =	sadd.s32 s2, s29  }
0xf: {  	vm11 =	vmmov $0xfff;
	vm12 =	vmmov $0x1fff;
	v0 =	vlaneseq.u32;
	s11 =	sadd.s32 s0, s12;
	s12 =	sadd.s32 s2, s12;
	s13 =	sadd.s32 s0, s14  }
0x10: {  	vm13 =	vmmov $0x3fff;
	vm14 =	vmmov $0x7fff;
	v0 =	vmul.u32 $0x80, v0;
	s14 =	sadd.s32 s2, s14;
	s16 =	smax.u32 s17, $0x1;
	s17 =	simm.s32 $0x2  }
.LBB2_1:
0x11: {  	[tilespmem:s1], [sflag:$0x2] =	stream.linear.gather [hbm4b:s7+s1], $0x80, $0x38;
	[tilespmem:$0xAA00] =	vst v63  }
0x12: {  	_ =	swait.ge [sflag:s17], $0x80  }
0x13: {  	[sflag:s17] =	ssyncset.done $0x0  }
0x14: {  	s29 =	simm.s32 $0x200;
	[sflag:s17] =	ssyncadd.s32 $0xFFFFFF80  }
0x15: {  	[tilespmem:s29], [sflag:$0x2] =	stream.linear.gather [hbm4b:s8+s1], $0x80, $0x38;
	[tilespmem:$0xAA00] =	vst v63  }
0x16: {  	_ =	swait.ge [sflag:s17], $0x80  }
0x17: {  	[sflag:s17] =	ssyncset.done $0x0  }
0x18: {  	[sflag:s17] =	ssyncadd.s32 $0xFFFFFF80  }
0x19: {  	[tilespmem:s18], [sflag:$0x2] =	stream.linear.gather [hbm4b:s9+s1], $0x80, $0x38;
	[tilespmem:$0xAA00] =	vst v63  }
0x1a: {  	_ =	swait.ge [sflag:s17], $0x80  }
0x1b: {  	[sflag:s17] =	ssyncset.done $0x0  }
0x1c: {  	s0 =	simm.s32 $0x280;
	[sflag:s17] =	ssyncadd.s32 $0xFFFFFF80  }
0x1d: {  	[tilespmem:s0], [sflag:$0x2] =	stream.linear.gather [hbm4b:s10+s1], $0x80, $0x38;
	[tilespmem:$0xAA00] =	vst v63  }
0x1e: {  	_ =	swait.ge [sflag:s17], $0x80  }
0x1f: {  	[sflag:s17] =	ssyncset.done $0x0  }
0x20: {  	s21 =	simm.s32 $0x100;
	[sflag:s17] =	ssyncadd.s32 $0xFFFFFF80  }
0x21: {  	[tilespmem:s21], [sflag:$0x2] =	stream.linear.gather [hbm4b:s11+s1], $0x80, $0x38;
	[tilespmem:$0xAA00] =	vst v63  }
0x22: {  	_ =	swait.ge [sflag:s17], $0x80  }
0x23: {  	[sflag:s17] =	ssyncset.done $0x0  }
0x24: {  	s22 =	simm.s32 $0x300;
	[sflag:s17] =	ssyncadd.s32 $0xFFFFFF80  }
0x25: {  	[tilespmem:s22], [sflag:$0x2] =	stream.linear.gather [hbm4b:s12+s1], $0x80, $0x38;
	[tilespmem:$0xAA00] =	vst v63  }
0x26: {  	_ =	swait.ge [sflag:s17], $0x80  }
0x27: {  	[sflag:s17] =	ssyncset.done $0x0  }
0x28: {  	s2 =	simm.s32 $0x180;
	[sflag:s17] =	ssyncadd.s32 $0xFFFFFF80  }
0x29: {  	[tilespmem:s2], [sflag:$0x2] =	stream.linear.gather [hbm4b:s13+s1], $0x80, $0x38;
	[tilespmem:$0xAA00] =	vst v63  }
0x2a: {  	_ =	swait.ge [sflag:s17], $0x80  }
0x2b: {  	[sflag:s17] =	ssyncset.done $0x0  }
0x2c: {  	s19 =	simm.s32 $0x380;
	[sflag:s17] =	ssyncadd.s32 $0xFFFFFF80  }
0x2d: {  	[tilespmem:s19], [sflag:$0x2] =	stream.linear.gather [hbm4b:s14+s1], $0x80, $0x38;
	[tilespmem:$0xAA00] =	vst v63  }
0x2e: {  	_ =	swait.ge [sflag:s17], $0x80  }
0x2f: {  	[sflag:s17] =	ssyncset.done $0x0  }
0x30: {  	[sflag:s17] =	ssyncadd.s32 $0xFFFFFF80  }
0x31: {  	v1 =	vld [tilespmem:$0x0]  }
0x32: {  	v2 =	vld [tilespmem:$0x200]  }
0x33: {  	v3 =	vld [tilespmem:$0x10]  }
0x34: {  	v4 =	vld [tilespmem:$0x210]  }
0x35: {  	v5 =	vld [tilespmem:$0x20]  }
0x36: {  	v6 =	vld [tilespmem:$0x220];
	v1 =	vshrl.u32 v1, $0x7  }
0x37: {  	[tilespmem:$0x400] =	vst v1;
	v1 =	vshrl.u32 v2, $0x7;
	v2 =	vld [tilespmem:$0x30]  }
0x38: {  	[tilespmem:$0x600] =	vst v1;
	v1 =	vshrl.u32 v3, $0x7;
	v3 =	vld [tilespmem:$0x230]  }
0x39: {  	[tilespmem:$0x410] =	vst v1;
	v1 =	vshrl.u32 v4, $0x7;
	v4 =	vld [tilespmem:$0x40]  }
0x3a: {  	[tilespmem:$0x610] =	vst v1;
	v1 =	vshrl.u32 v5, $0x7;
	v5 =	vld [tilespmem:$0x240]  }
0x3b: {  	[tilespmem:$0x420] =	vst v1;
	v1 =	vshrl.u32 v6, $0x7;
	v6 =	vld [tilespmem:$0x50]  }
0x3c: {  	[tilespmem:$0x620] =	vst v1;
	v1 =	vshrl.u32 v2, $0x7;
	v2 =	vld [tilespmem:$0x250]  }
0x3d: {  	[tilespmem:$0x430] =	vst v1;
	v1 =	vshrl.u32 v3, $0x7;
	v3 =	vld [tilespmem:$0x60]  }
0x3e: {  	[tilespmem:$0x630] =	vst v1;
	v1 =	vshrl.u32 v4, $0x7;
	v4 =	vld [tilespmem:$0x260]  }
0x3f: {  	[tilespmem:$0x440] =	vst v1;
	v1 =	vshrl.u32 v5, $0x7;
	v5 =	vld [tilespmem:$0x70]  }
0x40: {  	[tilespmem:$0x640] =	vst v1;
	v1 =	vshrl.u32 v6, $0x7;
	v6 =	vld [tilespmem:$0x270]  }
0x41: {  	[tilespmem:$0x450] =	vst v1;
	v1 =	vshrl.u32 v2, $0x7;
	v2 =	vld [tilespmem:$0x80]  }
0x42: {  	[tilespmem:$0x650] =	vst v1;
	v1 =	vshrl.u32 v3, $0x7;
	v3 =	vld [tilespmem:$0x280]  }
0x43: {  	[tilespmem:$0x460] =	vst v1;
	v1 =	vshrl.u32 v4, $0x7;
	v4 =	vld [tilespmem:$0x90]  }
0x44: {  	[tilespmem:$0x660] =	vst v1;
	v1 =	vshrl.u32 v5, $0x7;
	v5 =	vld [tilespmem:$0x290]  }
0x45: {  	[tilespmem:$0x470] =	vst v1;
	v1 =	vshrl.u32 v6, $0x7;
	v6 =	vld [tilespmem:$0xA0]  }
0x46: {  	[tilespmem:$0x670] =	vst v1;
	v1 =	vshrl.u32 v2, $0x7;
	v2 =	vld [tilespmem:$0x2A0]  }
0x47: {  	[tilespmem:$0x480] =	vst v1;
	v1 =	vshrl.u32 v3, $0x7;
	v3 =	vld [tilespmem:$0xB0]  }
0x48: {  	[tilespmem:$0x680] =	vst v1;
	v1 =	vshrl.u32 v4, $0x7;
	v4 =	vld [tilespmem:$0x2B0]  }
0x49: {  	[tilespmem:$0x490] =	vst v1;
	v1 =	vshrl.u32 v5, $0x7;
	v5 =	vld [tilespmem:$0xC0]  }
0x4a: {  	[tilespmem:$0x690] =	vst v1;
	v1 =	vshrl.u32 v6, $0x7;
	v6 =	vld [tilespmem:$0x2C0]  }
0x4b: {  	[tilespmem:$0x4A0] =	vst v1;
	v1 =	vshrl.u32 v2, $0x7;
	v2 =	vld [tilespmem:$0xD0]  }
0x4c: {  	[tilespmem:$0x6A0] =	vst v1;
	v1 =	vshrl.u32 v3, $0x7;
	v3 =	vld [tilespmem:$0x2D0]  }
0x4d: {  	[tilespmem:$0x4B0] =	vst v1;
	v1 =	vshrl.u32 v4, $0x7;
	v4 =	vld [tilespmem:$0xE0]  }
0x4e: {  	[tilespmem:$0x6B0] =	vst v1;
	v1 =	vshrl.u32 v5, $0x7;
	v5 =	vld [tilespmem:$0x2E0]  }
0x4f: {  	[tilespmem:$0x4C0] =	vst v1;
	v1 =	vshrl.u32 v6, $0x7;
	v6 =	vld [tilespmem:$0xF0]  }
0x50: {  	[tilespmem:$0x6C0] =	vst v1;
	v1 =	vshrl.u32 v2, $0x7;
	v2 =	vld [tilespmem:$0x2F0]  }
0x51: {  	[tilespmem:$0x4D0] =	vst v1;
	v1 =	vshrl.u32 v3, $0x7;
	v3 =	vld [tilespmem:$0x100]  }
0x52: {  	[tilespmem:$0x6D0] =	vst v1;
	v1 =	vshrl.u32 v4, $0x7;
	v4 =	vld [tilespmem:$0x300]  }
0x53: {  	[tilespmem:$0x4E0] =	vst v1;
	v1 =	vshrl.u32 v5, $0x7;
	v5 =	vld [tilespmem:$0x110]  }
0x54: {  	[tilespmem:$0x6E0] =	vst v1;
	v1 =	vshrl.u32 v6, $0x7;
	v6 =	vld [tilespmem:$0x310]  }
0x55: {  	[tilespmem:$0x4F0] =	vst v1;
	v1 =	vshrl.u32 v2, $0x7;
	v2 =	vld [tilespmem:$0x120]  }
0x56: {  	[tilespmem:$0x6F0] =	vst v1;
	v1 =	vshrl.u32 v3, $0x7;
	v3 =	vld [tilespmem:$0x320]  }
0x57: {  	[tilespmem:$0x500] =	vst v1;
	v1 =	vshrl.u32 v4, $0x7;
	v4 =	vld [tilespmem:$0x130]  }
0x58: {  	[tilespmem:$0x700] =	vst v1;
	v1 =	vshrl.u32 v5, $0x7;
	v5 =	vld [tilespmem:$0x330]  }
0x59: {  	[tilespmem:$0x510] =	vst v1;
	v1 =	vshrl.u32 v6, $0x7;
	v6 =	vld [tilespmem:$0x140]  }
0x5a: {  	[tilespmem:$0x710] =	vst v1;
	v1 =	vshrl.u32 v2, $0x7;
	v2 =	vld [tilespmem:$0x340]  }
0x5b: {  	[tilespmem:$0x520] =	vst v1;
	v1 =	vshrl.u32 v3, $0x7;
	v3 =	vld [tilespmem:$0x150]  }
0x5c: {  	[tilespmem:$0x720] =	vst v1;
	v1 =	vshrl.u32 v4, $0x7;
	v4 =	vld [tilespmem:$0x350]  }
0x5d: {  	[tilespmem:$0x530] =	vst v1;
	v1 =	vshrl.u32 v5, $0x7;
	v5 =	vld [tilespmem:$0x160]  }
0x5e: {  	[tilespmem:$0x730] =	vst v1;
	v1 =	vshrl.u32 v6, $0x7;
	v6 =	vld [tilespmem:$0x360]  }
0x5f: {  	[tilespmem:$0x540] =	vst v1;
	v1 =	vshrl.u32 v2, $0x7;
	v2 =	vld [tilespmem:$0x170]  }
0x60: {  	[tilespmem:$0x740] =	vst v1;
	v1 =	vshrl.u32 v3, $0x7;
	v3 =	vld [tilespmem:$0x370]  }
0x61: {  	[tilespmem:$0x550] =	vst v1;
	v1 =	vshrl.u32 v4, $0x7;
	v4 =	vld [tilespmem:$0x180]  }
0x62: {  	[tilespmem:$0x750] =	vst v1;
	v1 =	vshrl.u32 v5, $0x7;
	v5 =	vld [tilespmem:$0x380]  }
0x63: {  	[tilespmem:$0x560] =	vst v1;
	v1 =	vshrl.u32 v6, $0x7;
	v6 =	vld [tilespmem:$0x190]  }
0x64: {  	[tilespmem:$0x760] =	vst v1;
	v1 =	vshrl.u32 v2, $0x7;
	v2 =	vld [tilespmem:$0x390]  }
0x65: {  	[tilespmem:$0x570] =	vst v1;
	v1 =	vshrl.u32 v3, $0x7;
	v3 =	vld [tilespmem:$0x1A0]  }
0x66: {  	[tilespmem:$0x770] =	vst v1;
	v1 =	vshrl.u32 v4, $0x7;
	v4 =	vld [tilespmem:$0x3A0]  }
0x67: {  	[tilespmem:$0x580] =	vst v1;
	v1 =	vshrl.u32 v5, $0x7;
	v5 =	vld [tilespmem:$0x1B0]  }
0x68: {  	[tilespmem:$0x780] =	vst v1;
	v1 =	vshrl.u32 v6, $0x7;
	v6 =	vld [tilespmem:$0x3B0]  }
0x69: {  	[tilespmem:$0x590] =	vst v1;
	v1 =	vshrl.u32 v2, $0x7;
	v2 =	vld [tilespmem:$0x1C0]  }
0x6a: {  	[tilespmem:$0x790] =	vst v1;
	v1 =	vshrl.u32 v3, $0x7;
	v3 =	vld [tilespmem:$0x3C0]  }
0x6b: {  	[tilespmem:$0x5A0] =	vst v1;
	v1 =	vshrl.u32 v4, $0x7;
	v4 =	vld [tilespmem:$0x1D0]  }
0x6c: {  	[tilespmem:$0x7A0] =	vst v1;
	v1 =	vshrl.u32 v5, $0x7;
	v5 =	vld [tilespmem:$0x3D0]  }
0x6d: {  	[tilespmem:$0x5B0] =	vst v1;
	v1 =	vshrl.u32 v6, $0x7;
	v6 =	vld [tilespmem:$0x1E0]  }
0x6e: {  	[tilespmem:$0x7B0] =	vst v1;
	v1 =	vshrl.u32 v2, $0x7;
	v2 =	vld [tilespmem:$0x3E0]  }
0x6f: {  	[tilespmem:$0x5C0] =	vst v1;
	v1 =	vshrl.u32 v3, $0x7;
	v3 =	vld [tilespmem:$0x1F0]  }
0x70: {  	[tilespmem:$0x7C0] =	vst v1;
	v1 =	vshrl.u32 v4, $0x7;
	v4 =	vld [tilespmem:$0x3F0]  }
0x71: {  	[tilespmem:$0x5D0] =	vst v1;
	v1 =	vshrl.u32 v5, $0x7  }
0x72: {  	[tilespmem:$0x7D0] =	vst v1;
	v1 =	vshrl.u32 v6, $0x7  }
0x73: {  	[tilespmem:$0x5E0] =	vst v1;
	v1 =	vshrl.u32 v2, $0x7  }
0x74: {  	[tilespmem:$0x7E0] =	vst v1;
	v1 =	vshrl.u32 v3, $0x7  }
0x75: {  	[tilespmem:$0x5F0] =	vst v1;
	v1 =	vshrl.u32 v4, $0x7  }
0x76: {  	[tilespmem:$0x7F0] =	vst v1  }
0x77: {  	[tilespmem:s24], [sflag:$0x1] =	stream.indirect.gather [hbm4b:s3+s18], $0x20, s1, s18, $0xb8;
	[tilespmem:$0xAA00] =	vst v63  }
0x78: {  	_ = 	snop  }
0x79: {  	[tilespmem:s25], [sflag:$0x1] =	stream.indirect.gather [hbm4b:s4+s18], $0x20, s29, s18, $0xb8;
	[tilespmem:$0xAA00] =	vst v63  }
0x7a: {  	s20 =	simm.s32 $0x400  }
0x7b: {  	[tilespmem:s28], [sflag:$0x1] =	stream.indirect.gather [hbm4b:s5+s18], $0x80, s20, s18, $0xb8;
	[tilespmem:$0xAA00] =	vst v63  }
0x7c: {  	s21 =	simm.s32 $0x600  }
0x7d: {  	[tilespmem:s30], [sflag:$0x1] =	stream.indirect.gather [hbm4b:s6+s18], $0x80, s21, s18, $0xb8;
	[tilespmem:$0xAA00] =	vst v63  }
0x7e: {  	_ =	swait.ge [sflag:s31], $0x1000  }
0x7f: {  	[sflag:s31] =	ssyncset.done $0x0  }
0x80: {  	[sflag:s31] =	ssyncadd.s32 $0xFFFFF000  }
0x81: {  	_ =	swait.ge [sflag:s31], $0x1000  }
0x82: {  	[sflag:s31] =	ssyncset.done $0x0  }
0x83: {  	[sflag:s31] =	ssyncadd.s32 $0xFFFFF000  }
0x84: {  	_ =	swait.ge [sflag:s31], $0x4000  }
0x85: {  	[sflag:s31] =	ssyncset.done $0x0  }
0x86: {  	[sflag:s31] =	ssyncadd.s32 $0xFFFFC000  }
0x87: {  	_ =	swait.ge [sflag:s31], $0x4000  }
0x88: {  	[sflag:s31] =	ssyncset.done $0x0  }
0x89: {  	s2 =	simm.s32 $0x900;
	[sflag:s31] =	ssyncadd.s32 $0xFFFFC000  }
0x8a: {  	s22 =	simm.s32 $0x1900;
	v1 =	vld [tilespmem:s2+$0xC0]  }
0x8b: {  	v2 =	vld [tilespmem:s22+$0xC0]  }
0x8c: {  	v3 =	vld [tilespmem:s2+$0xD0]  }
0x8d: {  	v4 =	vld [tilespmem:s22+$0xD0]  }
0x8e: {  	v5 =	vld [tilespmem:s2+$0xA0]  }
0x8f: {  	v6 =	vld [tilespmem:s2+$0x80]  }
0x90: {  	v7 =	vld [tilespmem:s22+$0x80]  }
0x91: {  	v8 =	vld [tilespmem:s2+$0x90]  }
0x92: {  	v9 =	vld [tilespmem:s22+$0x90]  }
0x93: {  	v10 =	vld [tilespmem:s2+$0x60]  }
0x94: {  	v11 =	vld [tilespmem:s22+$0x60]  }
0x95: {  	v12 =	vld [tilespmem:s2+$0x70]  }
0x96: {  	v13 =	vld [tilespmem:s22+$0x70]  }
0x97: {  	v14 =	vld [tilespmem:s2+$0x40]  }
0x98: {  	v15 =	vld [tilespmem:s2+$0x20]  }
0x99: {  	v16 =	vld [tilespmem:s22+$0x20]  }
0x9a: {  	v17 =	vld [tilespmem:s2+$0x30]  }
0x9b: {  	v18 =	vld [tilespmem:s22+$0x30]  }
0x9c: {  	v19 =	vld [tilespmem:s2+$0x0]  }
0x9d: {  	v20 =	vld [tilespmem:s22+$0x0]  }
0x9e: {  	v21 =	vld [tilespmem:s2+$0x10]  }
0x9f: {  	v22 =	vld [tilespmem:s22+$0x10]  }
0xa0: {  	v23 =	vld [tilespmem:s2+$0xFFFFFFE0]  }
0xa1: {  	v24 =	vld [tilespmem:s2+$0xFFFFFFC0]  }
0xa2: {  	v25 =	vld [tilespmem:s22+$0xFFFFFFC0]  }
0xa3: {  	v26 =	vld [tilespmem:s2+$0xFFFFFFD0]  }
0xa4: {  	v27 =	vld [tilespmem:s22+$0xFFFFFFD0]  }
0xa5: {  	v28 =	vld [tilespmem:s2+$0xFFFFFFA0]  }
0xa6: {  	v29 =	vld [tilespmem:s22+$0xFFFFFFA0]  }
0xa7: {  	v30 =	vld [tilespmem:s2+$0xFFFFFFB0]  }
0xa8: {  	v31 =	vld [tilespmem:s22+$0xFFFFFFB0]  }
0xa9: {  	v32 =	vld [tilespmem:s2+$0xFFFFFF80]  }
0xaa: {  	v33 =	vld [tilespmem:s2+$0xFFFFFF60]  }
0xab: {  	v34 =	vld [tilespmem:s22+$0xFFFFFF60]  }
0xac: {  	v35 =	vld [tilespmem:s2+$0xFFFFFF70]  }
0xad: {  	v36 =	vld [tilespmem:s22+$0xFFFFFF70]  }
0xae: {  	v37 =	vld [tilespmem:s2+$0xFFFFFF40]  }
0xaf: {  	v38 =	vld [tilespmem:s22+$0xFFFFFF40]  }
0xb0: {  	v39 =	vld [tilespmem:s2+$0xFFFFFF50]  }
0xb1: {  	v40 =	vld [tilespmem:s22+$0xFFFFFF50]  }
0xb2: {  	v41 =	vld [tilespmem:s22+$0xFFFFFF00]  }
0xb3: {  	v42 =	vld [tilespmem:s2+$0xFFFFFF00]  }
0xb4: {  	v1 =	vmul.f32 v2, v1;
	v2 =	vmul.f32 v4, v3;
	v3 =	vld [tilespmem:s2+$0xFFFFFF10]  }
0xb5: {  	v4 =	vmul.f32 v7, v6;
	v6 =	vmul.f32 v9, v8;
	v7 =	vld [tilespmem:s22+$0xFFFFFF10]  }
0xb6: {  	v8 =	vmul.f32 v13, v12;
	v9 =	vld [tilespmem:s2+$0xFFFFFF20];
	v1 =	vadd.f32 v2, v1;
	v2 =	vmul.f32 v11, v10  }
0xb7: {  	v12 =	vld [tilespmem:s2+$0xFFFFFF30];
	v4 =	vadd.f32 v6, v4;
	v6 =	vmul.f32 v16, v15;
	v10 =	vmul.f32 v18, v17  }
0xb8: {  	v13 =	vld [tilespmem:s22+$0xFFFFFF30];
	(xrf2) =	vadd.scan.msk.f32 $0xffff, v1;
	v1 =	vadd.f32 v8, v2;
	v2 =	vmul.f32 v20, v19;
	v8 =	vmul.f32 v22, v21  }
0xb9: {  	v11 =	vld [tilespmem:s22+$0xFFFFFF20];
	(xrf2) =	vadd.scan.msk.f32 $0xffff, v4;
	v4 =	vadd.f32 v10, v6;
	v6 =	vmul.f32 v25, v24;
	v10 =	vmul.f32 v27, v26  }
0xba: {  	v15 =	vld [tilespmem:s22+$0xFFFFFF80];
	(xrf2) =	vadd.scan.msk.f32 $0xffff, v1;
	v1 =	vadd.f32 v8, v2;
	v2 =	vmul.f32 v29, v28;
	v8 =	vmul.f32 v31, v30  }
0xbb: {  	v16 =	vld [tilespmem:s2+$0xFFFFFF90];
	(xrf2) =	vadd.scan.msk.f32 $0xffff, v4;
	v4 =	vadd.f32 v10, v6;
	v6 =	vmul.f32 v34, v33;
	v10 =	vmul.f32 v36, v35  }
0xbc: {  	v17 =	vld [tilespmem:s22+$0xFFFFFF90];
	(xrf2) =	vadd.scan.msk.f32 $0xffff, v1;
	v1 =	vadd.f32 v8, v2;
	v2 =	vmul.f32 v38, v37;
	v8 =	vmul.f32 v40, v39  }
0xbd: {  	v3 =	vmul.f32 v7, v3;
	v7 =	vld [tilespmem:s22+$0xFFFFFFE0];
	(xrf2) =	vadd.scan.msk.f32 $0xffff, v4;
	v4 =	vadd.f32 v10, v6;
	v6 =	vmul.f32 v41, v42  }
0xbe: {  	(xrf2) =	vadd.scan.msk.f32 $0xffff, v1;
	v1 =	vadd.f32 v8, v2;
	v2 =	vmul.f32 v11, v9;
	v8 =	vmul.f32 v13, v12;
	v9 =	vld [tilespmem:s2+$0xFFFFFFF0]  }
0xbf: {  	(xrf2) =	vadd.scan.msk.f32 $0xffff, v4;
	v3 =	vadd.f32 v3, v6;
	v4 =	vld [tilespmem:s22+$0xFFFFFFF0]  }
0xc0: {  	v11 =	vld [tilespmem:s22+$0x50];
	(xrf2) =	vadd.scan.msk.f32 $0xffff, v1;
	v1 =	vadd.f32 v8, v2  }
0xc1: {  	v6 =	vmul.f32 v17, v16;
	v2 =	vld [tilespmem:s22+$0x40];
	(xrf2) =	vadd.scan.msk.f32 $0xffff, v3;
	v3 =	vmul.f32 v15, v32  }
0xc2: {  	v8 =	vld [tilespmem:s2+$0x50]  }
0xc3: {  	v15 =	vld [tilespmem:s22+$0xB0];
	v10, _, _ =	vpop (xrf2);
	v3 =	vadd.f32 v6, v3  }
0xc4: {  	v7 =	vmul.f32 v7, v23;
	(xrf2) =	vadd.scan.msk.f32 $0xffff, v1;
	v6 =	vld [tilespmem:s22+$0xA0];
	v1, _, _ =	vpop (xrf2);
	v4 =	vmul.f32 v4, v9  }
0xc5: {  	v9 =	vld [tilespmem:s2+$0xB0];
	v12, _, _ =	vpop (xrf2)  }
0xc6: {  	v13, _, _ =	vpop (xrf2);
	v4 =	vadd.f32 v4, v7  }
0xc7: {  	(xrf2) =	vadd.scan.msk.f32 $0xffff, v3;
	v8 =	vmul.f32 v11, v8;
	v11 =	vld [tilespmem:s22+$0xE0];
	v3, _, _ =	vpop (xrf2)  }
0xc8: {  	v7 =	vld [tilespmem:s2+$0xE0];
	v16, _, _ =	vpop (xrf2)  }
0xc9: {  	v2 =	vmul.f32 v2, v14;
	v14, _, _ =	vpop (xrf2)  }
0xca: {  	v17 =	vld [tilespmem:s2+$0xF0];
	(xrf2) =	vadd.scan.msk.f32 $0xffff, v4;
	v5 =	vmul.f32 v6, v5;
	v6 =	vmul.f32 v15, v9;
	v4, _, _ =	vpop (xrf2)  }
0xcb: {  	v2 =	vadd.f32 v8, v2;
	v8 =	vld [tilespmem:s22+$0xF0];
	v18, _, _ =	vpop (xrf2)  }
0xcc: {  	v9, _, _ =	vpop (xrf2)  }
0xcd: {  	(xrf2) =	vadd.scan.msk.f32 $0xffff, v2;
	v2 =	vadd.f32 v6, v5;
	v5 =	vmul.f32 v11, v7;
	v7 =	vbroadcast v9, $0xF  }
0xce: {  	v6, _, _ =	vpop (xrf2)  }
0xcf: {  	v6 =	vbroadcast v6, $0xF  }
0xd0: {  	v11 =	vbroadcast v18, $0xF;
	v8 =	vmul.f32 v8, v17  }
0xd1: {  	v4 =	vbroadcast v4, $0xF;
	v6 =	vsel vm0, v7, v6;
	v7, _, _ =	vpop (xrf2)  }
0xd2: {  	v9 =	vld [tilespmem:s1+$0x0];
	(xrf2) =	vadd.scan.msk.f32 $0xffff, v2;
	v6 =	vsel vm1, v6, v11;
	v7 =	vbroadcast v7, $0xF  }
0xd3: {  	v2 =	vmov s1;
	v4 =	vsel vm2, v6, v4;
	v6 =	vbroadcast v14, $0xF  }
0xd4: {  	v15 =	vld [tilespmem:s29+$0x0];
	v5 =	vadd.f32 v8, v5;
	v8, _, _ =	vpop (xrf2);
	v4 =	vsel vm3, v4, v7;
	v7 =	vbroadcast v16, $0xF  }
0xd5: {  	v2 =	vshll.u32 v2, $0x7;
	v4 =	vsel vm4, v4, v6;
	v6 =	vbroadcast v8, $0xF  }
0xd6: {  	v3 =	vbroadcast v3, $0xF;
	v2 =	vor.u32 v0, v2;
	(xrf2) =	vadd.scan.msk.f32 $0xffff, v5;
	v4 =	vsel vm5, v4, v7  }
0xd7: {  	v5 =	vand.u32 $0x7F, v9;
	v8, _, _ =	vpop (xrf2);
	v4 =	vsel vm6, v4, v6;
	v6 =	vbroadcast v13, $0xF  }
0xd8: {  	v5 =	vor.u32 v2, v5;
	v3 =	vsel vm7, v4, v3;
	v4 =	vbroadcast v8, $0xF  }
0xd9: {  	v7 =	vand.u32 $0x7F, v15;
	v3 =	vsel vm8, v3, v6;
	v6 =	vbroadcast v12, $0xF  }
0xda: {  	v1 =	vbroadcast v1, $0xF;
	v2 =	vor.u32 v2, v7;
	v3 =	vsel vm9, v3, v4  }
0xdb: {  	v3 =	vsel vm10, v3, v6  }
0xdc: {  	v4, _, _ =	vpop (xrf2);
	v1 =	vsel vm11, v3, v1;
	v3 =	vbroadcast v10, $0xF  }
0xdd: {  	v5 =	vld.idx.msk [tilespmem:v5+s28+$0x0], $0xffff;
	v4 =	vbroadcast v4, $0xF;
	_ =	sdelay $0x1  }
0xde: {  	v2 =	vld.idx.msk [tilespmem:v2+s30+$0x0], $0xffff;
	v1 =	vsel vm12, v1, v4  }
0xdf: {  	v1 =	vsel vm13, v1, v3;
	v3, _, _ =	vpop (xrf2)  }
0xe0: {  	v1 =	vsel vm14, v1, v3  }
0xe1: {  	v1 =	vadd.f32 v1, v5;
	_ =	sdelay $0x1  }
0xe2: {  	v1 =	vadd.f32 v1, v2;
	_ =	sdelay $0x1  }
0xe3: {  	v1 =	vsub.f32 $0.0e+00, v1;
	_ =	sdelay $0x1  }
0xe4: {  	v1 =	vmul.f32 $1.442695020e+00, v1;
	_ =	sdelay $0x1  }
0xe5: {  	(erf) = vpow2.f32 v1;
	_ =	sdelay $0x8  }
0xe6: {  	v1 =	vpop (erf)  }
0xe7: {  	v1 =	vadd.f32 $1.000000000e+00, v1;
	_ =	sdelay $0x1  }
0xe8: {  	(erf) = vrcp.f32 v1;
	_ =	sdelay $0x8  }
0xe9: {  	v1 =	vpop (erf)  }
0xea: {  	s2 =	simm.s32 $0xB00;
	[tilespmem:s23+$0x0] =	vst v1  }
0xeb: {  	s0 =	simm.s32 $0x1B00;
	v2 =	vld [tilespmem:s2+$0xC0]  }
0xec: {  	v4 =	vld [tilespmem:s0+$0xC0]  }
0xed: {  	v5 =	vld [tilespmem:s2+$0xD0]  }
0xee: {  	v7 =	vld [tilespmem:s0+$0xD0]  }
0xef: {  	v1 =	vld [tilespmem:s2+$0xA0]  }
0xf0: {  	v8 =	vld [tilespmem:s2+$0x80]  }
0xf1: {  	v9 =	vld [tilespmem:s0+$0x80]  }
0xf2: {  	v10 =	vld [tilespmem:s2+$0x90]  }
0xf3: {  	v11 =	vld [tilespmem:s0+$0x90]  }
0xf4: {  	v12 =	vld [tilespmem:s2+$0x60]  }
0xf5: {  	v13 =	vld [tilespmem:s0+$0x60]  }
0xf6: {  	v14 =	vld [tilespmem:s2+$0x70]  }
0xf7: {  	v15 =	vld [tilespmem:s0+$0x70]  }
0xf8: {  	v3 =	vld [tilespmem:s2+$0x40]  }
0xf9: {  	v16 =	vld [tilespmem:s2+$0x20]  }
0xfa: {  	v17 =	vld [tilespmem:s0+$0x20]  }
0xfb: {  	v18 =	vld [tilespmem:s2+$0x30]  }
0xfc: {  	v19 =	vld [tilespmem:s0+$0x30]  }
0xfd: {  	v20 =	vld [tilespmem:s2+$0x0]  }
0xfe: {  	v52 =	vld [tilespmem:s0+$0x0]  }
0xff: {  	v53 =	vld [tilespmem:s2+$0x10]  }
0x100: {  	v54 =	vld [tilespmem:s0+$0x10]  }
0x101: {  	v6 =	vld [tilespmem:s2+$0xFFFFFFE0]  }
0x102: {  	v55 =	vld [tilespmem:s2+$0xFFFFFFC0]  }
0x103: {  	v56 =	vld [tilespmem:s0+$0xFFFFFFC0];
	v2 =	vmul.f32 v4, v2;
	v4 =	vmul.f32 v7, v5  }
0x104: {  	v57 =	vld [tilespmem:s2+$0xFFFFFFD0]  }
0x105: {  	v58 =	vld [tilespmem:s0+$0xFFFFFFD0];
	v2 =	vadd.f32 v4, v2  }
0x106: {  	v59 =	vld [tilespmem:s2+$0xFFFFFFA0];
	v7 =	vmul.f32 v9, v8;
	v9 =	vmul.f32 v11, v10  }
0x107: {  	v60 =	vld [tilespmem:s0+$0xFFFFFFA0];
	(xrf2) =	vadd.scan.msk.f32 $0xffff, v2  }
0x108: {  	v61 =	vld [tilespmem:s2+$0xFFFFFFB0];
	v10 =	vmul.f32 v15, v14;
	v4 =	vmul.f32 v13, v12;
	v7 =	vadd.f32 v9, v7  }
0x109: {  	v5 =	vld [tilespmem:s0+$0xFFFFFFB0];
	v11 =	vmul.f32 v19, v18;
	v9 =	vmul.f32 v17, v16  }
0x10a: {  	v8 =	vld [tilespmem:s2+$0xFFFFFF80];
	v2 =	vadd.f32 v10, v4;
	(xrf2) =	vadd.scan.msk.f32 $0xffff, v7  }
0x10b: {  	v14 =	vld [tilespmem:s0+$0xFFFFFF60];
	v7 =	vadd.f32 v11, v9  }
0x10c: {  	v15 =	vld [tilespmem:s0+$0xFFFFFF70];
	(xrf2) =	vadd.scan.msk.f32 $0xffff, v2  }
0x10d: {  	v18 =	vld [tilespmem:s2+$0xFFFFFF50];
	v2 =	vmul.f32 v52, v20;
	(xrf2) =	vadd.scan.msk.f32 $0xffff, v7;
	v7 =	vmul.f32 v54, v53  }
0x10e: {  	v19 =	vld [tilespmem:s0+$0xFFFFFF50]  }
0x10f: {  	v4 =	vld [tilespmem:s2+$0xFFFFFF70];
	v7 =	vadd.f32 v7, v2  }
0x110: {  	v12 =	vld [tilespmem:s2+$0xFFFFFF60];
	v13 =	vmul.f32 v56, v55;
	v20 =	vmul.f32 v58, v57  }
0x111: {  	v16 =	vld [tilespmem:s2+$0xFFFFFF40];
	v2, _, _ =	vpop (xrf2);
	(xrf2) =	vadd.scan.msk.f32 $0xffff, v7  }
0x112: {  	v17 =	vld [tilespmem:s0+$0xFFFFFF40];
	v20 =	vadd.f32 v20, v13  }
0x113: {  	v62 =	vmul.f32 v60, v59;
	v10 =	vld [tilespmem:s2+$0xFFFFFF00];
	v5 =	vmul.f32 v5, v61  }
0x114: {  	v9 =	vld [tilespmem:s0+$0xFFFFFF00];
	v15 =	vmul.f32 v15, v4;
	v4, _, _ =	vpop (xrf2);
	(xrf2) =	vadd.scan.msk.f32 $0xffff, v20  }
0x115: {  	v11 =	vld [tilespmem:s2+$0xFFFFFF10];
	v7 =	vadd.f32 v5, v62  }
0x116: {  	v63 =	vmul.f32 v14, v12;
	v12 =	vld [tilespmem:s2+$0xFFFFFF20]  }
0x117: {  	v13 =	vld [tilespmem:s0+$0xFFFFFF10];
	v5, _, _ =	vpop (xrf2);
	(xrf2) =	vadd.scan.msk.f32 $0xffff, v7  }
0x118: {  	v14 =	vld [tilespmem:s0+$0xFFFFFF20];
	v20 =	vadd.f32 v15, v63  }
0x119: {  	s19 =	simm.s32 $0xA800;
	v18 =	vmul.f32 v19, v18;
	v17 =	vmul.f32 v17, v16;
	v16 =	vld [tilespmem:s0+$0xFFFFFF30]  }
0x11a: {  	s20 =	simm.s32 $0x10;
	s21 =	simm.s32 $0x0;
	s22 =	simm.s32 $0x20;
	v15 =	vld [tilespmem:s2+$0xFFFFFF30];
	v7, _, _ =	vpop (xrf2);
	(xrf2) =	vadd.scan.msk.f32 $0xffff, v20  }
.LBB2_2:
0x11b: {  	p0 =	sne.s32 s22, $0x70;
	v20 =	vadd.f32 v18, v17;
	v18 =	vld [tilespmem:s0+$0xFFFFFF80];
	v19, _, _ =	vpop (xrf2)  }
0x11c: {  	v9 =	vmul.f32 v9, v10;
	v10 =	vmul.f32 v13, v11;
	v11 =	vld [tilespmem:s2+$0xFFFFFF90]  }
0x11d: {  	v13 =	vld [tilespmem:s0+$0xFFFFFF90];
	(xrf2) =	vadd.scan.msk.f32 $0xffff, v20  }
0x11e: {  	v9 =	vadd.f32 v10, v9;
	v10 =	vld [tilespmem:s0+$0xFFFFFFE0];
	v17, _, _ =	vpop (xrf2)  }
0x11f: {  	v12 =	vmul.f32 v14, v12;
	v20 =	vmul.f32 v16, v15;
	v15 =	vld [tilespmem:s2+$0xFFFFFFF0]  }
0x120: {  	v16 =	vld [tilespmem:s0+$0xFFFFFFF0];
	(xrf2) =	vadd.scan.msk.f32 $0xffff, v9  }
0x121: {  	v9 =	vadd.f32 v20, v12;
	v12 =	vld [tilespmem:s0+$0x40];
	v14, _, _ =	vpop (xrf2)  }
0x122: {  	v8 =	vmul.f32 v18, v8;
	v20 =	vmul.f32 v13, v11;
	v13 =	vld [tilespmem:s2+$0x50]  }
0x123: {  	v18 =	vld [tilespmem:s0+$0x50];
	(xrf2) =	vadd.scan.msk.f32 $0xffff, v9  }
0x124: {  	v8 =	vadd.f32 v20, v8;
	v9 =	vld [tilespmem:s0+$0xA0];
	v11, _, _ =	vpop (xrf2)  }
0x125: {  	v6 =	vmul.f32 v10, v6;
	v20 =	vmul.f32 v16, v15;
	v15 =	vld [tilespmem:s2+$0xB0]  }
0x126: {  	v16 =	vld [tilespmem:s0+$0xB0];
	(xrf2) =	vadd.scan.msk.f32 $0xffff, v8  }
0x127: {  	v6 =	vadd.f32 v20, v6;
	v8 =	vld [tilespmem:s2+$0xE0];
	v10, _, _ =	vpop (xrf2)  }
0x128: {  	v3 =	vmul.f32 v12, v3;
	v20 =	vmul.f32 v18, v13;
	v13 =	vld [tilespmem:s0+$0xE0]  }
0x129: {  	v18 =	vld [tilespmem:s2+$0xF0];
	(xrf2) =	vadd.scan.msk.f32 $0xffff, v6  }
0x12a: {  	v3 =	vadd.f32 v20, v3;
	v6 =	vld [tilespmem:s0+$0xF0];
	v12, _, _ =	vpop (xrf2)  }
0x12b: {  	v1 =	vmul.f32 v9, v1;
	v9 =	vmul.f32 v16, v15  }
0x12c: {  	(xrf2) =	vadd.scan.msk.f32 $0xffff, v3  }
0x12d: {  	s21 =	sadd.s32 $0x10, s21;
	v1 =	vadd.f32 v9, v1;
	v3 =	vmul.f32 v13, v8;
	v8, _, _ =	vpop (xrf2)  }
0x12e: {  	v9 =	vbroadcast v12, $0xF;
	v8 =	vbroadcast v8, $0xF;
	v12 =	vld [tilespmem:s21+$0x0]  }
0x12f: {  	s29 =	sadd.s32 $0x10, s29;
	v10 =	vbroadcast v10, $0xF;
	v15 =	vmov s20;
	s20 =	smov.u32 s22;
	v6 =	vmul.f32 v6, v18;
	(xrf2) =	vadd.scan.msk.f32 $0xffff, v1  }
0x130: {  	v1 =	vsel vm0, v9, v8;
	v8 =	vbroadcast v11, $0xF;
	v9 =	vshll.u32 v15, $0x7;
	v11 =	vld [tilespmem:s29+$0x0];
	v13, _, _ =	vpop (xrf2)  }
0x131: {  	v1 =	vsel vm1, v1, v10;
	v10 =	vbroadcast v13, $0xF;
	v3 =	vadd.f32 v6, v3  }
0x132: {  	v6 =	vbroadcast v14, $0xF;
	v1 =	vsel vm2, v1, v8;
	v8 =	vor.u32 v0, v9  }
0x133: {  	v9 =	vbroadcast v17, $0xF;
	v1 =	vsel vm3, v1, v10;
	v10 =	vand.u32 $0x7F, v12;
	v12, _, _ =	vpop (xrf2);
	(xrf2) =	vadd.scan.msk.f32 $0xffff, v3  }
0x134: {  	v1 =	vsel vm4, v1, v6;
	v3 =	vbroadcast v12, $0xF;
	v6 =	vor.u32 v8, v10  }
0x135: {  	v1 =	vsel vm5, v1, v9;
	v9 =	vbroadcast v19, $0xF;
	v10 =	vand.u32 $0x7F, v11  }
0x136: {  	v1 =	vsel vm6, v1, v3;
	v3 =	vbroadcast v7, $0xF;
	v7 =	vor.u32 v8, v10;
	v8, _, _ =	vpop (xrf2)  }
0x137: {  	v1 =	vsel vm7, v1, v9;
	v8 =	vbroadcast v8, $0xF  }
0x138: {  	v1 =	vsel vm8, v1, v3;
	v3 =	vbroadcast v5, $0xF  }
0x139: {  	v4 =	vbroadcast v4, $0xF;
	v1 =	vsel vm9, v1, v8;
	v5 =	vld.idx.msk [tilespmem:v6+s28+$0x0], $0xffff;
	v6, _, _ =	vpop (xrf2)  }
0x13a: {  	v1 =	vsel vm10, v1, v3;
	v3 =	vbroadcast v6, $0xF  }
0x13b: {  	v6 =	vbroadcast v2, $0xF;
	v1 =	vsel vm11, v1, v4;
	v4 =	vld.idx.msk [tilespmem:v7+s30+$0x0], $0xffff  }
0x13c: {  	v1 =	vsel vm12, v1, v3  }
0x13d: {  	v1 =	vsel vm13, v1, v6;
	v2, _, _ =	vpop (xrf2)  }
0x13e: {  	v1 =	vsel vm14, v1, v2  }
0x13f: {  	v1 =	vadd.f32 v1, v5;
	_ =	sdelay $0x1  }
0x140: {  	v1 =	vadd.f32 v1, v4;
	_ =	sdelay $0x1  }
0x141: {  	v1 =	vsub.f32 $0.0e+00, v1;
	_ =	sdelay $0x1  }
0x142: {  	v1 =	vmul.f32 $1.442695020e+00, v1;
	_ =	sdelay $0x1  }
0x143: {  	(erf) = vpow2.f32 v1;
	_ =	sdelay $0x8  }
0x144: {  	v1 =	vpop (erf)  }
0x145: {  	v1 =	vadd.f32 $1.000000000e+00, v1;
	_ =	sdelay $0x1  }
0x146: {  	(erf) = vrcp.f32 v1;
	_ =	sdelay $0x8  }
0x147: {  	s19 =	sadd.s32 $0x10, s19;
	v1 =	vpop (erf)  }
0x148: {  	s2 =	sadd.s32 $0x200, s2;
	[tilespmem:s19+$0x0] =	vst v1  }
0x149: {  	s0 =	sadd.s32 $0x200, s0;
	v2 =	vld [tilespmem:s2+$0xC0]  }
0x14a: {  	v4 =	vld [tilespmem:s0+$0xC0]  }
0x14b: {  	v5 =	vld [tilespmem:s2+$0xD0]  }
0x14c: {  	v7 =	vld [tilespmem:s0+$0xD0]  }
0x14d: {  	v1 =	vld [tilespmem:s2+$0xA0]  }
0x14e: {  	v8 =	vld [tilespmem:s2+$0x80]  }
0x14f: {  	v9 =	vld [tilespmem:s0+$0x80]  }
0x150: {  	v10 =	vld [tilespmem:s2+$0x90]  }
0x151: {  	v11 =	vld [tilespmem:s0+$0x90]  }
0x152: {  	v12 =	vld [tilespmem:s2+$0x60]  }
0x153: {  	v13 =	vld [tilespmem:s0+$0x60]  }
0x154: {  	v14 =	vld [tilespmem:s2+$0x70]  }
0x155: {  	v15 =	vld [tilespmem:s0+$0x70]  }
0x156: {  	v3 =	vld [tilespmem:s2+$0x40]  }
0x157: {  	v16 =	vld [tilespmem:s2+$0x20]  }
0x158: {  	v17 =	vld [tilespmem:s0+$0x20]  }
0x159: {  	v18 =	vld [tilespmem:s2+$0x30]  }
0x15a: {  	v19 =	vld [tilespmem:s0+$0x30]  }
0x15b: {  	v20 =	vld [tilespmem:s2+$0x0]  }
0x15c: {  	v21 =	vld [tilespmem:s0+$0x0]  }
0x15d: {  	v22 =	vld [tilespmem:s2+$0x10]  }
0x15e: {  	v23 =	vld [tilespmem:s0+$0x10]  }
0x15f: {  	v2 =	vmul.f32 v4, v2;
	v4 =	vmul.f32 v7, v5;
	v6 =	vld [tilespmem:s2+$0xFFFFFFE0]  }
0x160: {  	v5 =	vld [tilespmem:s2+$0xFFFFFFC0]  }
0x161: {  	v2 =	vadd.f32 v4, v2;
	v7 =	vld [tilespmem:s0+$0xFFFFFFC0]  }
0x162: {  	v8 =	vmul.f32 v9, v8;
	v9 =	vmul.f32 v11, v10;
	v4 =	vld [tilespmem:s2+$0xFFFFFFD0]  }
0x163: {  	v10 =	vld [tilespmem:s0+$0xFFFFFFD0];
	(xrf2) =	vadd.scan.msk.f32 $0xffff, v2  }
0x164: {  	v2 =	vadd.f32 v9, v8;
	v11 =	vld [tilespmem:s2+$0xFFFFFFA0]  }
0x165: {  	v8 =	vmul.f32 v13, v12;
	v9 =	vmul.f32 v15, v14;
	v24 =	vld [tilespmem:s0+$0xFFFFFFA0]  }
0x166: {  	v12 =	vld [tilespmem:s2+$0xFFFFFFB0];
	(xrf2) =	vadd.scan.msk.f32 $0xffff, v2  }
0x167: {  	v2 =	vadd.f32 v9, v8;
	v13 =	vld [tilespmem:s0+$0xFFFFFFB0]  }
0x168: {  	v14 =	vmul.f32 v19, v18;
	v9 =	vmul.f32 v17, v16;
	v8 =	vld [tilespmem:s2+$0xFFFFFF80]  }
0x169: {  	v15 =	vld [tilespmem:s2+$0xFFFFFF60];
	(xrf2) =	vadd.scan.msk.f32 $0xffff, v2  }
0x16a: {  	v25 =	vadd.f32 v14, v9;
	v16 =	vld [tilespmem:s0+$0xFFFFFF60]  }
0x16b: {  	v17 =	vmul.f32 v23, v22;
	v9 =	vmul.f32 v21, v20;
	v14 =	vld [tilespmem:s2+$0xFFFFFF70]  }
0x16c: {  	v18 =	vld [tilespmem:s0+$0xFFFFFF70];
	(xrf2) =	vadd.scan.msk.f32 $0xffff, v25  }
0x16d: {  	v9 =	vadd.f32 v17, v9;
	v19 =	vld [tilespmem:s2+$0xFFFFFF40];
	v2, _, _ =	vpop (xrf2)  }
0x16e: {  	v5 =	vmul.f32 v7, v5;
	v7 =	vmul.f32 v10, v4;
	v17 =	vld [tilespmem:s0+$0xFFFFFF40]  }
0x16f: {  	v20 =	vld [tilespmem:s2+$0xFFFFFF50];
	(xrf2) =	vadd.scan.msk.f32 $0xffff, v9  }
0x170: {  	v22 =	vadd.f32 v7, v5;
	v21 =	vld [tilespmem:s0+$0xFFFFFF50];
	v4, _, _ =	vpop (xrf2)  }
0x171: {  	v7 =	vmul.f32 v24, v11;
	v12 =	vmul.f32 v13, v12;
	v9 =	vld [tilespmem:s0+$0xFFFFFF00]  }
0x172: {  	v10 =	vld [tilespmem:s2+$0xFFFFFF00];
	(xrf2) =	vadd.scan.msk.f32 $0xffff, v22  }
0x173: {  	v23 =	vadd.f32 v12, v7;
	v11 =	vld [tilespmem:s2+$0xFFFFFF10];
	v5, _, _ =	vpop (xrf2)  }
.Ltmp0:
0x174: {  	v15 =	vmul.f32 v16, v15;
	v16 =	vmul.f32 v18, v14;
	v13 =	vld [tilespmem:s0+$0xFFFFFF10];
	(pc) =	sbr.rel @p0 .LBB2_2-.Ltmp0, $4  }
0x175: {  	v12 =	vld [tilespmem:s2+$0xFFFFFF20];
	(xrf2) =	vadd.scan.msk.f32 $0xffff, v23  }
0x176: {  	v22 =	vadd.f32 v16, v15;
	v14 =	vld [tilespmem:s0+$0xFFFFFF20];
	v7, _, _ =	vpop (xrf2)  }
0x177: {  	v17 =	vmul.f32 v17, v19;
	v18 =	vmul.f32 v21, v20;
	v15 =	vld [tilespmem:s2+$0xFFFFFF30]  }
0x178: {  	s22 =	sadd.s32 $0x10, s22;
	v16 =	vld [tilespmem:s0+$0xFFFFFF30];
	(xrf2) =	vadd.scan.msk.f32 $0xffff, v22  }
0x179: {  	v19 =	vld [tilespmem:s0+$0xFFFFFF80]  }
0x17a: {  	v20 =	vld [tilespmem:s2+$0xFFFFFF90]  }
0x17b: {  	v21 =	vld [tilespmem:s0+$0xFFFFFF90];
	v9 =	vmul.f32 v9, v10;
	v10 =	vmul.f32 v13, v11  }
0x17c: {  	v11 =	vld [tilespmem:s0+$0xFFFFFFE0]  }
0x17d: {  	v13 =	vadd.f32 v18, v17;
	v9 =	vadd.f32 v10, v9;
	v10 =	vld [tilespmem:s0+$0xFFFFFFF0]  }
0x17e: {  	v12 =	vmul.f32 v14, v12;
	v14 =	vmul.f32 v16, v15;
	v15 =	vld [tilespmem:s2+$0xFFFFFFF0]  }
0x17f: {  	(xrf2) =	vadd.scan.msk.f32 $0xffff, v13;
	v13 =	vld [tilespmem:s0+$0x40]  }
0x180: {  	(xrf2) =	vadd.scan.msk.f32 $0xffff, v9;
	v16 =	vld [tilespmem:s0+$0x50];
	v8 =	vmul.f32 v19, v8;
	v9 =	vmul.f32 v21, v20  }
0x181: {  	v6 =	vmul.f32 v11, v6;
	v11 =	vld [tilespmem:s2+$0xB0];
	v12 =	vadd.f32 v14, v12  }
0x182: {  	v14 =	vld [tilespmem:s2+$0x50];
	v8 =	vadd.f32 v9, v8  }
0x183: {  	v9 =	vld [tilespmem:s0+$0xA0];
	(xrf2) =	vadd.scan.msk.f32 $0xffff, v12;
	v10 =	vmul.f32 v10, v15  }
0x184: {  	v12 =	vld [tilespmem:s0+$0xB0]  }
0x185: {  	v6 =	vadd.f32 v10, v6  }
0x186: {  	(xrf2) =	vadd.scan.msk.f32 $0xffff, v8;
	v8, _, _ =	vpop (xrf2);
	v10 =	vld [tilespmem:s2+$0xE0]  }
0x187: {  	v3 =	vmul.f32 v13, v3;
	v13 =	vmul.f32 v16, v14;
	v14 =	vld [tilespmem:s0+$0xE0];
	v15, _, _ =	vpop (xrf2)  }
0x188: {  	v16, _, _ =	vpop (xrf2)  }
0x189: {  	v1 =	vmul.f32 v9, v1;
	(xrf2) =	vadd.scan.msk.f32 $0xffff, v6;
	v9 =	vmul.f32 v12, v11;
	v6, _, _ =	vpop (xrf2)  }
0x18a: {  	v3 =	vadd.f32 v13, v3;
	v18, _, _ =	vpop (xrf2)  }
0x18b: {  	v11, _, _ =	vpop (xrf2)  }
0x18c: {  	(xrf2) =	vadd.scan.msk.f32 $0xffff, v3;
	v3 =	vmul.f32 v14, v10;
	v10 =	vbroadcast v11, $0xF  }
0x18d: {  	v17 =	vld [tilespmem:s2+$0xF0];
	v1 =	vadd.f32 v9, v1;
	v9, _, _ =	vpop (xrf2)  }
0x18e: {  	v13 =	vld [tilespmem:s0+$0xF0];
	v9 =	vbroadcast v9, $0xF  }
0x18f: {  	v12 =	vbroadcast v18, $0xF  }
0x190: {  	v6 =	vbroadcast v6, $0xF;
	v9 =	vsel vm0, v10, v9;
	v10, _, _ =	vpop (xrf2)  }
0x191: {  	(xrf2) =	vadd.scan.msk.f32 $0xffff, v1;
	v9 =	vsel vm1, v9, v12;
	v10 =	vbroadcast v10, $0xF  }
0x192: {  	s2 =	sadd.s32 $0x10, s21;
	v6 =	vsel vm2, v9, v6;
	v9 =	vbroadcast v16, $0xF  }
0x193: {  	v11 =	vld [tilespmem:s2+$0x0];
	v13 =	vmul.f32 v13, v17;
	v12, _, _ =	vpop (xrf2);
	v6 =	vsel vm3, v6, v10  }
0x194: {  	v1 =	vmov s20;
	s20 =	sadd.s32 $0x10, s29;
	v6 =	vsel vm4, v6, v9;
	v9 =	vbroadcast v12, $0xF  }
0x195: {  	v14 =	vld [tilespmem:s20+$0x0];
	v3 =	vadd.f32 v13, v3;
	v10 =	vbroadcast v15, $0xF  }
0x196: {  	v7 =	vbroadcast v7, $0xF  }
0x197: {  	v8 =	vbroadcast v8, $0xF;
	v1 =	vshll.u32 v1, $0x7;
	(xrf2) =	vadd.scan.msk.f32 $0xffff, v3;
	v6 =	vsel vm5, v6, v10  }
0x198: {  	v1 =	vor.u32 v0, v1;
	v3 =	vand.u32 $0x7F, v11;
	v6 =	vsel vm6, v6, v9;
	v9, _, _ =	vpop (xrf2)  }
0x199: {  	v3 =	vor.u32 v1, v3;
	v6 =	vsel vm7, v6, v8;
	v8 =	vbroadcast v9, $0xF  }
0x19a: {  	v5 =	vbroadcast v5, $0xF;
	v10 =	vand.u32 $0x7F, v14;
	v6 =	vsel vm8, v6, v7  }
0x19b: {  	v4 =	vbroadcast v4, $0xF;
	v1 =	vor.u32 v1, v10;
	v7, _, _ =	vpop (xrf2);
	v6 =	vsel vm9, v6, v8  }
0x19c: {  	v5 =	vsel vm10, v6, v5;
	v6 =	vbroadcast v7, $0xF  }
0x19d: {  	v4 =	vsel vm11, v5, v4  }
0x19e: {  	v3 =	vld.idx.msk [tilespmem:v3+s28+$0x0], $0xffff;
	v4 =	vsel vm12, v4, v6  }
0x19f: {  	v2 =	vbroadcast v2, $0xF  }
0x1a0: {  	v1 =	vld.idx.msk [tilespmem:v1+s30+$0x0], $0xffff  }
0x1a1: {  	v2 =	vsel vm13, v4, v2;
	v4, _, _ =	vpop (xrf2)  }
0x1a2: {  	v2 =	vsel vm14, v2, v4  }
0x1a3: {  	v2 =	vadd.f32 v2, v3;
	_ =	sdelay $0x1  }
0x1a4: {  	v1 =	vadd.f32 v2, v1;
	_ =	sdelay $0x1  }
0x1a5: {  	v1 =	vsub.f32 $0.0e+00, v1;
	_ =	sdelay $0x1  }
0x1a6: {  	v1 =	vmul.f32 $1.442695020e+00, v1;
	_ =	sdelay $0x1  }
0x1a7: {  	(erf) = vpow2.f32 v1;
	_ =	sdelay $0x8  }
0x1a8: {  	v1 =	vpop (erf)  }
0x1a9: {  	v1 =	vadd.f32 $1.000000000e+00, v1;
	_ =	sdelay $0x1  }
0x1aa: {  	(erf) = vrcp.f32 v1;
	_ =	sdelay $0x8  }
0x1ab: {  	s21 =	sadd.s32 $0x10, s19;
	v1 =	vpop (erf)  }
0x1ac: {  	s0 =	simm.s32 $0x80;
	[tilespmem:s21+$0x0] =	vst v1  }
0x1ad: {  	[tilespmem:s24], [sflag:$0x1] =	stream.indirect.gather [hbm4b:s3+s0], $0x20, s0, s0, $0xb8;
	[tilespmem:$0xAA00] =	vst v63  }
0x1ae: {  	s29 =	simm.s32 $0x280  }
0x1af: {  	[tilespmem:s25], [sflag:$0x1] =	stream.indirect.gather [hbm4b:s4+s0], $0x20, s29, s0, $0xb8;
	[tilespmem:$0xAA00] =	vst v63  }
0x1b0: {  	s22 =	simm.s32 $0x480  }
0x1b1: {  	[tilespmem:s28], [sflag:$0x1] =	stream.indirect.gather [hbm4b:s5+s0], $0x80, s22, s0, $0xb8;
	[tilespmem:$0xAA00] =	vst v63  }
0x1b2: {  	s19 =	simm.s32 $0x680  }
0x1b3: {  	[tilespmem:s30], [sflag:$0x1] =	stream.indirect.gather [hbm4b:s6+s0], $0x80, s19, s0, $0xb8;
	[tilespmem:$0xAA00] =	vst v63  }
0x1b4: {  	_ =	swait.ge [sflag:s31], $0x1000  }
0x1b5: {  	[sflag:s31] =	ssyncset.done $0x0  }
0x1b6: {  	[sflag:s31] =	ssyncadd.s32 $0xFFFFF000  }
0x1b7: {  	_ =	swait.ge [sflag:s31], $0x1000  }
0x1b8: {  	[sflag:s31] =	ssyncset.done $0x0  }
0x1b9: {  	[sflag:s31] =	ssyncadd.s32 $0xFFFFF000  }
0x1ba: {  	_ =	swait.ge [sflag:s31], $0x4000  }
0x1bb: {  	[sflag:s31] =	ssyncset.done $0x0  }
0x1bc: {  	[sflag:s31] =	ssyncadd.s32 $0xFFFFC000  }
0x1bd: {  	_ =	swait.ge [sflag:s31], $0x4000  }
0x1be: {  	[sflag:s31] =	ssyncset.done $0x0  }
0x1bf: {  	s20 =	simm.s32 $0x900;
	[sflag:s31] =	ssyncadd.s32 $0xFFFFC000  }
0x1c0: {  	s21 =	simm.s32 $0x1900;
	v1 =	vld [tilespmem:s20+$0xC0]  }
0x1c1: {  	v2 =	vld [tilespmem:s21+$0xC0]  }
0x1c2: {  	v3 =	vld [tilespmem:s20+$0xD0]  }
0x1c3: {  	v4 =	vld [tilespmem:s21+$0xD0]  }
0x1c4: {  	v5 =	vld [tilespmem:s20+$0xA0]  }
0x1c5: {  	v6 =	vld [tilespmem:s20+$0x80]  }
0x1c6: {  	v7 =	vld [tilespmem:s21+$0x80]  }
0x1c7: {  	v8 =	vld [tilespmem:s20+$0x90]  }
0x1c8: {  	v9 =	vld [tilespmem:s21+$0x90]  }
0x1c9: {  	v10 =	vld [tilespmem:s20+$0x60]  }
0x1ca: {  	v11 =	vld [tilespmem:s21+$0x60]  }
0x1cb: {  	v12 =	vld [tilespmem:s20+$0x70]  }
0x1cc: {  	v13 =	vld [tilespmem:s21+$0x70]  }
0x1cd: {  	v14 =	vld [tilespmem:s20+$0x40]  }
0x1ce: {  	v15 =	vld [tilespmem:s20+$0x20]  }
0x1cf: {  	v16 =	vld [tilespmem:s21+$0x20]  }
0x1d0: {  	v17 =	vld [tilespmem:s20+$0x30]  }
0x1d1: {  	v18 =	vld [tilespmem:s21+$0x30]  }
0x1d2: {  	v19 =	vld [tilespmem:s20+$0x0]  }
0x1d3: {  	v20 =	vld [tilespmem:s21+$0x0]  }
0x1d4: {  	v51 =	vld [tilespmem:s20+$0x10]  }
0x1d5: {  	v22 =	vld [tilespmem:s21+$0x10]  }
0x1d6: {  	v23 =	vld [tilespmem:s20+$0xFFFFFFE0]  }
0x1d7: {  	v24 =	vld [tilespmem:s20+$0xFFFFFFC0]  }
0x1d8: {  	v25 =	vld [tilespmem:s21+$0xFFFFFFC0]  }
0x1d9: {  	v26 =	vld [tilespmem:s20+$0xFFFFFFD0]  }
0x1da: {  	v27 =	vld [tilespmem:s21+$0xFFFFFFD0]  }
0x1db: {  	v28 =	vld [tilespmem:s20+$0xFFFFFFA0]  }
0x1dc: {  	v29 =	vld [tilespmem:s21+$0xFFFFFFA0]  }
0x1dd: {  	v30 =	vld [tilespmem:s20+$0xFFFFFFB0]  }
0x1de: {  	v31 =	vld [tilespmem:s21+$0xFFFFFFB0]  }
0x1df: {  	v32 =	vld [tilespmem:s20+$0xFFFFFF80]  }
0x1e0: {  	v33 =	vld [tilespmem:s20+$0xFFFFFF60]  }
0x1e1: {  	v34 =	vld [tilespmem:s21+$0xFFFFFF60]  }
0x1e2: {  	v35 =	vld [tilespmem:s20+$0xFFFFFF70]  }
0x1e3: {  	v36 =	vld [tilespmem:s21+$0xFFFFFF70]  }
0x1e4: {  	v37 =	vld [tilespmem:s20+$0xFFFFFF40]  }
0x1e5: {  	v38 =	vld [tilespmem:s21+$0xFFFFFF40]  }
0x1e6: {  	v39 =	vld [tilespmem:s20+$0xFFFFFF50]  }
0x1e7: {  	v40 =	vld [tilespmem:s21+$0xFFFFFF50]  }
0x1e8: {  	v41 =	vld [tilespmem:s21+$0xFFFFFF00]  }
0x1e9: {  	v42 =	vld [tilespmem:s20+$0xFFFFFF00]  }
0x1ea: {  	v1 =	vmul.f32 v2, v1;
	v2 =	vmul.f32 v4, v3;
	v3 =	vld [tilespmem:s20+$0xFFFFFF10]  }
0x1eb: {  	v4 =	vmul.f32 v7, v6;
	v6 =	vmul.f32 v9, v8;
	v7 =	vld [tilespmem:s21+$0xFFFFFF10]  }
0x1ec: {  	v8 =	vmul.f32 v13, v12;
	v9 =	vld [tilespmem:s20+$0xFFFFFF20];
	v1 =	vadd.f32 v2, v1;
	v2 =	vmul.f32 v11, v10  }
0x1ed: {  	v12 =	vld [tilespmem:s20+$0xFFFFFF30];
	v4 =	vadd.f32 v6, v4;
	v6 =	vmul.f32 v16, v15;
	v10 =	vmul.f32 v18, v17  }
0x1ee: {  	v13 =	vld [tilespmem:s21+$0xFFFFFF30];
	(xrf2) =	vadd.scan.msk.f32 $0xffff, v1;
	v1 =	vadd.f32 v8, v2;
	v2 =	vmul.f32 v20, v19;
	v8 =	vmul.f32 v22, v51  }
0x1ef: {  	v11 =	vld [tilespmem:s21+$0xFFFFFF20];
	(xrf2) =	vadd.scan.msk.f32 $0xffff, v4;
	v4 =	vadd.f32 v10, v6;
	v6 =	vmul.f32 v25, v24;
	v10 =	vmul.f32 v27, v26  }
0x1f0: {  	v15 =	vld [tilespmem:s21+$0xFFFFFF80];
	(xrf2) =	vadd.scan.msk.f32 $0xffff, v1;
	v1 =	vadd.f32 v8, v2;
	v2 =	vmul.f32 v29, v28;
	v8 =	vmul.f32 v31, v30  }
0x1f1: {  	v16 =	vld [tilespmem:s20+$0xFFFFFF90];
	(xrf2) =	vadd.scan.msk.f32 $0xffff, v4;
	v4 =	vadd.f32 v10, v6;
	v6 =	vmul.f32 v34, v33;
	v10 =	vmul.f32 v36, v35  }
0x1f2: {  	v17 =	vld [tilespmem:s21+$0xFFFFFF90];
	(xrf2) =	vadd.scan.msk.f32 $0xffff, v1;
	v1 =	vadd.f32 v8, v2;
	v2 =	vmul.f32 v38, v37;
	v8 =	vmul.f32 v40, v39  }
0x1f3: {  	v3 =	vmul.f32 v7, v3;
	v7 =	vld [tilespmem:s21+$0xFFFFFFE0];
	(xrf2) =	vadd.scan.msk.f32 $0xffff, v4;
	v4 =	vadd.f32 v10, v6;
	v6 =	vmul.f32 v41, v42  }
0x1f4: {  	(xrf2) =	vadd.scan.msk.f32 $0xffff, v1;
	v1 =	vadd.f32 v8, v2;
	v2 =	vmul.f32 v11, v9;
	v8 =	vmul.f32 v13, v12;
	v9 =	vld [tilespmem:s20+$0xFFFFFFF0]  }
0x1f5: {  	(xrf2) =	vadd.scan.msk.f32 $0xffff, v4;
	v3 =	vadd.f32 v3, v6;
	v4 =	vld [tilespmem:s21+$0xFFFFFFF0]  }
0x1f6: {  	v11 =	vld [tilespmem:s21+$0x50];
	(xrf2) =	vadd.scan.msk.f32 $0xffff, v1;
	v1 =	vadd.f32 v8, v2  }
0x1f7: {  	v6 =	vmul.f32 v17, v16;
	v2 =	vld [tilespmem:s21+$0x40];
	(xrf2) =	vadd.scan.msk.f32 $0xffff, v3;
	v3 =	vmul.f32 v15, v32  }
0x1f8: {  	v8 =	vld [tilespmem:s20+$0x50]  }
0x1f9: {  	v15 =	vld [tilespmem:s21+$0xB0];
	v10, _, _ =	vpop (xrf2);
	v3 =	vadd.f32 v6, v3  }
0x1fa: {  	v7 =	vmul.f32 v7, v23;
	(xrf2) =	vadd.scan.msk.f32 $0xffff, v1;
	v6 =	vld [tilespmem:s21+$0xA0];
	v1, _, _ =	vpop (xrf2);
	v4 =	vmul.f32 v4, v9  }
0x1fb: {  	v9 =	vld [tilespmem:s20+$0xB0];
	v12, _, _ =	vpop (xrf2)  }
0x1fc: {  	v13, _, _ =	vpop (xrf2);
	v4 =	vadd.f32 v4, v7  }
0x1fd: {  	(xrf2) =	vadd.scan.msk.f32 $0xffff, v3;
	v8 =	vmul.f32 v11, v8;
	v11 =	vld [tilespmem:s21+$0xE0];
	v3, _, _ =	vpop (xrf2)  }
0x1fe: {  	v7 =	vld [tilespmem:s20+$0xE0];
	v16, _, _ =	vpop (xrf2)  }
0x1ff: {  	v2 =	vmul.f32 v2, v14;
	v14, _, _ =	vpop (xrf2)  }
0x200: {  	v17 =	vld [tilespmem:s20+$0xF0];
	(xrf2) =	vadd.scan.msk.f32 $0xffff, v4;
	v5 =	vmul.f32 v6, v5;
	v6 =	vmul.f32 v15, v9;
	v4, _, _ =	vpop (xrf2)  }
0x201: {  	v2 =	vadd.f32 v8, v2;
	v8 =	vld [tilespmem:s21+$0xF0];
	v18, _, _ =	vpop (xrf2)  }
0x202: {  	v9, _, _ =	vpop (xrf2)  }
0x203: {  	(xrf2) =	vadd.scan.msk.f32 $0xffff, v2;
	v2 =	vadd.f32 v6, v5;
	v5 =	vmul.f32 v11, v7;
	v7 =	vbroadcast v9, $0xF  }
0x204: {  	v6, _, _ =	vpop (xrf2)  }
0x205: {  	v6 =	vbroadcast v6, $0xF  }
0x206: {  	v11 =	vbroadcast v18, $0xF;
	v8 =	vmul.f32 v8, v17  }
0x207: {  	v4 =	vbroadcast v4, $0xF;
	v6 =	vsel vm0, v7, v6;
	v7, _, _ =	vpop (xrf2)  }
0x208: {  	s22 =	simm.s32 $0x0;
	v9 =	vld [tilespmem:s0+$0x0];
	(xrf2) =	vadd.scan.msk.f32 $0xffff, v2;
	v6 =	vsel vm1, v6, v11;
	v7 =	vbroadcast v7, $0xF  }
0x209: {  	v2 =	vmov s22;
	v4 =	vsel vm2, v6, v4;
	v6 =	vbroadcast v14, $0xF  }
0x20a: {  	v15 =	vld [tilespmem:s29+$0x0];
	v5 =	vadd.f32 v8, v5;
	v8, _, _ =	vpop (xrf2);
	v4 =	vsel vm3, v4, v7;
	v7 =	vbroadcast v16, $0xF  }
0x20b: {  	v2 =	vshll.u32 v2, $0x7;
	v4 =	vsel vm4, v4, v6;
	v6 =	vbroadcast v8, $0xF  }
0x20c: {  	v3 =	vbroadcast v3, $0xF;
	v2 =	vor.u32 v0, v2;
	(xrf2) =	vadd.scan.msk.f32 $0xffff, v5;
	v4 =	vsel vm5, v4, v7  }
0x20d: {  	v5 =	vand.u32 $0x7F, v9;
	v8, _, _ =	vpop (xrf2);
	v4 =	vsel vm6, v4, v6;
	v6 =	vbroadcast v13, $0xF  }
0x20e: {  	v5 =	vor.u32 v2, v5;
	v3 =	vsel vm7, v4, v3;
	v4 =	vbroadcast v8, $0xF  }
0x20f: {  	v7 =	vand.u32 $0x7F, v15;
	v3 =	vsel vm8, v3, v6;
	v6 =	vbroadcast v12, $0xF  }
0x210: {  	v1 =	vbroadcast v1, $0xF;
	v2 =	vor.u32 v2, v7;
	v3 =	vsel vm9, v3, v4  }
0x211: {  	v3 =	vsel vm10, v3, v6  }
0x212: {  	v4, _, _ =	vpop (xrf2);
	v1 =	vsel vm11, v3, v1;
	v3 =	vbroadcast v10, $0xF  }
0x213: {  	v5 =	vld.idx.msk [tilespmem:v5+s28+$0x0], $0xffff;
	v4 =	vbroadcast v4, $0xF;
	_ =	sdelay $0x1  }
0x214: {  	v2 =	vld.idx.msk [tilespmem:v2+s30+$0x0], $0xffff;
	v1 =	vsel vm12, v1, v4  }
0x215: {  	v1 =	vsel vm13, v1, v3;
	v3, _, _ =	vpop (xrf2)  }
0x216: {  	v1 =	vsel vm14, v1, v3  }
0x217: {  	v1 =	vadd.f32 v1, v5;
	_ =	sdelay $0x1  }
0x218: {  	v1 =	vadd.f32 v1, v2;
	_ =	sdelay $0x1  }
0x219: {  	v1 =	vsub.f32 $0.0e+00, v1;
	_ =	sdelay $0x1  }
0x21a: {  	v1 =	vmul.f32 $1.442695020e+00, v1;
	_ =	sdelay $0x1  }
0x21b: {  	(erf) = vpow2.f32 v1;
	_ =	sdelay $0x8  }
0x21c: {  	v1 =	vpop (erf)  }
0x21d: {  	v1 =	vadd.f32 $1.000000000e+00, v1;
	_ =	sdelay $0x1  }
0x21e: {  	(erf) = vrcp.f32 v1;
	_ =	sdelay $0x8  }
0x21f: {  	s2 =	simm.s32 $0xA880;
	v1 =	vpop (erf)  }
0x220: {  	s20 =	simm.s32 $0xB00;
	[tilespmem:s2+$0x0] =	vst v1  }
0x221: {  	s19 =	simm.s32 $0x1B00;
	v2 =	vld [tilespmem:s20+$0xC0]  }
0x222: {  	v4 =	vld [tilespmem:s19+$0xC0]  }
0x223: {  	v5 =	vld [tilespmem:s20+$0xD0]  }
0x224: {  	v7 =	vld [tilespmem:s19+$0xD0]  }
0x225: {  	v1 =	vld [tilespmem:s20+$0xA0]  }
0x226: {  	v8 =	vld [tilespmem:s20+$0x80]  }
0x227: {  	v9 =	vld [tilespmem:s19+$0x80]  }
0x228: {  	v10 =	vld [tilespmem:s20+$0x90]  }
0x229: {  	v11 =	vld [tilespmem:s19+$0x90]  }
0x22a: {  	v12 =	vld [tilespmem:s20+$0x60]  }
0x22b: {  	v13 =	vld [tilespmem:s19+$0x60]  }
0x22c: {  	v14 =	vld [tilespmem:s20+$0x70]  }
0x22d: {  	v15 =	vld [tilespmem:s19+$0x70]  }
0x22e: {  	v3 =	vld [tilespmem:s20+$0x40]  }
0x22f: {  	v16 =	vld [tilespmem:s20+$0x20]  }
0x230: {  	v17 =	vld [tilespmem:s19+$0x20]  }
0x231: {  	v18 =	vld [tilespmem:s20+$0x30]  }
0x232: {  	v19 =	vld [tilespmem:s19+$0x30]  }
0x233: {  	v20 =	vld [tilespmem:s20+$0x0]  }
0x234: {  	v52 =	vld [tilespmem:s19+$0x0]  }
0x235: {  	v53 =	vld [tilespmem:s20+$0x10]  }
0x236: {  	v54 =	vld [tilespmem:s19+$0x10]  }
0x237: {  	v6 =	vld [tilespmem:s20+$0xFFFFFFE0]  }
0x238: {  	v55 =	vld [tilespmem:s20+$0xFFFFFFC0]  }
0x239: {  	v56 =	vld [tilespmem:s19+$0xFFFFFFC0];
	v2 =	vmul.f32 v4, v2;
	v4 =	vmul.f32 v7, v5  }
0x23a: {  	v57 =	vld [tilespmem:s20+$0xFFFFFFD0]  }
0x23b: {  	v58 =	vld [tilespmem:s19+$0xFFFFFFD0];
	v2 =	vadd.f32 v4, v2  }
0x23c: {  	v59 =	vld [tilespmem:s20+$0xFFFFFFA0];
	v7 =	vmul.f32 v9, v8;
	v9 =	vmul.f32 v11, v10  }
0x23d: {  	v60 =	vld [tilespmem:s19+$0xFFFFFFA0];
	(xrf2) =	vadd.scan.msk.f32 $0xffff, v2  }
0x23e: {  	v61 =	vld [tilespmem:s20+$0xFFFFFFB0];
	v10 =	vmul.f32 v15, v14;
	v4 =	vmul.f32 v13, v12;
	v7 =	vadd.f32 v9, v7  }
0x23f: {  	v5 =	vld [tilespmem:s19+$0xFFFFFFB0];
	v11 =	vmul.f32 v19, v18;
	v9 =	vmul.f32 v17, v16  }
0x240: {  	v8 =	vld [tilespmem:s20+$0xFFFFFF80];
	v2 =	vadd.f32 v10, v4;
	(xrf2) =	vadd.scan.msk.f32 $0xffff, v7  }
0x241: {  	v14 =	vld [tilespmem:s19+$0xFFFFFF60];
	v7 =	vadd.f32 v11, v9  }
0x242: {  	v15 =	vld [tilespmem:s19+$0xFFFFFF70];
	(xrf2) =	vadd.scan.msk.f32 $0xffff, v2  }
0x243: {  	v18 =	vld [tilespmem:s20+$0xFFFFFF50];
	v2 =	vmul.f32 v52, v20;
	(xrf2) =	vadd.scan.msk.f32 $0xffff, v7;
	v7 =	vmul.f32 v54, v53  }
0x244: {  	v19 =	vld [tilespmem:s19+$0xFFFFFF50]  }
0x245: {  	v4 =	vld [tilespmem:s20+$0xFFFFFF70];
	v7 =	vadd.f32 v7, v2  }
0x246: {  	v12 =	vld [tilespmem:s20+$0xFFFFFF60];
	v13 =	vmul.f32 v56, v55;
	v20 =	vmul.f32 v58, v57  }
0x247: {  	v16 =	vld [tilespmem:s20+$0xFFFFFF40];
	v2, _, _ =	vpop (xrf2);
	(xrf2) =	vadd.scan.msk.f32 $0xffff, v7  }
0x248: {  	v17 =	vld [tilespmem:s19+$0xFFFFFF40];
	v20 =	vadd.f32 v20, v13  }
0x249: {  	v62 =	vmul.f32 v60, v59;
	v10 =	vld [tilespmem:s20+$0xFFFFFF00];
	v5 =	vmul.f32 v5, v61  }
0x24a: {  	v9 =	vld [tilespmem:s19+$0xFFFFFF00];
	v15 =	vmul.f32 v15, v4;
	v4, _, _ =	vpop (xrf2);
	(xrf2) =	vadd.scan.msk.f32 $0xffff, v20  }
0x24b: {  	v11 =	vld [tilespmem:s20+$0xFFFFFF10];
	v7 =	vadd.f32 v5, v62  }
0x24c: {  	v63 =	vmul.f32 v14, v12;
	v12 =	vld [tilespmem:s20+$0xFFFFFF20]  }
0x24d: {  	v13 =	vld [tilespmem:s19+$0xFFFFFF10];
	v5, _, _ =	vpop (xrf2);
	(xrf2) =	vadd.scan.msk.f32 $0xffff, v7  }
0x24e: {  	v14 =	vld [tilespmem:s19+$0xFFFFFF20];
	v20 =	vadd.f32 v15, v63  }
0x24f: {  	v18 =	vmul.f32 v19, v18;
	v17 =	vmul.f32 v17, v16;
	v16 =	vld [tilespmem:s19+$0xFFFFFF30]  }
0x250: {  	s21 =	simm.s32 $0x10;
	s22 =	simm.s32 $0x20;
	v15 =	vld [tilespmem:s20+$0xFFFFFF30];
	v7, _, _ =	vpop (xrf2);
	(xrf2) =	vadd.scan.msk.f32 $0xffff, v20  }
.LBB2_4:
0x251: {  	p0 =	sne.s32 s22, $0x70;
	v20 =	vadd.f32 v18, v17;
	v18 =	vld [tilespmem:s19+$0xFFFFFF80];
	v19, _, _ =	vpop (xrf2)  }
0x252: {  	v9 =	vmul.f32 v9, v10;
	v10 =	vmul.f32 v13, v11;
	v11 =	vld [tilespmem:s20+$0xFFFFFF90]  }
0x253: {  	v13 =	vld [tilespmem:s19+$0xFFFFFF90];
	(xrf2) =	vadd.scan.msk.f32 $0xffff, v20  }
0x254: {  	v9 =	vadd.f32 v10, v9;
	v10 =	vld [tilespmem:s19+$0xFFFFFFE0];
	v17, _, _ =	vpop (xrf2)  }
0x255: {  	v12 =	vmul.f32 v14, v12;
	v20 =	vmul.f32 v16, v15;
	v15 =	vld [tilespmem:s20+$0xFFFFFFF0]  }
0x256: {  	v16 =	vld [tilespmem:s19+$0xFFFFFFF0];
	(xrf2) =	vadd.scan.msk.f32 $0xffff, v9  }
0x257: {  	v9 =	vadd.f32 v20, v12;
	v12 =	vld [tilespmem:s19+$0x40];
	v14, _, _ =	vpop (xrf2)  }
0x258: {  	v8 =	vmul.f32 v18, v8;
	v20 =	vmul.f32 v13, v11;
	v13 =	vld [tilespmem:s20+$0x50]  }
0x259: {  	v18 =	vld [tilespmem:s19+$0x50];
	(xrf2) =	vadd.scan.msk.f32 $0xffff, v9  }
0x25a: {  	v8 =	vadd.f32 v20, v8;
	v9 =	vld [tilespmem:s19+$0xA0];
	v11, _, _ =	vpop (xrf2)  }
0x25b: {  	v6 =	vmul.f32 v10, v6;
	v20 =	vmul.f32 v16, v15;
	v15 =	vld [tilespmem:s20+$0xB0]  }
0x25c: {  	v16 =	vld [tilespmem:s19+$0xB0];
	(xrf2) =	vadd.scan.msk.f32 $0xffff, v8  }
0x25d: {  	v6 =	vadd.f32 v20, v6;
	v8 =	vld [tilespmem:s20+$0xE0];
	v10, _, _ =	vpop (xrf2)  }
0x25e: {  	v3 =	vmul.f32 v12, v3;
	v20 =	vmul.f32 v18, v13;
	v13 =	vld [tilespmem:s19+$0xE0]  }
0x25f: {  	v18 =	vld [tilespmem:s20+$0xF0];
	(xrf2) =	vadd.scan.msk.f32 $0xffff, v6  }
0x260: {  	v3 =	vadd.f32 v20, v3;
	v6 =	vld [tilespmem:s19+$0xF0];
	v12, _, _ =	vpop (xrf2)  }
0x261: {  	v1 =	vmul.f32 v9, v1;
	v9 =	vmul.f32 v16, v15  }
0x262: {  	(xrf2) =	vadd.scan.msk.f32 $0xffff, v3  }
0x263: {  	s0 =	sadd.s32 $0x10, s0;
	v1 =	vadd.f32 v9, v1;
	v3 =	vmul.f32 v13, v8;
	v8, _, _ =	vpop (xrf2)  }
0x264: {  	v9 =	vbroadcast v12, $0xF;
	v8 =	vbroadcast v8, $0xF;
	v12 =	vld [tilespmem:s0+$0x0]  }
0x265: {  	s29 =	sadd.s32 $0x10, s29;
	v10 =	vbroadcast v10, $0xF;
	v15 =	vmov s21;
	s21 =	smov.u32 s22;
	v6 =	vmul.f32 v6, v18;
	(xrf2) =	vadd.scan.msk.f32 $0xffff, v1  }
0x266: {  	v1 =	vsel vm0, v9, v8;
	v8 =	vbroadcast v11, $0xF;
	v9 =	vshll.u32 v15, $0x7;
	v11 =	vld [tilespmem:s29+$0x0];
	v13, _, _ =	vpop (xrf2)  }
0x267: {  	v1 =	vsel vm1, v1, v10;
	v10 =	vbroadcast v13, $0xF;
	v3 =	vadd.f32 v6, v3  }
0x268: {  	v6 =	vbroadcast v14, $0xF;
	v1 =	vsel vm2, v1, v8;
	v8 =	vor.u32 v0, v9  }
0x269: {  	v9 =	vbroadcast v17, $0xF;
	v1 =	vsel vm3, v1, v10;
	v10 =	vand.u32 $0x7F, v12;
	v12, _, _ =	vpop (xrf2);
	(xrf2) =	vadd.scan.msk.f32 $0xffff, v3  }
0x26a: {  	v1 =	vsel vm4, v1, v6;
	v3 =	vbroadcast v12, $0xF;
	v6 =	vor.u32 v8, v10  }
0x26b: {  	v1 =	vsel vm5, v1, v9;
	v9 =	vbroadcast v19, $0xF;
	v10 =	vand.u32 $0x7F, v11  }
0x26c: {  	v1 =	vsel vm6, v1, v3;
	v3 =	vbroadcast v7, $0xF;
	v7 =	vor.u32 v8, v10;
	v8, _, _ =	vpop (xrf2)  }
0x26d: {  	v1 =	vsel vm7, v1, v9;
	v8 =	vbroadcast v8, $0xF  }
0x26e: {  	v1 =	vsel vm8, v1, v3;
	v3 =	vbroadcast v5, $0xF  }
0x26f: {  	v4 =	vbroadcast v4, $0xF;
	v1 =	vsel vm9, v1, v8;
	v5 =	vld.idx.msk [tilespmem:v6+s28+$0x0], $0xffff;
	v6, _, _ =	vpop (xrf2)  }
0x270: {  	v1 =	vsel vm10, v1, v3;
	v3 =	vbroadcast v6, $0xF  }
0x271: {  	v6 =	vbroadcast v2, $0xF;
	v1 =	vsel vm11, v1, v4;
	v4 =	vld.idx.msk [tilespmem:v7+s30+$0x0], $0xffff  }
0x272: {  	v1 =	vsel vm12, v1, v3  }
0x273: {  	v1 =	vsel vm13, v1, v6;
	v2, _, _ =	vpop (xrf2)  }
0x274: {  	v1 =	vsel vm14, v1, v2  }
0x275: {  	v1 =	vadd.f32 v1, v5;
	_ =	sdelay $0x1  }
0x276: {  	v1 =	vadd.f32 v1, v4;
	_ =	sdelay $0x1  }
0x277: {  	v1 =	vsub.f32 $0.0e+00, v1;
	_ =	sdelay $0x1  }
0x278: {  	v1 =	vmul.f32 $1.442695020e+00, v1;
	_ =	sdelay $0x1  }
0x279: {  	(erf) = vpow2.f32 v1;
	_ =	sdelay $0x8  }
0x27a: {  	v1 =	vpop (erf)  }
0x27b: {  	v1 =	vadd.f32 $1.000000000e+00, v1;
	_ =	sdelay $0x1  }
0x27c: {  	(erf) = vrcp.f32 v1;
	_ =	sdelay $0x8  }
0x27d: {  	s2 =	sadd.s32 $0x10, s2;
	v1 =	vpop (erf)  }
0x27e: {  	s20 =	sadd.s32 $0x200, s20;
	[tilespmem:s2+$0x0] =	vst v1  }
0x27f: {  	s19 =	sadd.s32 $0x200, s19;
	v2 =	vld [tilespmem:s20+$0xC0]  }
0x280: {  	v4 =	vld [tilespmem:s19+$0xC0]  }
0x281: {  	v5 =	vld [tilespmem:s20+$0xD0]  }
0x282: {  	v7 =	vld [tilespmem:s19+$0xD0]  }
0x283: {  	v1 =	vld [tilespmem:s20+$0xA0]  }
0x284: {  	v8 =	vld [tilespmem:s20+$0x80]  }
0x285: {  	v9 =	vld [tilespmem:s19+$0x80]  }
0x286: {  	v10 =	vld [tilespmem:s20+$0x90]  }
0x287: {  	v11 =	vld [tilespmem:s19+$0x90]  }
0x288: {  	v12 =	vld [tilespmem:s20+$0x60]  }
0x289: {  	v13 =	vld [tilespmem:s19+$0x60]  }
0x28a: {  	v14 =	vld [tilespmem:s20+$0x70]  }
0x28b: {  	v15 =	vld [tilespmem:s19+$0x70]  }
0x28c: {  	v3 =	vld [tilespmem:s20+$0x40]  }
0x28d: {  	v16 =	vld [tilespmem:s20+$0x20]  }
0x28e: {  	v17 =	vld [tilespmem:s19+$0x20]  }
0x28f: {  	v18 =	vld [tilespmem:s20+$0x30]  }
0x290: {  	v19 =	vld [tilespmem:s19+$0x30]  }
0x291: {  	v20 =	vld [tilespmem:s20+$0x0]  }
0x292: {  	v21 =	vld [tilespmem:s19+$0x0]  }
0x293: {  	v22 =	vld [tilespmem:s20+$0x10]  }
0x294: {  	v23 =	vld [tilespmem:s19+$0x10]  }
0x295: {  	v2 =	vmul.f32 v4, v2;
	v4 =	vmul.f32 v7, v5;
	v6 =	vld [tilespmem:s20+$0xFFFFFFE0]  }
0x296: {  	v5 =	vld [tilespmem:s20+$0xFFFFFFC0]  }
0x297: {  	v2 =	vadd.f32 v4, v2;
	v7 =	vld [tilespmem:s19+$0xFFFFFFC0]  }
0x298: {  	v8 =	vmul.f32 v9, v8;
	v9 =	vmul.f32 v11, v10;
	v4 =	vld [tilespmem:s20+$0xFFFFFFD0]  }
0x299: {  	v10 =	vld [tilespmem:s19+$0xFFFFFFD0];
	(xrf2) =	vadd.scan.msk.f32 $0xffff, v2  }
0x29a: {  	v2 =	vadd.f32 v9, v8;
	v11 =	vld [tilespmem:s20+$0xFFFFFFA0]  }
0x29b: {  	v8 =	vmul.f32 v13, v12;
	v9 =	vmul.f32 v15, v14;
	v24 =	vld [tilespmem:s19+$0xFFFFFFA0]  }
0x29c: {  	v12 =	vld [tilespmem:s20+$0xFFFFFFB0];
	(xrf2) =	vadd.scan.msk.f32 $0xffff, v2  }
0x29d: {  	v2 =	vadd.f32 v9, v8;
	v13 =	vld [tilespmem:s19+$0xFFFFFFB0]  }
0x29e: {  	v14 =	vmul.f32 v19, v18;
	v9 =	vmul.f32 v17, v16;
	v8 =	vld [tilespmem:s20+$0xFFFFFF80]  }
0x29f: {  	v15 =	vld [tilespmem:s20+$0xFFFFFF60];
	(xrf2) =	vadd.scan.msk.f32 $0xffff, v2  }
0x2a0: {  	v25 =	vadd.f32 v14, v9;
	v16 =	vld [tilespmem:s19+$0xFFFFFF60]  }
0x2a1: {  	v17 =	vmul.f32 v23, v22;
	v9 =	vmul.f32 v21, v20;
	v14 =	vld [tilespmem:s20+$0xFFFFFF70]  }
0x2a2: {  	v18 =	vld [tilespmem:s19+$0xFFFFFF70];
	(xrf2) =	vadd.scan.msk.f32 $0xffff, v25  }
0x2a3: {  	v9 =	vadd.f32 v17, v9;
	v19 =	vld [tilespmem:s20+$0xFFFFFF40];
	v2, _, _ =	vpop (xrf2)  }
0x2a4: {  	v5 =	vmul.f32 v7, v5;
	v7 =	vmul.f32 v10, v4;
	v17 =	vld [tilespmem:s19+$0xFFFFFF40]  }
0x2a5: {  	v20 =	vld [tilespmem:s20+$0xFFFFFF50];
	(xrf2) =	vadd.scan.msk.f32 $0xffff, v9  }
0x2a6: {  	v22 =	vadd.f32 v7, v5;
	v21 =	vld [tilespmem:s19+$0xFFFFFF50];
	v4, _, _ =	vpop (xrf2)  }
0x2a7: {  	v7 =	vmul.f32 v24, v11;
	v12 =	vmul.f32 v13, v12;
	v9 =	vld [tilespmem:s19+$0xFFFFFF00]  }
0x2a8: {  	v10 =	vld [tilespmem:s20+$0xFFFFFF00];
	(xrf2) =	vadd.scan.msk.f32 $0xffff, v22  }
0x2a9: {  	v23 =	vadd.f32 v12, v7;
	v11 =	vld [tilespmem:s20+$0xFFFFFF10];
	v5, _, _ =	vpop (xrf2)  }
.Ltmp1:
0x2aa: {  	v15 =	vmul.f32 v16, v15;
	v16 =	vmul.f32 v18, v14;
	v13 =	vld [tilespmem:s19+$0xFFFFFF10];
	(pc) =	sbr.rel @p0 .LBB2_4-.Ltmp1, $4  }
0x2ab: {  	v12 =	vld [tilespmem:s20+$0xFFFFFF20];
	(xrf2) =	vadd.scan.msk.f32 $0xffff, v23  }
0x2ac: {  	v22 =	vadd.f32 v16, v15;
	v14 =	vld [tilespmem:s19+$0xFFFFFF20];
	v7, _, _ =	vpop (xrf2)  }
0x2ad: {  	v17 =	vmul.f32 v17, v19;
	v18 =	vmul.f32 v21, v20;
	v15 =	vld [tilespmem:s20+$0xFFFFFF30]  }
0x2ae: {  	s22 =	sadd.s32 $0x10, s22;
	v16 =	vld [tilespmem:s19+$0xFFFFFF30];
	(xrf2) =	vadd.scan.msk.f32 $0xffff, v22  }
0x2af: {  	v19 =	vld [tilespmem:s19+$0xFFFFFF80]  }
0x2b0: {  	v20 =	vld [tilespmem:s20+$0xFFFFFF90]  }
0x2b1: {  	v21 =	vld [tilespmem:s19+$0xFFFFFF90];
	v9 =	vmul.f32 v9, v10;
	v10 =	vmul.f32 v13, v11  }
0x2b2: {  	v11 =	vld [tilespmem:s19+$0xFFFFFFE0]  }
0x2b3: {  	v13 =	vadd.f32 v18, v17;
	v9 =	vadd.f32 v10, v9;
	v10 =	vld [tilespmem:s19+$0xFFFFFFF0]  }
0x2b4: {  	v12 =	vmul.f32 v14, v12;
	v14 =	vmul.f32 v16, v15;
	v15 =	vld [tilespmem:s20+$0xFFFFFFF0]  }
0x2b5: {  	(xrf2) =	vadd.scan.msk.f32 $0xffff, v13;
	v13 =	vld [tilespmem:s19+$0x40]  }
0x2b6: {  	(xrf2) =	vadd.scan.msk.f32 $0xffff, v9;
	v16 =	vld [tilespmem:s19+$0x50];
	v8 =	vmul.f32 v19, v8;
	v9 =	vmul.f32 v21, v20  }
0x2b7: {  	v6 =	vmul.f32 v11, v6;
	v11 =	vld [tilespmem:s20+$0xB0];
	v12 =	vadd.f32 v14, v12  }
0x2b8: {  	v14 =	vld [tilespmem:s20+$0x50];
	v8 =	vadd.f32 v9, v8  }
0x2b9: {  	v9 =	vld [tilespmem:s19+$0xA0];
	(xrf2) =	vadd.scan.msk.f32 $0xffff, v12;
	v10 =	vmul.f32 v10, v15  }
0x2ba: {  	v12 =	vld [tilespmem:s19+$0xB0]  }
0x2bb: {  	v6 =	vadd.f32 v10, v6  }
0x2bc: {  	(xrf2) =	vadd.scan.msk.f32 $0xffff, v8;
	v8, _, _ =	vpop (xrf2);
	v10 =	vld [tilespmem:s20+$0xE0]  }
0x2bd: {  	v3 =	vmul.f32 v13, v3;
	v13 =	vmul.f32 v16, v14;
	v14 =	vld [tilespmem:s19+$0xE0];
	v15, _, _ =	vpop (xrf2)  }
0x2be: {  	v16, _, _ =	vpop (xrf2)  }
0x2bf: {  	v1 =	vmul.f32 v9, v1;
	(xrf2) =	vadd.scan.msk.f32 $0xffff, v6;
	v9 =	vmul.f32 v12, v11;
	v6, _, _ =	vpop (xrf2)  }
0x2c0: {  	v3 =	vadd.f32 v13, v3;
	v18, _, _ =	vpop (xrf2)  }
0x2c1: {  	v11, _, _ =	vpop (xrf2)  }
0x2c2: {  	(xrf2) =	vadd.scan.msk.f32 $0xffff, v3;
	v3 =	vmul.f32 v14, v10;
	v10 =	vbroadcast v11, $0xF  }
0x2c3: {  	v17 =	vld [tilespmem:s20+$0xF0];
	v1 =	vadd.f32 v9, v1;
	v9, _, _ =	vpop (xrf2)  }
0x2c4: {  	v13 =	vld [tilespmem:s19+$0xF0];
	v9 =	vbroadcast v9, $0xF  }
0x2c5: {  	v12 =	vbroadcast v18, $0xF  }
0x2c6: {  	v6 =	vbroadcast v6, $0xF;
	v9 =	vsel vm0, v10, v9;
	v10, _, _ =	vpop (xrf2)  }
0x2c7: {  	(xrf2) =	vadd.scan.msk.f32 $0xffff, v1;
	v9 =	vsel vm1, v9, v12;
	v10 =	vbroadcast v10, $0xF  }
0x2c8: {  	s0 =	sadd.s32 $0x10, s0;
	v6 =	vsel vm2, v9, v6;
	v9 =	vbroadcast v16, $0xF  }
0x2c9: {  	v11 =	vld [tilespmem:s0+$0x0];
	v13 =	vmul.f32 v13, v17;
	v12, _, _ =	vpop (xrf2);
	v6 =	vsel vm3, v6, v10  }
0x2ca: {  	s20 =	sadd.s32 $0x10, s29;
	v6 =	vsel vm4, v6, v9;
	v9 =	vbroadcast v12, $0xF  }
0x2cb: {  	v14 =	vld [tilespmem:s20+$0x0];
	v3 =	vadd.f32 v13, v3;
	v10 =	vbroadcast v15, $0xF  }
0x2cc: {  	v7 =	vbroadcast v7, $0xF;
	v1 =	vmov s21  }
0x2cd: {  	v8 =	vbroadcast v8, $0xF;
	v1 =	vshll.u32 v1, $0x7;
	(xrf2) =	vadd.scan.msk.f32 $0xffff, v3;
	v6 =	vsel vm5, v6, v10  }
0x2ce: {  	v1 =	vor.u32 v0, v1;
	v3 =	vand.u32 $0x7F, v11;
	v6 =	vsel vm6, v6, v9;
	v9, _, _ =	vpop (xrf2)  }
0x2cf: {  	v3 =	vor.u32 v1, v3;
	v6 =	vsel vm7, v6, v8;
	v8 =	vbroadcast v9, $0xF  }
0x2d0: {  	v5 =	vbroadcast v5, $0xF;
	v10 =	vand.u32 $0x7F, v14;
	v6 =	vsel vm8, v6, v7  }
0x2d1: {  	v4 =	vbroadcast v4, $0xF;
	v1 =	vor.u32 v1, v10;
	v7, _, _ =	vpop (xrf2);
	v6 =	vsel vm9, v6, v8  }
0x2d2: {  	v5 =	vsel vm10, v6, v5;
	v6 =	vbroadcast v7, $0xF  }
0x2d3: {  	v4 =	vsel vm11, v5, v4  }
0x2d4: {  	v3 =	vld.idx.msk [tilespmem:v3+s28+$0x0], $0xffff;
	v4 =	vsel vm12, v4, v6  }
0x2d5: {  	v2 =	vbroadcast v2, $0xF  }
0x2d6: {  	v1 =	vld.idx.msk [tilespmem:v1+s30+$0x0], $0xffff  }
0x2d7: {  	v2 =	vsel vm13, v4, v2;
	v4, _, _ =	vpop (xrf2)  }
0x2d8: {  	v2 =	vsel vm14, v2, v4  }
0x2d9: {  	v2 =	vadd.f32 v2, v3;
	_ =	sdelay $0x1  }
0x2da: {  	v1 =	vadd.f32 v2, v1;
	_ =	sdelay $0x1  }
0x2db: {  	v1 =	vsub.f32 $0.0e+00, v1;
	_ =	sdelay $0x1  }
0x2dc: {  	v1 =	vmul.f32 $1.442695020e+00, v1;
	_ =	sdelay $0x1  }
0x2dd: {  	(erf) = vpow2.f32 v1;
	_ =	sdelay $0x8  }
0x2de: {  	v1 =	vpop (erf)  }
0x2df: {  	v1 =	vadd.f32 $1.000000000e+00, v1;
	_ =	sdelay $0x1  }
0x2e0: {  	(erf) = vrcp.f32 v1;
	_ =	sdelay $0x8  }
0x2e1: {  	s21 =	sadd.s32 $0x10, s2;
	v1 =	vpop (erf)  }
0x2e2: {  	s0 =	simm.s32 $0x100;
	[tilespmem:s21+$0x0] =	vst v1  }
0x2e3: {  	[tilespmem:s24], [sflag:$0x1] =	stream.indirect.gather [hbm4b:s3+s18], $0x20, s0, s18, $0xb8;
	[tilespmem:$0xAA00] =	vst v63  }
0x2e4: {  	s29 =	simm.s32 $0x300  }
0x2e5: {  	[tilespmem:s25], [sflag:$0x1] =	stream.indirect.gather [hbm4b:s4+s18], $0x20, s29, s18, $0xb8;
	[tilespmem:$0xAA00] =	vst v63  }
0x2e6: {  	s22 =	simm.s32 $0x500  }
0x2e7: {  	[tilespmem:s28], [sflag:$0x1] =	stream.indirect.gather [hbm4b:s5+s18], $0x80, s22, s18, $0xb8;
	[tilespmem:$0xAA00] =	vst v63  }
0x2e8: {  	s19 =	simm.s32 $0x700  }
0x2e9: {  	[tilespmem:s30], [sflag:$0x1] =	stream.indirect.gather [hbm4b:s6+s18], $0x80, s19, s18, $0xb8;
	[tilespmem:$0xAA00] =	vst v63  }
0x2ea: {  	_ =	swait.ge [sflag:s31], $0x1000  }
0x2eb: {  	[sflag:s31] =	ssyncset.done $0x0  }
0x2ec: {  	[sflag:s31] =	ssyncadd.s32 $0xFFFFF000  }
0x2ed: {  	_ =	swait.ge [sflag:s31], $0x1000  }
0x2ee: {  	[sflag:s31] =	ssyncset.done $0x0  }
0x2ef: {  	[sflag:s31] =	ssyncadd.s32 $0xFFFFF000  }
0x2f0: {  	_ =	swait.ge [sflag:s31], $0x4000  }
0x2f1: {  	[sflag:s31] =	ssyncset.done $0x0  }
0x2f2: {  	[sflag:s31] =	ssyncadd.s32 $0xFFFFC000  }
0x2f3: {  	_ =	swait.ge [sflag:s31], $0x4000  }
0x2f4: {  	[sflag:s31] =	ssyncset.done $0x0  }
0x2f5: {  	s20 =	simm.s32 $0x900;
	[sflag:s31] =	ssyncadd.s32 $0xFFFFC000  }
0x2f6: {  	s21 =	simm.s32 $0x1900;
	v1 =	vld [tilespmem:s20+$0xC0]  }
0x2f7: {  	v2 =	vld [tilespmem:s21+$0xC0]  }
0x2f8: {  	v3 =	vld [tilespmem:s20+$0xD0]  }
0x2f9: {  	v4 =	vld [tilespmem:s21+$0xD0]  }
0x2fa: {  	v5 =	vld [tilespmem:s20+$0xA0]  }
0x2fb: {  	v6 =	vld [tilespmem:s20+$0x80]  }
0x2fc: {  	v7 =	vld [tilespmem:s21+$0x80]  }
0x2fd: {  	v8 =	vld [tilespmem:s20+$0x90]  }
0x2fe: {  	v9 =	vld [tilespmem:s21+$0x90]  }
0x2ff: {  	v10 =	vld [tilespmem:s20+$0x60]  }
0x300: {  	v11 =	vld [tilespmem:s21+$0x60]  }
0x301: {  	v12 =	vld [tilespmem:s20+$0x70]  }
0x302: {  	v13 =	vld [tilespmem:s21+$0x70]  }
0x303: {  	v14 =	vld [tilespmem:s20+$0x40]  }
0x304: {  	v15 =	vld [tilespmem:s20+$0x20]  }
0x305: {  	v16 =	vld [tilespmem:s21+$0x20]  }
0x306: {  	v17 =	vld [tilespmem:s20+$0x30]  }
0x307: {  	v18 =	vld [tilespmem:s21+$0x30]  }
0x308: {  	v19 =	vld [tilespmem:s20+$0x0]  }
0x309: {  	v20 =	vld [tilespmem:s21+$0x0]  }
0x30a: {  	v51 =	vld [tilespmem:s20+$0x10]  }
0x30b: {  	v22 =	vld [tilespmem:s21+$0x10]  }
0x30c: {  	v23 =	vld [tilespmem:s20+$0xFFFFFFE0]  }
0x30d: {  	v24 =	vld [tilespmem:s20+$0xFFFFFFC0]  }
0x30e: {  	v25 =	vld [tilespmem:s21+$0xFFFFFFC0]  }
0x30f: {  	v26 =	vld [tilespmem:s20+$0xFFFFFFD0]  }
0x310: {  	v27 =	vld [tilespmem:s21+$0xFFFFFFD0]  }
0x311: {  	v28 =	vld [tilespmem:s20+$0xFFFFFFA0]  }
0x312: {  	v29 =	vld [tilespmem:s21+$0xFFFFFFA0]  }
0x313: {  	v30 =	vld [tilespmem:s20+$0xFFFFFFB0]  }
0x314: {  	v31 =	vld [tilespmem:s21+$0xFFFFFFB0]  }
0x315: {  	v32 =	vld [tilespmem:s20+$0xFFFFFF80]  }
0x316: {  	v33 =	vld [tilespmem:s20+$0xFFFFFF60]  }
0x317: {  	v34 =	vld [tilespmem:s21+$0xFFFFFF60]  }
0x318: {  	v35 =	vld [tilespmem:s20+$0xFFFFFF70]  }
0x319: {  	v36 =	vld [tilespmem:s21+$0xFFFFFF70]  }
0x31a: {  	v37 =	vld [tilespmem:s20+$0xFFFFFF40]  }
0x31b: {  	v38 =	vld [tilespmem:s21+$0xFFFFFF40]  }
0x31c: {  	v39 =	vld [tilespmem:s20+$0xFFFFFF50]  }
0x31d: {  	v40 =	vld [tilespmem:s21+$0xFFFFFF50]  }
0x31e: {  	v41 =	vld [tilespmem:s21+$0xFFFFFF00]  }
0x31f: {  	v42 =	vld [tilespmem:s20+$0xFFFFFF00]  }
0x320: {  	v1 =	vmul.f32 v2, v1;
	v2 =	vmul.f32 v4, v3;
	v3 =	vld [tilespmem:s20+$0xFFFFFF10]  }
0x321: {  	v4 =	vmul.f32 v7, v6;
	v6 =	vmul.f32 v9, v8;
	v7 =	vld [tilespmem:s21+$0xFFFFFF10]  }
0x322: {  	v8 =	vmul.f32 v13, v12;
	v9 =	vld [tilespmem:s20+$0xFFFFFF20];
	v1 =	vadd.f32 v2, v1;
	v2 =	vmul.f32 v11, v10  }
0x323: {  	v12 =	vld [tilespmem:s20+$0xFFFFFF30];
	v4 =	vadd.f32 v6, v4;
	v6 =	vmul.f32 v16, v15;
	v10 =	vmul.f32 v18, v17  }
0x324: {  	v13 =	vld [tilespmem:s21+$0xFFFFFF30];
	(xrf2) =	vadd.scan.msk.f32 $0xffff, v1;
	v1 =	vadd.f32 v8, v2;
	v2 =	vmul.f32 v20, v19;
	v8 =	vmul.f32 v22, v51  }
0x325: {  	v11 =	vld [tilespmem:s21+$0xFFFFFF20];
	(xrf2) =	vadd.scan.msk.f32 $0xffff, v4;
	v4 =	vadd.f32 v10, v6;
	v6 =	vmul.f32 v25, v24;
	v10 =	vmul.f32 v27, v26  }
0x326: {  	v15 =	vld [tilespmem:s21+$0xFFFFFF80];
	(xrf2) =	vadd.scan.msk.f32 $0xffff, v1;
	v1 =	vadd.f32 v8, v2;
	v2 =	vmul.f32 v29, v28;
	v8 =	vmul.f32 v31, v30  }
0x327: {  	v16 =	vld [tilespmem:s20+$0xFFFFFF90];
	(xrf2) =	vadd.scan.msk.f32 $0xffff, v4;
	v4 =	vadd.f32 v10, v6;
	v6 =	vmul.f32 v34, v33;
	v10 =	vmul.f32 v36, v35  }
0x328: {  	v17 =	vld [tilespmem:s21+$0xFFFFFF90];
	(xrf2) =	vadd.scan.msk.f32 $0xffff, v1;
	v1 =	vadd.f32 v8, v2;
	v2 =	vmul.f32 v38, v37;
	v8 =	vmul.f32 v40, v39  }
0x329: {  	v3 =	vmul.f32 v7, v3;
	v7 =	vld [tilespmem:s21+$0xFFFFFFE0];
	(xrf2) =	vadd.scan.msk.f32 $0xffff, v4;
	v4 =	vadd.f32 v10, v6;
	v6 =	vmul.f32 v41, v42  }
0x32a: {  	(xrf2) =	vadd.scan.msk.f32 $0xffff, v1;
	v1 =	vadd.f32 v8, v2;
	v2 =	vmul.f32 v11, v9;
	v8 =	vmul.f32 v13, v12;
	v9 =	vld [tilespmem:s20+$0xFFFFFFF0]  }
0x32b: {  	(xrf2) =	vadd.scan.msk.f32 $0xffff, v4;
	v3 =	vadd.f32 v3, v6;
	v4 =	vld [tilespmem:s21+$0xFFFFFFF0]  }
0x32c: {  	v11 =	vld [tilespmem:s21+$0x50];
	(xrf2) =	vadd.scan.msk.f32 $0xffff, v1;
	v1 =	vadd.f32 v8, v2  }
0x32d: {  	v6 =	vmul.f32 v17, v16;
	v2 =	vld [tilespmem:s21+$0x40];
	(xrf2) =	vadd.scan.msk.f32 $0xffff, v3;
	v3 =	vmul.f32 v15, v32  }
0x32e: {  	v8 =	vld [tilespmem:s20+$0x50]  }
0x32f: {  	v15 =	vld [tilespmem:s21+$0xB0];
	v10, _, _ =	vpop (xrf2);
	v3 =	vadd.f32 v6, v3  }
0x330: {  	v7 =	vmul.f32 v7, v23;
	(xrf2) =	vadd.scan.msk.f32 $0xffff, v1;
	v6 =	vld [tilespmem:s21+$0xA0];
	v1, _, _ =	vpop (xrf2);
	v4 =	vmul.f32 v4, v9  }
0x331: {  	v9 =	vld [tilespmem:s20+$0xB0];
	v12, _, _ =	vpop (xrf2)  }
0x332: {  	v13, _, _ =	vpop (xrf2);
	v4 =	vadd.f32 v4, v7  }
0x333: {  	(xrf2) =	vadd.scan.msk.f32 $0xffff, v3;
	v8 =	vmul.f32 v11, v8;
	v11 =	vld [tilespmem:s21+$0xE0];
	v3, _, _ =	vpop (xrf2)  }
0x334: {  	v7 =	vld [tilespmem:s20+$0xE0];
	v16, _, _ =	vpop (xrf2)  }
0x335: {  	v2 =	vmul.f32 v2, v14;
	v14, _, _ =	vpop (xrf2)  }
0x336: {  	v17 =	vld [tilespmem:s20+$0xF0];
	(xrf2) =	vadd.scan.msk.f32 $0xffff, v4;
	v5 =	vmul.f32 v6, v5;
	v6 =	vmul.f32 v15, v9;
	v4, _, _ =	vpop (xrf2)  }
0x337: {  	v2 =	vadd.f32 v8, v2;
	v8 =	vld [tilespmem:s21+$0xF0];
	v18, _, _ =	vpop (xrf2)  }
0x338: {  	v9, _, _ =	vpop (xrf2)  }
0x339: {  	(xrf2) =	vadd.scan.msk.f32 $0xffff, v2;
	v2 =	vadd.f32 v6, v5;
	v5 =	vmul.f32 v11, v7;
	v7 =	vbroadcast v9, $0xF  }
0x33a: {  	v6, _, _ =	vpop (xrf2)  }
0x33b: {  	v6 =	vbroadcast v6, $0xF  }
0x33c: {  	v11 =	vbroadcast v18, $0xF;
	v8 =	vmul.f32 v8, v17  }
0x33d: {  	v4 =	vbroadcast v4, $0xF;
	v6 =	vsel vm0, v7, v6;
	v7, _, _ =	vpop (xrf2)  }
0x33e: {  	s22 =	simm.s32 $0x0;
	v9 =	vld [tilespmem:s0+$0x0];
	(xrf2) =	vadd.scan.msk.f32 $0xffff, v2;
	v6 =	vsel vm1, v6, v11;
	v7 =	vbroadcast v7, $0xF  }
0x33f: {  	v2 =	vmov s22;
	v4 =	vsel vm2, v6, v4;
	v6 =	vbroadcast v14, $0xF  }
0x340: {  	v15 =	vld [tilespmem:s29+$0x0];
	v5 =	vadd.f32 v8, v5;
	v8, _, _ =	vpop (xrf2);
	v4 =	vsel vm3, v4, v7;
	v7 =	vbroadcast v16, $0xF  }
0x341: {  	v2 =	vshll.u32 v2, $0x7;
	v4 =	vsel vm4, v4, v6;
	v6 =	vbroadcast v8, $0xF  }
0x342: {  	v3 =	vbroadcast v3, $0xF;
	v2 =	vor.u32 v0, v2;
	(xrf2) =	vadd.scan.msk.f32 $0xffff, v5;
	v4 =	vsel vm5, v4, v7  }
0x343: {  	v5 =	vand.u32 $0x7F, v9;
	v8, _, _ =	vpop (xrf2);
	v4 =	vsel vm6, v4, v6;
	v6 =	vbroadcast v13, $0xF  }
0x344: {  	v5 =	vor.u32 v2, v5;
	v3 =	vsel vm7, v4, v3;
	v4 =	vbroadcast v8, $0xF  }
0x345: {  	v7 =	vand.u32 $0x7F, v15;
	v3 =	vsel vm8, v3, v6;
	v6 =	vbroadcast v12, $0xF  }
0x346: {  	v1 =	vbroadcast v1, $0xF;
	v2 =	vor.u32 v2, v7;
	v3 =	vsel vm9, v3, v4  }
0x347: {  	v3 =	vsel vm10, v3, v6  }
0x348: {  	v4, _, _ =	vpop (xrf2);
	v1 =	vsel vm11, v3, v1;
	v3 =	vbroadcast v10, $0xF  }
0x349: {  	v5 =	vld.idx.msk [tilespmem:v5+s28+$0x0], $0xffff;
	v4 =	vbroadcast v4, $0xF;
	_ =	sdelay $0x1  }
0x34a: {  	v2 =	vld.idx.msk [tilespmem:v2+s30+$0x0], $0xffff;
	v1 =	vsel vm12, v1, v4  }
0x34b: {  	v1 =	vsel vm13, v1, v3;
	v3, _, _ =	vpop (xrf2)  }
0x34c: {  	v1 =	vsel vm14, v1, v3  }
0x34d: {  	v1 =	vadd.f32 v1, v5;
	_ =	sdelay $0x1  }
0x34e: {  	v1 =	vadd.f32 v1, v2;
	_ =	sdelay $0x1  }
0x34f: {  	v1 =	vsub.f32 $0.0e+00, v1;
	_ =	sdelay $0x1  }
0x350: {  	v1 =	vmul.f32 $1.442695020e+00, v1;
	_ =	sdelay $0x1  }
0x351: {  	(erf) = vpow2.f32 v1;
	_ =	sdelay $0x8  }
0x352: {  	v1 =	vpop (erf)  }
0x353: {  	v1 =	vadd.f32 $1.000000000e+00, v1;
	_ =	sdelay $0x1  }
0x354: {  	(erf) = vrcp.f32 v1;
	_ =	sdelay $0x8  }
0x355: {  	s2 =	simm.s32 $0xA900;
	v1 =	vpop (erf)  }
0x356: {  	s20 =	simm.s32 $0xB00;
	[tilespmem:s2+$0x0] =	vst v1  }
0x357: {  	s19 =	simm.s32 $0x1B00;
	v2 =	vld [tilespmem:s20+$0xC0]  }
0x358: {  	v4 =	vld [tilespmem:s19+$0xC0]  }
0x359: {  	v5 =	vld [tilespmem:s20+$0xD0]  }
0x35a: {  	v7 =	vld [tilespmem:s19+$0xD0]  }
0x35b: {  	v1 =	vld [tilespmem:s20+$0xA0]  }
0x35c: {  	v8 =	vld [tilespmem:s20+$0x80]  }
0x35d: {  	v9 =	vld [tilespmem:s19+$0x80]  }
0x35e: {  	v10 =	vld [tilespmem:s20+$0x90]  }
0x35f: {  	v11 =	vld [tilespmem:s19+$0x90]  }
0x360: {  	v12 =	vld [tilespmem:s20+$0x60]  }
0x361: {  	v13 =	vld [tilespmem:s19+$0x60]  }
0x362: {  	v14 =	vld [tilespmem:s20+$0x70]  }
0x363: {  	v15 =	vld [tilespmem:s19+$0x70]  }
0x364: {  	v3 =	vld [tilespmem:s20+$0x40]  }
0x365: {  	v16 =	vld [tilespmem:s20+$0x20]  }
0x366: {  	v17 =	vld [tilespmem:s19+$0x20]  }
0x367: {  	v18 =	vld [tilespmem:s20+$0x30]  }
0x368: {  	v19 =	vld [tilespmem:s19+$0x30]  }
0x369: {  	v20 =	vld [tilespmem:s20+$0x0]  }
0x36a: {  	v52 =	vld [tilespmem:s19+$0x0]  }
0x36b: {  	v53 =	vld [tilespmem:s20+$0x10]  }
0x36c: {  	v54 =	vld [tilespmem:s19+$0x10]  }
0x36d: {  	v6 =	vld [tilespmem:s20+$0xFFFFFFE0]  }
0x36e: {  	v55 =	vld [tilespmem:s20+$0xFFFFFFC0]  }
0x36f: {  	v56 =	vld [tilespmem:s19+$0xFFFFFFC0];
	v2 =	vmul.f32 v4, v2;
	v4 =	vmul.f32 v7, v5  }
0x370: {  	v57 =	vld [tilespmem:s20+$0xFFFFFFD0]  }
0x371: {  	v58 =	vld [tilespmem:s19+$0xFFFFFFD0];
	v2 =	vadd.f32 v4, v2  }
0x372: {  	v59 =	vld [tilespmem:s20+$0xFFFFFFA0];
	v7 =	vmul.f32 v9, v8;
	v9 =	vmul.f32 v11, v10  }
0x373: {  	v60 =	vld [tilespmem:s19+$0xFFFFFFA0];
	(xrf2) =	vadd.scan.msk.f32 $0xffff, v2  }
0x374: {  	v61 =	vld [tilespmem:s20+$0xFFFFFFB0];
	v10 =	vmul.f32 v15, v14;
	v4 =	vmul.f32 v13, v12;
	v7 =	vadd.f32 v9, v7  }
0x375: {  	v5 =	vld [tilespmem:s19+$0xFFFFFFB0];
	v11 =	vmul.f32 v19, v18;
	v9 =	vmul.f32 v17, v16  }
0x376: {  	v8 =	vld [tilespmem:s20+$0xFFFFFF80];
	v2 =	vadd.f32 v10, v4;
	(xrf2) =	vadd.scan.msk.f32 $0xffff, v7  }
0x377: {  	v14 =	vld [tilespmem:s19+$0xFFFFFF60];
	v7 =	vadd.f32 v11, v9  }
0x378: {  	v15 =	vld [tilespmem:s19+$0xFFFFFF70];
	(xrf2) =	vadd.scan.msk.f32 $0xffff, v2  }
0x379: {  	v18 =	vld [tilespmem:s20+$0xFFFFFF50];
	v2 =	vmul.f32 v52, v20;
	(xrf2) =	vadd.scan.msk.f32 $0xffff, v7;
	v7 =	vmul.f32 v54, v53  }
0x37a: {  	v19 =	vld [tilespmem:s19+$0xFFFFFF50]  }
0x37b: {  	v4 =	vld [tilespmem:s20+$0xFFFFFF70];
	v7 =	vadd.f32 v7, v2  }
0x37c: {  	v12 =	vld [tilespmem:s20+$0xFFFFFF60];
	v13 =	vmul.f32 v56, v55;
	v20 =	vmul.f32 v58, v57  }
0x37d: {  	v16 =	vld [tilespmem:s20+$0xFFFFFF40];
	v2, _, _ =	vpop (xrf2);
	(xrf2) =	vadd.scan.msk.f32 $0xffff, v7  }
0x37e: {  	v17 =	vld [tilespmem:s19+$0xFFFFFF40];
	v20 =	vadd.f32 v20, v13  }
0x37f: {  	v62 =	vmul.f32 v60, v59;
	v10 =	vld [tilespmem:s20+$0xFFFFFF00];
	v5 =	vmul.f32 v5, v61  }
0x380: {  	v9 =	vld [tilespmem:s19+$0xFFFFFF00];
	v15 =	vmul.f32 v15, v4;
	v4, _, _ =	vpop (xrf2);
	(xrf2) =	vadd.scan.msk.f32 $0xffff, v20  }
0x381: {  	v11 =	vld [tilespmem:s20+$0xFFFFFF10];
	v7 =	vadd.f32 v5, v62  }
0x382: {  	v63 =	vmul.f32 v14, v12;
	v12 =	vld [tilespmem:s20+$0xFFFFFF20]  }
0x383: {  	v13 =	vld [tilespmem:s19+$0xFFFFFF10];
	v5, _, _ =	vpop (xrf2);
	(xrf2) =	vadd.scan.msk.f32 $0xffff, v7  }
0x384: {  	v14 =	vld [tilespmem:s19+$0xFFFFFF20];
	v20 =	vadd.f32 v15, v63  }
0x385: {  	v18 =	vmul.f32 v19, v18;
	v17 =	vmul.f32 v17, v16;
	v16 =	vld [tilespmem:s19+$0xFFFFFF30]  }
0x386: {  	s21 =	simm.s32 $0x10;
	s22 =	simm.s32 $0x20;
	v15 =	vld [tilespmem:s20+$0xFFFFFF30];
	v7, _, _ =	vpop (xrf2);
	(xrf2) =	vadd.scan.msk.f32 $0xffff, v20  }
.LBB2_6:
0x387: {  	p0 =	sne.s32 s22, $0x70;
	v20 =	vadd.f32 v18, v17;
	v18 =	vld [tilespmem:s19+$0xFFFFFF80];
	v19, _, _ =	vpop (xrf2)  }
0x388: {  	v9 =	vmul.f32 v9, v10;
	v10 =	vmul.f32 v13, v11;
	v11 =	vld [tilespmem:s20+$0xFFFFFF90]  }
0x389: {  	v13 =	vld [tilespmem:s19+$0xFFFFFF90];
	(xrf2) =	vadd.scan.msk.f32 $0xffff, v20  }
0x38a: {  	v9 =	vadd.f32 v10, v9;
	v10 =	vld [tilespmem:s19+$0xFFFFFFE0];
	v17, _, _ =	vpop (xrf2)  }
0x38b: {  	v12 =	vmul.f32 v14, v12;
	v20 =	vmul.f32 v16, v15;
	v15 =	vld [tilespmem:s20+$0xFFFFFFF0]  }
0x38c: {  	v16 =	vld [tilespmem:s19+$0xFFFFFFF0];
	(xrf2) =	vadd.scan.msk.f32 $0xffff, v9  }
0x38d: {  	v9 =	vadd.f32 v20, v12;
	v12 =	vld [tilespmem:s19+$0x40];
	v14, _, _ =	vpop (xrf2)  }
0x38e: {  	v8 =	vmul.f32 v18, v8;
	v20 =	vmul.f32 v13, v11;
	v13 =	vld [tilespmem:s20+$0x50]  }
0x38f: {  	v18 =	vld [tilespmem:s19+$0x50];
	(xrf2) =	vadd.scan.msk.f32 $0xffff, v9  }
0x390: {  	v8 =	vadd.f32 v20, v8;
	v9 =	vld [tilespmem:s19+$0xA0];
	v11, _, _ =	vpop (xrf2)  }
0x391: {  	v6 =	vmul.f32 v10, v6;
	v20 =	vmul.f32 v16, v15;
	v15 =	vld [tilespmem:s20+$0xB0]  }
0x392: {  	v16 =	vld [tilespmem:s19+$0xB0];
	(xrf2) =	vadd.scan.msk.f32 $0xffff, v8  }
0x393: {  	v6 =	vadd.f32 v20, v6;
	v8 =	vld [tilespmem:s20+$0xE0];
	v10, _, _ =	vpop (xrf2)  }
0x394: {  	v3 =	vmul.f32 v12, v3;
	v20 =	vmul.f32 v18, v13;
	v13 =	vld [tilespmem:s19+$0xE0]  }
0x395: {  	v18 =	vld [tilespmem:s20+$0xF0];
	(xrf2) =	vadd.scan.msk.f32 $0xffff, v6  }
0x396: {  	v3 =	vadd.f32 v20, v3;
	v6 =	vld [tilespmem:s19+$0xF0];
	v12, _, _ =	vpop (xrf2)  }
0x397: {  	v1 =	vmul.f32 v9, v1;
	v9 =	vmul.f32 v16, v15  }
0x398: {  	(xrf2) =	vadd.scan.msk.f32 $0xffff, v3  }
0x399: {  	s0 =	sadd.s32 $0x10, s0;
	v1 =	vadd.f32 v9, v1;
	v3 =	vmul.f32 v13, v8;
	v8, _, _ =	vpop (xrf2)  }
0x39a: {  	v9 =	vbroadcast v12, $0xF;
	v8 =	vbroadcast v8, $0xF;
	v12 =	vld [tilespmem:s0+$0x0]  }
0x39b: {  	s29 =	sadd.s32 $0x10, s29;
	v10 =	vbroadcast v10, $0xF;
	v15 =	vmov s21;
	s21 =	smov.u32 s22;
	v6 =	vmul.f32 v6, v18;
	(xrf2) =	vadd.scan.msk.f32 $0xffff, v1  }
0x39c: {  	v1 =	vsel vm0, v9, v8;
	v8 =	vbroadcast v11, $0xF;
	v9 =	vshll.u32 v15, $0x7;
	v11 =	vld [tilespmem:s29+$0x0];
	v13, _, _ =	vpop (xrf2)  }
0x39d: {  	v1 =	vsel vm1, v1, v10;
	v10 =	vbroadcast v13, $0xF;
	v3 =	vadd.f32 v6, v3  }
0x39e: {  	v6 =	vbroadcast v14, $0xF;
	v1 =	vsel vm2, v1, v8;
	v8 =	vor.u32 v0, v9  }
0x39f: {  	v9 =	vbroadcast v17, $0xF;
	v1 =	vsel vm3, v1, v10;
	v10 =	vand.u32 $0x7F, v12;
	v12, _, _ =	vpop (xrf2);
	(xrf2) =	vadd.scan.msk.f32 $0xffff, v3  }
0x3a0: {  	v1 =	vsel vm4, v1, v6;
	v3 =	vbroadcast v12, $0xF;
	v6 =	vor.u32 v8, v10  }
0x3a1: {  	v1 =	vsel vm5, v1, v9;
	v9 =	vbroadcast v19, $0xF;
	v10 =	vand.u32 $0x7F, v11  }
0x3a2: {  	v1 =	vsel vm6, v1, v3;
	v3 =	vbroadcast v7, $0xF;
	v7 =	vor.u32 v8, v10;
	v8, _, _ =	vpop (xrf2)  }
0x3a3: {  	v1 =	vsel vm7, v1, v9;
	v8 =	vbroadcast v8, $0xF  }
0x3a4: {  	v1 =	vsel vm8, v1, v3;
	v3 =	vbroadcast v5, $0xF  }
0x3a5: {  	v4 =	vbroadcast v4, $0xF;
	v1 =	vsel vm9, v1, v8;
	v5 =	vld.idx.msk [tilespmem:v6+s28+$0x0], $0xffff;
	v6, _, _ =	vpop (xrf2)  }
0x3a6: {  	v1 =	vsel vm10, v1, v3;
	v3 =	vbroadcast v6, $0xF  }
0x3a7: {  	v6 =	vbroadcast v2, $0xF;
	v1 =	vsel vm11, v1, v4;
	v4 =	vld.idx.msk [tilespmem:v7+s30+$0x0], $0xffff  }
0x3a8: {  	v1 =	vsel vm12, v1, v3  }
0x3a9: {  	v1 =	vsel vm13, v1, v6;
	v2, _, _ =	vpop (xrf2)  }
0x3aa: {  	v1 =	vsel vm14, v1, v2  }
0x3ab: {  	v1 =	vadd.f32 v1, v5;
	_ =	sdelay $0x1  }
0x3ac: {  	v1 =	vadd.f32 v1, v4;
	_ =	sdelay $0x1  }
0x3ad: {  	v1 =	vsub.f32 $0.0e+00, v1;
	_ =	sdelay $0x1  }
0x3ae: {  	v1 =	vmul.f32 $1.442695020e+00, v1;
	_ =	sdelay $0x1  }
0x3af: {  	(erf) = vpow2.f32 v1;
	_ =	sdelay $0x8  }
0x3b0: {  	v1 =	vpop (erf)  }
0x3b1: {  	v1 =	vadd.f32 $1.000000000e+00, v1;
	_ =	sdelay $0x1  }
0x3b2: {  	(erf) = vrcp.f32 v1;
	_ =	sdelay $0x8  }
0x3b3: {  	s2 =	sadd.s32 $0x10, s2;
	v1 =	vpop (erf)  }
0x3b4: {  	s20 =	sadd.s32 $0x200, s20;
	[tilespmem:s2+$0x0] =	vst v1  }
0x3b5: {  	s19 =	sadd.s32 $0x200, s19;
	v2 =	vld [tilespmem:s20+$0xC0]  }
0x3b6: {  	v4 =	vld [tilespmem:s19+$0xC0]  }
0x3b7: {  	v5 =	vld [tilespmem:s20+$0xD0]  }
0x3b8: {  	v7 =	vld [tilespmem:s19+$0xD0]  }
0x3b9: {  	v1 =	vld [tilespmem:s20+$0xA0]  }
0x3ba: {  	v8 =	vld [tilespmem:s20+$0x80]  }
0x3bb: {  	v9 =	vld [tilespmem:s19+$0x80]  }
0x3bc: {  	v10 =	vld [tilespmem:s20+$0x90]  }
0x3bd: {  	v11 =	vld [tilespmem:s19+$0x90]  }
0x3be: {  	v12 =	vld [tilespmem:s20+$0x60]  }
0x3bf: {  	v13 =	vld [tilespmem:s19+$0x60]  }
0x3c0: {  	v14 =	vld [tilespmem:s20+$0x70]  }
0x3c1: {  	v15 =	vld [tilespmem:s19+$0x70]  }
0x3c2: {  	v3 =	vld [tilespmem:s20+$0x40]  }
0x3c3: {  	v16 =	vld [tilespmem:s20+$0x20]  }
0x3c4: {  	v17 =	vld [tilespmem:s19+$0x20]  }
0x3c5: {  	v18 =	vld [tilespmem:s20+$0x30]  }
0x3c6: {  	v19 =	vld [tilespmem:s19+$0x30]  }
0x3c7: {  	v20 =	vld [tilespmem:s20+$0x0]  }
0x3c8: {  	v21 =	vld [tilespmem:s19+$0x0]  }
0x3c9: {  	v22 =	vld [tilespmem:s20+$0x10]  }
0x3ca: {  	v23 =	vld [tilespmem:s19+$0x10]  }
0x3cb: {  	v2 =	vmul.f32 v4, v2;
	v4 =	vmul.f32 v7, v5;
	v6 =	vld [tilespmem:s20+$0xFFFFFFE0]  }
0x3cc: {  	v5 =	vld [tilespmem:s20+$0xFFFFFFC0]  }
0x3cd: {  	v2 =	vadd.f32 v4, v2;
	v7 =	vld [tilespmem:s19+$0xFFFFFFC0]  }
0x3ce: {  	v8 =	vmul.f32 v9, v8;
	v9 =	vmul.f32 v11, v10;
	v4 =	vld [tilespmem:s20+$0xFFFFFFD0]  }
0x3cf: {  	v10 =	vld [tilespmem:s19+$0xFFFFFFD0];
	(xrf2) =	vadd.scan.msk.f32 $0xffff, v2  }
0x3d0: {  	v2 =	vadd.f32 v9, v8;
	v11 =	vld [tilespmem:s20+$0xFFFFFFA0]  }
0x3d1: {  	v8 =	vmul.f32 v13, v12;
	v9 =	vmul.f32 v15, v14;
	v24 =	vld [tilespmem:s19+$0xFFFFFFA0]  }
0x3d2: {  	v12 =	vld [tilespmem:s20+$0xFFFFFFB0];
	(xrf2) =	vadd.scan.msk.f32 $0xffff, v2  }
0x3d3: {  	v2 =	vadd.f32 v9, v8;
	v13 =	vld [tilespmem:s19+$0xFFFFFFB0]  }
0x3d4: {  	v14 =	vmul.f32 v19, v18;
	v9 =	vmul.f32 v17, v16;
	v8 =	vld [tilespmem:s20+$0xFFFFFF80]  }
0x3d5: {  	v15 =	vld [tilespmem:s20+$0xFFFFFF60];
	(xrf2) =	vadd.scan.msk.f32 $0xffff, v2  }
0x3d6: {  	v25 =	vadd.f32 v14, v9;
	v16 =	vld [tilespmem:s19+$0xFFFFFF60]  }
0x3d7: {  	v17 =	vmul.f32 v23, v22;
	v9 =	vmul.f32 v21, v20;
	v14 =	vld [tilespmem:s20+$0xFFFFFF70]  }
0x3d8: {  	v18 =	vld [tilespmem:s19+$0xFFFFFF70];
	(xrf2) =	vadd.scan.msk.f32 $0xffff, v25  }
0x3d9: {  	v9 =	vadd.f32 v17, v9;
	v19 =	vld [tilespmem:s20+$0xFFFFFF40];
	v2, _, _ =	vpop (xrf2)  }
0x3da: {  	v5 =	vmul.f32 v7, v5;
	v7 =	vmul.f32 v10, v4;
	v17 =	vld [tilespmem:s19+$0xFFFFFF40]  }
0x3db: {  	v20 =	vld [tilespmem:s20+$0xFFFFFF50];
	(xrf2) =	vadd.scan.msk.f32 $0xffff, v9  }
0x3dc: {  	v22 =	vadd.f32 v7, v5;
	v21 =	vld [tilespmem:s19+$0xFFFFFF50];
	v4, _, _ =	vpop (xrf2)  }
0x3dd: {  	v7 =	vmul.f32 v24, v11;
	v12 =	vmul.f32 v13, v12;
	v9 =	vld [tilespmem:s19+$0xFFFFFF00]  }
0x3de: {  	v10 =	vld [tilespmem:s20+$0xFFFFFF00];
	(xrf2) =	vadd.scan.msk.f32 $0xffff, v22  }
0x3df: {  	v23 =	vadd.f32 v12, v7;
	v11 =	vld [tilespmem:s20+$0xFFFFFF10];
	v5, _, _ =	vpop (xrf2)  }
.Ltmp2:
0x3e0: {  	v15 =	vmul.f32 v16, v15;
	v16 =	vmul.f32 v18, v14;
	v13 =	vld [tilespmem:s19+$0xFFFFFF10];
	(pc) =	sbr.rel @p0 .LBB2_6-.Ltmp2, $4  }
0x3e1: {  	v12 =	vld [tilespmem:s20+$0xFFFFFF20];
	(xrf2) =	vadd.scan.msk.f32 $0xffff, v23  }
0x3e2: {  	v22 =	vadd.f32 v16, v15;
	v14 =	vld [tilespmem:s19+$0xFFFFFF20];
	v7, _, _ =	vpop (xrf2)  }
0x3e3: {  	v17 =	vmul.f32 v17, v19;
	v18 =	vmul.f32 v21, v20;
	v15 =	vld [tilespmem:s20+$0xFFFFFF30]  }
0x3e4: {  	s22 =	sadd.s32 $0x10, s22;
	v16 =	vld [tilespmem:s19+$0xFFFFFF30];
	(xrf2) =	vadd.scan.msk.f32 $0xffff, v22  }
0x3e5: {  	v19 =	vld [tilespmem:s19+$0xFFFFFF80]  }
0x3e6: {  	v20 =	vld [tilespmem:s20+$0xFFFFFF90]  }
0x3e7: {  	v21 =	vld [tilespmem:s19+$0xFFFFFF90];
	v9 =	vmul.f32 v9, v10;
	v10 =	vmul.f32 v13, v11  }
0x3e8: {  	v11 =	vld [tilespmem:s19+$0xFFFFFFE0]  }
0x3e9: {  	v13 =	vadd.f32 v18, v17;
	v9 =	vadd.f32 v10, v9;
	v10 =	vld [tilespmem:s19+$0xFFFFFFF0]  }
0x3ea: {  	v12 =	vmul.f32 v14, v12;
	v14 =	vmul.f32 v16, v15;
	v15 =	vld [tilespmem:s20+$0xFFFFFFF0]  }
0x3eb: {  	(xrf2) =	vadd.scan.msk.f32 $0xffff, v13;
	v13 =	vld [tilespmem:s19+$0x40]  }
0x3ec: {  	(xrf2) =	vadd.scan.msk.f32 $0xffff, v9;
	v16 =	vld [tilespmem:s19+$0x50];
	v8 =	vmul.f32 v19, v8;
	v9 =	vmul.f32 v21, v20  }
0x3ed: {  	v6 =	vmul.f32 v11, v6;
	v11 =	vld [tilespmem:s20+$0xB0];
	v12 =	vadd.f32 v14, v12  }
0x3ee: {  	v14 =	vld [tilespmem:s20+$0x50];
	v8 =	vadd.f32 v9, v8  }
0x3ef: {  	v9 =	vld [tilespmem:s19+$0xA0];
	(xrf2) =	vadd.scan.msk.f32 $0xffff, v12;
	v10 =	vmul.f32 v10, v15  }
0x3f0: {  	v12 =	vld [tilespmem:s19+$0xB0]  }
0x3f1: {  	v6 =	vadd.f32 v10, v6  }
0x3f2: {  	(xrf2) =	vadd.scan.msk.f32 $0xffff, v8;
	v8, _, _ =	vpop (xrf2);
	v10 =	vld [tilespmem:s20+$0xE0]  }
0x3f3: {  	v3 =	vmul.f32 v13, v3;
	v13 =	vmul.f32 v16, v14;
	v14 =	vld [tilespmem:s19+$0xE0];
	v15, _, _ =	vpop (xrf2)  }
0x3f4: {  	v16, _, _ =	vpop (xrf2)  }
0x3f5: {  	v1 =	vmul.f32 v9, v1;
	(xrf2) =	vadd.scan.msk.f32 $0xffff, v6;
	v9 =	vmul.f32 v12, v11;
	v6, _, _ =	vpop (xrf2)  }
0x3f6: {  	v3 =	vadd.f32 v13, v3;
	v18, _, _ =	vpop (xrf2)  }
0x3f7: {  	v11, _, _ =	vpop (xrf2)  }
0x3f8: {  	(xrf2) =	vadd.scan.msk.f32 $0xffff, v3;
	v3 =	vmul.f32 v14, v10;
	v10 =	vbroadcast v11, $0xF  }
0x3f9: {  	v17 =	vld [tilespmem:s20+$0xF0];
	v1 =	vadd.f32 v9, v1;
	v9, _, _ =	vpop (xrf2)  }
0x3fa: {  	v13 =	vld [tilespmem:s19+$0xF0];
	v9 =	vbroadcast v9, $0xF  }
0x3fb: {  	v12 =	vbroadcast v18, $0xF  }
0x3fc: {  	v6 =	vbroadcast v6, $0xF;
	v9 =	vsel vm0, v10, v9;
	v10, _, _ =	vpop (xrf2)  }
0x3fd: {  	(xrf2) =	vadd.scan.msk.f32 $0xffff, v1;
	v9 =	vsel vm1, v9, v12;
	v10 =	vbroadcast v10, $0xF  }
0x3fe: {  	s0 =	sadd.s32 $0x10, s0;
	v6 =	vsel vm2, v9, v6;
	v9 =	vbroadcast v16, $0xF  }
0x3ff: {  	v11 =	vld [tilespmem:s0+$0x0];
	v13 =	vmul.f32 v13, v17;
	v12, _, _ =	vpop (xrf2);
	v6 =	vsel vm3, v6, v10  }
0x400: {  	s20 =	sadd.s32 $0x10, s29;
	v6 =	vsel vm4, v6, v9;
	v9 =	vbroadcast v12, $0xF  }
0x401: {  	v14 =	vld [tilespmem:s20+$0x0];
	v3 =	vadd.f32 v13, v3;
	v10 =	vbroadcast v15, $0xF  }
0x402: {  	v7 =	vbroadcast v7, $0xF;
	v1 =	vmov s21  }
0x403: {  	v8 =	vbroadcast v8, $0xF;
	v1 =	vshll.u32 v1, $0x7;
	(xrf2) =	vadd.scan.msk.f32 $0xffff, v3;
	v6 =	vsel vm5, v6, v10  }
0x404: {  	v1 =	vor.u32 v0, v1;
	v3 =	vand.u32 $0x7F, v11;
	v6 =	vsel vm6, v6, v9;
	v9, _, _ =	vpop (xrf2)  }
0x405: {  	v3 =	vor.u32 v1, v3;
	v6 =	vsel vm7, v6, v8;
	v8 =	vbroadcast v9, $0xF  }
0x406: {  	v5 =	vbroadcast v5, $0xF;
	v10 =	vand.u32 $0x7F, v14;
	v6 =	vsel vm8, v6, v7  }
0x407: {  	v4 =	vbroadcast v4, $0xF;
	v1 =	vor.u32 v1, v10;
	v7, _, _ =	vpop (xrf2);
	v6 =	vsel vm9, v6, v8  }
0x408: {  	v5 =	vsel vm10, v6, v5;
	v6 =	vbroadcast v7, $0xF  }
0x409: {  	v4 =	vsel vm11, v5, v4  }
0x40a: {  	v3 =	vld.idx.msk [tilespmem:v3+s28+$0x0], $0xffff;
	v4 =	vsel vm12, v4, v6  }
0x40b: {  	v2 =	vbroadcast v2, $0xF  }
0x40c: {  	v1 =	vld.idx.msk [tilespmem:v1+s30+$0x0], $0xffff  }
0x40d: {  	v2 =	vsel vm13, v4, v2;
	v4, _, _ =	vpop (xrf2)  }
0x40e: {  	v2 =	vsel vm14, v2, v4  }
0x40f: {  	v2 =	vadd.f32 v2, v3;
	_ =	sdelay $0x1  }
0x410: {  	v1 =	vadd.f32 v2, v1;
	_ =	sdelay $0x1  }
0x411: {  	v1 =	vsub.f32 $0.0e+00, v1;
	_ =	sdelay $0x1  }
0x412: {  	v1 =	vmul.f32 $1.442695020e+00, v1;
	_ =	sdelay $0x1  }
0x413: {  	(erf) = vpow2.f32 v1;
	_ =	sdelay $0x8  }
0x414: {  	v1 =	vpop (erf)  }
0x415: {  	v1 =	vadd.f32 $1.000000000e+00, v1;
	_ =	sdelay $0x1  }
0x416: {  	(erf) = vrcp.f32 v1;
	_ =	sdelay $0x8  }
0x417: {  	s21 =	sadd.s32 $0x10, s2;
	v1 =	vpop (erf)  }
0x418: {  	s0 =	simm.s32 $0x180;
	[tilespmem:s21+$0x0] =	vst v1  }
0x419: {  	[tilespmem:s24], [sflag:$0x1] =	stream.indirect.gather [hbm4b:s3+s18], $0x20, s0, s18, $0xb8;
	[tilespmem:$0xAA00] =	vst v63  }
0x41a: {  	s29 =	simm.s32 $0x380  }
0x41b: {  	[tilespmem:s25], [sflag:$0x1] =	stream.indirect.gather [hbm4b:s4+s18], $0x20, s29, s18, $0xb8;
	[tilespmem:$0xAA00] =	vst v63  }
0x41c: {  	s22 =	simm.s32 $0x580  }
0x41d: {  	[tilespmem:s28], [sflag:$0x1] =	stream.indirect.gather [hbm4b:s5+s18], $0x80, s22, s18, $0xb8;
	[tilespmem:$0xAA00] =	vst v63  }
0x41e: {  	s19 =	simm.s32 $0x780  }
0x41f: {  	[tilespmem:s30], [sflag:$0x1] =	stream.indirect.gather [hbm4b:s6+s18], $0x80, s19, s18, $0xb8;
	[tilespmem:$0xAA00] =	vst v63  }
0x420: {  	_ =	swait.ge [sflag:s31], $0x1000  }
0x421: {  	[sflag:s31] =	ssyncset.done $0x0  }
0x422: {  	[sflag:s31] =	ssyncadd.s32 $0xFFFFF000  }
0x423: {  	_ =	swait.ge [sflag:s31], $0x1000  }
0x424: {  	[sflag:s31] =	ssyncset.done $0x0  }
0x425: {  	[sflag:s31] =	ssyncadd.s32 $0xFFFFF000  }
0x426: {  	_ =	swait.ge [sflag:s31], $0x4000  }
0x427: {  	[sflag:s31] =	ssyncset.done $0x0  }
0x428: {  	[sflag:s31] =	ssyncadd.s32 $0xFFFFC000  }
0x429: {  	_ =	swait.ge [sflag:s31], $0x4000  }
0x42a: {  	[sflag:s31] =	ssyncset.done $0x0  }
0x42b: {  	s20 =	simm.s32 $0x900;
	[sflag:s31] =	ssyncadd.s32 $0xFFFFC000  }
0x42c: {  	s21 =	simm.s32 $0x1900;
	v1 =	vld [tilespmem:s20+$0xC0]  }
0x42d: {  	v2 =	vld [tilespmem:s21+$0xC0]  }
0x42e: {  	v3 =	vld [tilespmem:s20+$0xD0]  }
0x42f: {  	v4 =	vld [tilespmem:s21+$0xD0]  }
0x430: {  	v5 =	vld [tilespmem:s20+$0xA0]  }
0x431: {  	v6 =	vld [tilespmem:s20+$0x80]  }
0x432: {  	v7 =	vld [tilespmem:s21+$0x80]  }
0x433: {  	v8 =	vld [tilespmem:s20+$0x90]  }
0x434: {  	v9 =	vld [tilespmem:s21+$0x90]  }
0x435: {  	v10 =	vld [tilespmem:s20+$0x60]  }
0x436: {  	v11 =	vld [tilespmem:s21+$0x60]  }
0x437: {  	v12 =	vld [tilespmem:s20+$0x70]  }
0x438: {  	v13 =	vld [tilespmem:s21+$0x70]  }
0x439: {  	v14 =	vld [tilespmem:s20+$0x40]  }
0x43a: {  	v15 =	vld [tilespmem:s20+$0x20]  }
0x43b: {  	v16 =	vld [tilespmem:s21+$0x20]  }
0x43c: {  	v17 =	vld [tilespmem:s20+$0x30]  }
0x43d: {  	v18 =	vld [tilespmem:s21+$0x30]  }
0x43e: {  	v19 =	vld [tilespmem:s20+$0x0]  }
0x43f: {  	v20 =	vld [tilespmem:s21+$0x0]  }
0x440: {  	v51 =	vld [tilespmem:s20+$0x10]  }
0x441: {  	v22 =	vld [tilespmem:s21+$0x10]  }
0x442: {  	v23 =	vld [tilespmem:s20+$0xFFFFFFE0]  }
0x443: {  	v24 =	vld [tilespmem:s20+$0xFFFFFFC0]  }
0x444: {  	v25 =	vld [tilespmem:s21+$0xFFFFFFC0]  }
0x445: {  	v26 =	vld [tilespmem:s20+$0xFFFFFFD0]  }
0x446: {  	v27 =	vld [tilespmem:s21+$0xFFFFFFD0]  }
0x447: {  	v28 =	vld [tilespmem:s20+$0xFFFFFFA0]  }
0x448: {  	v29 =	vld [tilespmem:s21+$0xFFFFFFA0]  }
0x449: {  	v30 =	vld [tilespmem:s20+$0xFFFFFFB0]  }
0x44a: {  	v31 =	vld [tilespmem:s21+$0xFFFFFFB0]  }
0x44b: {  	v32 =	vld [tilespmem:s20+$0xFFFFFF80]  }
0x44c: {  	v33 =	vld [tilespmem:s20+$0xFFFFFF60]  }
0x44d: {  	v34 =	vld [tilespmem:s21+$0xFFFFFF60]  }
0x44e: {  	v35 =	vld [tilespmem:s20+$0xFFFFFF70]  }
0x44f: {  	v36 =	vld [tilespmem:s21+$0xFFFFFF70]  }
0x450: {  	v37 =	vld [tilespmem:s20+$0xFFFFFF40]  }
0x451: {  	v38 =	vld [tilespmem:s21+$0xFFFFFF40]  }
0x452: {  	v39 =	vld [tilespmem:s20+$0xFFFFFF50]  }
0x453: {  	v40 =	vld [tilespmem:s21+$0xFFFFFF50]  }
0x454: {  	v41 =	vld [tilespmem:s21+$0xFFFFFF00]  }
0x455: {  	v42 =	vld [tilespmem:s20+$0xFFFFFF00]  }
0x456: {  	v1 =	vmul.f32 v2, v1;
	v2 =	vmul.f32 v4, v3;
	v3 =	vld [tilespmem:s20+$0xFFFFFF10]  }
0x457: {  	v4 =	vmul.f32 v7, v6;
	v6 =	vmul.f32 v9, v8;
	v7 =	vld [tilespmem:s21+$0xFFFFFF10]  }
0x458: {  	v8 =	vmul.f32 v13, v12;
	v9 =	vld [tilespmem:s20+$0xFFFFFF20];
	v1 =	vadd.f32 v2, v1;
	v2 =	vmul.f32 v11, v10  }
0x459: {  	v12 =	vld [tilespmem:s20+$0xFFFFFF30];
	v4 =	vadd.f32 v6, v4;
	v6 =	vmul.f32 v16, v15;
	v10 =	vmul.f32 v18, v17  }
0x45a: {  	v13 =	vld [tilespmem:s21+$0xFFFFFF30];
	(xrf2) =	vadd.scan.msk.f32 $0xffff, v1;
	v1 =	vadd.f32 v8, v2;
	v2 =	vmul.f32 v20, v19;
	v8 =	vmul.f32 v22, v51  }
0x45b: {  	v11 =	vld [tilespmem:s21+$0xFFFFFF20];
	(xrf2) =	vadd.scan.msk.f32 $0xffff, v4;
	v4 =	vadd.f32 v10, v6;
	v6 =	vmul.f32 v25, v24;
	v10 =	vmul.f32 v27, v26  }
0x45c: {  	v15 =	vld [tilespmem:s21+$0xFFFFFF80];
	(xrf2) =	vadd.scan.msk.f32 $0xffff, v1;
	v1 =	vadd.f32 v8, v2;
	v2 =	vmul.f32 v29, v28;
	v8 =	vmul.f32 v31, v30  }
0x45d: {  	v16 =	vld [tilespmem:s20+$0xFFFFFF90];
	(xrf2) =	vadd.scan.msk.f32 $0xffff, v4;
	v4 =	vadd.f32 v10, v6;
	v6 =	vmul.f32 v34, v33;
	v10 =	vmul.f32 v36, v35  }
0x45e: {  	v17 =	vld [tilespmem:s21+$0xFFFFFF90];
	(xrf2) =	vadd.scan.msk.f32 $0xffff, v1;
	v1 =	vadd.f32 v8, v2;
	v2 =	vmul.f32 v38, v37;
	v8 =	vmul.f32 v40, v39  }
0x45f: {  	v3 =	vmul.f32 v7, v3;
	v7 =	vld [tilespmem:s21+$0xFFFFFFE0];
	(xrf2) =	vadd.scan.msk.f32 $0xffff, v4;
	v4 =	vadd.f32 v10, v6;
	v6 =	vmul.f32 v41, v42  }
0x460: {  	(xrf2) =	vadd.scan.msk.f32 $0xffff, v1;
	v1 =	vadd.f32 v8, v2;
	v2 =	vmul.f32 v11, v9;
	v8 =	vmul.f32 v13, v12;
	v9 =	vld [tilespmem:s20+$0xFFFFFFF0]  }
0x461: {  	(xrf2) =	vadd.scan.msk.f32 $0xffff, v4;
	v3 =	vadd.f32 v3, v6;
	v4 =	vld [tilespmem:s21+$0xFFFFFFF0]  }
0x462: {  	v11 =	vld [tilespmem:s21+$0x50];
	(xrf2) =	vadd.scan.msk.f32 $0xffff, v1;
	v1 =	vadd.f32 v8, v2  }
0x463: {  	v6 =	vmul.f32 v17, v16;
	v2 =	vld [tilespmem:s21+$0x40];
	(xrf2) =	vadd.scan.msk.f32 $0xffff, v3;
	v3 =	vmul.f32 v15, v32  }
0x464: {  	v8 =	vld [tilespmem:s20+$0x50]  }
0x465: {  	v15 =	vld [tilespmem:s21+$0xB0];
	v10, _, _ =	vpop (xrf2);
	v3 =	vadd.f32 v6, v3  }
0x466: {  	v7 =	vmul.f32 v7, v23;
	(xrf2) =	vadd.scan.msk.f32 $0xffff, v1;
	v6 =	vld [tilespmem:s21+$0xA0];
	v1, _, _ =	vpop (xrf2);
	v4 =	vmul.f32 v4, v9  }
0x467: {  	v9 =	vld [tilespmem:s20+$0xB0];
	v12, _, _ =	vpop (xrf2)  }
0x468: {  	v13, _, _ =	vpop (xrf2);
	v4 =	vadd.f32 v4, v7  }
0x469: {  	(xrf2) =	vadd.scan.msk.f32 $0xffff, v3;
	v8 =	vmul.f32 v11, v8;
	v11 =	vld [tilespmem:s21+$0xE0];
	v3, _, _ =	vpop (xrf2)  }
0x46a: {  	v7 =	vld [tilespmem:s20+$0xE0];
	v16, _, _ =	vpop (xrf2)  }
0x46b: {  	v2 =	vmul.f32 v2, v14;
	v14, _, _ =	vpop (xrf2)  }
0x46c: {  	v17 =	vld [tilespmem:s20+$0xF0];
	(xrf2) =	vadd.scan.msk.f32 $0xffff, v4;
	v5 =	vmul.f32 v6, v5;
	v6 =	vmul.f32 v15, v9;
	v4, _, _ =	vpop (xrf2)  }
0x46d: {  	v2 =	vadd.f32 v8, v2;
	v8 =	vld [tilespmem:s21+$0xF0];
	v18, _, _ =	vpop (xrf2)  }
0x46e: {  	v9, _, _ =	vpop (xrf2)  }
0x46f: {  	(xrf2) =	vadd.scan.msk.f32 $0xffff, v2;
	v2 =	vadd.f32 v6, v5;
	v5 =	vmul.f32 v11, v7;
	v7 =	vbroadcast v9, $0xF  }
0x470: {  	v6, _, _ =	vpop (xrf2)  }
0x471: {  	v6 =	vbroadcast v6, $0xF  }
0x472: {  	v11 =	vbroadcast v18, $0xF;
	v8 =	vmul.f32 v8, v17  }
0x473: {  	v4 =	vbroadcast v4, $0xF;
	v6 =	vsel vm0, v7, v6;
	v7, _, _ =	vpop (xrf2)  }
0x474: {  	s22 =	simm.s32 $0x0;
	v9 =	vld [tilespmem:s0+$0x0];
	(xrf2) =	vadd.scan.msk.f32 $0xffff, v2;
	v6 =	vsel vm1, v6, v11;
	v7 =	vbroadcast v7, $0xF  }
0x475: {  	v2 =	vmov s22;
	v4 =	vsel vm2, v6, v4;
	v6 =	vbroadcast v14, $0xF  }
0x476: {  	v15 =	vld [tilespmem:s29+$0x0];
	v5 =	vadd.f32 v8, v5;
	v8, _, _ =	vpop (xrf2);
	v4 =	vsel vm3, v4, v7;
	v7 =	vbroadcast v16, $0xF  }
0x477: {  	v2 =	vshll.u32 v2, $0x7;
	v4 =	vsel vm4, v4, v6;
	v6 =	vbroadcast v8, $0xF  }
0x478: {  	v3 =	vbroadcast v3, $0xF;
	v2 =	vor.u32 v0, v2;
	(xrf2) =	vadd.scan.msk.f32 $0xffff, v5;
	v4 =	vsel vm5, v4, v7  }
0x479: {  	v5 =	vand.u32 $0x7F, v9;
	v8, _, _ =	vpop (xrf2);
	v4 =	vsel vm6, v4, v6;
	v6 =	vbroadcast v13, $0xF  }
0x47a: {  	v5 =	vor.u32 v2, v5;
	v3 =	vsel vm7, v4, v3;
	v4 =	vbroadcast v8, $0xF  }
0x47b: {  	v7 =	vand.u32 $0x7F, v15;
	v3 =	vsel vm8, v3, v6;
	v6 =	vbroadcast v12, $0xF  }
0x47c: {  	v1 =	vbroadcast v1, $0xF;
	v2 =	vor.u32 v2, v7;
	v3 =	vsel vm9, v3, v4  }
0x47d: {  	v3 =	vsel vm10, v3, v6  }
0x47e: {  	v4, _, _ =	vpop (xrf2);
	v1 =	vsel vm11, v3, v1;
	v3 =	vbroadcast v10, $0xF  }
0x47f: {  	v5 =	vld.idx.msk [tilespmem:v5+s28+$0x0], $0xffff;
	v4 =	vbroadcast v4, $0xF;
	_ =	sdelay $0x1  }
0x480: {  	v2 =	vld.idx.msk [tilespmem:v2+s30+$0x0], $0xffff;
	v1 =	vsel vm12, v1, v4  }
0x481: {  	v1 =	vsel vm13, v1, v3;
	v3, _, _ =	vpop (xrf2)  }
0x482: {  	v1 =	vsel vm14, v1, v3  }
0x483: {  	v1 =	vadd.f32 v1, v5;
	_ =	sdelay $0x1  }
0x484: {  	v1 =	vadd.f32 v1, v2;
	_ =	sdelay $0x1  }
0x485: {  	v1 =	vsub.f32 $0.0e+00, v1;
	_ =	sdelay $0x1  }
0x486: {  	v1 =	vmul.f32 $1.442695020e+00, v1;
	_ =	sdelay $0x1  }
0x487: {  	(erf) = vpow2.f32 v1;
	_ =	sdelay $0x8  }
0x488: {  	v1 =	vpop (erf)  }
0x489: {  	v1 =	vadd.f32 $1.000000000e+00, v1;
	_ =	sdelay $0x1  }
0x48a: {  	(erf) = vrcp.f32 v1;
	_ =	sdelay $0x8  }
0x48b: {  	s2 =	simm.s32 $0xA980;
	v1 =	vpop (erf)  }
0x48c: {  	s20 =	simm.s32 $0xB00;
	[tilespmem:s2+$0x0] =	vst v1  }
0x48d: {  	s19 =	simm.s32 $0x1B00;
	v2 =	vld [tilespmem:s20+$0xC0]  }
0x48e: {  	v4 =	vld [tilespmem:s19+$0xC0]  }
0x48f: {  	v5 =	vld [tilespmem:s20+$0xD0]  }
0x490: {  	v7 =	vld [tilespmem:s19+$0xD0]  }
0x491: {  	v1 =	vld [tilespmem:s20+$0xA0]  }
0x492: {  	v8 =	vld [tilespmem:s20+$0x80]  }
0x493: {  	v9 =	vld [tilespmem:s19+$0x80]  }
0x494: {  	v10 =	vld [tilespmem:s20+$0x90]  }
0x495: {  	v11 =	vld [tilespmem:s19+$0x90]  }
0x496: {  	v12 =	vld [tilespmem:s20+$0x60]  }
0x497: {  	v13 =	vld [tilespmem:s19+$0x60]  }
0x498: {  	v14 =	vld [tilespmem:s20+$0x70]  }
0x499: {  	v15 =	vld [tilespmem:s19+$0x70]  }
0x49a: {  	v3 =	vld [tilespmem:s20+$0x40]  }
0x49b: {  	v16 =	vld [tilespmem:s20+$0x20]  }
0x49c: {  	v17 =	vld [tilespmem:s19+$0x20]  }
0x49d: {  	v18 =	vld [tilespmem:s20+$0x30]  }
0x49e: {  	v19 =	vld [tilespmem:s19+$0x30]  }
0x49f: {  	v20 =	vld [tilespmem:s20+$0x0]  }
0x4a0: {  	v52 =	vld [tilespmem:s19+$0x0]  }
0x4a1: {  	v53 =	vld [tilespmem:s20+$0x10]  }
0x4a2: {  	v54 =	vld [tilespmem:s19+$0x10]  }
0x4a3: {  	v6 =	vld [tilespmem:s20+$0xFFFFFFE0]  }
0x4a4: {  	v55 =	vld [tilespmem:s20+$0xFFFFFFC0]  }
0x4a5: {  	v56 =	vld [tilespmem:s19+$0xFFFFFFC0];
	v2 =	vmul.f32 v4, v2;
	v4 =	vmul.f32 v7, v5  }
0x4a6: {  	v57 =	vld [tilespmem:s20+$0xFFFFFFD0]  }
0x4a7: {  	v58 =	vld [tilespmem:s19+$0xFFFFFFD0];
	v2 =	vadd.f32 v4, v2  }
0x4a8: {  	v59 =	vld [tilespmem:s20+$0xFFFFFFA0];
	v7 =	vmul.f32 v9, v8;
	v9 =	vmul.f32 v11, v10  }
0x4a9: {  	v60 =	vld [tilespmem:s19+$0xFFFFFFA0];
	(xrf2) =	vadd.scan.msk.f32 $0xffff, v2  }
0x4aa: {  	v61 =	vld [tilespmem:s20+$0xFFFFFFB0];
	v10 =	vmul.f32 v15, v14;
	v4 =	vmul.f32 v13, v12;
	v7 =	vadd.f32 v9, v7  }
0x4ab: {  	v5 =	vld [tilespmem:s19+$0xFFFFFFB0];
	v11 =	vmul.f32 v19, v18;
	v9 =	vmul.f32 v17, v16  }
0x4ac: {  	v8 =	vld [tilespmem:s20+$0xFFFFFF80];
	v2 =	vadd.f32 v10, v4;
	(xrf2) =	vadd.scan.msk.f32 $0xffff, v7  }
0x4ad: {  	v14 =	vld [tilespmem:s19+$0xFFFFFF60];
	v7 =	vadd.f32 v11, v9  }
0x4ae: {  	v15 =	vld [tilespmem:s19+$0xFFFFFF70];
	(xrf2) =	vadd.scan.msk.f32 $0xffff, v2  }
0x4af: {  	v18 =	vld [tilespmem:s20+$0xFFFFFF50];
	v2 =	vmul.f32 v52, v20;
	(xrf2) =	vadd.scan.msk.f32 $0xffff, v7;
	v7 =	vmul.f32 v54, v53  }
0x4b0: {  	v19 =	vld [tilespmem:s19+$0xFFFFFF50]  }
0x4b1: {  	v4 =	vld [tilespmem:s20+$0xFFFFFF70];
	v7 =	vadd.f32 v7, v2  }
0x4b2: {  	v12 =	vld [tilespmem:s20+$0xFFFFFF60];
	v13 =	vmul.f32 v56, v55;
	v20 =	vmul.f32 v58, v57  }
0x4b3: {  	v16 =	vld [tilespmem:s20+$0xFFFFFF40];
	v2, _, _ =	vpop (xrf2);
	(xrf2) =	vadd.scan.msk.f32 $0xffff, v7  }
0x4b4: {  	v17 =	vld [tilespmem:s19+$0xFFFFFF40];
	v20 =	vadd.f32 v20, v13  }
0x4b5: {  	v62 =	vmul.f32 v60, v59;
	v10 =	vld [tilespmem:s20+$0xFFFFFF00];
	v5 =	vmul.f32 v5, v61  }
0x4b6: {  	v9 =	vld [tilespmem:s19+$0xFFFFFF00];
	v15 =	vmul.f32 v15, v4;
	v4, _, _ =	vpop (xrf2);
	(xrf2) =	vadd.scan.msk.f32 $0xffff, v20  }
0x4b7: {  	v11 =	vld [tilespmem:s20+$0xFFFFFF10];
	v7 =	vadd.f32 v5, v62  }
0x4b8: {  	v63 =	vmul.f32 v14, v12;
	v12 =	vld [tilespmem:s20+$0xFFFFFF20]  }
0x4b9: {  	v13 =	vld [tilespmem:s19+$0xFFFFFF10];
	v5, _, _ =	vpop (xrf2);
	(xrf2) =	vadd.scan.msk.f32 $0xffff, v7  }
0x4ba: {  	v14 =	vld [tilespmem:s19+$0xFFFFFF20];
	v20 =	vadd.f32 v15, v63  }
0x4bb: {  	v18 =	vmul.f32 v19, v18;
	v17 =	vmul.f32 v17, v16;
	v16 =	vld [tilespmem:s19+$0xFFFFFF30]  }
0x4bc: {  	s21 =	simm.s32 $0x10;
	s22 =	simm.s32 $0x20;
	v15 =	vld [tilespmem:s20+$0xFFFFFF30];
	v7, _, _ =	vpop (xrf2);
	(xrf2) =	vadd.scan.msk.f32 $0xffff, v20  }
.LBB2_8:
0x4bd: {  	p0 =	sne.s32 s22, $0x70;
	v20 =	vadd.f32 v18, v17;
	v18 =	vld [tilespmem:s19+$0xFFFFFF80];
	v19, _, _ =	vpop (xrf2)  }
0x4be: {  	v9 =	vmul.f32 v9, v10;
	v10 =	vmul.f32 v13, v11;
	v11 =	vld [tilespmem:s20+$0xFFFFFF90]  }
0x4bf: {  	v13 =	vld [tilespmem:s19+$0xFFFFFF90];
	(xrf2) =	vadd.scan.msk.f32 $0xffff, v20  }
0x4c0: {  	v9 =	vadd.f32 v10, v9;
	v10 =	vld [tilespmem:s19+$0xFFFFFFE0];
	v17, _, _ =	vpop (xrf2)  }
0x4c1: {  	v12 =	vmul.f32 v14, v12;
	v20 =	vmul.f32 v16, v15;
	v15 =	vld [tilespmem:s20+$0xFFFFFFF0]  }
0x4c2: {  	v16 =	vld [tilespmem:s19+$0xFFFFFFF0];
	(xrf2) =	vadd.scan.msk.f32 $0xffff, v9  }
0x4c3: {  	v9 =	vadd.f32 v20, v12;
	v12 =	vld [tilespmem:s19+$0x40];
	v14, _, _ =	vpop (xrf2)  }
0x4c4: {  	v8 =	vmul.f32 v18, v8;
	v20 =	vmul.f32 v13, v11;
	v13 =	vld [tilespmem:s20+$0x50]  }
0x4c5: {  	v18 =	vld [tilespmem:s19+$0x50];
	(xrf2) =	vadd.scan.msk.f32 $0xffff, v9  }
0x4c6: {  	v8 =	vadd.f32 v20, v8;
	v9 =	vld [tilespmem:s19+$0xA0];
	v11, _, _ =	vpop (xrf2)  }
0x4c7: {  	v6 =	vmul.f32 v10, v6;
	v20 =	vmul.f32 v16, v15;
	v15 =	vld [tilespmem:s20+$0xB0]  }
0x4c8: {  	v16 =	vld [tilespmem:s19+$0xB0];
	(xrf2) =	vadd.scan.msk.f32 $0xffff, v8  }
0x4c9: {  	v6 =	vadd.f32 v20, v6;
	v8 =	vld [tilespmem:s20+$0xE0];
	v10, _, _ =	vpop (xrf2)  }
0x4ca: {  	v3 =	vmul.f32 v12, v3;
	v20 =	vmul.f32 v18, v13;
	v13 =	vld [tilespmem:s19+$0xE0]  }
0x4cb: {  	v18 =	vld [tilespmem:s20+$0xF0];
	(xrf2) =	vadd.scan.msk.f32 $0xffff, v6  }
0x4cc: {  	v3 =	vadd.f32 v20, v3;
	v6 =	vld [tilespmem:s19+$0xF0];
	v12, _, _ =	vpop (xrf2)  }
0x4cd: {  	v1 =	vmul.f32 v9, v1;
	v9 =	vmul.f32 v16, v15  }
0x4ce: {  	(xrf2) =	vadd.scan.msk.f32 $0xffff, v3  }
0x4cf: {  	s0 =	sadd.s32 $0x10, s0;
	v1 =	vadd.f32 v9, v1;
	v3 =	vmul.f32 v13, v8;
	v8, _, _ =	vpop (xrf2)  }
0x4d0: {  	v9 =	vbroadcast v12, $0xF;
	v8 =	vbroadcast v8, $0xF;
	v12 =	vld [tilespmem:s0+$0x0]  }
0x4d1: {  	s29 =	sadd.s32 $0x10, s29;
	v10 =	vbroadcast v10, $0xF;
	v15 =	vmov s21;
	s21 =	smov.u32 s22;
	v6 =	vmul.f32 v6, v18;
	(xrf2) =	vadd.scan.msk.f32 $0xffff, v1  }
0x4d2: {  	v1 =	vsel vm0, v9, v8;
	v8 =	vbroadcast v11, $0xF;
	v9 =	vshll.u32 v15, $0x7;
	v11 =	vld [tilespmem:s29+$0x0];
	v13, _, _ =	vpop (xrf2)  }
0x4d3: {  	v1 =	vsel vm1, v1, v10;
	v10 =	vbroadcast v13, $0xF;
	v3 =	vadd.f32 v6, v3  }
0x4d4: {  	v6 =	vbroadcast v14, $0xF;
	v1 =	vsel vm2, v1, v8;
	v8 =	vor.u32 v0, v9  }
0x4d5: {  	v9 =	vbroadcast v17, $0xF;
	v1 =	vsel vm3, v1, v10;
	v10 =	vand.u32 $0x7F, v12;
	v12, _, _ =	vpop (xrf2);
	(xrf2) =	vadd.scan.msk.f32 $0xffff, v3  }
0x4d6: {  	v1 =	vsel vm4, v1, v6;
	v3 =	vbroadcast v12, $0xF;
	v6 =	vor.u32 v8, v10  }
0x4d7: {  	v1 =	vsel vm5, v1, v9;
	v9 =	vbroadcast v19, $0xF;
	v10 =	vand.u32 $0x7F, v11  }
0x4d8: {  	v1 =	vsel vm6, v1, v3;
	v3 =	vbroadcast v7, $0xF;
	v7 =	vor.u32 v8, v10;
	v8, _, _ =	vpop (xrf2)  }
0x4d9: {  	v1 =	vsel vm7, v1, v9;
	v8 =	vbroadcast v8, $0xF  }
0x4da: {  	v1 =	vsel vm8, v1, v3;
	v3 =	vbroadcast v5, $0xF  }
0x4db: {  	v4 =	vbroadcast v4, $0xF;
	v1 =	vsel vm9, v1, v8;
	v5 =	vld.idx.msk [tilespmem:v6+s28+$0x0], $0xffff;
	v6, _, _ =	vpop (xrf2)  }
0x4dc: {  	v1 =	vsel vm10, v1, v3;
	v3 =	vbroadcast v6, $0xF  }
0x4dd: {  	v6 =	vbroadcast v2, $0xF;
	v1 =	vsel vm11, v1, v4;
	v4 =	vld.idx.msk [tilespmem:v7+s30+$0x0], $0xffff  }
0x4de: {  	v1 =	vsel vm12, v1, v3  }
0x4df: {  	v1 =	vsel vm13, v1, v6;
	v2, _, _ =	vpop (xrf2)  }
0x4e0: {  	v1 =	vsel vm14, v1, v2  }
0x4e1: {  	v1 =	vadd.f32 v1, v5;
	_ =	sdelay $0x1  }
0x4e2: {  	v1 =	vadd.f32 v1, v4;
	_ =	sdelay $0x1  }
0x4e3: {  	v1 =	vsub.f32 $0.0e+00, v1;
	_ =	sdelay $0x1  }
0x4e4: {  	v1 =	vmul.f32 $1.442695020e+00, v1;
	_ =	sdelay $0x1  }
0x4e5: {  	(erf) = vpow2.f32 v1;
	_ =	sdelay $0x8  }
0x4e6: {  	v1 =	vpop (erf)  }
0x4e7: {  	v1 =	vadd.f32 $1.000000000e+00, v1;
	_ =	sdelay $0x1  }
0x4e8: {  	(erf) = vrcp.f32 v1;
	_ =	sdelay $0x8  }
0x4e9: {  	s2 =	sadd.s32 $0x10, s2;
	v1 =	vpop (erf)  }
0x4ea: {  	s20 =	sadd.s32 $0x200, s20;
	[tilespmem:s2+$0x0] =	vst v1  }
0x4eb: {  	s19 =	sadd.s32 $0x200, s19;
	v2 =	vld [tilespmem:s20+$0xC0]  }
0x4ec: {  	v4 =	vld [tilespmem:s19+$0xC0]  }
0x4ed: {  	v5 =	vld [tilespmem:s20+$0xD0]  }
0x4ee: {  	v7 =	vld [tilespmem:s19+$0xD0]  }
0x4ef: {  	v1 =	vld [tilespmem:s20+$0xA0]  }
0x4f0: {  	v8 =	vld [tilespmem:s20+$0x80]  }
0x4f1: {  	v9 =	vld [tilespmem:s19+$0x80]  }
0x4f2: {  	v10 =	vld [tilespmem:s20+$0x90]  }
0x4f3: {  	v11 =	vld [tilespmem:s19+$0x90]  }
0x4f4: {  	v12 =	vld [tilespmem:s20+$0x60]  }
0x4f5: {  	v13 =	vld [tilespmem:s19+$0x60]  }
0x4f6: {  	v14 =	vld [tilespmem:s20+$0x70]  }
0x4f7: {  	v15 =	vld [tilespmem:s19+$0x70]  }
0x4f8: {  	v3 =	vld [tilespmem:s20+$0x40]  }
0x4f9: {  	v16 =	vld [tilespmem:s20+$0x20]  }
0x4fa: {  	v17 =	vld [tilespmem:s19+$0x20]  }
0x4fb: {  	v18 =	vld [tilespmem:s20+$0x30]  }
0x4fc: {  	v19 =	vld [tilespmem:s19+$0x30]  }
0x4fd: {  	v20 =	vld [tilespmem:s20+$0x0]  }
0x4fe: {  	v21 =	vld [tilespmem:s19+$0x0]  }
0x4ff: {  	v22 =	vld [tilespmem:s20+$0x10]  }
0x500: {  	v23 =	vld [tilespmem:s19+$0x10]  }
0x501: {  	v2 =	vmul.f32 v4, v2;
	v4 =	vmul.f32 v7, v5;
	v6 =	vld [tilespmem:s20+$0xFFFFFFE0]  }
0x502: {  	v5 =	vld [tilespmem:s20+$0xFFFFFFC0]  }
0x503: {  	v2 =	vadd.f32 v4, v2;
	v7 =	vld [tilespmem:s19+$0xFFFFFFC0]  }
0x504: {  	v8 =	vmul.f32 v9, v8;
	v9 =	vmul.f32 v11, v10;
	v4 =	vld [tilespmem:s20+$0xFFFFFFD0]  }
0x505: {  	v10 =	vld [tilespmem:s19+$0xFFFFFFD0];
	(xrf2) =	vadd.scan.msk.f32 $0xffff, v2  }
0x506: {  	v2 =	vadd.f32 v9, v8;
	v11 =	vld [tilespmem:s20+$0xFFFFFFA0]  }
0x507: {  	v8 =	vmul.f32 v13, v12;
	v9 =	vmul.f32 v15, v14;
	v24 =	vld [tilespmem:s19+$0xFFFFFFA0]  }
0x508: {  	v12 =	vld [tilespmem:s20+$0xFFFFFFB0];
	(xrf2) =	vadd.scan.msk.f32 $0xffff, v2  }
0x509: {  	v2 =	vadd.f32 v9, v8;
	v13 =	vld [tilespmem:s19+$0xFFFFFFB0]  }
0x50a: {  	v14 =	vmul.f32 v19, v18;
	v9 =	vmul.f32 v17, v16;
	v8 =	vld [tilespmem:s20+$0xFFFFFF80]  }
0x50b: {  	v15 =	vld [tilespmem:s20+$0xFFFFFF60];
	(xrf2) =	vadd.scan.msk.f32 $0xffff, v2  }
0x50c: {  	v25 =	vadd.f32 v14, v9;
	v16 =	vld [tilespmem:s19+$0xFFFFFF60]  }
0x50d: {  	v17 =	vmul.f32 v23, v22;
	v9 =	vmul.f32 v21, v20;
	v14 =	vld [tilespmem:s20+$0xFFFFFF70]  }
0x50e: {  	v18 =	vld [tilespmem:s19+$0xFFFFFF70];
	(xrf2) =	vadd.scan.msk.f32 $0xffff, v25  }
0x50f: {  	v9 =	vadd.f32 v17, v9;
	v19 =	vld [tilespmem:s20+$0xFFFFFF40];
	v2, _, _ =	vpop (xrf2)  }
0x510: {  	v5 =	vmul.f32 v7, v5;
	v7 =	vmul.f32 v10, v4;
	v17 =	vld [tilespmem:s19+$0xFFFFFF40]  }
0x511: {  	v20 =	vld [tilespmem:s20+$0xFFFFFF50];
	(xrf2) =	vadd.scan.msk.f32 $0xffff, v9  }
0x512: {  	v22 =	vadd.f32 v7, v5;
	v21 =	vld [tilespmem:s19+$0xFFFFFF50];
	v4, _, _ =	vpop (xrf2)  }
0x513: {  	v7 =	vmul.f32 v24, v11;
	v12 =	vmul.f32 v13, v12;
	v9 =	vld [tilespmem:s19+$0xFFFFFF00]  }
0x514: {  	v10 =	vld [tilespmem:s20+$0xFFFFFF00];
	(xrf2) =	vadd.scan.msk.f32 $0xffff, v22  }
0x515: {  	v23 =	vadd.f32 v12, v7;
	v11 =	vld [tilespmem:s20+$0xFFFFFF10];
	v5, _, _ =	vpop (xrf2)  }
.Ltmp3:
0x516: {  	v15 =	vmul.f32 v16, v15;
	v16 =	vmul.f32 v18, v14;
	v13 =	vld [tilespmem:s19+$0xFFFFFF10];
	(pc) =	sbr.rel @p0 .LBB2_8-.Ltmp3, $4  }
0x517: {  	v12 =	vld [tilespmem:s20+$0xFFFFFF20];
	(xrf2) =	vadd.scan.msk.f32 $0xffff, v23  }
0x518: {  	v22 =	vadd.f32 v16, v15;
	v14 =	vld [tilespmem:s19+$0xFFFFFF20];
	v7, _, _ =	vpop (xrf2)  }
0x519: {  	v17 =	vmul.f32 v17, v19;
	v18 =	vmul.f32 v21, v20;
	v15 =	vld [tilespmem:s20+$0xFFFFFF30]  }
0x51a: {  	s22 =	sadd.s32 $0x10, s22;
	v16 =	vld [tilespmem:s19+$0xFFFFFF30];
	(xrf2) =	vadd.scan.msk.f32 $0xffff, v22  }
0x51b: {  	v19 =	vld [tilespmem:s19+$0xFFFFFF80]  }
0x51c: {  	v20 =	vld [tilespmem:s20+$0xFFFFFF90]  }
0x51d: {  	v21 =	vld [tilespmem:s19+$0xFFFFFF90]  }
0x51e: {  	v9 =	vmul.f32 v9, v10;
	v23 =	vmul.f32 v13, v11;
	v24 =	vld [tilespmem:s19+$0xFFFFFFE0]  }
0x51f: {  	v25 =	vadd.f32 v18, v17;
	v27 =	vld [tilespmem:s20+$0xFFFFFFF0];
	v12 =	vmul.f32 v14, v12;
	v26 =	vmul.f32 v16, v15  }
0x520: {  	v28 =	vld [tilespmem:s19+$0xFFFFFFF0];
	v9 =	vadd.f32 v23, v9  }
0x521: {  	v29 =	vld [tilespmem:s19+$0x40];
	(xrf2) =	vadd.scan.msk.f32 $0xffff, v25;
	v12 =	vadd.f32 v26, v12  }
0x522: {  	v31 =	vld [tilespmem:s20+$0x50];
	(xrf2) =	vadd.scan.msk.f32 $0xffff, v9;
	v8 =	vmul.f32 v19, v8;
	v30 =	vmul.f32 v21, v20  }
0x523: {  	v32 =	vld [tilespmem:s19+$0x50];
	(xrf2) =	vadd.scan.msk.f32 $0xffff, v12  }
0x524: {  	v33 =	vld [tilespmem:s19+$0xA0];
	v8 =	vadd.f32 v30, v8  }
0x525: {  	v34 =	vld [tilespmem:s20+$0xB0];
	v6 =	vmul.f32 v24, v6;
	v10 =	vmul.f32 v28, v27  }
0x526: {  	v35 =	vld [tilespmem:s19+$0xB0];
	(xrf2) =	vadd.scan.msk.f32 $0xffff, v8  }
0x527: {  	v36, _, _ =	vpop (xrf2);
	v42 =	vld [tilespmem:s20+$0xF0];
	v6 =	vadd.f32 v10, v6  }
0x528: {  	v44 =	vld [tilespmem:s19+$0xF0];
	v38, _, _ =	vpop (xrf2);
	v3 =	vmul.f32 v29, v3;
	v39 =	vmul.f32 v32, v31  }
0x529: {  	v37 =	vld [tilespmem:s20+$0xE0];
	v41, _, _ =	vpop (xrf2);
	(xrf2) =	vadd.scan.msk.f32 $0xffff, v6  }
0x52a: {  	v40 =	vld [tilespmem:s19+$0xE0];
	v3 =	vadd.f32 v39, v3;
	v43, _, _ =	vpop (xrf2)  }
0x52b: {  	v1 =	vmul.f32 v33, v1;
	v46 =	vmul.f32 v35, v34;
	v45, _, _ =	vpop (xrf2)  }
0x52c: {  	(xrf2) =	vadd.scan.msk.f32 $0xffff, v3;
	v47, _, _ =	vpop (xrf2)  }
0x52d: {  	v13 =	vmul.f32 v44, v42;
	v1 =	vadd.f32 v46, v1;
	v48, _, _ =	vpop (xrf2)  }
0x52e: {  	s0 =	sadd.s32 $0x10, s0;
	v49 =	vbroadcast v47, $0xF;
	v9 =	vbroadcast v48, $0xF  }
0x52f: {  	v50 =	vld [tilespmem:s0+$0x0];
	v3 =	vmul.f32 v40, v37;
	(xrf2) =	vadd.scan.msk.f32 $0xffff, v1;
	v51 =	vbroadcast v45, $0xF  }
0x530: {  	s22 =	sadd.s32 $0x10, s29;
	v6 =	vbroadcast v43, $0xF;
	v1 =	vmov s21;
	v52, _, _ =	vpop (xrf2);
	v9 =	vsel vm0, v49, v9  }
0x531: {  	v53 =	vld [tilespmem:s22+$0x0];
	v3 =	vadd.f32 v13, v3;
	v10 =	vbroadcast v52, $0xF;
	v9 =	vsel vm1, v9, v51  }
0x532: {  	v54 =	vbroadcast v41, $0xF;
	v1 =	vshll.u32 v1, $0x7;
	v6 =	vsel vm2, v9, v6  }
0x533: {  	v55 =	vbroadcast v38, $0xF;
	v1 =	vor.u32 v0, v1;
	v56, _, _ =	vpop (xrf2);
	(xrf2) =	vadd.scan.msk.f32 $0xffff, v3;
	v6 =	vsel vm3, v6, v10  }
0x534: {  	v3 =	vand.u32 $0x7F, v50;
	v57 =	vbroadcast v56, $0xF;
	v6 =	vsel vm4, v6, v54  }
0x535: {  	v8 =	vbroadcast v36, $0xF;
	v3 =	vor.u32 v1, v3;
	v6 =	vsel vm5, v6, v55  }
0x536: {  	v7 =	vbroadcast v7, $0xF;
	v58 =	vand.u32 $0x7F, v53;
	v59, _, _ =	vpop (xrf2);
	v6 =	vsel vm6, v6, v57  }
0x537: {  	v1 =	vor.u32 v1, v58;
	v60 =	vbroadcast v59, $0xF;
	v6 =	vsel vm7, v6, v8  }
0x538: {  	v5 =	vbroadcast v5, $0xF;
	v6 =	vsel vm8, v6, v7  }
0x539: {  	v4 =	vbroadcast v4, $0xF;
	v61, _, _ =	vpop (xrf2);
	v6 =	vsel vm9, v6, v60  }
0x53a: {  	v62 =	vbroadcast v61, $0xF;
	v3 =	vld.idx.msk [tilespmem:v3+s28+$0x0], $0xffff;
	v5 =	vsel vm10, v6, v5  }
0x53b: {  	v2 =	vbroadcast v2, $0xF;
	v4 =	vsel vm11, v5, v4  }
0x53c: {  	v1 =	vld.idx.msk [tilespmem:v1+s30+$0x0], $0xffff;
	v4 =	vsel vm12, v4, v62  }
0x53d: {  	v63, _, _ =	vpop (xrf2);
	v2 =	vsel vm13, v4, v2  }
0x53e: {  	v2 =	vsel vm14, v2, v63  }
0x53f: {  	v2 =	vadd.f32 v2, v3;
	_ =	sdelay $0x1  }
0x540: {  	v1 =	vadd.f32 v2, v1;
	_ =	sdelay $0x1  }
0x541: {  	v1 =	vsub.f32 $0.0e+00, v1;
	_ =	sdelay $0x1  }
0x542: {  	v1 =	vmul.f32 $1.442695020e+00, v1;
	_ =	sdelay $0x1  }
0x543: {  	(erf) = vpow2.f32 v1;
	_ =	sdelay $0x8  }
0x544: {  	v1 =	vpop (erf)  }
0x545: {  	v1 =	vadd.f32 $1.000000000e+00, v1;
	_ =	sdelay $0x1  }
0x546: {  	(erf) = vrcp.f32 v1;
	_ =	sdelay $0x7  }
0x547: {  	s26 =	sadd.s32 $0x1, s26  }
0x548: {  	s29 =	sadd.s32 $0x10, s2;
	p0 =	sne.s32 s26, s16;
	v1 =	vpop (erf)  }
.Ltmp4:
0x549: {  	[tilespmem:s29+$0x0] =	vst v1;
	(pc) =	sbr.rel @p0 .LBB2_1-.Ltmp4, $4  }
0x54a: {  	[hbm4b:s15+s1] =	stream.linear.scatter [tilespmem:s23], [sflag:$0x2], $0x200, $0x38;
	[tilespmem:$0xAA00] =	vst v63  }
0x54b: {  	_ =	swait.ge [sflag:s17], $0x200  }
0x54c: {  	[sflag:s17] =	ssyncset.done $0x0  }
0x54d: {  	[sflag:s17] =	ssyncadd.s32 $0xFFFFFE00  }
0x54e: {  	_ =	sfence.sel $0x180000  }
0x54f: {  	[bflag:$0x0] =	sbarrier.arrive $0xFFFF  }
0x550: {  	_ =	strace $0x90000047  }
0x551: {  	s0 =	stileid.u32;
	[bflag:$0x2] =	sbarrier.arrive $0xFFFF  }
0x552: {  	p0 =	sne.s32 s0, $0x0;
	s0 =	rddreg [dreg:$0x4]  }
0x553: {  	s0 =	sadd.s32 @!p0 $0x100000, s0  }
0x554: {  	[sflag:s0] =	ssyncadd.tile.s32 @!p0 $0x1;
	_ =	shalt  }
.Lfunc_end2:
_tile_overlayer_lowered:
.L_overlay_start_2:
0x555: {  	(tag) =	ssettag $0x2  }
0x556: {  	s0 =	rddreg [dreg:$0x0];
	s2 =	stileid.u32  }
0x557: {  	s1 =	rddreg [dreg:$0x1];
	p0 =	sne.s32 s2, $0x0  }
0x558: {  	s3 =	rddreg [dreg:$0x2];
	[bflag:$0x3] =	sbarrier.arrive $0xFFFF;
	s2 =	simm.s32 @!p0 $0x1C02  }
0x559: {  	[timem:s3], [sflag:s2] =	dma.local @!p0 [hbm:s0], s1  }
0x55a: {  	s0 =	simm.s32 @!p0 $0x2  }
0x55b: {  	_ =	swait.ge @!p0 [sflag:s0], s1  }
0x55c: {  	s1 =	ssub.s32 @!p0 $0x0, s1;
	[sflag:s0] =	ssyncset.done @!p0 $0x0  }
0x55d: {  	[sflag:s0] =	ssyncadd.s32 @!p0 s1  }
0x55e: {  	[bflag:$0x3] =	sbarrier.arrive $0xFFFF  }
0x55f: {  	_ =	shalt  }

</sc_bundles>
